<compile_context>
chip_gen: v7x
topology: tpu7x:2x2x1
jax: 0.10.2.dev20260603
libtpu: 0.0.44.dev20260713+nightly
codegen_flags: <defaults>
</compile_context>

<pallas_src>
import functools

import jax
import jax.numpy as jnp
from jax import lax
from jax.experimental import pallas as pl
from jax.experimental.pallas import tpu as pltpu
from jax.experimental.pallas import tpu_sc as plsc

NC = 2
NS = 16
L = 16
NW = NC * NS
D = 256
G = 16
DC = D // L
N = 50000

BT = 2048
NBT = 21
NTC = NBT * BT
CHUNK = 216
SZS = (216,)
BR = 216
TAIL = N - NTC - NW * CHUNK
NBUF = min(3, len(SZS))

_mesh = plsc.VectorSubcoreMesh(core_axis_name="c", subcore_axis_name="s")


@functools.partial(
    pl.kernel,
    out_type=jax.ShapeDtypeStruct((NW, G), jnp.float32),
    mesh=_mesh,
    scratch_types=[
        pltpu.VMEM((CHUNK + L,), jnp.int32),
        pltpu.VMEM((TAIL + L,), jnp.int32),
        pltpu.VMEM((NBUF, BR, D), jnp.float32),
        pltpu.VMEM((G, D), jnp.float32),
        pltpu.VMEM((D,), jnp.float32),
        pltpu.VMEM((G,), jnp.float32),
        pltpu.SemaphoreType.DMA,
        pltpu.SemaphoreType.DMA,
        pltpu.SemaphoreType.DMA,
    ],
)
def _sc_pool(nodes_h, idx_h, wp_h, out_h,
             idx_v, idx_t, buf_v, acc_v, wp_v, out_v,
             sem0, sem1, sem2):
    cid = lax.axis_index("c")
    sid = lax.axis_index("s")
    wid = cid * NS + sid
    base = NTC + wid * CHUNK
    sems = (sem0, sem1, sem2)
    offs = [sum(SZS[:k]) for k in range(len(SZS))]

    def _node_copy(blk, b):
        return pltpu.make_async_copy(
            nodes_h.at[pl.ds(base + offs[blk], SZS[blk])],
            buf_v.at[b, pl.ds(0, SZS[blk])],
            sems[b])

    _node_copy(0, 0).start()
    if len(SZS) > 1:
        _node_copy(1, 1).start()
    pltpu.sync_copy(idx_h.at[pl.ds(base, CHUNK)], idx_v.at[pl.ds(0, CHUNK)])
    pltpu.sync_copy(wp_h, wp_v)

    zeros = jnp.zeros((L,), jnp.float32)

    def _zero(i, _):
        for c in range(DC):
            acc_v[i, pl.ds(c * L, L)] = zeros
        return 0

    lax.fori_loop(0, G, _zero, 0)

    zregs = tuple(jnp.zeros((L,), jnp.float32) for _ in range(DC))

    def _accum_rows(idx_ref, idx_off, n_rows, b):
        g_first = idx_ref[pl.ds(idx_off, L)][0]
        g_last = idx_ref[pl.ds(idx_off + n_rows - 1, L)][0]

        @pl.when(g_first == g_last)
        def _():
            def _row(i, regs):
                return tuple(regs[c] + buf_v[b, i, pl.ds(c * L, L)]
                             for c in range(DC))

            regs = lax.fori_loop(0, n_rows, _row, zregs, unroll=4)
            for c in range(DC):
                plsc.addupdate(acc_v.at[g_first, pl.ds(c * L, L)], regs[c])

        @pl.when(g_first != g_last)
        def _():
            def _row(i, _):
                g = idx_ref[pl.ds(idx_off + i, L)][0]
                for c in range(DC):
                    plsc.addupdate(acc_v.at[g, pl.ds(c * L, L)],
                                   buf_v[b, i, pl.ds(c * L, L)])
                return 0

            lax.fori_loop(0, n_rows, _row, 0)

    for blk in range(len(SZS)):
        b = blk % NBUF
        cp = _node_copy(blk, b)
        if blk + 2 < len(SZS):
            _node_copy(blk + 2, (blk + 2) % NBUF).start()
        cp.wait()
        _accum_rows(idx_v, offs[blk], SZS[blk], b)

    @pl.when(wid == NW - 1)
    def _():
        pltpu.sync_copy(idx_h.at[pl.ds(N - TAIL, TAIL)],
                        idx_t.at[pl.ds(0, TAIL)])
        pltpu.sync_copy(nodes_h.at[pl.ds(N - TAIL, TAIL)],
                        buf_v.at[0, pl.ds(0, TAIL)])
        _accum_rows(idx_t, 0, TAIL, 0)

    lane = lax.iota(jnp.int32, L)
    lv = zeros
    for g in range(G):
        def _c(c, pv, g=g):
            return pv + acc_v[g, pl.ds(c * L, L)] * wp_v[pl.ds(c * L, L)]

        pv = lax.fori_loop(0, DC, _c, jnp.zeros((L,), jnp.float32))
        s = pv[0]
        for j in range(1, L):
            s = s + pv[j]
        lv = jnp.where(lane == g, lv + s, lv)
    out_v[...] = lv
    pltpu.sync_copy(out_v, out_h.at[wid])


def _tc_body(idx_ref, x_ref, glob_ref, w_ref, b_ref, log_ref):
    step = pl.program_id(0)
    wp = w_ref[0:D, :]
    oh = (jnp.reshape(idx_ref[...], (1, BT)) ==
          lax.broadcasted_iota(jnp.int32, (G, BT), 0)).astype(jnp.float32)
    part = jnp.dot(oh, x_ref[...], preferred_element_type=jnp.float32)

    @pl.when(step == 0)
    def _():
        wg = w_ref[D:2 * D, :]
        log_ref[...] = (jnp.dot(glob_ref[...], wg,
                                preferred_element_type=jnp.float32) +
                        b_ref[0, 0])

    log_ref[...] += jnp.dot(part, wp, preferred_element_type=jnp.float32)


_tc_pool = pl.pallas_call(
    _tc_body,
    grid=(NBT,),
    in_specs=[
        pl.BlockSpec((1, 1, BT), lambda i: (i, 0, 0)),
        pl.BlockSpec((BT, D), lambda i: (i, 0)),
        pl.BlockSpec((G, D), lambda i: (0, 0)),
        pl.BlockSpec((2 * D, 1), lambda i: (0, 0)),
        pl.BlockSpec((1, 1), lambda i: (0, 0)),
    ],
    out_specs=pl.BlockSpec((G, 1), lambda i: (0, 0)),
    out_shape=jax.ShapeDtypeStruct((G, 1), jnp.float32),
)


def kernel(nodes, edges, senders, receivers, global_latent, node_graph_idx,
           W, b):
    idx = node_graph_idx.astype(jnp.int32)
    wp = W[:D, 0].astype(jnp.float32)
    idx_tc = idx[:NTC].reshape(NBT, 1, BT)
    parts = _sc_pool(nodes, idx, wp)
    log_tc = _tc_pool(idx_tc, nodes, global_latent,
                      W.astype(jnp.float32), b.reshape(1, 1))
    return log_tc + parts.sum(axis=0).reshape(G, 1)

# --- scband reference (transcript-rebuilt; emitter-appended) ---
"""Pipeline reference for scband-decoder-layer-68461778698610 (READ-ONLY COPY).

The authoritative reference and input builder live on the scoring server;
editing this copy changes nothing except your own understanding.
"""

import jax, jax.numpy as jnp
import numpy as np

N_NODES = 50000
N_EDGES = 800000
D_FEAT = 256
D_EDGE = 16
N_GRAPHS = 16


def setup_inputs(seed: int = 0) -> dict:
    key = jax.random.key(seed)
    k1, k2, k3, k4, k5, k6, k7, k8 = jax.random.split(key, 8)
    nodes = jax.random.normal(k1, (N_NODES, D_FEAT), dtype=jnp.float32)
    edges = jax.random.normal(k2, (N_EDGES, D_EDGE), dtype=jnp.float32)
    senders = jax.random.randint(k3, (N_EDGES,), 0, N_NODES, dtype=jnp.int64)
    receivers = jax.random.randint(k4, (N_EDGES,), 0, N_NODES, dtype=jnp.int64)
    global_latent = jax.random.normal(k5, (N_GRAPHS, D_FEAT), dtype=jnp.float32)
    node_graph_idx = jnp.sort(jax.random.randint(k6, (N_NODES,), 0, N_GRAPHS, dtype=jnp.int64))
    # decoder_model_fn(1): single dense layer projecting concat([pooled_nodes, global_latent]) -> 1 logit
    W = jax.random.normal(k7, (2 * D_FEAT, 1), dtype=jnp.float32) * 0.02
    b = jnp.zeros((1,), dtype=jnp.float32)
    return {"nodes": nodes, "edges": edges, "senders": senders, "receivers": receivers,
            "global_latent": global_latent, "node_graph_idx": node_graph_idx, "W": W, "b": b}


def reference(nodes, edges, senders, receivers, global_latent, node_graph_idx, W, b):
    # decoder_mode == 'node_global':
    # 1) GenericAggregator(['sum']) pools node features per packed graph (segment sum)
    pooled = jax.ops.segment_sum(nodes, node_graph_idx, num_segments=N_GRAPHS)
    # 2) concat pooled node representation with global latent
    inputs_to_decoder = jnp.concatenate([pooled, global_latent], axis=-1)
    # 3) main_decoder: dense projection to 1 output
    logits = jnp.dot(inputs_to_decoder, W) + b
    # output is a list [logits]; noisy_nodes/noisy_edges disabled
    return logits

if __name__ == "__main__":
    import jax
    _d = setup_inputs()
    print(jax.jit(kernel)(*tuple(_d.values())))

</pallas_src>

<mosaic_0001>
#map = affine_map<(d0, d1) -> (0, 0)>
#map1 = affine_map<(d0, d1) -> (0)>
module attributes {stable_mosaic.version = 14 : i64} {
  func.func @_sc_pool(%arg0: i32, %arg1: i32, %arg2: memref<50000x256xf32, #tpu.memory_space<hbm>>, %arg3: memref<50000xi32, #tpu.memory_space<hbm>>, %arg4: memref<256xf32, #tpu.memory_space<hbm>>, %arg5: memref<32x16xf32, #tpu.memory_space<hbm>>, %arg6: memref<232xi32, #tpu.memory_space<vmem>>, %arg7: memref<96xi32, #tpu.memory_space<vmem>>, %arg8: memref<1x216x256xf32, #tpu.memory_space<vmem>>, %arg9: memref<16x256xf32, #tpu.memory_space<vmem>>, %arg10: memref<256xf32, #tpu.memory_space<vmem>>, %arg11: memref<16xf32, #tpu.memory_space<vmem>>, %arg12: memref<!tpu.dma_semaphore, #tpu.memory_space<semaphore_mem>>, %arg13: memref<!tpu.dma_semaphore, #tpu.memory_space<semaphore_mem>>, %arg14: memref<!tpu.dma_semaphore, #tpu.memory_space<semaphore_mem>>) attributes {dimension_semantics = [#tpu.dimension_semantics<core_parallel>, #tpu.dimension_semantics<subcore_parallel>], iteration_bounds = array<i64: 2, 16>, scalar_prefetch = 0 : i64, scratch_operands = 9 : i64, tpu.core_type = #tpu.core_type<sc_vector_subcore>, window_params = [{transform_indices = #map}, {transform_indices = #map1}, {transform_indices = #map1}, {transform_indices = #map}]} {
    %mul3A = arith.constant 16 : i32
    %mul3A_0 = arith.muli %arg0, %mul3A : i32
    %add3A = arith.addi %mul3A_0, %arg1 : i32
    %mul3A_1 = arith.constant 216 : i32
    %mul3A_2 = arith.muli %add3A, %mul3A_1 : i32
    %add3A_3 = arith.constant 43008 : i32
    %add3A_4 = arith.addi %add3A_3, %mul3A_2 : i32
    %add3A_5 = arith.constant 0 : i32
    %add3A_6 = arith.addi %add3A_4, %add3A_5 : i32
    %dma_start3A = arith.constant 0 : i32
    %dma_start3A_7 = arith.constant 0 : i32
    %dma_start3A_8 = arith.constant 0 : i32
    %dma_start3A_9 = tpu.memref_slice %arg8[%dma_start3A, %dma_start3A_7, %dma_start3A_8] : memref<1x216x256xf32, #tpu.memory_space<vmem>> -> memref<1x216x256xf32, #tpu.memory_space<vmem>>
    %dma_start3A_10 = tpu.memref_squeeze %dma_start3A_9 : memref<1x216x256xf32, #tpu.memory_space<vmem>> -> memref<216x256xf32, #tpu.memory_space<vmem>>
    %dma_start3A_11 = arith.constant 0 : i32
    %dma_start3A_12 = tpu.memref_slice %arg2[%add3A_6, %dma_start3A_11] : memref<50000x256xf32, #tpu.memory_space<hbm>> -> memref<216x256xf32, #tpu.memory_space<hbm>>
    %dma_start3A_13 = arith.constant 0 : i32
    %dma_start3A_14 = arith.constant 0 : i32
    %dma_start3A_15 = tpu.memref_slice %arg8[%dma_start3A, %dma_start3A_13, %dma_start3A_14] : memref<1x216x256xf32, #tpu.memory_space<vmem>> -> memref<1x216x256xf32, #tpu.memory_space<vmem>>
    %dma_start3A_16 = tpu.memref_squeeze %dma_start3A_15 : memref<1x216x256xf32, #tpu.memory_space<vmem>> -> memref<216x256xf32, #tpu.memory_space<vmem>>
    %dma_start3A_17 = arith.constant 0 : i32
    %dma_start3A_18 = tpu.memref_slice %arg2[%add3A_6, %dma_start3A_17] : memref<50000x256xf32, #tpu.memory_space<hbm>> -> memref<216x256xf32, #tpu.memory_space<hbm>>
    tpu.enqueue_dma source(%dma_start3A_18 : memref<216x256xf32, #tpu.memory_space<hbm>>) target(%dma_start3A_16 : memref<216x256xf32, #tpu.memory_space<vmem>>) target_semaphore(%arg12 : memref<!tpu.dma_semaphore, #tpu.memory_space<semaphore_mem>>)
    "tpu.region"() ({
      %run_scoped3A = tpu.sem_alloc : memref<!tpu.dma_semaphore, #tpu.memory_space<semaphore_mem>>
      %dma_start3A_1066 = arith.constant 0 : i32
      %dma_start3A_1067 = tpu.memref_slice %arg6[%dma_start3A_1066] : memref<232xi32, #tpu.memory_space<vmem>> -> memref<216xi32, #tpu.memory_space<vmem>>
      %dma_start3A_1068 = tpu.memref_slice %arg3[%add3A_4] : memref<50000xi32, #tpu.memory_space<hbm>> -> memref<216xi32, #tpu.memory_space<hbm>>
      %dma_start3A_1069 = arith.constant 0 : i32
      %dma_start3A_1070 = tpu.memref_slice %arg6[%dma_start3A_1069] : memref<232xi32, #tpu.memory_space<vmem>> -> memref<216xi32, #tpu.memory_space<vmem>>
      %dma_start3A_1071 = tpu.memref_slice %arg3[%add3A_4] : memref<50000xi32, #tpu.memory_space<hbm>> -> memref<216xi32, #tpu.memory_space<hbm>>
      tpu.enqueue_dma source(%dma_start3A_1071 : memref<216xi32, #tpu.memory_space<hbm>>) target(%dma_start3A_1070 : memref<216xi32, #tpu.memory_space<vmem>>) target_semaphore(%run_scoped3A : memref<!tpu.dma_semaphore, #tpu.memory_space<semaphore_mem>>)
      %dma_wait3A_1072 = arith.constant 0 : i32
      %dma_wait3A_1073 = tpu.memref_slice %arg6[%dma_wait3A_1072] : memref<232xi32, #tpu.memory_space<vmem>> -> memref<216xi32, #tpu.memory_space<vmem>>
      %dma_wait3A_1074 = tpu.memref_slice %arg3[%add3A_4] : memref<50000xi32, #tpu.memory_space<hbm>> -> memref<216xi32, #tpu.memory_space<hbm>>
      %dma_wait3A_1075 = arith.constant 0 : i32
      %dma_wait3A_1076 = tpu.memref_slice %arg6[%dma_wait3A_1075] : memref<232xi32, #tpu.memory_space<vmem>> -> memref<216xi32, #tpu.memory_space<vmem>>
      %dma_wait3A_1077 = tpu.memref_slice %arg3[%add3A_4] : memref<50000xi32, #tpu.memory_space<hbm>> -> memref<216xi32, #tpu.memory_space<hbm>>
      tpu.wait_dma2 semaphore(%run_scoped3A : memref<!tpu.dma_semaphore, #tpu.memory_space<semaphore_mem>>) src(%dma_wait3A_1077 : memref<216xi32, #tpu.memory_space<hbm>>) dst(%dma_wait3A_1076 : memref<216xi32, #tpu.memory_space<vmem>>)
      tpu.yield
    }) : () -> ()
    "tpu.region"() ({
      %run_scoped3A = tpu.sem_alloc : memref<!tpu.dma_semaphore, #tpu.memory_space<semaphore_mem>>
      tpu.enqueue_dma source(%arg4 : memref<256xf32, #tpu.memory_space<hbm>>) target(%arg10 : memref<256xf32, #tpu.memory_space<vmem>>) target_semaphore(%run_scoped3A : memref<!tpu.dma_semaphore, #tpu.memory_space<semaphore_mem>>)
      tpu.wait_dma2 semaphore(%run_scoped3A : memref<!tpu.dma_semaphore, #tpu.memory_space<semaphore_mem>>) src(%arg4 : memref<256xf32, #tpu.memory_space<hbm>>) dst(%arg10 : memref<256xf32, #tpu.memory_space<vmem>>)
      tpu.yield
    }) : () -> ()
    %broadcast_in_dim3A = arith.constant 0.000000e+00 : f32
    %broadcast_in_dim3A_19 = vector.broadcast %broadcast_in_dim3A : f32 to vector<16xf32>
    %scan3A = arith.constant 0 : i32
    %scan3A_20 = arith.constant 0 : i32
    %scan3A_21 = arith.constant 16 : i32
    %scan3A_22 = arith.addi %scan3A_20, %scan3A_21 : i32
    %scan3A_23 = arith.constant 1 : i32
    %scan3A_24 = scf.for %scan3A_1066 = %scan3A_20 to %scan3A_22 step %scan3A_23 iter_args(%scan3A_1067 = %scan3A) -> (i32)  : i32 {
      %swap3A_1068 = arith.index_cast %scan3A_1066 : i32 to index
      %swap3A_1069 = arith.constant 0 : index
      %swap3A_1070 = tpu.vector_load %arg9[%swap3A_1068, %swap3A_1069] {strides = array<i32>} : memref<16x256xf32, #tpu.memory_space<vmem>>, vector<1x16xf32>,
      %swap3A_1071 = vector.shape_cast %swap3A_1070 : vector<1x16xf32> to vector<16xf32>
      %swap3A_1072 = vector.shape_cast %broadcast_in_dim3A_19 : vector<16xf32> to vector<1x16xf32>
      tpu.vector_store %arg9[%swap3A_1068, %swap3A_1069], %swap3A_1072 {strides = array<i32>} : memref<16x256xf32, #tpu.memory_space<vmem>>, vector<1x16xf32>,
      %swap3A_1073 = arith.index_cast %scan3A_1066 : i32 to index
      %swap3A_1074 = arith.constant 16 : index
      %swap3A_1075 = tpu.vector_load %arg9[%swap3A_1073, %swap3A_1074] {strides = array<i32>} : memref<16x256xf32, #tpu.memory_space<vmem>>, vector<1x16xf32>,
      %swap3A_1076 = vector.shape_cast %swap3A_1075 : vector<1x16xf32> to vector<16xf32>
      %swap3A_1077 = vector.shape_cast %broadcast_in_dim3A_19 : vector<16xf32> to vector<1x16xf32>
      tpu.vector_store %arg9[%swap3A_1073, %swap3A_1074], %swap3A_1077 {strides = array<i32>} : memref<16x256xf32, #tpu.memory_space<vmem>>, vector<1x16xf32>,
      %swap3A_1078 = arith.index_cast %scan3A_1066 : i32 to index
      %swap3A_1079 = arith.constant 32 : index
      %swap3A_1080 = tpu.vector_load %arg9[%swap3A_1078, %swap3A_1079] {strides = array<i32>} : memref<16x256xf32, #tpu.memory_space<vmem>>, vector<1x16xf32>,
      %swap3A_1081 = vector.shape_cast %swap3A_1080 : vector<1x16xf32> to vector<16xf32>
      %swap3A_1082 = vector.shape_cast %broadcast_in_dim3A_19 : vector<16xf32> to vector<1x16xf32>
      tpu.vector_store %arg9[%swap3A_1078, %swap3A_1079], %swap3A_1082 {strides = array<i32>} : memref<16x256xf32, #tpu.memory_space<vmem>>, vector<1x16xf32>,
      %swap3A_1083 = arith.index_cast %scan3A_1066 : i32 to index
      %swap3A_1084 = arith.constant 48 : index
      %swap3A_1085 = tpu.vector_load %arg9[%swap3A_1083, %swap3A_1084] {strides = array<i32>} : memref<16x256xf32, #tpu.memory_space<vmem>>, vector<1x16xf32>,
      %swap3A_1086 = vector.shape_cast %swap3A_1085 : vector<1x16xf32> to vector<16xf32>
      %swap3A_1087 = vector.shape_cast %broadcast_in_dim3A_19 : vector<16xf32> to vector<1x16xf32>
      tpu.vector_store %arg9[%swap3A_1083, %swap3A_1084], %swap3A_1087 {strides = array<i32>} : memref<16x256xf32, #tpu.memory_space<vmem>>, vector<1x16xf32>,
      %swap3A_1088 = arith.index_cast %scan3A_1066 : i32 to index
      %swap3A_1089 = arith.constant 64 : index
      %swap3A_1090 = tpu.vector_load %arg9[%swap3A_1088, %swap3A_1089] {strides = array<i32>} : memref<16x256xf32, #tpu.memory_space<vmem>>, vector<1x16xf32>,
      %swap3A_1091 = vector.shape_cast %swap3A_1090 : vector<1x16xf32> to vector<16xf32>
      %swap3A_1092 = vector.shape_cast %broadcast_in_dim3A_19 : vector<16xf32> to vector<1x16xf32>
      tpu.vector_store %arg9[%swap3A_1088, %swap3A_1089], %swap3A_1092 {strides = array<i32>} : memref<16x256xf32, #tpu.memory_space<vmem>>, vector<1x16xf32>,
      %swap3A_1093 = arith.index_cast %scan3A_1066 : i32 to index
      %swap3A_1094 = arith.constant 80 : index
      %swap3A_1095 = tpu.vector_load %arg9[%swap3A_1093, %swap3A_1094] {strides = array<i32>} : memref<16x256xf32, #tpu.memory_space<vmem>>, vector<1x16xf32>,
      %swap3A_1096 = vector.shape_cast %swap3A_1095 : vector<1x16xf32> to vector<16xf32>
      %swap3A_1097 = vector.shape_cast %broadcast_in_dim3A_19 : vector<16xf32> to vector<1x16xf32>
      tpu.vector_store %arg9[%swap3A_1093, %swap3A_1094], %swap3A_1097 {strides = array<i32>} : memref<16x256xf32, #tpu.memory_space<vmem>>, vector<1x16xf32>,
      %swap3A_1098 = arith.index_cast %scan3A_1066 : i32 to index
      %swap3A_1099 = arith.constant 96 : index
      %swap3A_1100 = tpu.vector_load %arg9[%swap3A_1098, %swap3A_1099] {strides = array<i32>} : memref<16x256xf32, #tpu.memory_space<vmem>>, vector<1x16xf32>,
      %swap3A_1101 = vector.shape_cast %swap3A_1100 : vector<1x16xf32> to vector<16xf32>
      %swap3A_1102 = vector.shape_cast %broadcast_in_dim3A_19 : vector<16xf32> to vector<1x16xf32>
      tpu.vector_store %arg9[%swap3A_1098, %swap3A_1099], %swap3A_1102 {strides = array<i32>} : memref<16x256xf32, #tpu.memory_space<vmem>>, vector<1x16xf32>,
      %swap3A_1103 = arith.index_cast %scan3A_1066 : i32 to index
      %swap3A_1104 = arith.constant 112 : index
      %swap3A_1105 = tpu.vector_load %arg9[%swap3A_1103, %swap3A_1104] {strides = array<i32>} : memref<16x256xf32, #tpu.memory_space<vmem>>, vector<1x16xf32>,
      %swap3A_1106 = vector.shape_cast %swap3A_1105 : vector<1x16xf32> to vector<16xf32>
      %swap3A_1107 = vector.shape_cast %broadcast_in_dim3A_19 : vector<16xf32> to vector<1x16xf32>
      tpu.vector_store %arg9[%swap3A_1103, %swap3A_1104], %swap3A_1107 {strides = array<i32>} : memref<16x256xf32, #tpu.memory_space<vmem>>, vector<1x16xf32>,
      %swap3A_1108 = arith.index_cast %scan3A_1066 : i32 to index
      %swap3A_1109 = arith.constant 128 : index
      %swap3A_1110 = tpu.vector_load %arg9[%swap3A_1108, %swap3A_1109] {strides = array<i32>} : memref<16x256xf32, #tpu.memory_space<vmem>>, vector<1x16xf32>,
      %swap3A_1111 = vector.shape_cast %swap3A_1110 : vector<1x16xf32> to vector<16xf32>
      %swap3A_1112 = vector.shape_cast %broadcast_in_dim3A_19 : vector<16xf32> to vector<1x16xf32>
      tpu.vector_store %arg9[%swap3A_1108, %swap3A_1109], %swap3A_1112 {strides = array<i32>} : memref<16x256xf32, #tpu.memory_space<vmem>>, vector<1x16xf32>,
      %swap3A_1113 = arith.index_cast %scan3A_1066 : i32 to index
      %swap3A_1114 = arith.constant 144 : index
      %swap3A_1115 = tpu.vector_load %arg9[%swap3A_1113, %swap3A_1114] {strides = array<i32>} : memref<16x256xf32, #tpu.memory_space<vmem>>, vector<1x16xf32>,
      %swap3A_1116 = vector.shape_cast %swap3A_1115 : vector<1x16xf32> to vector<16xf32>
      %swap3A_1117 = vector.shape_cast %broadcast_in_dim3A_19 : vector<16xf32> to vector<1x16xf32>
      tpu.vector_store %arg9[%swap3A_1113, %swap3A_1114], %swap3A_1117 {strides = array<i32>} : memref<16x256xf32, #tpu.memory_space<vmem>>, vector<1x16xf32>,
      %swap3A_1118 = arith.index_cast %scan3A_1066 : i32 to index
      %swap3A_1119 = arith.constant 160 : index
      %swap3A_1120 = tpu.vector_load %arg9[%swap3A_1118, %swap3A_1119] {strides = array<i32>} : memref<16x256xf32, #tpu.memory_space<vmem>>, vector<1x16xf32>,
      %swap3A_1121 = vector.shape_cast %swap3A_1120 : vector<1x16xf32> to vector<16xf32>
      %swap3A_1122 = vector.shape_cast %broadcast_in_dim3A_19 : vector<16xf32> to vector<1x16xf32>
      tpu.vector_store %arg9[%swap3A_1118, %swap3A_1119], %swap3A_1122 {strides = array<i32>} : memref<16x256xf32, #tpu.memory_space<vmem>>, vector<1x16xf32>,
      %swap3A_1123 = arith.index_cast %scan3A_1066 : i32 to index
      %swap3A_1124 = arith.constant 176 : index
      %swap3A_1125 = tpu.vector_load %arg9[%swap3A_1123, %swap3A_1124] {strides = array<i32>} : memref<16x256xf32, #tpu.memory_space<vmem>>, vector<1x16xf32>,
      %swap3A_1126 = vector.shape_cast %swap3A_1125 : vector<1x16xf32> to vector<16xf32>
      %swap3A_1127 = vector.shape_cast %broadcast_in_dim3A_19 : vector<16xf32> to vector<1x16xf32>
      tpu.vector_store %arg9[%swap3A_1123, %swap3A_1124], %swap3A_1127 {strides = array<i32>} : memref<16x256xf32, #tpu.memory_space<vmem>>, vector<1x16xf32>,
      %swap3A_1128 = arith.index_cast %scan3A_1066 : i32 to index
      %swap3A_1129 = arith.constant 192 : index
      %swap3A_1130 = tpu.vector_load %arg9[%swap3A_1128, %swap3A_1129] {strides = array<i32>} : memref<16x256xf32, #tpu.memory_space<vmem>>, vector<1x16xf32>,
      %swap3A_1131 = vector.shape_cast %swap3A_1130 : vector<1x16xf32> to vector<16xf32>
      %swap3A_1132 = vector.shape_cast %broadcast_in_dim3A_19 : vector<16xf32> to vector<1x16xf32>
      tpu.vector_store %arg9[%swap3A_1128, %swap3A_1129], %swap3A_1132 {strides = array<i32>} : memref<16x256xf32, #tpu.memory_space<vmem>>, vector<1x16xf32>,
      %swap3A_1133 = arith.index_cast %scan3A_1066 : i32 to index
      %swap3A_1134 = arith.constant 208 : index
      %swap3A_1135 = tpu.vector_load %arg9[%swap3A_1133, %swap3A_1134] {strides = array<i32>} : memref<16x256xf32, #tpu.memory_space<vmem>>, vector<1x16xf32>,
      %swap3A_1136 = vector.shape_cast %swap3A_1135 : vector<1x16xf32> to vector<16xf32>
      %swap3A_1137 = vector.shape_cast %broadcast_in_dim3A_19 : vector<16xf32> to vector<1x16xf32>
      tpu.vector_store %arg9[%swap3A_1133, %swap3A_1134], %swap3A_1137 {strides = array<i32>} : memref<16x256xf32, #tpu.memory_space<vmem>>, vector<1x16xf32>,
      %swap3A_1138 = arith.index_cast %scan3A_1066 : i32 to index
      %swap3A_1139 = arith.constant 224 : index
      %swap3A_1140 = tpu.vector_load %arg9[%swap3A_1138, %swap3A_1139] {strides = array<i32>} : memref<16x256xf32, #tpu.memory_space<vmem>>, vector<1x16xf32>,
      %swap3A_1141 = vector.shape_cast %swap3A_1140 : vector<1x16xf32> to vector<16xf32>
      %swap3A_1142 = vector.shape_cast %broadcast_in_dim3A_19 : vector<16xf32> to vector<1x16xf32>
      tpu.vector_store %arg9[%swap3A_1138, %swap3A_1139], %swap3A_1142 {strides = array<i32>} : memref<16x256xf32, #tpu.memory_space<vmem>>, vector<1x16xf32>,
      %swap3A_1143 = arith.index_cast %scan3A_1066 : i32 to index
      %swap3A_1144 = arith.constant 240 : index
      %swap3A_1145 = tpu.vector_load %arg9[%swap3A_1143, %swap3A_1144] {strides = array<i32>} : memref<16x256xf32, #tpu.memory_space<vmem>>, vector<1x16xf32>,
      %swap3A_1146 = vector.shape_cast %swap3A_1145 : vector<1x16xf32> to vector<16xf32>
      %swap3A_1147 = vector.shape_cast %broadcast_in_dim3A_19 : vector<16xf32> to vector<1x16xf32>
      tpu.vector_store %arg9[%swap3A_1143, %swap3A_1144], %swap3A_1147 {strides = array<i32>} : memref<16x256xf32, #tpu.memory_space<vmem>>, vector<1x16xf32>,
      %scan3A_1148 = arith.constant 0 : i32
      scf.yield %scan3A_1148 : i32
    }
    %scan3A_25 = arith.constant 16 : i32
    %broadcast_in_dim3A_26 = arith.constant 0.000000e+00 : f32
    %broadcast_in_dim3A_27 = vector.broadcast %broadcast_in_dim3A_26 : f32 to vector<16xf32>
    %broadcast_in_dim3A_28 = arith.constant 0.000000e+00 : f32
    %broadcast_in_dim3A_29 = vector.broadcast %broadcast_in_dim3A_28 : f32 to vector<16xf32>
    %broadcast_in_dim3A_30 = arith.constant 0.000000e+00 : f32
    %broadcast_in_dim3A_31 = vector.broadcast %broadcast_in_dim3A_30 : f32 to vector<16xf32>
    %broadcast_in_dim3A_32 = arith.constant 0.000000e+00 : f32
    %broadcast_in_dim3A_33 = vector.broadcast %broadcast_in_dim3A_32 : f32 to vector<16xf32>
    %broadcast_in_dim3A_34 = arith.constant 0.000000e+00 : f32
    %broadcast_in_dim3A_35 = vector.broadcast %broadcast_in_dim3A_34 : f32 to vector<16xf32>
    %broadcast_in_dim3A_36 = arith.constant 0.000000e+00 : f32
    %broadcast_in_dim3A_37 = vector.broadcast %broadcast_in_dim3A_36 : f32 to vector<16xf32>
    %broadcast_in_dim3A_38 = arith.constant 0.000000e+00 : f32
    %broadcast_in_dim3A_39 = vector.broadcast %broadcast_in_dim3A_38 : f32 to vector<16xf32>
    %broadcast_in_dim3A_40 = arith.constant 0.000000e+00 : f32
    %broadcast_in_dim3A_41 = vector.broadcast %broadcast_in_dim3A_40 : f32 to vector<16xf32>
    %broadcast_in_dim3A_42 = arith.constant 0.000000e+00 : f32
    %broadcast_in_dim3A_43 = vector.broadcast %broadcast_in_dim3A_42 : f32 to vector<16xf32>
    %broadcast_in_dim3A_44 = arith.constant 0.000000e+00 : f32
    %broadcast_in_dim3A_45 = vector.broadcast %broadcast_in_dim3A_44 : f32 to vector<16xf32>
    %broadcast_in_dim3A_46 = arith.constant 0.000000e+00 : f32
    %broadcast_in_dim3A_47 = vector.broadcast %broadcast_in_dim3A_46 : f32 to vector<16xf32>
    %broadcast_in_dim3A_48 = arith.constant 0.000000e+00 : f32
    %broadcast_in_dim3A_49 = vector.broadcast %broadcast_in_dim3A_48 : f32 to vector<16xf32>
    %broadcast_in_dim3A_50 = arith.constant 0.000000e+00 : f32
    %broadcast_in_dim3A_51 = vector.broadcast %broadcast_in_dim3A_50 : f32 to vector<16xf32>
    %broadcast_in_dim3A_52 = arith.constant 0.000000e+00 : f32
    %broadcast_in_dim3A_53 = vector.broadcast %broadcast_in_dim3A_52 : f32 to vector<16xf32>
    %broadcast_in_dim3A_54 = arith.constant 0.000000e+00 : f32
    %broadcast_in_dim3A_55 = vector.broadcast %broadcast_in_dim3A_54 : f32 to vector<16xf32>
    %broadcast_in_dim3A_56 = arith.constant 0.000000e+00 : f32
    %broadcast_in_dim3A_57 = vector.broadcast %broadcast_in_dim3A_56 : f32 to vector<16xf32>
    %add3A_58 = arith.constant 0 : i32
    %add3A_59 = arith.addi %add3A_4, %add3A_58 : i32
    %dma_wait3A = arith.constant 0 : i32
    %dma_wait3A_60 = arith.constant 0 : i32
    %dma_wait3A_61 = arith.constant 0 : i32
    %dma_wait3A_62 = tpu.memref_slice %arg8[%dma_wait3A, %dma_wait3A_60, %dma_wait3A_61] : memref<1x216x256xf32, #tpu.memory_space<vmem>> -> memref<1x216x256xf32, #tpu.memory_space<vmem>>
    %dma_wait3A_63 = tpu.memref_squeeze %dma_wait3A_62 : memref<1x216x256xf32, #tpu.memory_space<vmem>> -> memref<216x256xf32, #tpu.memory_space<vmem>>
    %dma_wait3A_64 = arith.constant 0 : i32
    %dma_wait3A_65 = tpu.memref_slice %arg2[%add3A_59, %dma_wait3A_64] : memref<50000x256xf32, #tpu.memory_space<hbm>> -> memref<216x256xf32, #tpu.memory_space<hbm>>
    %dma_wait3A_66 = arith.constant 0 : i32
    %dma_wait3A_67 = arith.constant 0 : i32
    %dma_wait3A_68 = tpu.memref_slice %arg8[%dma_wait3A, %dma_wait3A_66, %dma_wait3A_67] : memref<1x216x256xf32, #tpu.memory_space<vmem>> -> memref<1x216x256xf32, #tpu.memory_space<vmem>>
    %dma_wait3A_69 = tpu.memref_squeeze %dma_wait3A_68 : memref<1x216x256xf32, #tpu.memory_space<vmem>> -> memref<216x256xf32, #tpu.memory_space<vmem>>
    %dma_wait3A_70 = arith.constant 0 : i32
    %dma_wait3A_71 = tpu.memref_slice %arg2[%add3A_59, %dma_wait3A_70] : memref<50000x256xf32, #tpu.memory_space<hbm>> -> memref<216x256xf32, #tpu.memory_space<hbm>>
    tpu.wait_dma2 semaphore(%arg12 : memref<!tpu.dma_semaphore, #tpu.memory_space<semaphore_mem>>) src(%dma_wait3A_71 : memref<216x256xf32, #tpu.memory_space<hbm>>) dst(%dma_wait3A_69 : memref<216x256xf32, #tpu.memory_space<vmem>>)
    %get3A = arith.constant 0 : index
    %get3A_72 = tpu.vector_load %arg6[%get3A] {strides = array<i32>} : memref<232xi32, #tpu.memory_space<vmem>>, vector<16xi32>,
    %get3A_73 = vector.shape_cast %get3A_72 : vector<16xi32> to vector<16xi32>
    %slice3A = vector.extract_strided_slice %get3A_73 {offsets = [0], sizes = [1], strides = [1]} : vector<16xi32> to vector<1xi32>
    %squeeze3A = vector.extract %slice3A[0] : i32 from vector<1xi32>
    %get3A_74 = arith.constant 215 : index
    %get3A_75 = tpu.vector_load %arg6[%get3A_74] {strides = array<i32>} : memref<232xi32, #tpu.memory_space<vmem>>, vector<16xi32>,
    %get3A_76 = vector.shape_cast %get3A_75 : vector<16xi32> to vector<16xi32>
    %slice3A_77 = vector.extract_strided_slice %get3A_76 {offsets = [0], sizes = [1], strides = [1]} : vector<16xi32> to vector<1xi32>
    %squeeze3A_78 = vector.extract %slice3A_77[0] : i32 from vector<1xi32>
    %eq3A = arith.cmpi eq, %squeeze3A, %squeeze3A_78 : i32
    %convert_element_type3A = arith.extui %eq3A : i1 to i32
    %cond3A = arith.constant 0 : i32
    %cond3A_79 = arith.cmpi ne, %convert_element_type3A, %cond3A : i32
    scf.if %cond3A_79 {
      %scan3A_1066 = arith.constant 0 : i32
      %scan3A_1067 = arith.constant 216 : i32
      %scan3A_1068 = arith.addi %scan3A_1066, %scan3A_1067 : i32
      %scan3A_1069 = arith.constant 4 : i32
      %scan3A_1070:16 = scf.for %scan3A_1152 = %scan3A_1066 to %scan3A_1068 step %scan3A_1069 iter_args(%scan3A_1153 = %broadcast_in_dim3A_27, %scan3A_1154 = %broadcast_in_dim3A_29, %scan3A_1155 = %broadcast_in_dim3A_31, %scan3A_1156 = %broadcast_in_dim3A_33, %scan3A_1157 = %broadcast_in_dim3A_35, %scan3A_1158 = %broadcast_in_dim3A_37, %scan3A_1159 = %broadcast_in_dim3A_39, %scan3A_1160 = %broadcast_in_dim3A_41, %scan3A_1161 = %broadcast_in_dim3A_43, %scan3A_1162 = %broadcast_in_dim3A_45, %scan3A_1163 = %broadcast_in_dim3A_47, %scan3A_1164 = %broadcast_in_dim3A_49, %scan3A_1165 = %broadcast_in_dim3A_51, %scan3A_1166 = %broadcast_in_dim3A_53, %scan3A_1167 = %broadcast_in_dim3A_55, %scan3A_1168 = %broadcast_in_dim3A_57) -> (vector<16xf32>, vector<16xf32>, vector<16xf32>, vector<16xf32>, vector<16xf32>, vector<16xf32>, vector<16xf32>, vector<16xf32>, vector<16xf32>, vector<16xf32>, vector<16xf32>, vector<16xf32>, vector<16xf32>, vector<16xf32>, vector<16xf32>, vector<16xf32>)  : i32 {
        %get3A_1169 = arith.constant 0 : i32
        %get3A_1170 = arith.index_cast %get3A_1169 : i32 to index
        %get3A_1171 = arith.index_cast %scan3A_1152 : i32 to index
        %get3A_1172 = arith.constant 0 : index
        %get3A_1173 = tpu.vector_load %arg8[%get3A_1170, %get3A_1171, %get3A_1172] {strides = array<i32>} : memref<1x216x256xf32, #tpu.memory_space<vmem>>, vector<1x1x16xf32>,
        %get3A_1174 = vector.shape_cast %get3A_1173 : vector<1x1x16xf32> to vector<16xf32>
        %add3A_1175 = arith.addf %scan3A_1153, %get3A_1174 : vector<16xf32>
        %get3A_1176 = arith.constant 0 : i32
        %get3A_1177 = arith.index_cast %get3A_1176 : i32 to index
        %get3A_1178 = arith.index_cast %scan3A_1152 : i32 to index
        %get3A_1179 = arith.constant 16 : index
        %get3A_1180 = tpu.vector_load %arg8[%get3A_1177, %get3A_1178, %get3A_1179] {strides = array<i32>} : memref<1x216x256xf32, #tpu.memory_space<vmem>>, vector<1x1x16xf32>,
        %get3A_1181 = vector.shape_cast %get3A_1180 : vector<1x1x16xf32> to vector<16xf32>
        %add3A_1182 = arith.addf %scan3A_1154, %get3A_1181 : vector<16xf32>
        %get3A_1183 = arith.constant 0 : i32
        %get3A_1184 = arith.index_cast %get3A_1183 : i32 to index
        %get3A_1185 = arith.index_cast %scan3A_1152 : i32 to index
        %get3A_1186 = arith.constant 32 : index
        %get3A_1187 = tpu.vector_load %arg8[%get3A_1184, %get3A_1185, %get3A_1186] {strides = array<i32>} : memref<1x216x256xf32, #tpu.memory_space<vmem>>, vector<1x1x16xf32>,
        %get3A_1188 = vector.shape_cast %get3A_1187 : vector<1x1x16xf32> to vector<16xf32>
        %add3A_1189 = arith.addf %scan3A_1155, %get3A_1188 : vector<16xf32>
        %get3A_1190 = arith.constant 0 : i32
        %get3A_1191 = arith.index_cast %get3A_1190 : i32 to index
        %get3A_1192 = arith.index_cast %scan3A_1152 : i32 to index
        %get3A_1193 = arith.constant 48 : index
        %get3A_1194 = tpu.vector_load %arg8[%get3A_1191, %get3A_1192, %get3A_1193] {strides = array<i32>} : memref<1x216x256xf32, #tpu.memory_space<vmem>>, vector<1x1x16xf32>,
        %get3A_1195 = vector.shape_cast %get3A_1194 : vector<1x1x16xf32> to vector<16xf32>
        %add3A_1196 = arith.addf %scan3A_1156, %get3A_1195 : vector<16xf32>
        %get3A_1197 = arith.constant 0 : i32
        %get3A_1198 = arith.index_cast %get3A_1197 : i32 to index
        %get3A_1199 = arith.index_cast %scan3A_1152 : i32 to index
        %get3A_1200 = arith.constant 64 : index
        %get3A_1201 = tpu.vector_load %arg8[%get3A_1198, %get3A_1199, %get3A_1200] {strides = array<i32>} : memref<1x216x256xf32, #tpu.memory_space<vmem>>, vector<1x1x16xf32>,
        %get3A_1202 = vector.shape_cast %get3A_1201 : vector<1x1x16xf32> to vector<16xf32>
        %add3A_1203 = arith.addf %scan3A_1157, %get3A_1202 : vector<16xf32>
        %get3A_1204 = arith.constant 0 : i32
        %get3A_1205 = arith.index_cast %get3A_1204 : i32 to index
        %get3A_1206 = arith.index_cast %scan3A_1152 : i32 to index
        %get3A_1207 = arith.constant 80 : index
        %get3A_1208 = tpu.vector_load %arg8[%get3A_1205, %get3A_1206, %get3A_1207] {strides = array<i32>} : memref<1x216x256xf32, #tpu.memory_space<vmem>>, vector<1x1x16xf32>,
        %get3A_1209 = vector.shape_cast %get3A_1208 : vector<1x1x16xf32> to vector<16xf32>
        %add3A_1210 = arith.addf %scan3A_1158, %get3A_1209 : vector<16xf32>
        %get3A_1211 = arith.constant 0 : i32
        %get3A_1212 = arith.index_cast %get3A_1211 : i32 to index
        %get3A_1213 = arith.index_cast %scan3A_1152 : i32 to index
        %get3A_1214 = arith.constant 96 : index
        %get3A_1215 = tpu.vector_load %arg8[%get3A_1212, %get3A_1213, %get3A_1214] {strides = array<i32>} : memref<1x216x256xf32, #tpu.memory_space<vmem>>, vector<1x1x16xf32>,
        %get3A_1216 = vector.shape_cast %get3A_1215 : vector<1x1x16xf32> to vector<16xf32>
        %add3A_1217 = arith.addf %scan3A_1159, %get3A_1216 : vector<16xf32>
        %get3A_1218 = arith.constant 0 : i32
        %get3A_1219 = arith.index_cast %get3A_1218 : i32 to index
        %get3A_1220 = arith.index_cast %scan3A_1152 : i32 to index
        %get3A_1221 = arith.constant 112 : index
        %get3A_1222 = tpu.vector_load %arg8[%get3A_1219, %get3A_1220, %get3A_1221] {strides = array<i32>} : memref<1x216x256xf32, #tpu.memory_space<vmem>>, vector<1x1x16xf32>,
        %get3A_1223 = vector.shape_cast %get3A_1222 : vector<1x1x16xf32> to vector<16xf32>
        %add3A_1224 = arith.addf %scan3A_1160, %get3A_1223 : vector<16xf32>
        %get3A_1225 = arith.constant 0 : i32
        %get3A_1226 = arith.index_cast %get3A_1225 : i32 to index
        %get3A_1227 = arith.index_cast %scan3A_1152 : i32 to index
        %get3A_1228 = arith.constant 128 : index
        %get3A_1229 = tpu.vector_load %arg8[%get3A_1226, %get3A_1227, %get3A_1228] {strides = array<i32>} : memref<1x216x256xf32, #tpu.memory_space<vmem>>, vector<1x1x16xf32>,
        %get3A_1230 = vector.shape_cast %get3A_1229 : vector<1x1x16xf32> to vector<16xf32>
        %add3A_1231 = arith.addf %scan3A_1161, %get3A_1230 : vector<16xf32>
        %get3A_1232 = arith.constant 0 : i32
        %get3A_1233 = arith.index_cast %get3A_1232 : i32 to index
        %get3A_1234 = arith.index_cast %scan3A_1152 : i32 to index
        %get3A_1235 = arith.constant 144 : index
        %get3A_1236 = tpu.vector_load %arg8[%get3A_1233, %get3A_1234, %get3A_1235] {strides = array<i32>} : memref<1x216x256xf32, #tpu.memory_space<vmem>>, vector<1x1x16xf32>,
        %get3A_1237 = vector.shape_cast %get3A_1236 : vector<1x1x16xf32> to vector<16xf32>
        %add3A_1238 = arith.addf %scan3A_1162, %get3A_1237 : vector<16xf32>
        %get3A_1239 = arith.constant 0 : i32
        %get3A_1240 = arith.index_cast %get3A_1239 : i32 to index
        %get3A_1241 = arith.index_cast %scan3A_1152 : i32 to index
        %get3A_1242 = arith.constant 160 : index
        %get3A_1243 = tpu.vector_load %arg8[%get3A_1240, %get3A_1241, %get3A_1242] {strides = array<i32>} : memref<1x216x256xf32, #tpu.memory_space<vmem>>, vector<1x1x16xf32>,
        %get3A_1244 = vector.shape_cast %get3A_1243 : vector<1x1x16xf32> to vector<16xf32>
        %add3A_1245 = arith.addf %scan3A_1163, %get3A_1244 : vector<16xf32>
        %get3A_1246 = arith.constant 0 : i32
        %get3A_1247 = arith.index_cast %get3A_1246 : i32 to index
        %get3A_1248 = arith.index_cast %scan3A_1152 : i32 to index
        %get3A_1249 = arith.constant 176 : index
        %get3A_1250 = tpu.vector_load %arg8[%get3A_1247, %get3A_1248, %get3A_1249] {strides = array<i32>} : memref<1x216x256xf32, #tpu.memory_space<vmem>>, vector<1x1x16xf32>,
        %get3A_1251 = vector.shape_cast %get3A_1250 : vector<1x1x16xf32> to vector<16xf32>
        %add3A_1252 = arith.addf %scan3A_1164, %get3A_1251 : vector<16xf32>
        %get3A_1253 = arith.constant 0 : i32
        %get3A_1254 = arith.index_cast %get3A_1253 : i32 to index
        %get3A_1255 = arith.index_cast %scan3A_1152 : i32 to index
        %get3A_1256 = arith.constant 192 : index
        %get3A_1257 = tpu.vector_load %arg8[%get3A_1254, %get3A_1255, %get3A_1256] {strides = array<i32>} : memref<1x216x256xf32, #tpu.memory_space<vmem>>, vector<1x1x16xf32>,
        %get3A_1258 = vector.shape_cast %get3A_1257 : vector<1x1x16xf32> to vector<16xf32>
        %add3A_1259 = arith.addf %scan3A_1165, %get3A_1258 : vector<16xf32>
        %get3A_1260 = arith.constant 0 : i32
        %get3A_1261 = arith.index_cast %get3A_1260 : i32 to index
        %get3A_1262 = arith.index_cast %scan3A_1152 : i32 to index
        %get3A_1263 = arith.constant 208 : index
        %get3A_1264 = tpu.vector_load %arg8[%get3A_1261, %get3A_1262, %get3A_1263] {strides = array<i32>} : memref<1x216x256xf32, #tpu.memory_space<vmem>>, vector<1x1x16xf32>,
        %get3A_1265 = vector.shape_cast %get3A_1264 : vector<1x1x16xf32> to vector<16xf32>
        %add3A_1266 = arith.addf %scan3A_1166, %get3A_1265 : vector<16xf32>
        %get3A_1267 = arith.constant 0 : i32
        %get3A_1268 = arith.index_cast %get3A_1267 : i32 to index
        %get3A_1269 = arith.index_cast %scan3A_1152 : i32 to index
        %get3A_1270 = arith.constant 224 : index
        %get3A_1271 = tpu.vector_load %arg8[%get3A_1268, %get3A_1269, %get3A_1270] {strides = array<i32>} : memref<1x216x256xf32, #tpu.memory_space<vmem>>, vector<1x1x16xf32>,
        %get3A_1272 = vector.shape_cast %get3A_1271 : vector<1x1x16xf32> to vector<16xf32>
        %add3A_1273 = arith.addf %scan3A_1167, %get3A_1272 : vector<16xf32>
        %get3A_1274 = arith.constant 0 : i32
        %get3A_1275 = arith.index_cast %get3A_1274 : i32 to index
        %get3A_1276 = arith.index_cast %scan3A_1152 : i32 to index
        %get3A_1277 = arith.constant 240 : index
        %get3A_1278 = tpu.vector_load %arg8[%get3A_1275, %get3A_1276, %get3A_1277] {strides = array<i32>} : memref<1x216x256xf32, #tpu.memory_space<vmem>>, vector<1x1x16xf32>,
        %get3A_1279 = vector.shape_cast %get3A_1278 : vector<1x1x16xf32> to vector<16xf32>
        %add3A_1280 = arith.addf %scan3A_1168, %get3A_1279 : vector<16xf32>
        %scan3A_1281 = arith.constant 1 : i32
        %scan3A_1282 = arith.addi %scan3A_1152, %scan3A_1281 : i32
        %get3A_1283 = arith.constant 0 : i32
        %get3A_1284 = arith.index_cast %get3A_1283 : i32 to index
        %get3A_1285 = arith.index_cast %scan3A_1282 : i32 to index
        %get3A_1286 = arith.constant 0 : index
        %get3A_1287 = tpu.vector_load %arg8[%get3A_1284, %get3A_1285, %get3A_1286] {strides = array<i32>} : memref<1x216x256xf32, #tpu.memory_space<vmem>>, vector<1x1x16xf32>,
        %get3A_1288 = vector.shape_cast %get3A_1287 : vector<1x1x16xf32> to vector<16xf32>
        %add3A_1289 = arith.addf %add3A_1175, %get3A_1288 : vector<16xf32>
        %get3A_1290 = arith.constant 0 : i32
        %get3A_1291 = arith.index_cast %get3A_1290 : i32 to index
        %get3A_1292 = arith.index_cast %scan3A_1282 : i32 to index
        %get3A_1293 = arith.constant 16 : index
        %get3A_1294 = tpu.vector_load %arg8[%get3A_1291, %get3A_1292, %get3A_1293] {strides = array<i32>} : memref<1x216x256xf32, #tpu.memory_space<vmem>>, vector<1x1x16xf32>,
        %get3A_1295 = vector.shape_cast %get3A_1294 : vector<1x1x16xf32> to vector<16xf32>
        %add3A_1296 = arith.addf %add3A_1182, %get3A_1295 : vector<16xf32>
        %get3A_1297 = arith.constant 0 : i32
        %get3A_1298 = arith.index_cast %get3A_1297 : i32 to index
        %get3A_1299 = arith.index_cast %scan3A_1282 : i32 to index
        %get3A_1300 = arith.constant 32 : index
        %get3A_1301 = tpu.vector_load %arg8[%get3A_1298, %get3A_1299, %get3A_1300] {strides = array<i32>} : memref<1x216x256xf32, #tpu.memory_space<vmem>>, vector<1x1x16xf32>,
        %get3A_1302 = vector.shape_cast %get3A_1301 : vector<1x1x16xf32> to vector<16xf32>
        %add3A_1303 = arith.addf %add3A_1189, %get3A_1302 : vector<16xf32>
        %get3A_1304 = arith.constant 0 : i32
        %get3A_1305 = arith.index_cast %get3A_1304 : i32 to index
        %get3A_1306 = arith.index_cast %scan3A_1282 : i32 to index
        %get3A_1307 = arith.constant 48 : index
        %get3A_1308 = tpu.vector_load %arg8[%get3A_1305, %get3A_1306, %get3A_1307] {strides = array<i32>} : memref<1x216x256xf32, #tpu.memory_space<vmem>>, vector<1x1x16xf32>,
        %get3A_1309 = vector.shape_cast %get3A_1308 : vector<1x1x16xf32> to vector<16xf32>
        %add3A_1310 = arith.addf %add3A_1196, %get3A_1309 : vector<16xf32>
        %get3A_1311 = arith.constant 0 : i32
        %get3A_1312 = arith.index_cast %get3A_1311 : i32 to index
        %get3A_1313 = arith.index_cast %scan3A_1282 : i32 to index
        %get3A_1314 = arith.constant 64 : index
        %get3A_1315 = tpu.vector_load %arg8[%get3A_1312, %get3A_1313, %get3A_1314] {strides = array<i32>} : memref<1x216x256xf32, #tpu.memory_space<vmem>>, vector<1x1x16xf32>,
        %get3A_1316 = vector.shape_cast %get3A_1315 : vector<1x1x16xf32> to vector<16xf32>
        %add3A_1317 = arith.addf %add3A_1203, %get3A_1316 : vector<16xf32>
        %get3A_1318 = arith.constant 0 : i32
        %get3A_1319 = arith.index_cast %get3A_1318 : i32 to index
        %get3A_1320 = arith.index_cast %scan3A_1282 : i32 to index
        %get3A_1321 = arith.constant 80 : index
        %get3A_1322 = tpu.vector_load %arg8[%get3A_1319, %get3A_1320, %get3A_1321] {strides = array<i32>} : memref<1x216x256xf32, #tpu.memory_space<vmem>>, vector<1x1x16xf32>,
        %get3A_1323 = vector.shape_cast %get3A_1322 : vector<1x1x16xf32> to vector<16xf32>
        %add3A_1324 = arith.addf %add3A_1210, %get3A_1323 : vector<16xf32>
        %get3A_1325 = arith.constant 0 : i32
        %get3A_1326 = arith.index_cast %get3A_1325 : i32 to index
        %get3A_1327 = arith.index_cast %scan3A_1282 : i32 to index
        %get3A_1328 = arith.constant 96 : index
        %get3A_1329 = tpu.vector_load %arg8[%get3A_1326, %get3A_1327, %get3A_1328] {strides = array<i32>} : memref<1x216x256xf32, #tpu.memory_space<vmem>>, vector<1x1x16xf32>,
        %get3A_1330 = vector.shape_cast %get3A_1329 : vector<1x1x16xf32> to vector<16xf32>
        %add3A_1331 = arith.addf %add3A_1217, %get3A_1330 : vector<16xf32>
        %get3A_1332 = arith.constant 0 : i32
        %get3A_1333 = arith.index_cast %get3A_1332 : i32 to index
        %get3A_1334 = arith.index_cast %scan3A_1282 : i32 to index
        %get3A_1335 = arith.constant 112 : index
        %get3A_1336 = tpu.vector_load %arg8[%get3A_1333, %get3A_1334, %get3A_1335] {strides = array<i32>} : memref<1x216x256xf32, #tpu.memory_space<vmem>>, vector<1x1x16xf32>,
        %get3A_1337 = vector.shape_cast %get3A_1336 : vector<1x1x16xf32> to vector<16xf32>
        %add3A_1338 = arith.addf %add3A_1224, %get3A_1337 : vector<16xf32>
        %get3A_1339 = arith.constant 0 : i32
        %get3A_1340 = arith.index_cast %get3A_1339 : i32 to index
        %get3A_1341 = arith.index_cast %scan3A_1282 : i32 to index
        %get3A_1342 = arith.constant 128 : index
        %get3A_1343 = tpu.vector_load %arg8[%get3A_1340, %get3A_1341, %get3A_1342] {strides = array<i32>} : memref<1x216x256xf32, #tpu.memory_space<vmem>>, vector<1x1x16xf32>,
        %get3A_1344 = vector.shape_cast %get3A_1343 : vector<1x1x16xf32> to vector<16xf32>
        %add3A_1345 = arith.addf %add3A_1231, %get3A_1344 : vector<16xf32>
        %get3A_1346 = arith.constant 0 : i32
        %get3A_1347 = arith.index_cast %get3A_1346 : i32 to index
        %get3A_1348 = arith.index_cast %scan3A_1282 : i32 to index
        %get3A_1349 = arith.constant 144 : index
        %get3A_1350 = tpu.vector_load %arg8[%get3A_1347, %get3A_1348, %get3A_1349] {strides = array<i32>} : memref<1x216x256xf32, #tpu.memory_space<vmem>>, vector<1x1x16xf32>,
        %get3A_1351 = vector.shape_cast %get3A_1350 : vector<1x1x16xf32> to vector<16xf32>
        %add3A_1352 = arith.addf %add3A_1238, %get3A_1351 : vector<16xf32>
        %get3A_1353 = arith.constant 0 : i32
        %get3A_1354 = arith.index_cast %get3A_1353 : i32 to index
        %get3A_1355 = arith.index_cast %scan3A_1282 : i32 to index
        %get3A_1356 = arith.constant 160 : index
        %get3A_1357 = tpu.vector_load %arg8[%get3A_1354, %get3A_1355, %get3A_1356] {strides = array<i32>} : memref<1x216x256xf32, #tpu.memory_space<vmem>>, vector<1x1x16xf32>,
        %get3A_1358 = vector.shape_cast %get3A_1357 : vector<1x1x16xf32> to vector<16xf32>
        %add3A_1359 = arith.addf %add3A_1245, %get3A_1358 : vector<16xf32>
        %get3A_1360 = arith.constant 0 : i32
        %get3A_1361 = arith.index_cast %get3A_1360 : i32 to index
        %get3A_1362 = arith.index_cast %scan3A_1282 : i32 to index
        %get3A_1363 = arith.constant 176 : index
        %get3A_1364 = tpu.vector_load %arg8[%get3A_1361, %get3A_1362, %get3A_1363] {strides = array<i32>} : memref<1x216x256xf32, #tpu.memory_space<vmem>>, vector<1x1x16xf32>,
        %get3A_1365 = vector.shape_cast %get3A_1364 : vector<1x1x16xf32> to vector<16xf32>
        %add3A_1366 = arith.addf %add3A_1252, %get3A_1365 : vector<16xf32>
        %get3A_1367 = arith.constant 0 : i32
        %get3A_1368 = arith.index_cast %get3A_1367 : i32 to index
        %get3A_1369 = arith.index_cast %scan3A_1282 : i32 to index
        %get3A_1370 = arith.constant 192 : index
        %get3A_1371 = tpu.vector_load %arg8[%get3A_1368, %get3A_1369, %get3A_1370] {strides = array<i32>} : memref<1x216x256xf32, #tpu.memory_space<vmem>>, vector<1x1x16xf32>,
        %get3A_1372 = vector.shape_cast %get3A_1371 : vector<1x1x16xf32> to vector<16xf32>
        %add3A_1373 = arith.addf %add3A_1259, %get3A_1372 : vector<16xf32>
        %get3A_1374 = arith.constant 0 : i32
        %get3A_1375 = arith.index_cast %get3A_1374 : i32 to index
        %get3A_1376 = arith.index_cast %scan3A_1282 : i32 to index
        %get3A_1377 = arith.constant 208 : index
        %get3A_1378 = tpu.vector_load %arg8[%get3A_1375, %get3A_1376, %get3A_1377] {strides = array<i32>} : memref<1x216x256xf32, #tpu.memory_space<vmem>>, vector<1x1x16xf32>,
        %get3A_1379 = vector.shape_cast %get3A_1378 : vector<1x1x16xf32> to vector<16xf32>
        %add3A_1380 = arith.addf %add3A_1266, %get3A_1379 : vector<16xf32>
        %get3A_1381 = arith.constant 0 : i32
        %get3A_1382 = arith.index_cast %get3A_1381 : i32 to index
        %get3A_1383 = arith.index_cast %scan3A_1282 : i32 to index
        %get3A_1384 = arith.constant 224 : index
        %get3A_1385 = tpu.vector_load %arg8[%get3A_1382, %get3A_1383, %get3A_1384] {strides = array<i32>} : memref<1x216x256xf32, #tpu.memory_space<vmem>>, vector<1x1x16xf32>,
        %get3A_1386 = vector.shape_cast %get3A_1385 : vector<1x1x16xf32> to vector<16xf32>
        %add3A_1387 = arith.addf %add3A_1273, %get3A_1386 : vector<16xf32>
        %get3A_1388 = arith.constant 0 : i32
        %get3A_1389 = arith.index_cast %get3A_1388 : i32 to index
        %get3A_1390 = arith.index_cast %scan3A_1282 : i32 to index
        %get3A_1391 = arith.constant 240 : index
        %get3A_1392 = tpu.vector_load %arg8[%get3A_1389, %get3A_1390, %get3A_1391] {strides = array<i32>} : memref<1x216x256xf32, #tpu.memory_space<vmem>>, vector<1x1x16xf32>,
        %get3A_1393 = vector.shape_cast %get3A_1392 : vector<1x1x16xf32> to vector<16xf32>
        %add3A_1394 = arith.addf %add3A_1280, %get3A_1393 : vector<16xf32>
        %scan3A_1395 = arith.constant 2 : i32
        %scan3A_1396 = arith.addi %scan3A_1152, %scan3A_1395 : i32
        %get3A_1397 = arith.constant 0 : i32
        %get3A_1398 = arith.index_cast %get3A_1397 : i32 to index
        %get3A_1399 = arith.index_cast %scan3A_1396 : i32 to index
        %get3A_1400 = arith.constant 0 : index
        %get3A_1401 = tpu.vector_load %arg8[%get3A_1398, %get3A_1399, %get3A_1400] {strides = array<i32>} : memref<1x216x256xf32, #tpu.memory_space<vmem>>, vector<1x1x16xf32>,
        %get3A_1402 = vector.shape_cast %get3A_1401 : vector<1x1x16xf32> to vector<16xf32>
        %add3A_1403 = arith.addf %add3A_1289, %get3A_1402 : vector<16xf32>
        %get3A_1404 = arith.constant 0 : i32
        %get3A_1405 = arith.index_cast %get3A_1404 : i32 to index
        %get3A_1406 = arith.index_cast %scan3A_1396 : i32 to index
        %get3A_1407 = arith.constant 16 : index
        %get3A_1408 = tpu.vector_load %arg8[%get3A_1405, %get3A_1406, %get3A_1407] {strides = array<i32>} : memref<1x216x256xf32, #tpu.memory_space<vmem>>, vector<1x1x16xf32>,
        %get3A_1409 = vector.shape_cast %get3A_1408 : vector<1x1x16xf32> to vector<16xf32>
        %add3A_1410 = arith.addf %add3A_1296, %get3A_1409 : vector<16xf32>
        %get3A_1411 = arith.constant 0 : i32
        %get3A_1412 = arith.index_cast %get3A_1411 : i32 to index
        %get3A_1413 = arith.index_cast %scan3A_1396 : i32 to index
        %get3A_1414 = arith.constant 32 : index
        %get3A_1415 = tpu.vector_load %arg8[%get3A_1412, %get3A_1413, %get3A_1414] {strides = array<i32>} : memref<1x216x256xf32, #tpu.memory_space<vmem>>, vector<1x1x16xf32>,
        %get3A_1416 = vector.shape_cast %get3A_1415 : vector<1x1x16xf32> to vector<16xf32>
        %add3A_1417 = arith.addf %add3A_1303, %get3A_1416 : vector<16xf32>
        %get3A_1418 = arith.constant 0 : i32
        %get3A_1419 = arith.index_cast %get3A_1418 : i32 to index
        %get3A_1420 = arith.index_cast %scan3A_1396 : i32 to index
        %get3A_1421 = arith.constant 48 : index
        %get3A_1422 = tpu.vector_load %arg8[%get3A_1419, %get3A_1420, %get3A_1421] {strides = array<i32>} : memref<1x216x256xf32, #tpu.memory_space<vmem>>, vector<1x1x16xf32>,
        %get3A_1423 = vector.shape_cast %get3A_1422 : vector<1x1x16xf32> to vector<16xf32>
        %add3A_1424 = arith.addf %add3A_1310, %get3A_1423 : vector<16xf32>
        %get3A_1425 = arith.constant 0 : i32
        %get3A_1426 = arith.index_cast %get3A_1425 : i32 to index
        %get3A_1427 = arith.index_cast %scan3A_1396 : i32 to index
        %get3A_1428 = arith.constant 64 : index
        %get3A_1429 = tpu.vector_load %arg8[%get3A_1426, %get3A_1427, %get3A_1428] {strides = array<i32>} : memref<1x216x256xf32, #tpu.memory_space<vmem>>, vector<1x1x16xf32>,
        %get3A_1430 = vector.shape_cast %get3A_1429 : vector<1x1x16xf32> to vector<16xf32>
        %add3A_1431 = arith.addf %add3A_1317, %get3A_1430 : vector<16xf32>
        %get3A_1432 = arith.constant 0 : i32
        %get3A_1433 = arith.index_cast %get3A_1432 : i32 to index
        %get3A_1434 = arith.index_cast %scan3A_1396 : i32 to index
        %get3A_1435 = arith.constant 80 : index
        %get3A_1436 = tpu.vector_load %arg8[%get3A_1433, %get3A_1434, %get3A_1435] {strides = array<i32>} : memref<1x216x256xf32, #tpu.memory_space<vmem>>, vector<1x1x16xf32>,
        %get3A_1437 = vector.shape_cast %get3A_1436 : vector<1x1x16xf32> to vector<16xf32>
        %add3A_1438 = arith.addf %add3A_1324, %get3A_1437 : vector<16xf32>
        %get3A_1439 = arith.constant 0 : i32
        %get3A_1440 = arith.index_cast %get3A_1439 : i32 to index
        %get3A_1441 = arith.index_cast %scan3A_1396 : i32 to index
        %get3A_1442 = arith.constant 96 : index
        %get3A_1443 = tpu.vector_load %arg8[%get3A_1440, %get3A_1441, %get3A_1442] {strides = array<i32>} : memref<1x216x256xf32, #tpu.memory_space<vmem>>, vector<1x1x16xf32>,
        %get3A_1444 = vector.shape_cast %get3A_1443 : vector<1x1x16xf32> to vector<16xf32>
        %add3A_1445 = arith.addf %add3A_1331, %get3A_1444 : vector<16xf32>
        %get3A_1446 = arith.constant 0 : i32
        %get3A_1447 = arith.index_cast %get3A_1446 : i32 to index
        %get3A_1448 = arith.index_cast %scan3A_1396 : i32 to index
        %get3A_1449 = arith.constant 112 : index
        %get3A_1450 = tpu.vector_load %arg8[%get3A_1447, %get3A_1448, %get3A_1449] {strides = array<i32>} : memref<1x216x256xf32, #tpu.memory_space<vmem>>, vector<1x1x16xf32>,
        %get3A_1451 = vector.shape_cast %get3A_1450 : vector<1x1x16xf32> to vector<16xf32>
        %add3A_1452 = arith.addf %add3A_1338, %get3A_1451 : vector<16xf32>
        %get3A_1453 = arith.constant 0 : i32
        %get3A_1454 = arith.index_cast %get3A_1453 : i32 to index
        %get3A_1455 = arith.index_cast %scan3A_1396 : i32 to index
        %get3A_1456 = arith.constant 128 : index
        %get3A_1457 = tpu.vector_load %arg8[%get3A_1454, %get3A_1455, %get3A_1456] {strides = array<i32>} : memref<1x216x256xf32, #tpu.memory_space<vmem>>, vector<1x1x16xf32>,
        %get3A_1458 = vector.shape_cast %get3A_1457 : vector<1x1x16xf32> to vector<16xf32>
        %add3A_1459 = arith.addf %add3A_1345, %get3A_1458 : vector<16xf32>
        %get3A_1460 = arith.constant 0 : i32
        %get3A_1461 = arith.index_cast %get3A_1460 : i32 to index
        %get3A_1462 = arith.index_cast %scan3A_1396 : i32 to index
        %get3A_1463 = arith.constant 144 : index
        %get3A_1464 = tpu.vector_load %arg8[%get3A_1461, %get3A_1462, %get3A_1463] {strides = array<i32>} : memref<1x216x256xf32, #tpu.memory_space<vmem>>, vector<1x1x16xf32>,
        %get3A_1465 = vector.shape_cast %get3A_1464 : vector<1x1x16xf32> to vector<16xf32>
        %add3A_1466 = arith.addf %add3A_1352, %get3A_1465 : vector<16xf32>
        %get3A_1467 = arith.constant 0 : i32
        %get3A_1468 = arith.index_cast %get3A_1467 : i32 to index
        %get3A_1469 = arith.index_cast %scan3A_1396 : i32 to index
        %get3A_1470 = arith.constant 160 : index
        %get3A_1471 = tpu.vector_load %arg8[%get3A_1468, %get3A_1469, %get3A_1470] {strides = array<i32>} : memref<1x216x256xf32, #tpu.memory_space<vmem>>, vector<1x1x16xf32>,
        %get3A_1472 = vector.shape_cast %get3A_1471 : vector<1x1x16xf32> to vector<16xf32>
        %add3A_1473 = arith.addf %add3A_1359, %get3A_1472 : vector<16xf32>
        %get3A_1474 = arith.constant 0 : i32
        %get3A_1475 = arith.index_cast %get3A_1474 : i32 to index
        %get3A_1476 = arith.index_cast %scan3A_1396 : i32 to index
        %get3A_1477 = arith.constant 176 : index
        %get3A_1478 = tpu.vector_load %arg8[%get3A_1475, %get3A_1476, %get3A_1477] {strides = array<i32>} : memref<1x216x256xf32, #tpu.memory_space<vmem>>, vector<1x1x16xf32>,
        %get3A_1479 = vector.shape_cast %get3A_1478 : vector<1x1x16xf32> to vector<16xf32>
        %add3A_1480 = arith.addf %add3A_1366, %get3A_1479 : vector<16xf32>
        %get3A_1481 = arith.constant 0 : i32
        %get3A_1482 = arith.index_cast %get3A_1481 : i32 to index
        %get3A_1483 = arith.index_cast %scan3A_1396 : i32 to index
        %get3A_1484 = arith.constant 192 : index
        %get3A_1485 = tpu.vector_load %arg8[%get3A_1482, %get3A_1483, %get3A_1484] {strides = array<i32>} : memref<1x216x256xf32, #tpu.memory_space<vmem>>, vector<1x1x16xf32>,
        %get3A_1486 = vector.shape_cast %get3A_1485 : vector<1x1x16xf32> to vector<16xf32>
        %add3A_1487 = arith.addf %add3A_1373, %get3A_1486 : vector<16xf32>
        %get3A_1488 = arith.constant 0 : i32
        %get3A_1489 = arith.index_cast %get3A_1488 : i32 to index
        %get3A_1490 = arith.index_cast %scan3A_1396 : i32 to index
        %get3A_1491 = arith.constant 208 : index
        %get3A_1492 = tpu.vector_load %arg8[%get3A_1489, %get3A_1490, %get3A_1491] {strides = array<i32>} : memref<1x216x256xf32, #tpu.memory_space<vmem>>, vector<1x1x16xf32>,
        %get3A_1493 = vector.shape_cast %get3A_1492 : vector<1x1x16xf32> to vector<16xf32>
        %add3A_1494 = arith.addf %add3A_1380, %get3A_1493 : vector<16xf32>
        %get3A_1495 = arith.constant 0 : i32
        %get3A_1496 = arith.index_cast %get3A_1495 : i32 to index
        %get3A_1497 = arith.index_cast %scan3A_1396 : i32 to index
        %get3A_1498 = arith.constant 224 : index
        %get3A_1499 = tpu.vector_load %arg8[%get3A_1496, %get3A_1497, %get3A_1498] {strides = array<i32>} : memref<1x216x256xf32, #tpu.memory_space<vmem>>, vector<1x1x16xf32>,
        %get3A_1500 = vector.shape_cast %get3A_1499 : vector<1x1x16xf32> to vector<16xf32>
        %add3A_1501 = arith.addf %add3A_1387, %get3A_1500 : vector<16xf32>
        %get3A_1502 = arith.constant 0 : i32
        %get3A_1503 = arith.index_cast %get3A_1502 : i32 to index
        %get3A_1504 = arith.index_cast %scan3A_1396 : i32 to index
        %get3A_1505 = arith.constant 240 : index
        %get3A_1506 = tpu.vector_load %arg8[%get3A_1503, %get3A_1504, %get3A_1505] {strides = array<i32>} : memref<1x216x256xf32, #tpu.memory_space<vmem>>, vector<1x1x16xf32>,
        %get3A_1507 = vector.shape_cast %get3A_1506 : vector<1x1x16xf32> to vector<16xf32>
        %add3A_1508 = arith.addf %add3A_1394, %get3A_1507 : vector<16xf32>
        %scan3A_1509 = arith.constant 3 : i32
        %scan3A_1510 = arith.addi %scan3A_1152, %scan3A_1509 : i32
        %get3A_1511 = arith.constant 0 : i32
        %get3A_1512 = arith.index_cast %get3A_1511 : i32 to index
        %get3A_1513 = arith.index_cast %scan3A_1510 : i32 to index
        %get3A_1514 = arith.constant 0 : index
        %get3A_1515 = tpu.vector_load %arg8[%get3A_1512, %get3A_1513, %get3A_1514] {strides = array<i32>} : memref<1x216x256xf32, #tpu.memory_space<vmem>>, vector<1x1x16xf32>,
        %get3A_1516 = vector.shape_cast %get3A_1515 : vector<1x1x16xf32> to vector<16xf32>
        %add3A_1517 = arith.addf %add3A_1403, %get3A_1516 : vector<16xf32>
        %get3A_1518 = arith.constant 0 : i32
        %get3A_1519 = arith.index_cast %get3A_1518 : i32 to index
        %get3A_1520 = arith.index_cast %scan3A_1510 : i32 to index
        %get3A_1521 = arith.constant 16 : index
        %get3A_1522 = tpu.vector_load %arg8[%get3A_1519, %get3A_1520, %get3A_1521] {strides = array<i32>} : memref<1x216x256xf32, #tpu.memory_space<vmem>>, vector<1x1x16xf32>,
        %get3A_1523 = vector.shape_cast %get3A_1522 : vector<1x1x16xf32> to vector<16xf32>
        %add3A_1524 = arith.addf %add3A_1410, %get3A_1523 : vector<16xf32>
        %get3A_1525 = arith.constant 0 : i32
        %get3A_1526 = arith.index_cast %get3A_1525 : i32 to index
        %get3A_1527 = arith.index_cast %scan3A_1510 : i32 to index
        %get3A_1528 = arith.constant 32 : index
        %get3A_1529 = tpu.vector_load %arg8[%get3A_1526, %get3A_1527, %get3A_1528] {strides = array<i32>} : memref<1x216x256xf32, #tpu.memory_space<vmem>>, vector<1x1x16xf32>,
        %get3A_1530 = vector.shape_cast %get3A_1529 : vector<1x1x16xf32> to vector<16xf32>
        %add3A_1531 = arith.addf %add3A_1417, %get3A_1530 : vector<16xf32>
        %get3A_1532 = arith.constant 0 : i32
        %get3A_1533 = arith.index_cast %get3A_1532 : i32 to index
        %get3A_1534 = arith.index_cast %scan3A_1510 : i32 to index
        %get3A_1535 = arith.constant 48 : index
        %get3A_1536 = tpu.vector_load %arg8[%get3A_1533, %get3A_1534, %get3A_1535] {strides = array<i32>} : memref<1x216x256xf32, #tpu.memory_space<vmem>>, vector<1x1x16xf32>,
        %get3A_1537 = vector.shape_cast %get3A_1536 : vector<1x1x16xf32> to vector<16xf32>
        %add3A_1538 = arith.addf %add3A_1424, %get3A_1537 : vector<16xf32>
        %get3A_1539 = arith.constant 0 : i32
        %get3A_1540 = arith.index_cast %get3A_1539 : i32 to index
        %get3A_1541 = arith.index_cast %scan3A_1510 : i32 to index
        %get3A_1542 = arith.constant 64 : index
        %get3A_1543 = tpu.vector_load %arg8[%get3A_1540, %get3A_1541, %get3A_1542] {strides = array<i32>} : memref<1x216x256xf32, #tpu.memory_space<vmem>>, vector<1x1x16xf32>,
        %get3A_1544 = vector.shape_cast %get3A_1543 : vector<1x1x16xf32> to vector<16xf32>
        %add3A_1545 = arith.addf %add3A_1431, %get3A_1544 : vector<16xf32>
        %get3A_1546 = arith.constant 0 : i32
        %get3A_1547 = arith.index_cast %get3A_1546 : i32 to index
        %get3A_1548 = arith.index_cast %scan3A_1510 : i32 to index
        %get3A_1549 = arith.constant 80 : index
        %get3A_1550 = tpu.vector_load %arg8[%get3A_1547, %get3A_1548, %get3A_1549] {strides = array<i32>} : memref<1x216x256xf32, #tpu.memory_space<vmem>>, vector<1x1x16xf32>,
        %get3A_1551 = vector.shape_cast %get3A_1550 : vector<1x1x16xf32> to vector<16xf32>
        %add3A_1552 = arith.addf %add3A_1438, %get3A_1551 : vector<16xf32>
        %get3A_1553 = arith.constant 0 : i32
        %get3A_1554 = arith.index_cast %get3A_1553 : i32 to index
        %get3A_1555 = arith.index_cast %scan3A_1510 : i32 to index
        %get3A_1556 = arith.constant 96 : index
        %get3A_1557 = tpu.vector_load %arg8[%get3A_1554, %get3A_1555, %get3A_1556] {strides = array<i32>} : memref<1x216x256xf32, #tpu.memory_space<vmem>>, vector<1x1x16xf32>,
        %get3A_1558 = vector.shape_cast %get3A_1557 : vector<1x1x16xf32> to vector<16xf32>
        %add3A_1559 = arith.addf %add3A_1445, %get3A_1558 : vector<16xf32>
        %get3A_1560 = arith.constant 0 : i32
        %get3A_1561 = arith.index_cast %get3A_1560 : i32 to index
        %get3A_1562 = arith.index_cast %scan3A_1510 : i32 to index
        %get3A_1563 = arith.constant 112 : index
        %get3A_1564 = tpu.vector_load %arg8[%get3A_1561, %get3A_1562, %get3A_1563] {strides = array<i32>} : memref<1x216x256xf32, #tpu.memory_space<vmem>>, vector<1x1x16xf32>,
        %get3A_1565 = vector.shape_cast %get3A_1564 : vector<1x1x16xf32> to vector<16xf32>
        %add3A_1566 = arith.addf %add3A_1452, %get3A_1565 : vector<16xf32>
        %get3A_1567 = arith.constant 0 : i32
        %get3A_1568 = arith.index_cast %get3A_1567 : i32 to index
        %get3A_1569 = arith.index_cast %scan3A_1510 : i32 to index
        %get3A_1570 = arith.constant 128 : index
        %get3A_1571 = tpu.vector_load %arg8[%get3A_1568, %get3A_1569, %get3A_1570] {strides = array<i32>} : memref<1x216x256xf32, #tpu.memory_space<vmem>>, vector<1x1x16xf32>,
        %get3A_1572 = vector.shape_cast %get3A_1571 : vector<1x1x16xf32> to vector<16xf32>
        %add3A_1573 = arith.addf %add3A_1459, %get3A_1572 : vector<16xf32>
        %get3A_1574 = arith.constant 0 : i32
        %get3A_1575 = arith.index_cast %get3A_1574 : i32 to index
        %get3A_1576 = arith.index_cast %scan3A_1510 : i32 to index
        %get3A_1577 = arith.constant 144 : index
        %get3A_1578 = tpu.vector_load %arg8[%get3A_1575, %get3A_1576, %get3A_1577] {strides = array<i32>} : memref<1x216x256xf32, #tpu.memory_space<vmem>>, vector<1x1x16xf32>,
        %get3A_1579 = vector.shape_cast %get3A_1578 : vector<1x1x16xf32> to vector<16xf32>
        %add3A_1580 = arith.addf %add3A_1466, %get3A_1579 : vector<16xf32>
        %get3A_1581 = arith.constant 0 : i32
        %get3A_1582 = arith.index_cast %get3A_1581 : i32 to index
        %get3A_1583 = arith.index_cast %scan3A_1510 : i32 to index
        %get3A_1584 = arith.constant 160 : index
        %get3A_1585 = tpu.vector_load %arg8[%get3A_1582, %get3A_1583, %get3A_1584] {strides = array<i32>} : memref<1x216x256xf32, #tpu.memory_space<vmem>>, vector<1x1x16xf32>,
        %get3A_1586 = vector.shape_cast %get3A_1585 : vector<1x1x16xf32> to vector<16xf32>
        %add3A_1587 = arith.addf %add3A_1473, %get3A_1586 : vector<16xf32>
        %get3A_1588 = arith.constant 0 : i32
        %get3A_1589 = arith.index_cast %get3A_1588 : i32 to index
        %get3A_1590 = arith.index_cast %scan3A_1510 : i32 to index
        %get3A_1591 = arith.constant 176 : index
        %get3A_1592 = tpu.vector_load %arg8[%get3A_1589, %get3A_1590, %get3A_1591] {strides = array<i32>} : memref<1x216x256xf32, #tpu.memory_space<vmem>>, vector<1x1x16xf32>,
        %get3A_1593 = vector.shape_cast %get3A_1592 : vector<1x1x16xf32> to vector<16xf32>
        %add3A_1594 = arith.addf %add3A_1480, %get3A_1593 : vector<16xf32>
        %get3A_1595 = arith.constant 0 : i32
        %get3A_1596 = arith.index_cast %get3A_1595 : i32 to index
        %get3A_1597 = arith.index_cast %scan3A_1510 : i32 to index
        %get3A_1598 = arith.constant 192 : index
        %get3A_1599 = tpu.vector_load %arg8[%get3A_1596, %get3A_1597, %get3A_1598] {strides = array<i32>} : memref<1x216x256xf32, #tpu.memory_space<vmem>>, vector<1x1x16xf32>,
        %get3A_1600 = vector.shape_cast %get3A_1599 : vector<1x1x16xf32> to vector<16xf32>
        %add3A_1601 = arith.addf %add3A_1487, %get3A_1600 : vector<16xf32>
        %get3A_1602 = arith.constant 0 : i32
        %get3A_1603 = arith.index_cast %get3A_1602 : i32 to index
        %get3A_1604 = arith.index_cast %scan3A_1510 : i32 to index
        %get3A_1605 = arith.constant 208 : index
        %get3A_1606 = tpu.vector_load %arg8[%get3A_1603, %get3A_1604, %get3A_1605] {strides = array<i32>} : memref<1x216x256xf32, #tpu.memory_space<vmem>>, vector<1x1x16xf32>,
        %get3A_1607 = vector.shape_cast %get3A_1606 : vector<1x1x16xf32> to vector<16xf32>
        %add3A_1608 = arith.addf %add3A_1494, %get3A_1607 : vector<16xf32>
        %get3A_1609 = arith.constant 0 : i32
        %get3A_1610 = arith.index_cast %get3A_1609 : i32 to index
        %get3A_1611 = arith.index_cast %scan3A_1510 : i32 to index
        %get3A_1612 = arith.constant 224 : index
        %get3A_1613 = tpu.vector_load %arg8[%get3A_1610, %get3A_1611, %get3A_1612] {strides = array<i32>} : memref<1x216x256xf32, #tpu.memory_space<vmem>>, vector<1x1x16xf32>,
        %get3A_1614 = vector.shape_cast %get3A_1613 : vector<1x1x16xf32> to vector<16xf32>
        %add3A_1615 = arith.addf %add3A_1501, %get3A_1614 : vector<16xf32>
        %get3A_1616 = arith.constant 0 : i32
        %get3A_1617 = arith.index_cast %get3A_1616 : i32 to index
        %get3A_1618 = arith.index_cast %scan3A_1510 : i32 to index
        %get3A_1619 = arith.constant 240 : index
        %get3A_1620 = tpu.vector_load %arg8[%get3A_1617, %get3A_1618, %get3A_1619] {strides = array<i32>} : memref<1x216x256xf32, #tpu.memory_space<vmem>>, vector<1x1x16xf32>,
        %get3A_1621 = vector.shape_cast %get3A_1620 : vector<1x1x16xf32> to vector<16xf32>
        %add3A_1622 = arith.addf %add3A_1508, %get3A_1621 : vector<16xf32>
        scf.yield %add3A_1517, %add3A_1524, %add3A_1531, %add3A_1538, %add3A_1545, %add3A_1552, %add3A_1559, %add3A_1566, %add3A_1573, %add3A_1580, %add3A_1587, %add3A_1594, %add3A_1601, %add3A_1608, %add3A_1615, %add3A_1622 : vector<16xf32>, vector<16xf32>, vector<16xf32>, vector<16xf32>, vector<16xf32>, vector<16xf32>, vector<16xf32>, vector<16xf32>, vector<16xf32>, vector<16xf32>, vector<16xf32>, vector<16xf32>, vector<16xf32>, vector<16xf32>, vector<16xf32>, vector<16xf32>
      }
      %scan3A_1071 = arith.constant 216 : i32
      %swap3A_1072 = arith.index_cast %squeeze3A : i32 to index
      %swap3A_1073 = arith.constant 0 : index
      %swap3A_1074 = tpu.vector_load %arg9[%swap3A_1072, %swap3A_1073] {strides = array<i32>} : memref<16x256xf32, #tpu.memory_space<vmem>>, vector<1x16xf32>,
      %swap3A_1075 = vector.shape_cast %swap3A_1074 : vector<1x16xf32> to vector<16xf32>
      %swap3A_1076 = vector.shape_cast %scan3A_1070#0 : vector<16xf32> to vector<1x16xf32>
      tpu.vector_store %arg9[%swap3A_1072, %swap3A_1073], %swap3A_1076 {add = true, strides = array<i32>} : memref<16x256xf32, #tpu.memory_space<vmem>>, vector<1x16xf32>,
      %swap3A_1077 = arith.index_cast %squeeze3A : i32 to index
      %swap3A_1078 = arith.constant 16 : index
      %swap3A_1079 = tpu.vector_load %arg9[%swap3A_1077, %swap3A_1078] {strides = array<i32>} : memref<16x256xf32, #tpu.memory_space<vmem>>, vector<1x16xf32>,
      %swap3A_1080 = vector.shape_cast %swap3A_1079 : vector<1x16xf32> to vector<16xf32>
      %swap3A_1081 = vector.shape_cast %scan3A_1070#1 : vector<16xf32> to vector<1x16xf32>
      tpu.vector_store %arg9[%swap3A_1077, %swap3A_1078], %swap3A_1081 {add = true, strides = array<i32>} : memref<16x256xf32, #tpu.memory_space<vmem>>, vector<1x16xf32>,
      %swap3A_1082 = arith.index_cast %squeeze3A : i32 to index
      %swap3A_1083 = arith.constant 32 : index
      %swap3A_1084 = tpu.vector_load %arg9[%swap3A_1082, %swap3A_1083] {strides = array<i32>} : memref<16x256xf32, #tpu.memory_space<vmem>>, vector<1x16xf32>,
      %swap3A_1085 = vector.shape_cast %swap3A_1084 : vector<1x16xf32> to vector<16xf32>
      %swap3A_1086 = vector.shape_cast %scan3A_1070#2 : vector<16xf32> to vector<1x16xf32>
      tpu.vector_store %arg9[%swap3A_1082, %swap3A_1083], %swap3A_1086 {add = true, strides = array<i32>} : memref<16x256xf32, #tpu.memory_space<vmem>>, vector<1x16xf32>,
      %swap3A_1087 = arith.index_cast %squeeze3A : i32 to index
      %swap3A_1088 = arith.constant 48 : index
      %swap3A_1089 = tpu.vector_load %arg9[%swap3A_1087, %swap3A_1088] {strides = array<i32>} : memref<16x256xf32, #tpu.memory_space<vmem>>, vector<1x16xf32>,
      %swap3A_1090 = vector.shape_cast %swap3A_1089 : vector<1x16xf32> to vector<16xf32>
      %swap3A_1091 = vector.shape_cast %scan3A_1070#3 : vector<16xf32> to vector<1x16xf32>
      tpu.vector_store %arg9[%swap3A_1087, %swap3A_1088], %swap3A_1091 {add = true, strides = array<i32>} : memref<16x256xf32, #tpu.memory_space<vmem>>, vector<1x16xf32>,
      %swap3A_1092 = arith.index_cast %squeeze3A : i32 to index
      %swap3A_1093 = arith.constant 64 : index
      %swap3A_1094 = tpu.vector_load %arg9[%swap3A_1092, %swap3A_1093] {strides = array<i32>} : memref<16x256xf32, #tpu.memory_space<vmem>>, vector<1x16xf32>,
      %swap3A_1095 = vector.shape_cast %swap3A_1094 : vector<1x16xf32> to vector<16xf32>
      %swap3A_1096 = vector.shape_cast %scan3A_1070#4 : vector<16xf32> to vector<1x16xf32>
      tpu.vector_store %arg9[%swap3A_1092, %swap3A_1093], %swap3A_1096 {add = true, strides = array<i32>} : memref<16x256xf32, #tpu.memory_space<vmem>>, vector<1x16xf32>,
      %swap3A_1097 = arith.index_cast %squeeze3A : i32 to index
      %swap3A_1098 = arith.constant 80 : index
      %swap3A_1099 = tpu.vector_load %arg9[%swap3A_1097, %swap3A_1098] {strides = array<i32>} : memref<16x256xf32, #tpu.memory_space<vmem>>, vector<1x16xf32>,
      %swap3A_1100 = vector.shape_cast %swap3A_1099 : vector<1x16xf32> to vector<16xf32>
      %swap3A_1101 = vector.shape_cast %scan3A_1070#5 : vector<16xf32> to vector<1x16xf32>
      tpu.vector_store %arg9[%swap3A_1097, %swap3A_1098], %swap3A_1101 {add = true, strides = array<i32>} : memref<16x256xf32, #tpu.memory_space<vmem>>, vector<1x16xf32>,
      %swap3A_1102 = arith.index_cast %squeeze3A : i32 to index
      %swap3A_1103 = arith.constant 96 : index
      %swap3A_1104 = tpu.vector_load %arg9[%swap3A_1102, %swap3A_1103] {strides = array<i32>} : memref<16x256xf32, #tpu.memory_space<vmem>>, vector<1x16xf32>,
      %swap3A_1105 = vector.shape_cast %swap3A_1104 : vector<1x16xf32> to vector<16xf32>
      %swap3A_1106 = vector.shape_cast %scan3A_1070#6 : vector<16xf32> to vector<1x16xf32>
      tpu.vector_store %arg9[%swap3A_1102, %swap3A_1103], %swap3A_1106 {add = true, strides = array<i32>} : memref<16x256xf32, #tpu.memory_space<vmem>>, vector<1x16xf32>,
      %swap3A_1107 = arith.index_cast %squeeze3A : i32 to index
      %swap3A_1108 = arith.constant 112 : index
      %swap3A_1109 = tpu.vector_load %arg9[%swap3A_1107, %swap3A_1108] {strides = array<i32>} : memref<16x256xf32, #tpu.memory_space<vmem>>, vector<1x16xf32>,
      %swap3A_1110 = vector.shape_cast %swap3A_1109 : vector<1x16xf32> to vector<16xf32>
      %swap3A_1111 = vector.shape_cast %scan3A_1070#7 : vector<16xf32> to vector<1x16xf32>
      tpu.vector_store %arg9[%swap3A_1107, %swap3A_1108], %swap3A_1111 {add = true, strides = array<i32>} : memref<16x256xf32, #tpu.memory_space<vmem>>, vector<1x16xf32>,
      %swap3A_1112 = arith.index_cast %squeeze3A : i32 to index
      %swap3A_1113 = arith.constant 128 : index
      %swap3A_1114 = tpu.vector_load %arg9[%swap3A_1112, %swap3A_1113] {strides = array<i32>} : memref<16x256xf32, #tpu.memory_space<vmem>>, vector<1x16xf32>,
      %swap3A_1115 = vector.shape_cast %swap3A_1114 : vector<1x16xf32> to vector<16xf32>
      %swap3A_1116 = vector.shape_cast %scan3A_1070#8 : vector<16xf32> to vector<1x16xf32>
      tpu.vector_store %arg9[%swap3A_1112, %swap3A_1113], %swap3A_1116 {add = true, strides = array<i32>} : memref<16x256xf32, #tpu.memory_space<vmem>>, vector<1x16xf32>,
      %swap3A_1117 = arith.index_cast %squeeze3A : i32 to index
      %swap3A_1118 = arith.constant 144 : index
      %swap3A_1119 = tpu.vector_load %arg9[%swap3A_1117, %swap3A_1118] {strides = array<i32>} : memref<16x256xf32, #tpu.memory_space<vmem>>, vector<1x16xf32>,
      %swap3A_1120 = vector.shape_cast %swap3A_1119 : vector<1x16xf32> to vector<16xf32>
      %swap3A_1121 = vector.shape_cast %scan3A_1070#9 : vector<16xf32> to vector<1x16xf32>
      tpu.vector_store %arg9[%swap3A_1117, %swap3A_1118], %swap3A_1121 {add = true, strides = array<i32>} : memref<16x256xf32, #tpu.memory_space<vmem>>, vector<1x16xf32>,
      %swap3A_1122 = arith.index_cast %squeeze3A : i32 to index
      %swap3A_1123 = arith.constant 160 : index
      %swap3A_1124 = tpu.vector_load %arg9[%swap3A_1122, %swap3A_1123] {strides = array<i32>} : memref<16x256xf32, #tpu.memory_space<vmem>>, vector<1x16xf32>,
      %swap3A_1125 = vector.shape_cast %swap3A_1124 : vector<1x16xf32> to vector<16xf32>
      %swap3A_1126 = vector.shape_cast %scan3A_1070#10 : vector<16xf32> to vector<1x16xf32>
      tpu.vector_store %arg9[%swap3A_1122, %swap3A_1123], %swap3A_1126 {add = true, strides = array<i32>} : memref<16x256xf32, #tpu.memory_space<vmem>>, vector<1x16xf32>,
      %swap3A_1127 = arith.index_cast %squeeze3A : i32 to index
      %swap3A_1128 = arith.constant 176 : index
      %swap3A_1129 = tpu.vector_load %arg9[%swap3A_1127, %swap3A_1128] {strides = array<i32>} : memref<16x256xf32, #tpu.memory_space<vmem>>, vector<1x16xf32>,
      %swap3A_1130 = vector.shape_cast %swap3A_1129 : vector<1x16xf32> to vector<16xf32>
      %swap3A_1131 = vector.shape_cast %scan3A_1070#11 : vector<16xf32> to vector<1x16xf32>
      tpu.vector_store %arg9[%swap3A_1127, %swap3A_1128], %swap3A_1131 {add = true, strides = array<i32>} : memref<16x256xf32, #tpu.memory_space<vmem>>, vector<1x16xf32>,
      %swap3A_1132 = arith.index_cast %squeeze3A : i32 to index
      %swap3A_1133 = arith.constant 192 : index
      %swap3A_1134 = tpu.vector_load %arg9[%swap3A_1132, %swap3A_1133] {strides = array<i32>} : memref<16x256xf32, #tpu.memory_space<vmem>>, vector<1x16xf32>,
      %swap3A_1135 = vector.shape_cast %swap3A_1134 : vector<1x16xf32> to vector<16xf32>
      %swap3A_1136 = vector.shape_cast %scan3A_1070#12 : vector<16xf32> to vector<1x16xf32>
      tpu.vector_store %arg9[%swap3A_1132, %swap3A_1133], %swap3A_1136 {add = true, strides = array<i32>} : memref<16x256xf32, #tpu.memory_space<vmem>>, vector<1x16xf32>,
      %swap3A_1137 = arith.index_cast %squeeze3A : i32 to index
      %swap3A_1138 = arith.constant 208 : index
      %swap3A_1139 = tpu.vector_load %arg9[%swap3A_1137, %swap3A_1138] {strides = array<i32>} : memref<16x256xf32, #tpu.memory_space<vmem>>, vector<1x16xf32>,
      %swap3A_1140 = vector.shape_cast %swap3A_1139 : vector<1x16xf32> to vector<16xf32>
      %swap3A_1141 = vector.shape_cast %scan3A_1070#13 : vector<16xf32> to vector<1x16xf32>
      tpu.vector_store %arg9[%swap3A_1137, %swap3A_1138], %swap3A_1141 {add = true, strides = array<i32>} : memref<16x256xf32, #tpu.memory_space<vmem>>, vector<1x16xf32>,
      %swap3A_1142 = arith.index_cast %squeeze3A : i32 to index
      %swap3A_1143 = arith.constant 224 : index
      %swap3A_1144 = tpu.vector_load %arg9[%swap3A_1142, %swap3A_1143] {strides = array<i32>} : memref<16x256xf32, #tpu.memory_space<vmem>>, vector<1x16xf32>,
      %swap3A_1145 = vector.shape_cast %swap3A_1144 : vector<1x16xf32> to vector<16xf32>
      %swap3A_1146 = vector.shape_cast %scan3A_1070#14 : vector<16xf32> to vector<1x16xf32>
      tpu.vector_store %arg9[%swap3A_1142, %swap3A_1143], %swap3A_1146 {add = true, strides = array<i32>} : memref<16x256xf32, #tpu.memory_space<vmem>>, vector<1x16xf32>,
      %swap3A_1147 = arith.index_cast %squeeze3A : i32 to index
      %swap3A_1148 = arith.constant 240 : index
      %swap3A_1149 = tpu.vector_load %arg9[%swap3A_1147, %swap3A_1148] {strides = array<i32>} : memref<16x256xf32, #tpu.memory_space<vmem>>, vector<1x16xf32>,
      %swap3A_1150 = vector.shape_cast %swap3A_1149 : vector<1x16xf32> to vector<16xf32>
      %swap3A_1151 = vector.shape_cast %scan3A_1070#15 : vector<16xf32> to vector<1x16xf32>
      tpu.vector_store %arg9[%swap3A_1147, %swap3A_1148], %swap3A_1151 {add = true, strides = array<i32>} : memref<16x256xf32, #tpu.memory_space<vmem>>, vector<1x16xf32>,
    } else {
    }
    %ne3A = arith.cmpi ne, %squeeze3A, %squeeze3A_78 : i32
    %convert_element_type3A_80 = arith.extui %ne3A : i1 to i32
    %cond3A_81 = arith.constant 0 : i32
    %cond3A_82 = arith.cmpi ne, %convert_element_type3A_80, %cond3A_81 : i32
    scf.if %cond3A_82 {
      %scan3A_1066 = arith.constant 0 : i32
      %scan3A_1067 = arith.constant 0 : i32
      %scan3A_1068 = arith.constant 216 : i32
      %scan3A_1069 = arith.addi %scan3A_1067, %scan3A_1068 : i32
      %scan3A_1070 = arith.constant 1 : i32
      %scan3A_1071 = scf.for %scan3A_1073 = %scan3A_1067 to %scan3A_1069 step %scan3A_1070 iter_args(%scan3A_1074 = %scan3A_1066) -> (i32)  : i32 {
        %add3A_1075 = arith.constant 0 : i32
        %add3A_1076 = arith.addi %add3A_1075, %scan3A_1073 : i32
        %get3A_1077 = arith.index_cast %add3A_1076 : i32 to index
        %get3A_1078 = tpu.vector_load %arg6[%get3A_1077] {strides = array<i32>} : memref<232xi32, #tpu.memory_space<vmem>>, vector<16xi32>,
        %get3A_1079 = vector.shape_cast %get3A_1078 : vector<16xi32> to vector<16xi32>
        %slice3A_1080 = vector.extract_strided_slice %get3A_1079 {offsets = [0], sizes = [1], strides = [1]} : vector<16xi32> to vector<1xi32>
        %squeeze3A_1081 = vector.extract %slice3A_1080[0] : i32 from vector<1xi32>
        %get3A_1082 = arith.constant 0 : i32
        %get3A_1083 = arith.index_cast %get3A_1082 : i32 to index
        %get3A_1084 = arith.index_cast %scan3A_1073 : i32 to index
        %get3A_1085 = arith.constant 0 : index
        %get3A_1086 = tpu.vector_load %arg8[%get3A_1083, %get3A_1084, %get3A_1085] {strides = array<i32>} : memref<1x216x256xf32, #tpu.memory_space<vmem>>, vector<1x1x16xf32>,
        %get3A_1087 = vector.shape_cast %get3A_1086 : vector<1x1x16xf32> to vector<16xf32>
        %swap3A_1088 = arith.index_cast %squeeze3A_1081 : i32 to index
        %swap3A_1089 = arith.constant 0 : index
        %swap3A_1090 = tpu.vector_load %arg9[%swap3A_1088, %swap3A_1089] {strides = array<i32>} : memref<16x256xf32, #tpu.memory_space<vmem>>, vector<1x16xf32>,
        %swap3A_1091 = vector.shape_cast %swap3A_1090 : vector<1x16xf32> to vector<16xf32>
        %swap3A_1092 = vector.shape_cast %get3A_1087 : vector<16xf32> to vector<1x16xf32>
        tpu.vector_store %arg9[%swap3A_1088, %swap3A_1089], %swap3A_1092 {add = true, strides = array<i32>} : memref<16x256xf32, #tpu.memory_space<vmem>>, vector<1x16xf32>,
        %get3A_1093 = arith.constant 0 : i32
        %get3A_1094 = arith.index_cast %get3A_1093 : i32 to index
        %get3A_1095 = arith.index_cast %scan3A_1073 : i32 to index
        %get3A_1096 = arith.constant 16 : index
        %get3A_1097 = tpu.vector_load %arg8[%get3A_1094, %get3A_1095, %get3A_1096] {strides = array<i32>} : memref<1x216x256xf32, #tpu.memory_space<vmem>>, vector<1x1x16xf32>,
        %get3A_1098 = vector.shape_cast %get3A_1097 : vector<1x1x16xf32> to vector<16xf32>
        %swap3A_1099 = arith.index_cast %squeeze3A_1081 : i32 to index
        %swap3A_1100 = arith.constant 16 : index
        %swap3A_1101 = tpu.vector_load %arg9[%swap3A_1099, %swap3A_1100] {strides = array<i32>} : memref<16x256xf32, #tpu.memory_space<vmem>>, vector<1x16xf32>,
        %swap3A_1102 = vector.shape_cast %swap3A_1101 : vector<1x16xf32> to vector<16xf32>
        %swap3A_1103 = vector.shape_cast %get3A_1098 : vector<16xf32> to vector<1x16xf32>
        tpu.vector_store %arg9[%swap3A_1099, %swap3A_1100], %swap3A_1103 {add = true, strides = array<i32>} : memref<16x256xf32, #tpu.memory_space<vmem>>, vector<1x16xf32>,
        %get3A_1104 = arith.constant 0 : i32
        %get3A_1105 = arith.index_cast %get3A_1104 : i32 to index
        %get3A_1106 = arith.index_cast %scan3A_1073 : i32 to index
        %get3A_1107 = arith.constant 32 : index
        %get3A_1108 = tpu.vector_load %arg8[%get3A_1105, %get3A_1106, %get3A_1107] {strides = array<i32>} : memref<1x216x256xf32, #tpu.memory_space<vmem>>, vector<1x1x16xf32>,
        %get3A_1109 = vector.shape_cast %get3A_1108 : vector<1x1x16xf32> to vector<16xf32>
        %swap3A_1110 = arith.index_cast %squeeze3A_1081 : i32 to index
        %swap3A_1111 = arith.constant 32 : index
        %swap3A_1112 = tpu.vector_load %arg9[%swap3A_1110, %swap3A_1111] {strides = array<i32>} : memref<16x256xf32, #tpu.memory_space<vmem>>, vector<1x16xf32>,
        %swap3A_1113 = vector.shape_cast %swap3A_1112 : vector<1x16xf32> to vector<16xf32>
        %swap3A_1114 = vector.shape_cast %get3A_1109 : vector<16xf32> to vector<1x16xf32>
        tpu.vector_store %arg9[%swap3A_1110, %swap3A_1111], %swap3A_1114 {add = true, strides = array<i32>} : memref<16x256xf32, #tpu.memory_space<vmem>>, vector<1x16xf32>,
        %get3A_1115 = arith.constant 0 : i32
        %get3A_1116 = arith.index_cast %get3A_1115 : i32 to index
        %get3A_1117 = arith.index_cast %scan3A_1073 : i32 to index
        %get3A_1118 = arith.constant 48 : index
        %get3A_1119 = tpu.vector_load %arg8[%get3A_1116, %get3A_1117, %get3A_1118] {strides = array<i32>} : memref<1x216x256xf32, #tpu.memory_space<vmem>>, vector<1x1x16xf32>,
        %get3A_1120 = vector.shape_cast %get3A_1119 : vector<1x1x16xf32> to vector<16xf32>
        %swap3A_1121 = arith.index_cast %squeeze3A_1081 : i32 to index
        %swap3A_1122 = arith.constant 48 : index
        %swap3A_1123 = tpu.vector_load %arg9[%swap3A_1121, %swap3A_1122] {strides = array<i32>} : memref<16x256xf32, #tpu.memory_space<vmem>>, vector<1x16xf32>,
        %swap3A_1124 = vector.shape_cast %swap3A_1123 : vector<1x16xf32> to vector<16xf32>
        %swap3A_1125 = vector.shape_cast %get3A_1120 : vector<16xf32> to vector<1x16xf32>
        tpu.vector_store %arg9[%swap3A_1121, %swap3A_1122], %swap3A_1125 {add = true, strides = array<i32>} : memref<16x256xf32, #tpu.memory_space<vmem>>, vector<1x16xf32>,
        %get3A_1126 = arith.constant 0 : i32
        %get3A_1127 = arith.index_cast %get3A_1126 : i32 to index
        %get3A_1128 = arith.index_cast %scan3A_1073 : i32 to index
        %get3A_1129 = arith.constant 64 : index
        %get3A_1130 = tpu.vector_load %arg8[%get3A_1127, %get3A_1128, %get3A_1129] {strides = array<i32>} : memref<1x216x256xf32, #tpu.memory_space<vmem>>, vector<1x1x16xf32>,
        %get3A_1131 = vector.shape_cast %get3A_1130 : vector<1x1x16xf32> to vector<16xf32>
        %swap3A_1132 = arith.index_cast %squeeze3A_1081 : i32 to index
        %swap3A_1133 = arith.constant 64 : index
        %swap3A_1134 = tpu.vector_load %arg9[%swap3A_1132, %swap3A_1133] {strides = array<i32>} : memref<16x256xf32, #tpu.memory_space<vmem>>, vector<1x16xf32>,
        %swap3A_1135 = vector.shape_cast %swap3A_1134 : vector<1x16xf32> to vector<16xf32>
        %swap3A_1136 = vector.shape_cast %get3A_1131 : vector<16xf32> to vector<1x16xf32>
        tpu.vector_store %arg9[%swap3A_1132, %swap3A_1133], %swap3A_1136 {add = true, strides = array<i32>} : memref<16x256xf32, #tpu.memory_space<vmem>>, vector<1x16xf32>,
        %get3A_1137 = arith.constant 0 : i32
        %get3A_1138 = arith.index_cast %get3A_1137 : i32 to index
        %get3A_1139 = arith.index_cast %scan3A_1073 : i32 to index
        %get3A_1140 = arith.constant 80 : index
        %get3A_1141 = tpu.vector_load %arg8[%get3A_1138, %get3A_1139, %get3A_1140] {strides = array<i32>} : memref<1x216x256xf32, #tpu.memory_space<vmem>>, vector<1x1x16xf32>,
        %get3A_1142 = vector.shape_cast %get3A_1141 : vector<1x1x16xf32> to vector<16xf32>
        %swap3A_1143 = arith.index_cast %squeeze3A_1081 : i32 to index
        %swap3A_1144 = arith.constant 80 : index
        %swap3A_1145 = tpu.vector_load %arg9[%swap3A_1143, %swap3A_1144] {strides = array<i32>} : memref<16x256xf32, #tpu.memory_space<vmem>>, vector<1x16xf32>,
        %swap3A_1146 = vector.shape_cast %swap3A_1145 : vector<1x16xf32> to vector<16xf32>
        %swap3A_1147 = vector.shape_cast %get3A_1142 : vector<16xf32> to vector<1x16xf32>
        tpu.vector_store %arg9[%swap3A_1143, %swap3A_1144], %swap3A_1147 {add = true, strides = array<i32>} : memref<16x256xf32, #tpu.memory_space<vmem>>, vector<1x16xf32>,
        %get3A_1148 = arith.constant 0 : i32
        %get3A_1149 = arith.index_cast %get3A_1148 : i32 to index
        %get3A_1150 = arith.index_cast %scan3A_1073 : i32 to index
        %get3A_1151 = arith.constant 96 : index
        %get3A_1152 = tpu.vector_load %arg8[%get3A_1149, %get3A_1150, %get3A_1151] {strides = array<i32>} : memref<1x216x256xf32, #tpu.memory_space<vmem>>, vector<1x1x16xf32>,
        %get3A_1153 = vector.shape_cast %get3A_1152 : vector<1x1x16xf32> to vector<16xf32>
        %swap3A_1154 = arith.index_cast %squeeze3A_1081 : i32 to index
        %swap3A_1155 = arith.constant 96 : index
        %swap3A_1156 = tpu.vector_load %arg9[%swap3A_1154, %swap3A_1155] {strides = array<i32>} : memref<16x256xf32, #tpu.memory_space<vmem>>, vector<1x16xf32>,
        %swap3A_1157 = vector.shape_cast %swap3A_1156 : vector<1x16xf32> to vector<16xf32>
        %swap3A_1158 = vector.shape_cast %get3A_1153 : vector<16xf32> to vector<1x16xf32>
        tpu.vector_store %arg9[%swap3A_1154, %swap3A_1155], %swap3A_1158 {add = true, strides = array<i32>} : memref<16x256xf32, #tpu.memory_space<vmem>>, vector<1x16xf32>,
        %get3A_1159 = arith.constant 0 : i32
        %get3A_1160 = arith.index_cast %get3A_1159 : i32 to index
        %get3A_1161 = arith.index_cast %scan3A_1073 : i32 to index
        %get3A_1162 = arith.constant 112 : index
        %get3A_1163 = tpu.vector_load %arg8[%get3A_1160, %get3A_1161, %get3A_1162] {strides = array<i32>} : memref<1x216x256xf32, #tpu.memory_space<vmem>>, vector<1x1x16xf32>,
        %get3A_1164 = vector.shape_cast %get3A_1163 : vector<1x1x16xf32> to vector<16xf32>
        %swap3A_1165 = arith.index_cast %squeeze3A_1081 : i32 to index
        %swap3A_1166 = arith.constant 112 : index
        %swap3A_1167 = tpu.vector_load %arg9[%swap3A_1165, %swap3A_1166] {strides = array<i32>} : memref<16x256xf32, #tpu.memory_space<vmem>>, vector<1x16xf32>,
        %swap3A_1168 = vector.shape_cast %swap3A_1167 : vector<1x16xf32> to vector<16xf32>
        %swap3A_1169 = vector.shape_cast %get3A_1164 : vector<16xf32> to vector<1x16xf32>
        tpu.vector_store %arg9[%swap3A_1165, %swap3A_1166], %swap3A_1169 {add = true, strides = array<i32>} : memref<16x256xf32, #tpu.memory_space<vmem>>, vector<1x16xf32>,
        %get3A_1170 = arith.constant 0 : i32
        %get3A_1171 = arith.index_cast %get3A_1170 : i32 to index
        %get3A_1172 = arith.index_cast %scan3A_1073 : i32 to index
        %get3A_1173 = arith.constant 128 : index
        %get3A_1174 = tpu.vector_load %arg8[%get3A_1171, %get3A_1172, %get3A_1173] {strides = array<i32>} : memref<1x216x256xf32, #tpu.memory_space<vmem>>, vector<1x1x16xf32>,
        %get3A_1175 = vector.shape_cast %get3A_1174 : vector<1x1x16xf32> to vector<16xf32>
        %swap3A_1176 = arith.index_cast %squeeze3A_1081 : i32 to index
        %swap3A_1177 = arith.constant 128 : index
        %swap3A_1178 = tpu.vector_load %arg9[%swap3A_1176, %swap3A_1177] {strides = array<i32>} : memref<16x256xf32, #tpu.memory_space<vmem>>, vector<1x16xf32>,
        %swap3A_1179 = vector.shape_cast %swap3A_1178 : vector<1x16xf32> to vector<16xf32>
        %swap3A_1180 = vector.shape_cast %get3A_1175 : vector<16xf32> to vector<1x16xf32>
        tpu.vector_store %arg9[%swap3A_1176, %swap3A_1177], %swap3A_1180 {add = true, strides = array<i32>} : memref<16x256xf32, #tpu.memory_space<vmem>>, vector<1x16xf32>,
        %get3A_1181 = arith.constant 0 : i32
        %get3A_1182 = arith.index_cast %get3A_1181 : i32 to index
        %get3A_1183 = arith.index_cast %scan3A_1073 : i32 to index
        %get3A_1184 = arith.constant 144 : index
        %get3A_1185 = tpu.vector_load %arg8[%get3A_1182, %get3A_1183, %get3A_1184] {strides = array<i32>} : memref<1x216x256xf32, #tpu.memory_space<vmem>>, vector<1x1x16xf32>,
        %get3A_1186 = vector.shape_cast %get3A_1185 : vector<1x1x16xf32> to vector<16xf32>
        %swap3A_1187 = arith.index_cast %squeeze3A_1081 : i32 to index
        %swap3A_1188 = arith.constant 144 : index
        %swap3A_1189 = tpu.vector_load %arg9[%swap3A_1187, %swap3A_1188] {strides = array<i32>} : memref<16x256xf32, #tpu.memory_space<vmem>>, vector<1x16xf32>,
        %swap3A_1190 = vector.shape_cast %swap3A_1189 : vector<1x16xf32> to vector<16xf32>
        %swap3A_1191 = vector.shape_cast %get3A_1186 : vector<16xf32> to vector<1x16xf32>
        tpu.vector_store %arg9[%swap3A_1187, %swap3A_1188], %swap3A_1191 {add = true, strides = array<i32>} : memref<16x256xf32, #tpu.memory_space<vmem>>, vector<1x16xf32>,
        %get3A_1192 = arith.constant 0 : i32
        %get3A_1193 = arith.index_cast %get3A_1192 : i32 to index
        %get3A_1194 = arith.index_cast %scan3A_1073 : i32 to index
        %get3A_1195 = arith.constant 160 : index
        %get3A_1196 = tpu.vector_load %arg8[%get3A_1193, %get3A_1194, %get3A_1195] {strides = array<i32>} : memref<1x216x256xf32, #tpu.memory_space<vmem>>, vector<1x1x16xf32>,
        %get3A_1197 = vector.shape_cast %get3A_1196 : vector<1x1x16xf32> to vector<16xf32>
        %swap3A_1198 = arith.index_cast %squeeze3A_1081 : i32 to index
        %swap3A_1199 = arith.constant 160 : index
        %swap3A_1200 = tpu.vector_load %arg9[%swap3A_1198, %swap3A_1199] {strides = array<i32>} : memref<16x256xf32, #tpu.memory_space<vmem>>, vector<1x16xf32>,
        %swap3A_1201 = vector.shape_cast %swap3A_1200 : vector<1x16xf32> to vector<16xf32>
        %swap3A_1202 = vector.shape_cast %get3A_1197 : vector<16xf32> to vector<1x16xf32>
        tpu.vector_store %arg9[%swap3A_1198, %swap3A_1199], %swap3A_1202 {add = true, strides = array<i32>} : memref<16x256xf32, #tpu.memory_space<vmem>>, vector<1x16xf32>,
        %get3A_1203 = arith.constant 0 : i32
        %get3A_1204 = arith.index_cast %get3A_1203 : i32 to index
        %get3A_1205 = arith.index_cast %scan3A_1073 : i32 to index
        %get3A_1206 = arith.constant 176 : index
        %get3A_1207 = tpu.vector_load %arg8[%get3A_1204, %get3A_1205, %get3A_1206] {strides = array<i32>} : memref<1x216x256xf32, #tpu.memory_space<vmem>>, vector<1x1x16xf32>,
        %get3A_1208 = vector.shape_cast %get3A_1207 : vector<1x1x16xf32> to vector<16xf32>
        %swap3A_1209 = arith.index_cast %squeeze3A_1081 : i32 to index
        %swap3A_1210 = arith.constant 176 : index
        %swap3A_1211 = tpu.vector_load %arg9[%swap3A_1209, %swap3A_1210] {strides = array<i32>} : memref<16x256xf32, #tpu.memory_space<vmem>>, vector<1x16xf32>,
        %swap3A_1212 = vector.shape_cast %swap3A_1211 : vector<1x16xf32> to vector<16xf32>
        %swap3A_1213 = vector.shape_cast %get3A_1208 : vector<16xf32> to vector<1x16xf32>
        tpu.vector_store %arg9[%swap3A_1209, %swap3A_1210], %swap3A_1213 {add = true, strides = array<i32>} : memref<16x256xf32, #tpu.memory_space<vmem>>, vector<1x16xf32>,
        %get3A_1214 = arith.constant 0 : i32
        %get3A_1215 = arith.index_cast %get3A_1214 : i32 to index
        %get3A_1216 = arith.index_cast %scan3A_1073 : i32 to index
        %get3A_1217 = arith.constant 192 : index
        %get3A_1218 = tpu.vector_load %arg8[%get3A_1215, %get3A_1216, %get3A_1217] {strides = array<i32>} : memref<1x216x256xf32, #tpu.memory_space<vmem>>, vector<1x1x16xf32>,
        %get3A_1219 = vector.shape_cast %get3A_1218 : vector<1x1x16xf32> to vector<16xf32>
        %swap3A_1220 = arith.index_cast %squeeze3A_1081 : i32 to index
        %swap3A_1221 = arith.constant 192 : index
        %swap3A_1222 = tpu.vector_load %arg9[%swap3A_1220, %swap3A_1221] {strides = array<i32>} : memref<16x256xf32, #tpu.memory_space<vmem>>, vector<1x16xf32>,
        %swap3A_1223 = vector.shape_cast %swap3A_1222 : vector<1x16xf32> to vector<16xf32>
        %swap3A_1224 = vector.shape_cast %get3A_1219 : vector<16xf32> to vector<1x16xf32>
        tpu.vector_store %arg9[%swap3A_1220, %swap3A_1221], %swap3A_1224 {add = true, strides = array<i32>} : memref<16x256xf32, #tpu.memory_space<vmem>>, vector<1x16xf32>,
        %get3A_1225 = arith.constant 0 : i32
        %get3A_1226 = arith.index_cast %get3A_1225 : i32 to index
        %get3A_1227 = arith.index_cast %scan3A_1073 : i32 to index
        %get3A_1228 = arith.constant 208 : index
        %get3A_1229 = tpu.vector_load %arg8[%get3A_1226, %get3A_1227, %get3A_1228] {strides = array<i32>} : memref<1x216x256xf32, #tpu.memory_space<vmem>>, vector<1x1x16xf32>,
        %get3A_1230 = vector.shape_cast %get3A_1229 : vector<1x1x16xf32> to vector<16xf32>
        %swap3A_1231 = arith.index_cast %squeeze3A_1081 : i32 to index
        %swap3A_1232 = arith.constant 208 : index
        %swap3A_1233 = tpu.vector_load %arg9[%swap3A_1231, %swap3A_1232] {strides = array<i32>} : memref<16x256xf32, #tpu.memory_space<vmem>>, vector<1x16xf32>,
        %swap3A_1234 = vector.shape_cast %swap3A_1233 : vector<1x16xf32> to vector<16xf32>
        %swap3A_1235 = vector.shape_cast %get3A_1230 : vector<16xf32> to vector<1x16xf32>
        tpu.vector_store %arg9[%swap3A_1231, %swap3A_1232], %swap3A_1235 {add = true, strides = array<i32>} : memref<16x256xf32, #tpu.memory_space<vmem>>, vector<1x16xf32>,
        %get3A_1236 = arith.constant 0 : i32
        %get3A_1237 = arith.index_cast %get3A_1236 : i32 to index
        %get3A_1238 = arith.index_cast %scan3A_1073 : i32 to index
        %get3A_1239 = arith.constant 224 : index
        %get3A_1240 = tpu.vector_load %arg8[%get3A_1237, %get3A_1238, %get3A_1239] {strides = array<i32>} : memref<1x216x256xf32, #tpu.memory_space<vmem>>, vector<1x1x16xf32>,
        %get3A_1241 = vector.shape_cast %get3A_1240 : vector<1x1x16xf32> to vector<16xf32>
        %swap3A_1242 = arith.index_cast %squeeze3A_1081 : i32 to index
        %swap3A_1243 = arith.constant 224 : index
        %swap3A_1244 = tpu.vector_load %arg9[%swap3A_1242, %swap3A_1243] {strides = array<i32>} : memref<16x256xf32, #tpu.memory_space<vmem>>, vector<1x16xf32>,
        %swap3A_1245 = vector.shape_cast %swap3A_1244 : vector<1x16xf32> to vector<16xf32>
        %swap3A_1246 = vector.shape_cast %get3A_1241 : vector<16xf32> to vector<1x16xf32>
        tpu.vector_store %arg9[%swap3A_1242, %swap3A_1243], %swap3A_1246 {add = true, strides = array<i32>} : memref<16x256xf32, #tpu.memory_space<vmem>>, vector<1x16xf32>,
        %get3A_1247 = arith.constant 0 : i32
        %get3A_1248 = arith.index_cast %get3A_1247 : i32 to index
        %get3A_1249 = arith.index_cast %scan3A_1073 : i32 to index
        %get3A_1250 = arith.constant 240 : index
        %get3A_1251 = tpu.vector_load %arg8[%get3A_1248, %get3A_1249, %get3A_1250] {strides = array<i32>} : memref<1x216x256xf32, #tpu.memory_space<vmem>>, vector<1x1x16xf32>,
        %get3A_1252 = vector.shape_cast %get3A_1251 : vector<1x1x16xf32> to vector<16xf32>
        %swap3A_1253 = arith.index_cast %squeeze3A_1081 : i32 to index
        %swap3A_1254 = arith.constant 240 : index
        %swap3A_1255 = tpu.vector_load %arg9[%swap3A_1253, %swap3A_1254] {strides = array<i32>} : memref<16x256xf32, #tpu.memory_space<vmem>>, vector<1x16xf32>,
        %swap3A_1256 = vector.shape_cast %swap3A_1255 : vector<1x16xf32> to vector<16xf32>
        %swap3A_1257 = vector.shape_cast %get3A_1252 : vector<16xf32> to vector<1x16xf32>
        tpu.vector_store %arg9[%swap3A_1253, %swap3A_1254], %swap3A_1257 {add = true, strides = array<i32>} : memref<16x256xf32, #tpu.memory_space<vmem>>, vector<1x16xf32>,
        %scan3A_1258 = arith.constant 0 : i32
        scf.yield %scan3A_1258 : i32
      }
      %scan3A_1072 = arith.constant 216 : i32
    } else {
    }
    %eq3A_83 = arith.constant 31 : i32
    %eq3A_84 = arith.cmpi eq, %add3A, %eq3A_83 : i32
    %convert_element_type3A_85 = arith.extui %eq3A_84 : i1 to i32
    %cond3A_86 = arith.constant 0 : i32
    %cond3A_87 = arith.cmpi ne, %convert_element_type3A_85, %cond3A_86 : i32
    scf.if %cond3A_87 {
      "tpu.region"() ({
        %run_scoped3A_1084 = tpu.sem_alloc : memref<!tpu.dma_semaphore, #tpu.memory_space<semaphore_mem>>
        %dma_start3A_1085 = arith.constant 0 : i32
        %dma_start3A_1086 = tpu.memref_slice %arg7[%dma_start3A_1085] : memref<96xi32, #tpu.memory_space<vmem>> -> memref<80xi32, #tpu.memory_space<vmem>>
        %dma_start3A_1087 = arith.constant 49920 : i32
        %dma_start3A_1088 = tpu.memref_slice %arg3[%dma_start3A_1087] : memref<50000xi32, #tpu.memory_space<hbm>> -> memref<80xi32, #tpu.memory_space<hbm>>
        %dma_start3A_1089 = arith.constant 0 : i32
        %dma_start3A_1090 = tpu.memref_slice %arg7[%dma_start3A_1089] : memref<96xi32, #tpu.memory_space<vmem>> -> memref<80xi32, #tpu.memory_space<vmem>>
        %dma_start3A_1091 = arith.constant 49920 : i32
        %dma_start3A_1092 = tpu.memref_slice %arg3[%dma_start3A_1091] : memref<50000xi32, #tpu.memory_space<hbm>> -> memref<80xi32, #tpu.memory_space<hbm>>
        tpu.enqueue_dma source(%dma_start3A_1092 : memref<80xi32, #tpu.memory_space<hbm>>) target(%dma_start3A_1090 : memref<80xi32, #tpu.memory_space<vmem>>) target_semaphore(%run_scoped3A_1084 : memref<!tpu.dma_semaphore, #tpu.memory_space<semaphore_mem>>)
        %dma_wait3A_1093 = arith.constant 0 : i32
        %dma_wait3A_1094 = tpu.memref_slice %arg7[%dma_wait3A_1093] : memref<96xi32, #tpu.memory_space<vmem>> -> memref<80xi32, #tpu.memory_space<vmem>>
        %dma_wait3A_1095 = arith.constant 49920 : i32
        %dma_wait3A_1096 = tpu.memref_slice %arg3[%dma_wait3A_1095] : memref<50000xi32, #tpu.memory_space<hbm>> -> memref<80xi32, #tpu.memory_space<hbm>>
        %dma_wait3A_1097 = arith.constant 0 : i32
        %dma_wait3A_1098 = tpu.memref_slice %arg7[%dma_wait3A_1097] : memref<96xi32, #tpu.memory_space<vmem>> -> memref<80xi32, #tpu.memory_space<vmem>>
        %dma_wait3A_1099 = arith.constant 49920 : i32
        %dma_wait3A_1100 = tpu.memref_slice %arg3[%dma_wait3A_1099] : memref<50000xi32, #tpu.memory_space<hbm>> -> memref<80xi32, #tpu.memory_space<hbm>>
        tpu.wait_dma2 semaphore(%run_scoped3A_1084 : memref<!tpu.dma_semaphore, #tpu.memory_space<semaphore_mem>>) src(%dma_wait3A_1100 : memref<80xi32, #tpu.memory_space<hbm>>) dst(%dma_wait3A_1098 : memref<80xi32, #tpu.memory_space<vmem>>)
        tpu.yield
      }) : () -> ()
      %run_scoped3A = arith.constant 0 : i32
      "tpu.region"() ({
        %run_scoped3A_1084 = tpu.sem_alloc : memref<!tpu.dma_semaphore, #tpu.memory_space<semaphore_mem>>
        %dma_start3A_1085 = arith.constant 0 : i32
        %dma_start3A_1086 = arith.constant 0 : i32
        %dma_start3A_1087 = tpu.memref_slice %arg8[%run_scoped3A, %dma_start3A_1085, %dma_start3A_1086] : memref<1x216x256xf32, #tpu.memory_space<vmem>> -> memref<1x80x256xf32, #tpu.memory_space<vmem>>
        %dma_start3A_1088 = tpu.memref_squeeze %dma_start3A_1087 : memref<1x80x256xf32, #tpu.memory_space<vmem>> -> memref<80x256xf32, #tpu.memory_space<vmem>>
        %dma_start3A_1089 = arith.constant 49920 : i32
        %dma_start3A_1090 = arith.constant 0 : i32
        %dma_start3A_1091 = tpu.memref_slice %arg2[%dma_start3A_1089, %dma_start3A_1090] : memref<50000x256xf32, #tpu.memory_space<hbm>> -> memref<80x256xf32, #tpu.memory_space<hbm>>
        %dma_start3A_1092 = arith.constant 0 : i32
        %dma_start3A_1093 = arith.constant 0 : i32
        %dma_start3A_1094 = tpu.memref_slice %arg8[%run_scoped3A, %dma_start3A_1092, %dma_start3A_1093] : memref<1x216x256xf32, #tpu.memory_space<vmem>> -> memref<1x80x256xf32, #tpu.memory_space<vmem>>
        %dma_start3A_1095 = tpu.memref_squeeze %dma_start3A_1094 : memref<1x80x256xf32, #tpu.memory_space<vmem>> -> memref<80x256xf32, #tpu.memory_space<vmem>>
        %dma_start3A_1096 = arith.constant 49920 : i32
        %dma_start3A_1097 = arith.constant 0 : i32
        %dma_start3A_1098 = tpu.memref_slice %arg2[%dma_start3A_1096, %dma_start3A_1097] : memref<50000x256xf32, #tpu.memory_space<hbm>> -> memref<80x256xf32, #tpu.memory_space<hbm>>
        tpu.enqueue_dma source(%dma_start3A_1098 : memref<80x256xf32, #tpu.memory_space<hbm>>) target(%dma_start3A_1095 : memref<80x256xf32, #tpu.memory_space<vmem>>) target_semaphore(%run_scoped3A_1084 : memref<!tpu.dma_semaphore, #tpu.memory_space<semaphore_mem>>)
        %dma_wait3A_1099 = arith.constant 0 : i32
        %dma_wait3A_1100 = arith.constant 0 : i32
        %dma_wait3A_1101 = tpu.memref_slice %arg8[%run_scoped3A, %dma_wait3A_1099, %dma_wait3A_1100] : memref<1x216x256xf32, #tpu.memory_space<vmem>> -> memref<1x80x256xf32, #tpu.memory_space<vmem>>
        %dma_wait3A_1102 = tpu.memref_squeeze %dma_wait3A_1101 : memref<1x80x256xf32, #tpu.memory_space<vmem>> -> memref<80x256xf32, #tpu.memory_space<vmem>>
        %dma_wait3A_1103 = arith.constant 49920 : i32
        %dma_wait3A_1104 = arith.constant 0 : i32
        %dma_wait3A_1105 = tpu.memref_slice %arg2[%dma_wait3A_1103, %dma_wait3A_1104] : memref<50000x256xf32, #tpu.memory_space<hbm>> -> memref<80x256xf32, #tpu.memory_space<hbm>>
        %dma_wait3A_1106 = arith.constant 0 : i32
        %dma_wait3A_1107 = arith.constant 0 : i32
        %dma_wait3A_1108 = tpu.memref_slice %arg8[%run_scoped3A, %dma_wait3A_1106, %dma_wait3A_1107] : memref<1x216x256xf32, #tpu.memory_space<vmem>> -> memref<1x80x256xf32, #tpu.memory_space<vmem>>
        %dma_wait3A_1109 = tpu.memref_squeeze %dma_wait3A_1108 : memref<1x80x256xf32, #tpu.memory_space<vmem>> -> memref<80x256xf32, #tpu.memory_space<vmem>>
        %dma_wait3A_1110 = arith.constant 49920 : i32
        %dma_wait3A_1111 = arith.constant 0 : i32
        %dma_wait3A_1112 = tpu.memref_slice %arg2[%dma_wait3A_1110, %dma_wait3A_1111] : memref<50000x256xf32, #tpu.memory_space<hbm>> -> memref<80x256xf32, #tpu.memory_space<hbm>>
        tpu.wait_dma2 semaphore(%run_scoped3A_1084 : memref<!tpu.dma_semaphore, #tpu.memory_space<semaphore_mem>>) src(%dma_wait3A_1112 : memref<80x256xf32, #tpu.memory_space<hbm>>) dst(%dma_wait3A_1109 : memref<80x256xf32, #tpu.memory_space<vmem>>)
        tpu.yield
      }) : () -> ()
      %get3A_1066 = arith.constant 0 : index
      %get3A_1067 = tpu.vector_load %arg7[%get3A_1066] {strides = array<i32>} : memref<96xi32, #tpu.memory_space<vmem>>, vector<16xi32>,
      %get3A_1068 = vector.shape_cast %get3A_1067 : vector<16xi32> to vector<16xi32>
      %slice3A_1069 = vector.extract_strided_slice %get3A_1068 {offsets = [0], sizes = [1], strides = [1]} : vector<16xi32> to vector<1xi32>
      %squeeze3A_1070 = vector.extract %slice3A_1069[0] : i32 from vector<1xi32>
      %get3A_1071 = arith.constant 79 : index
      %get3A_1072 = tpu.vector_load %arg7[%get3A_1071] {strides = array<i32>} : memref<96xi32, #tpu.memory_space<vmem>>, vector<16xi32>,
      %get3A_1073 = vector.shape_cast %get3A_1072 : vector<16xi32> to vector<16xi32>
      %slice3A_1074 = vector.extract_strided_slice %get3A_1073 {offsets = [0], sizes = [1], strides = [1]} : vector<16xi32> to vector<1xi32>
      %squeeze3A_1075 = vector.extract %slice3A_1074[0] : i32 from vector<1xi32>
      %eq3A_1076 = arith.cmpi eq, %squeeze3A_1070, %squeeze3A_1075 : i32
      %convert_element_type3A_1077 = arith.extui %eq3A_1076 : i1 to i32
      %cond3A_1078 = arith.constant 0 : i32
      %cond3A_1079 = arith.cmpi ne, %convert_element_type3A_1077, %cond3A_1078 : i32
      scf.if %cond3A_1079 {
        %scan3A_1084 = arith.constant 0 : i32
        %scan3A_1085 = arith.constant 80 : i32
        %scan3A_1086 = arith.addi %scan3A_1084, %scan3A_1085 : i32
        %scan3A_1087 = arith.constant 4 : i32
        %scan3A_1088:16 = scf.for %scan3A_1170 = %scan3A_1084 to %scan3A_1086 step %scan3A_1087 iter_args(%scan3A_1171 = %broadcast_in_dim3A_27, %scan3A_1172 = %broadcast_in_dim3A_29, %scan3A_1173 = %broadcast_in_dim3A_31, %scan3A_1174 = %broadcast_in_dim3A_33, %scan3A_1175 = %broadcast_in_dim3A_35, %scan3A_1176 = %broadcast_in_dim3A_37, %scan3A_1177 = %broadcast_in_dim3A_39, %scan3A_1178 = %broadcast_in_dim3A_41, %scan3A_1179 = %broadcast_in_dim3A_43, %scan3A_1180 = %broadcast_in_dim3A_45, %scan3A_1181 = %broadcast_in_dim3A_47, %scan3A_1182 = %broadcast_in_dim3A_49, %scan3A_1183 = %broadcast_in_dim3A_51, %scan3A_1184 = %broadcast_in_dim3A_53, %scan3A_1185 = %broadcast_in_dim3A_55, %scan3A_1186 = %broadcast_in_dim3A_57) -> (vector<16xf32>, vector<16xf32>, vector<16xf32>, vector<16xf32>, vector<16xf32>, vector<16xf32>, vector<16xf32>, vector<16xf32>, vector<16xf32>, vector<16xf32>, vector<16xf32>, vector<16xf32>, vector<16xf32>, vector<16xf32>, vector<16xf32>, vector<16xf32>)  : i32 {
          %get3A_1187 = arith.constant 0 : i32
          %get3A_1188 = arith.index_cast %get3A_1187 : i32 to index
          %get3A_1189 = arith.index_cast %scan3A_1170 : i32 to index
          %get3A_1190 = arith.constant 0 : index
          %get3A_1191 = tpu.vector_load %arg8[%get3A_1188, %get3A_1189, %get3A_1190] {strides = array<i32>} : memref<1x216x256xf32, #tpu.memory_space<vmem>>, vector<1x1x16xf32>,
          %get3A_1192 = vector.shape_cast %get3A_1191 : vector<1x1x16xf32> to vector<16xf32>
          %add3A_1193 = arith.addf %scan3A_1171, %get3A_1192 : vector<16xf32>
          %get3A_1194 = arith.constant 0 : i32
          %get3A_1195 = arith.index_cast %get3A_1194 : i32 to index
          %get3A_1196 = arith.index_cast %scan3A_1170 : i32 to index
          %get3A_1197 = arith.constant 16 : index
          %get3A_1198 = tpu.vector_load %arg8[%get3A_1195, %get3A_1196, %get3A_1197] {strides = array<i32>} : memref<1x216x256xf32, #tpu.memory_space<vmem>>, vector<1x1x16xf32>,
          %get3A_1199 = vector.shape_cast %get3A_1198 : vector<1x1x16xf32> to vector<16xf32>
          %add3A_1200 = arith.addf %scan3A_1172, %get3A_1199 : vector<16xf32>
          %get3A_1201 = arith.constant 0 : i32
          %get3A_1202 = arith.index_cast %get3A_1201 : i32 to index
          %get3A_1203 = arith.index_cast %scan3A_1170 : i32 to index
          %get3A_1204 = arith.constant 32 : index
          %get3A_1205 = tpu.vector_load %arg8[%get3A_1202, %get3A_1203, %get3A_1204] {strides = array<i32>} : memref<1x216x256xf32, #tpu.memory_space<vmem>>, vector<1x1x16xf32>,
          %get3A_1206 = vector.shape_cast %get3A_1205 : vector<1x1x16xf32> to vector<16xf32>
          %add3A_1207 = arith.addf %scan3A_1173, %get3A_1206 : vector<16xf32>
          %get3A_1208 = arith.constant 0 : i32
          %get3A_1209 = arith.index_cast %get3A_1208 : i32 to index
          %get3A_1210 = arith.index_cast %scan3A_1170 : i32 to index
          %get3A_1211 = arith.constant 48 : index
          %get3A_1212 = tpu.vector_load %arg8[%get3A_1209, %get3A_1210, %get3A_1211] {strides = array<i32>} : memref<1x216x256xf32, #tpu.memory_space<vmem>>, vector<1x1x16xf32>,
          %get3A_1213 = vector.shape_cast %get3A_1212 : vector<1x1x16xf32> to vector<16xf32>
          %add3A_1214 = arith.addf %scan3A_1174, %get3A_1213 : vector<16xf32>
          %get3A_1215 = arith.constant 0 : i32
          %get3A_1216 = arith.index_cast %get3A_1215 : i32 to index
          %get3A_1217 = arith.index_cast %scan3A_1170 : i32 to index
          %get3A_1218 = arith.constant 64 : index
          %get3A_1219 = tpu.vector_load %arg8[%get3A_1216, %get3A_1217, %get3A_1218] {strides = array<i32>} : memref<1x216x256xf32, #tpu.memory_space<vmem>>, vector<1x1x16xf32>,
          %get3A_1220 = vector.shape_cast %get3A_1219 : vector<1x1x16xf32> to vector<16xf32>
          %add3A_1221 = arith.addf %scan3A_1175, %get3A_1220 : vector<16xf32>
          %get3A_1222 = arith.constant 0 : i32
          %get3A_1223 = arith.index_cast %get3A_1222 : i32 to index
          %get3A_1224 = arith.index_cast %scan3A_1170 : i32 to index
          %get3A_1225 = arith.constant 80 : index
          %get3A_1226 = tpu.vector_load %arg8[%get3A_1223, %get3A_1224, %get3A_1225] {strides = array<i32>} : memref<1x216x256xf32, #tpu.memory_space<vmem>>, vector<1x1x16xf32>,
          %get3A_1227 = vector.shape_cast %get3A_1226 : vector<1x1x16xf32> to vector<16xf32>
          %add3A_1228 = arith.addf %scan3A_1176, %get3A_1227 : vector<16xf32>
          %get3A_1229 = arith.constant 0 : i32
          %get3A_1230 = arith.index_cast %get3A_1229 : i32 to index
          %get3A_1231 = arith.index_cast %scan3A_1170 : i32 to index
          %get3A_1232 = arith.constant 96 : index
          %get3A_1233 = tpu.vector_load %arg8[%get3A_1230, %get3A_1231, %get3A_1232] {strides = array<i32>} : memref<1x216x256xf32, #tpu.memory_space<vmem>>, vector<1x1x16xf32>,
          %get3A_1234 = vector.shape_cast %get3A_1233 : vector<1x1x16xf32> to vector<16xf32>
          %add3A_1235 = arith.addf %scan3A_1177, %get3A_1234 : vector<16xf32>
          %get3A_1236 = arith.constant 0 : i32
          %get3A_1237 = arith.index_cast %get3A_1236 : i32 to index
          %get3A_1238 = arith.index_cast %scan3A_1170 : i32 to index
          %get3A_1239 = arith.constant 112 : index
          %get3A_1240 = tpu.vector_load %arg8[%get3A_1237, %get3A_1238, %get3A_1239] {strides = array<i32>} : memref<1x216x256xf32, #tpu.memory_space<vmem>>, vector<1x1x16xf32>,
          %get3A_1241 = vector.shape_cast %get3A_1240 : vector<1x1x16xf32> to vector<16xf32>
          %add3A_1242 = arith.addf %scan3A_1178, %get3A_1241 : vector<16xf32>
          %get3A_1243 = arith.constant 0 : i32
          %get3A_1244 = arith.index_cast %get3A_1243 : i32 to index
          %get3A_1245 = arith.index_cast %scan3A_1170 : i32 to index
          %get3A_1246 = arith.constant 128 : index
          %get3A_1247 = tpu.vector_load %arg8[%get3A_1244, %get3A_1245, %get3A_1246] {strides = array<i32>} : memref<1x216x256xf32, #tpu.memory_space<vmem>>, vector<1x1x16xf32>,
          %get3A_1248 = vector.shape_cast %get3A_1247 : vector<1x1x16xf32> to vector<16xf32>
          %add3A_1249 = arith.addf %scan3A_1179, %get3A_1248 : vector<16xf32>
          %get3A_1250 = arith.constant 0 : i32
          %get3A_1251 = arith.index_cast %get3A_1250 : i32 to index
          %get3A_1252 = arith.index_cast %scan3A_1170 : i32 to index
          %get3A_1253 = arith.constant 144 : index
          %get3A_1254 = tpu.vector_load %arg8[%get3A_1251, %get3A_1252, %get3A_1253] {strides = array<i32>} : memref<1x216x256xf32, #tpu.memory_space<vmem>>, vector<1x1x16xf32>,
          %get3A_1255 = vector.shape_cast %get3A_1254 : vector<1x1x16xf32> to vector<16xf32>
          %add3A_1256 = arith.addf %scan3A_1180, %get3A_1255 : vector<16xf32>
          %get3A_1257 = arith.constant 0 : i32
          %get3A_1258 = arith.index_cast %get3A_1257 : i32 to index
          %get3A_1259 = arith.index_cast %scan3A_1170 : i32 to index
          %get3A_1260 = arith.constant 160 : index
          %get3A_1261 = tpu.vector_load %arg8[%get3A_1258, %get3A_1259, %get3A_1260] {strides = array<i32>} : memref<1x216x256xf32, #tpu.memory_space<vmem>>, vector<1x1x16xf32>,
          %get3A_1262 = vector.shape_cast %get3A_1261 : vector<1x1x16xf32> to vector<16xf32>
          %add3A_1263 = arith.addf %scan3A_1181, %get3A_1262 : vector<16xf32>
          %get3A_1264 = arith.constant 0 : i32
          %get3A_1265 = arith.index_cast %get3A_1264 : i32 to index
          %get3A_1266 = arith.index_cast %scan3A_1170 : i32 to index
          %get3A_1267 = arith.constant 176 : index
          %get3A_1268 = tpu.vector_load %arg8[%get3A_1265, %get3A_1266, %get3A_1267] {strides = array<i32>} : memref<1x216x256xf32, #tpu.memory_space<vmem>>, vector<1x1x16xf32>,
          %get3A_1269 = vector.shape_cast %get3A_1268 : vector<1x1x16xf32> to vector<16xf32>
          %add3A_1270 = arith.addf %scan3A_1182, %get3A_1269 : vector<16xf32>
          %get3A_1271 = arith.constant 0 : i32
          %get3A_1272 = arith.index_cast %get3A_1271 : i32 to index
          %get3A_1273 = arith.index_cast %scan3A_1170 : i32 to index
          %get3A_1274 = arith.constant 192 : index
          %get3A_1275 = tpu.vector_load %arg8[%get3A_1272, %get3A_1273, %get3A_1274] {strides = array<i32>} : memref<1x216x256xf32, #tpu.memory_space<vmem>>, vector<1x1x16xf32>,
          %get3A_1276 = vector.shape_cast %get3A_1275 : vector<1x1x16xf32> to vector<16xf32>
          %add3A_1277 = arith.addf %scan3A_1183, %get3A_1276 : vector<16xf32>
          %get3A_1278 = arith.constant 0 : i32
          %get3A_1279 = arith.index_cast %get3A_1278 : i32 to index
          %get3A_1280 = arith.index_cast %scan3A_1170 : i32 to index
          %get3A_1281 = arith.constant 208 : index
          %get3A_1282 = tpu.vector_load %arg8[%get3A_1279, %get3A_1280, %get3A_1281] {strides = array<i32>} : memref<1x216x256xf32, #tpu.memory_space<vmem>>, vector<1x1x16xf32>,
          %get3A_1283 = vector.shape_cast %get3A_1282 : vector<1x1x16xf32> to vector<16xf32>
          %add3A_1284 = arith.addf %scan3A_1184, %get3A_1283 : vector<16xf32>
          %get3A_1285 = arith.constant 0 : i32
          %get3A_1286 = arith.index_cast %get3A_1285 : i32 to index
          %get3A_1287 = arith.index_cast %scan3A_1170 : i32 to index
          %get3A_1288 = arith.constant 224 : index
          %get3A_1289 = tpu.vector_load %arg8[%get3A_1286, %get3A_1287, %get3A_1288] {strides = array<i32>} : memref<1x216x256xf32, #tpu.memory_space<vmem>>, vector<1x1x16xf32>,
          %get3A_1290 = vector.shape_cast %get3A_1289 : vector<1x1x16xf32> to vector<16xf32>
          %add3A_1291 = arith.addf %scan3A_1185, %get3A_1290 : vector<16xf32>
          %get3A_1292 = arith.constant 0 : i32
          %get3A_1293 = arith.index_cast %get3A_1292 : i32 to index
          %get3A_1294 = arith.index_cast %scan3A_1170 : i32 to index
          %get3A_1295 = arith.constant 240 : index
          %get3A_1296 = tpu.vector_load %arg8[%get3A_1293, %get3A_1294, %get3A_1295] {strides = array<i32>} : memref<1x216x256xf32, #tpu.memory_space<vmem>>, vector<1x1x16xf32>,
          %get3A_1297 = vector.shape_cast %get3A_1296 : vector<1x1x16xf32> to vector<16xf32>
          %add3A_1298 = arith.addf %scan3A_1186, %get3A_1297 : vector<16xf32>
          %scan3A_1299 = arith.constant 1 : i32
          %scan3A_1300 = arith.addi %scan3A_1170, %scan3A_1299 : i32
          %get3A_1301 = arith.constant 0 : i32
          %get3A_1302 = arith.index_cast %get3A_1301 : i32 to index
          %get3A_1303 = arith.index_cast %scan3A_1300 : i32 to index
          %get3A_1304 = arith.constant 0 : index
          %get3A_1305 = tpu.vector_load %arg8[%get3A_1302, %get3A_1303, %get3A_1304] {strides = array<i32>} : memref<1x216x256xf32, #tpu.memory_space<vmem>>, vector<1x1x16xf32>,
          %get3A_1306 = vector.shape_cast %get3A_1305 : vector<1x1x16xf32> to vector<16xf32>
          %add3A_1307 = arith.addf %add3A_1193, %get3A_1306 : vector<16xf32>
          %get3A_1308 = arith.constant 0 : i32
          %get3A_1309 = arith.index_cast %get3A_1308 : i32 to index
          %get3A_1310 = arith.index_cast %scan3A_1300 : i32 to index
          %get3A_1311 = arith.constant 16 : index
          %get3A_1312 = tpu.vector_load %arg8[%get3A_1309, %get3A_1310, %get3A_1311] {strides = array<i32>} : memref<1x216x256xf32, #tpu.memory_space<vmem>>, vector<1x1x16xf32>,
          %get3A_1313 = vector.shape_cast %get3A_1312 : vector<1x1x16xf32> to vector<16xf32>
          %add3A_1314 = arith.addf %add3A_1200, %get3A_1313 : vector<16xf32>
          %get3A_1315 = arith.constant 0 : i32
          %get3A_1316 = arith.index_cast %get3A_1315 : i32 to index
          %get3A_1317 = arith.index_cast %scan3A_1300 : i32 to index
          %get3A_1318 = arith.constant 32 : index
          %get3A_1319 = tpu.vector_load %arg8[%get3A_1316, %get3A_1317, %get3A_1318] {strides = array<i32>} : memref<1x216x256xf32, #tpu.memory_space<vmem>>, vector<1x1x16xf32>,
          %get3A_1320 = vector.shape_cast %get3A_1319 : vector<1x1x16xf32> to vector<16xf32>
          %add3A_1321 = arith.addf %add3A_1207, %get3A_1320 : vector<16xf32>
          %get3A_1322 = arith.constant 0 : i32
          %get3A_1323 = arith.index_cast %get3A_1322 : i32 to index
          %get3A_1324 = arith.index_cast %scan3A_1300 : i32 to index
          %get3A_1325 = arith.constant 48 : index
          %get3A_1326 = tpu.vector_load %arg8[%get3A_1323, %get3A_1324, %get3A_1325] {strides = array<i32>} : memref<1x216x256xf32, #tpu.memory_space<vmem>>, vector<1x1x16xf32>,
          %get3A_1327 = vector.shape_cast %get3A_1326 : vector<1x1x16xf32> to vector<16xf32>
          %add3A_1328 = arith.addf %add3A_1214, %get3A_1327 : vector<16xf32>
          %get3A_1329 = arith.constant 0 : i32
          %get3A_1330 = arith.index_cast %get3A_1329 : i32 to index
          %get3A_1331 = arith.index_cast %scan3A_1300 : i32 to index
          %get3A_1332 = arith.constant 64 : index
          %get3A_1333 = tpu.vector_load %arg8[%get3A_1330, %get3A_1331, %get3A_1332] {strides = array<i32>} : memref<1x216x256xf32, #tpu.memory_space<vmem>>, vector<1x1x16xf32>,
          %get3A_1334 = vector.shape_cast %get3A_1333 : vector<1x1x16xf32> to vector<16xf32>
          %add3A_1335 = arith.addf %add3A_1221, %get3A_1334 : vector<16xf32>
          %get3A_1336 = arith.constant 0 : i32
          %get3A_1337 = arith.index_cast %get3A_1336 : i32 to index
          %get3A_1338 = arith.index_cast %scan3A_1300 : i32 to index
          %get3A_1339 = arith.constant 80 : index
          %get3A_1340 = tpu.vector_load %arg8[%get3A_1337, %get3A_1338, %get3A_1339] {strides = array<i32>} : memref<1x216x256xf32, #tpu.memory_space<vmem>>, vector<1x1x16xf32>,
          %get3A_1341 = vector.shape_cast %get3A_1340 : vector<1x1x16xf32> to vector<16xf32>
          %add3A_1342 = arith.addf %add3A_1228, %get3A_1341 : vector<16xf32>
          %get3A_1343 = arith.constant 0 : i32
          %get3A_1344 = arith.index_cast %get3A_1343 : i32 to index
          %get3A_1345 = arith.index_cast %scan3A_1300 : i32 to index
          %get3A_1346 = arith.constant 96 : index
          %get3A_1347 = tpu.vector_load %arg8[%get3A_1344, %get3A_1345, %get3A_1346] {strides = array<i32>} : memref<1x216x256xf32, #tpu.memory_space<vmem>>, vector<1x1x16xf32>,
          %get3A_1348 = vector.shape_cast %get3A_1347 : vector<1x1x16xf32> to vector<16xf32>
          %add3A_1349 = arith.addf %add3A_1235, %get3A_1348 : vector<16xf32>
          %get3A_1350 = arith.constant 0 : i32
          %get3A_1351 = arith.index_cast %get3A_1350 : i32 to index
          %get3A_1352 = arith.index_cast %scan3A_1300 : i32 to index
          %get3A_1353 = arith.constant 112 : index
          %get3A_1354 = tpu.vector_load %arg8[%get3A_1351, %get3A_1352, %get3A_1353] {strides = array<i32>} : memref<1x216x256xf32, #tpu.memory_space<vmem>>, vector<1x1x16xf32>,
          %get3A_1355 = vector.shape_cast %get3A_1354 : vector<1x1x16xf32> to vector<16xf32>
          %add3A_1356 = arith.addf %add3A_1242, %get3A_1355 : vector<16xf32>
          %get3A_1357 = arith.constant 0 : i32
          %get3A_1358 = arith.index_cast %get3A_1357 : i32 to index
          %get3A_1359 = arith.index_cast %scan3A_1300 : i32 to index
          %get3A_1360 = arith.constant 128 : index
          %get3A_1361 = tpu.vector_load %arg8[%get3A_1358, %get3A_1359, %get3A_1360] {strides = array<i32>} : memref<1x216x256xf32, #tpu.memory_space<vmem>>, vector<1x1x16xf32>,
          %get3A_1362 = vector.shape_cast %get3A_1361 : vector<1x1x16xf32> to vector<16xf32>
          %add3A_1363 = arith.addf %add3A_1249, %get3A_1362 : vector<16xf32>
          %get3A_1364 = arith.constant 0 : i32
          %get3A_1365 = arith.index_cast %get3A_1364 : i32 to index
          %get3A_1366 = arith.index_cast %scan3A_1300 : i32 to index
          %get3A_1367 = arith.constant 144 : index
          %get3A_1368 = tpu.vector_load %arg8[%get3A_1365, %get3A_1366, %get3A_1367] {strides = array<i32>} : memref<1x216x256xf32, #tpu.memory_space<vmem>>, vector<1x1x16xf32>,
          %get3A_1369 = vector.shape_cast %get3A_1368 : vector<1x1x16xf32> to vector<16xf32>
          %add3A_1370 = arith.addf %add3A_1256, %get3A_1369 : vector<16xf32>
          %get3A_1371 = arith.constant 0 : i32
          %get3A_1372 = arith.index_cast %get3A_1371 : i32 to index
          %get3A_1373 = arith.index_cast %scan3A_1300 : i32 to index
          %get3A_1374 = arith.constant 160 : index
          %get3A_1375 = tpu.vector_load %arg8[%get3A_1372, %get3A_1373, %get3A_1374] {strides = array<i32>} : memref<1x216x256xf32, #tpu.memory_space<vmem>>, vector<1x1x16xf32>,
          %get3A_1376 = vector.shape_cast %get3A_1375 : vector<1x1x16xf32> to vector<16xf32>
          %add3A_1377 = arith.addf %add3A_1263, %get3A_1376 : vector<16xf32>
          %get3A_1378 = arith.constant 0 : i32
          %get3A_1379 = arith.index_cast %get3A_1378 : i32 to index
          %get3A_1380 = arith.index_cast %scan3A_1300 : i32 to index
          %get3A_1381 = arith.constant 176 : index
          %get3A_1382 = tpu.vector_load %arg8[%get3A_1379, %get3A_1380, %get3A_1381] {strides = array<i32>} : memref<1x216x256xf32, #tpu.memory_space<vmem>>, vector<1x1x16xf32>,
          %get3A_1383 = vector.shape_cast %get3A_1382 : vector<1x1x16xf32> to vector<16xf32>
          %add3A_1384 = arith.addf %add3A_1270, %get3A_1383 : vector<16xf32>
          %get3A_1385 = arith.constant 0 : i32
          %get3A_1386 = arith.index_cast %get3A_1385 : i32 to index
          %get3A_1387 = arith.index_cast %scan3A_1300 : i32 to index
          %get3A_1388 = arith.constant 192 : index
          %get3A_1389 = tpu.vector_load %arg8[%get3A_1386, %get3A_1387, %get3A_1388] {strides = array<i32>} : memref<1x216x256xf32, #tpu.memory_space<vmem>>, vector<1x1x16xf32>,
          %get3A_1390 = vector.shape_cast %get3A_1389 : vector<1x1x16xf32> to vector<16xf32>
          %add3A_1391 = arith.addf %add3A_1277, %get3A_1390 : vector<16xf32>
          %get3A_1392 = arith.constant 0 : i32
          %get3A_1393 = arith.index_cast %get3A_1392 : i32 to index
          %get3A_1394 = arith.index_cast %scan3A_1300 : i32 to index
          %get3A_1395 = arith.constant 208 : index
          %get3A_1396 = tpu.vector_load %arg8[%get3A_1393, %get3A_1394, %get3A_1395] {strides = array<i32>} : memref<1x216x256xf32, #tpu.memory_space<vmem>>, vector<1x1x16xf32>,
          %get3A_1397 = vector.shape_cast %get3A_1396 : vector<1x1x16xf32> to vector<16xf32>
          %add3A_1398 = arith.addf %add3A_1284, %get3A_1397 : vector<16xf32>
          %get3A_1399 = arith.constant 0 : i32
          %get3A_1400 = arith.index_cast %get3A_1399 : i32 to index
          %get3A_1401 = arith.index_cast %scan3A_1300 : i32 to index
          %get3A_1402 = arith.constant 224 : index
          %get3A_1403 = tpu.vector_load %arg8[%get3A_1400, %get3A_1401, %get3A_1402] {strides = array<i32>} : memref<1x216x256xf32, #tpu.memory_space<vmem>>, vector<1x1x16xf32>,
          %get3A_1404 = vector.shape_cast %get3A_1403 : vector<1x1x16xf32> to vector<16xf32>
          %add3A_1405 = arith.addf %add3A_1291, %get3A_1404 : vector<16xf32>
          %get3A_1406 = arith.constant 0 : i32
          %get3A_1407 = arith.index_cast %get3A_1406 : i32 to index
          %get3A_1408 = arith.index_cast %scan3A_1300 : i32 to index
          %get3A_1409 = arith.constant 240 : index
          %get3A_1410 = tpu.vector_load %arg8[%get3A_1407, %get3A_1408, %get3A_1409] {strides = array<i32>} : memref<1x216x256xf32, #tpu.memory_space<vmem>>, vector<1x1x16xf32>,
          %get3A_1411 = vector.shape_cast %get3A_1410 : vector<1x1x16xf32> to vector<16xf32>
          %add3A_1412 = arith.addf %add3A_1298, %get3A_1411 : vector<16xf32>
          %scan3A_1413 = arith.constant 2 : i32
          %scan3A_1414 = arith.addi %scan3A_1170, %scan3A_1413 : i32
          %get3A_1415 = arith.constant 0 : i32
          %get3A_1416 = arith.index_cast %get3A_1415 : i32 to index
          %get3A_1417 = arith.index_cast %scan3A_1414 : i32 to index
          %get3A_1418 = arith.constant 0 : index
          %get3A_1419 = tpu.vector_load %arg8[%get3A_1416, %get3A_1417, %get3A_1418] {strides = array<i32>} : memref<1x216x256xf32, #tpu.memory_space<vmem>>, vector<1x1x16xf32>,
          %get3A_1420 = vector.shape_cast %get3A_1419 : vector<1x1x16xf32> to vector<16xf32>
          %add3A_1421 = arith.addf %add3A_1307, %get3A_1420 : vector<16xf32>
          %get3A_1422 = arith.constant 0 : i32
          %get3A_1423 = arith.index_cast %get3A_1422 : i32 to index
          %get3A_1424 = arith.index_cast %scan3A_1414 : i32 to index
          %get3A_1425 = arith.constant 16 : index
          %get3A_1426 = tpu.vector_load %arg8[%get3A_1423, %get3A_1424, %get3A_1425] {strides = array<i32>} : memref<1x216x256xf32, #tpu.memory_space<vmem>>, vector<1x1x16xf32>,
          %get3A_1427 = vector.shape_cast %get3A_1426 : vector<1x1x16xf32> to vector<16xf32>
          %add3A_1428 = arith.addf %add3A_1314, %get3A_1427 : vector<16xf32>
          %get3A_1429 = arith.constant 0 : i32
          %get3A_1430 = arith.index_cast %get3A_1429 : i32 to index
          %get3A_1431 = arith.index_cast %scan3A_1414 : i32 to index
          %get3A_1432 = arith.constant 32 : index
          %get3A_1433 = tpu.vector_load %arg8[%get3A_1430, %get3A_1431, %get3A_1432] {strides = array<i32>} : memref<1x216x256xf32, #tpu.memory_space<vmem>>, vector<1x1x16xf32>,
          %get3A_1434 = vector.shape_cast %get3A_1433 : vector<1x1x16xf32> to vector<16xf32>
          %add3A_1435 = arith.addf %add3A_1321, %get3A_1434 : vector<16xf32>
          %get3A_1436 = arith.constant 0 : i32
          %get3A_1437 = arith.index_cast %get3A_1436 : i32 to index
          %get3A_1438 = arith.index_cast %scan3A_1414 : i32 to index
          %get3A_1439 = arith.constant 48 : index
          %get3A_1440 = tpu.vector_load %arg8[%get3A_1437, %get3A_1438, %get3A_1439] {strides = array<i32>} : memref<1x216x256xf32, #tpu.memory_space<vmem>>, vector<1x1x16xf32>,
          %get3A_1441 = vector.shape_cast %get3A_1440 : vector<1x1x16xf32> to vector<16xf32>
          %add3A_1442 = arith.addf %add3A_1328, %get3A_1441 : vector<16xf32>
          %get3A_1443 = arith.constant 0 : i32
          %get3A_1444 = arith.index_cast %get3A_1443 : i32 to index
          %get3A_1445 = arith.index_cast %scan3A_1414 : i32 to index
          %get3A_1446 = arith.constant 64 : index
          %get3A_1447 = tpu.vector_load %arg8[%get3A_1444, %get3A_1445, %get3A_1446] {strides = array<i32>} : memref<1x216x256xf32, #tpu.memory_space<vmem>>, vector<1x1x16xf32>,
          %get3A_1448 = vector.shape_cast %get3A_1447 : vector<1x1x16xf32> to vector<16xf32>
          %add3A_1449 = arith.addf %add3A_1335, %get3A_1448 : vector<16xf32>
          %get3A_1450 = arith.constant 0 : i32
          %get3A_1451 = arith.index_cast %get3A_1450 : i32 to index
          %get3A_1452 = arith.index_cast %scan3A_1414 : i32 to index
          %get3A_1453 = arith.constant 80 : index
          %get3A_1454 = tpu.vector_load %arg8[%get3A_1451, %get3A_1452, %get3A_1453] {strides = array<i32>} : memref<1x216x256xf32, #tpu.memory_space<vmem>>, vector<1x1x16xf32>,
          %get3A_1455 = vector.shape_cast %get3A_1454 : vector<1x1x16xf32> to vector<16xf32>
          %add3A_1456 = arith.addf %add3A_1342, %get3A_1455 : vector<16xf32>
          %get3A_1457 = arith.constant 0 : i32
          %get3A_1458 = arith.index_cast %get3A_1457 : i32 to index
          %get3A_1459 = arith.index_cast %scan3A_1414 : i32 to index
          %get3A_1460 = arith.constant 96 : index
          %get3A_1461 = tpu.vector_load %arg8[%get3A_1458, %get3A_1459, %get3A_1460] {strides = array<i32>} : memref<1x216x256xf32, #tpu.memory_space<vmem>>, vector<1x1x16xf32>,
          %get3A_1462 = vector.shape_cast %get3A_1461 : vector<1x1x16xf32> to vector<16xf32>
          %add3A_1463 = arith.addf %add3A_1349, %get3A_1462 : vector<16xf32>
          %get3A_1464 = arith.constant 0 : i32
          %get3A_1465 = arith.index_cast %get3A_1464 : i32 to index
          %get3A_1466 = arith.index_cast %scan3A_1414 : i32 to index
          %get3A_1467 = arith.constant 112 : index
          %get3A_1468 = tpu.vector_load %arg8[%get3A_1465, %get3A_1466, %get3A_1467] {strides = array<i32>} : memref<1x216x256xf32, #tpu.memory_space<vmem>>, vector<1x1x16xf32>,
          %get3A_1469 = vector.shape_cast %get3A_1468 : vector<1x1x16xf32> to vector<16xf32>
          %add3A_1470 = arith.addf %add3A_1356, %get3A_1469 : vector<16xf32>
          %get3A_1471 = arith.constant 0 : i32
          %get3A_1472 = arith.index_cast %get3A_1471 : i32 to index
          %get3A_1473 = arith.index_cast %scan3A_1414 : i32 to index
          %get3A_1474 = arith.constant 128 : index
          %get3A_1475 = tpu.vector_load %arg8[%get3A_1472, %get3A_1473, %get3A_1474] {strides = array<i32>} : memref<1x216x256xf32, #tpu.memory_space<vmem>>, vector<1x1x16xf32>,
          %get3A_1476 = vector.shape_cast %get3A_1475 : vector<1x1x16xf32> to vector<16xf32>
          %add3A_1477 = arith.addf %add3A_1363, %get3A_1476 : vector<16xf32>
          %get3A_1478 = arith.constant 0 : i32
          %get3A_1479 = arith.index_cast %get3A_1478 : i32 to index
          %get3A_1480 = arith.index_cast %scan3A_1414 : i32 to index
          %get3A_1481 = arith.constant 144 : index
          %get3A_1482 = tpu.vector_load %arg8[%get3A_1479, %get3A_1480, %get3A_1481] {strides = array<i32>} : memref<1x216x256xf32, #tpu.memory_space<vmem>>, vector<1x1x16xf32>,
          %get3A_1483 = vector.shape_cast %get3A_1482 : vector<1x1x16xf32> to vector<16xf32>
          %add3A_1484 = arith.addf %add3A_1370, %get3A_1483 : vector<16xf32>
          %get3A_1485 = arith.constant 0 : i32
          %get3A_1486 = arith.index_cast %get3A_1485 : i32 to index
          %get3A_1487 = arith.index_cast %scan3A_1414 : i32 to index
          %get3A_1488 = arith.constant 160 : index
          %get3A_1489 = tpu.vector_load %arg8[%get3A_1486, %get3A_1487, %get3A_1488] {strides = array<i32>} : memref<1x216x256xf32, #tpu.memory_space<vmem>>, vector<1x1x16xf32>,
          %get3A_1490 = vector.shape_cast %get3A_1489 : vector<1x1x16xf32> to vector<16xf32>
          %add3A_1491 = arith.addf %add3A_1377, %get3A_1490 : vector<16xf32>
          %get3A_1492 = arith.constant 0 : i32
          %get3A_1493 = arith.index_cast %get3A_1492 : i32 to index
          %get3A_1494 = arith.index_cast %scan3A_1414 : i32 to index
          %get3A_1495 = arith.constant 176 : index
          %get3A_1496 = tpu.vector_load %arg8[%get3A_1493, %get3A_1494, %get3A_1495] {strides = array<i32>} : memref<1x216x256xf32, #tpu.memory_space<vmem>>, vector<1x1x16xf32>,
          %get3A_1497 = vector.shape_cast %get3A_1496 : vector<1x1x16xf32> to vector<16xf32>
          %add3A_1498 = arith.addf %add3A_1384, %get3A_1497 : vector<16xf32>
          %get3A_1499 = arith.constant 0 : i32
          %get3A_1500 = arith.index_cast %get3A_1499 : i32 to index
          %get3A_1501 = arith.index_cast %scan3A_1414 : i32 to index
          %get3A_1502 = arith.constant 192 : index
          %get3A_1503 = tpu.vector_load %arg8[%get3A_1500, %get3A_1501, %get3A_1502] {strides = array<i32>} : memref<1x216x256xf32, #tpu.memory_space<vmem>>, vector<1x1x16xf32>,
          %get3A_1504 = vector.shape_cast %get3A_1503 : vector<1x1x16xf32> to vector<16xf32>
          %add3A_1505 = arith.addf %add3A_1391, %get3A_1504 : vector<16xf32>
          %get3A_1506 = arith.constant 0 : i32
          %get3A_1507 = arith.index_cast %get3A_1506 : i32 to index
          %get3A_1508 = arith.index_cast %scan3A_1414 : i32 to index
          %get3A_1509 = arith.constant 208 : index
          %get3A_1510 = tpu.vector_load %arg8[%get3A_1507, %get3A_1508, %get3A_1509] {strides = array<i32>} : memref<1x216x256xf32, #tpu.memory_space<vmem>>, vector<1x1x16xf32>,
          %get3A_1511 = vector.shape_cast %get3A_1510 : vector<1x1x16xf32> to vector<16xf32>
          %add3A_1512 = arith.addf %add3A_1398, %get3A_1511 : vector<16xf32>
          %get3A_1513 = arith.constant 0 : i32
          %get3A_1514 = arith.index_cast %get3A_1513 : i32 to index
          %get3A_1515 = arith.index_cast %scan3A_1414 : i32 to index
          %get3A_1516 = arith.constant 224 : index
          %get3A_1517 = tpu.vector_load %arg8[%get3A_1514, %get3A_1515, %get3A_1516] {strides = array<i32>} : memref<1x216x256xf32, #tpu.memory_space<vmem>>, vector<1x1x16xf32>,
          %get3A_1518 = vector.shape_cast %get3A_1517 : vector<1x1x16xf32> to vector<16xf32>
          %add3A_1519 = arith.addf %add3A_1405, %get3A_1518 : vector<16xf32>
          %get3A_1520 = arith.constant 0 : i32
          %get3A_1521 = arith.index_cast %get3A_1520 : i32 to index
          %get3A_1522 = arith.index_cast %scan3A_1414 : i32 to index
          %get3A_1523 = arith.constant 240 : index
          %get3A_1524 = tpu.vector_load %arg8[%get3A_1521, %get3A_1522, %get3A_1523] {strides = array<i32>} : memref<1x216x256xf32, #tpu.memory_space<vmem>>, vector<1x1x16xf32>,
          %get3A_1525 = vector.shape_cast %get3A_1524 : vector<1x1x16xf32> to vector<16xf32>
          %add3A_1526 = arith.addf %add3A_1412, %get3A_1525 : vector<16xf32>
          %scan3A_1527 = arith.constant 3 : i32
          %scan3A_1528 = arith.addi %scan3A_1170, %scan3A_1527 : i32
          %get3A_1529 = arith.constant 0 : i32
          %get3A_1530 = arith.index_cast %get3A_1529 : i32 to index
          %get3A_1531 = arith.index_cast %scan3A_1528 : i32 to index
          %get3A_1532 = arith.constant 0 : index
          %get3A_1533 = tpu.vector_load %arg8[%get3A_1530, %get3A_1531, %get3A_1532] {strides = array<i32>} : memref<1x216x256xf32, #tpu.memory_space<vmem>>, vector<1x1x16xf32>,
          %get3A_1534 = vector.shape_cast %get3A_1533 : vector<1x1x16xf32> to vector<16xf32>
          %add3A_1535 = arith.addf %add3A_1421, %get3A_1534 : vector<16xf32>
          %get3A_1536 = arith.constant 0 : i32
          %get3A_1537 = arith.index_cast %get3A_1536 : i32 to index
          %get3A_1538 = arith.index_cast %scan3A_1528 : i32 to index
          %get3A_1539 = arith.constant 16 : index
          %get3A_1540 = tpu.vector_load %arg8[%get3A_1537, %get3A_1538, %get3A_1539] {strides = array<i32>} : memref<1x216x256xf32, #tpu.memory_space<vmem>>, vector<1x1x16xf32>,
          %get3A_1541 = vector.shape_cast %get3A_1540 : vector<1x1x16xf32> to vector<16xf32>
          %add3A_1542 = arith.addf %add3A_1428, %get3A_1541 : vector<16xf32>
          %get3A_1543 = arith.constant 0 : i32
          %get3A_1544 = arith.index_cast %get3A_1543 : i32 to index
          %get3A_1545 = arith.index_cast %scan3A_1528 : i32 to index
          %get3A_1546 = arith.constant 32 : index
          %get3A_1547 = tpu.vector_load %arg8[%get3A_1544, %get3A_1545, %get3A_1546] {strides = array<i32>} : memref<1x216x256xf32, #tpu.memory_space<vmem>>, vector<1x1x16xf32>,
          %get3A_1548 = vector.shape_cast %get3A_1547 : vector<1x1x16xf32> to vector<16xf32>
          %add3A_1549 = arith.addf %add3A_1435, %get3A_1548 : vector<16xf32>
          %get3A_1550 = arith.constant 0 : i32
          %get3A_1551 = arith.index_cast %get3A_1550 : i32 to index
          %get3A_1552 = arith.index_cast %scan3A_1528 : i32 to index
          %get3A_1553 = arith.constant 48 : index
          %get3A_1554 = tpu.vector_load %arg8[%get3A_1551, %get3A_1552, %get3A_1553] {strides = array<i32>} : memref<1x216x256xf32, #tpu.memory_space<vmem>>, vector<1x1x16xf32>,
          %get3A_1555 = vector.shape_cast %get3A_1554 : vector<1x1x16xf32> to vector<16xf32>
          %add3A_1556 = arith.addf %add3A_1442, %get3A_1555 : vector<16xf32>
          %get3A_1557 = arith.constant 0 : i32
          %get3A_1558 = arith.index_cast %get3A_1557 : i32 to index
          %get3A_1559 = arith.index_cast %scan3A_1528 : i32 to index
          %get3A_1560 = arith.constant 64 : index
          %get3A_1561 = tpu.vector_load %arg8[%get3A_1558, %get3A_1559, %get3A_1560] {strides = array<i32>} : memref<1x216x256xf32, #tpu.memory_space<vmem>>, vector<1x1x16xf32>,
          %get3A_1562 = vector.shape_cast %get3A_1561 : vector<1x1x16xf32> to vector<16xf32>
          %add3A_1563 = arith.addf %add3A_1449, %get3A_1562 : vector<16xf32>
          %get3A_1564 = arith.constant 0 : i32
          %get3A_1565 = arith.index_cast %get3A_1564 : i32 to index
          %get3A_1566 = arith.index_cast %scan3A_1528 : i32 to index
          %get3A_1567 = arith.constant 80 : index
          %get3A_1568 = tpu.vector_load %arg8[%get3A_1565, %get3A_1566, %get3A_1567] {strides = array<i32>} : memref<1x216x256xf32, #tpu.memory_space<vmem>>, vector<1x1x16xf32>,
          %get3A_1569 = vector.shape_cast %get3A_1568 : vector<1x1x16xf32> to vector<16xf32>
          %add3A_1570 = arith.addf %add3A_1456, %get3A_1569 : vector<16xf32>
          %get3A_1571 = arith.constant 0 : i32
          %get3A_1572 = arith.index_cast %get3A_1571 : i32 to index
          %get3A_1573 = arith.index_cast %scan3A_1528 : i32 to index
          %get3A_1574 = arith.constant 96 : index
          %get3A_1575 = tpu.vector_load %arg8[%get3A_1572, %get3A_1573, %get3A_1574] {strides = array<i32>} : memref<1x216x256xf32, #tpu.memory_space<vmem>>, vector<1x1x16xf32>,
          %get3A_1576 = vector.shape_cast %get3A_1575 : vector<1x1x16xf32> to vector<16xf32>
          %add3A_1577 = arith.addf %add3A_1463, %get3A_1576 : vector<16xf32>
          %get3A_1578 = arith.constant 0 : i32
          %get3A_1579 = arith.index_cast %get3A_1578 : i32 to index
          %get3A_1580 = arith.index_cast %scan3A_1528 : i32 to index
          %get3A_1581 = arith.constant 112 : index
          %get3A_1582 = tpu.vector_load %arg8[%get3A_1579, %get3A_1580, %get3A_1581] {strides = array<i32>} : memref<1x216x256xf32, #tpu.memory_space<vmem>>, vector<1x1x16xf32>,
          %get3A_1583 = vector.shape_cast %get3A_1582 : vector<1x1x16xf32> to vector<16xf32>
          %add3A_1584 = arith.addf %add3A_1470, %get3A_1583 : vector<16xf32>
          %get3A_1585 = arith.constant 0 : i32
          %get3A_1586 = arith.index_cast %get3A_1585 : i32 to index
          %get3A_1587 = arith.index_cast %scan3A_1528 : i32 to index
          %get3A_1588 = arith.constant 128 : index
          %get3A_1589 = tpu.vector_load %arg8[%get3A_1586, %get3A_1587, %get3A_1588] {strides = array<i32>} : memref<1x216x256xf32, #tpu.memory_space<vmem>>, vector<1x1x16xf32>,
          %get3A_1590 = vector.shape_cast %get3A_1589 : vector<1x1x16xf32> to vector<16xf32>
          %add3A_1591 = arith.addf %add3A_1477, %get3A_1590 : vector<16xf32>
          %get3A_1592 = arith.constant 0 : i32
          %get3A_1593 = arith.index_cast %get3A_1592 : i32 to index
          %get3A_1594 = arith.index_cast %scan3A_1528 : i32 to index
          %get3A_1595 = arith.constant 144 : index
          %get3A_1596 = tpu.vector_load %arg8[%get3A_1593, %get3A_1594, %get3A_1595] {strides = array<i32>} : memref<1x216x256xf32, #tpu.memory_space<vmem>>, vector<1x1x16xf32>,
          %get3A_1597 = vector.shape_cast %get3A_1596 : vector<1x1x16xf32> to vector<16xf32>
          %add3A_1598 = arith.addf %add3A_1484, %get3A_1597 : vector<16xf32>
          %get3A_1599 = arith.constant 0 : i32
          %get3A_1600 = arith.index_cast %get3A_1599 : i32 to index
          %get3A_1601 = arith.index_cast %scan3A_1528 : i32 to index
          %get3A_1602 = arith.constant 160 : index
          %get3A_1603 = tpu.vector_load %arg8[%get3A_1600, %get3A_1601, %get3A_1602] {strides = array<i32>} : memref<1x216x256xf32, #tpu.memory_space<vmem>>, vector<1x1x16xf32>,
          %get3A_1604 = vector.shape_cast %get3A_1603 : vector<1x1x16xf32> to vector<16xf32>
          %add3A_1605 = arith.addf %add3A_1491, %get3A_1604 : vector<16xf32>
          %get3A_1606 = arith.constant 0 : i32
          %get3A_1607 = arith.index_cast %get3A_1606 : i32 to index
          %get3A_1608 = arith.index_cast %scan3A_1528 : i32 to index
          %get3A_1609 = arith.constant 176 : index
          %get3A_1610 = tpu.vector_load %arg8[%get3A_1607, %get3A_1608, %get3A_1609] {strides = array<i32>} : memref<1x216x256xf32, #tpu.memory_space<vmem>>, vector<1x1x16xf32>,
          %get3A_1611 = vector.shape_cast %get3A_1610 : vector<1x1x16xf32> to vector<16xf32>
          %add3A_1612 = arith.addf %add3A_1498, %get3A_1611 : vector<16xf32>
          %get3A_1613 = arith.constant 0 : i32
          %get3A_1614 = arith.index_cast %get3A_1613 : i32 to index
          %get3A_1615 = arith.index_cast %scan3A_1528 : i32 to index
          %get3A_1616 = arith.constant 192 : index
          %get3A_1617 = tpu.vector_load %arg8[%get3A_1614, %get3A_1615, %get3A_1616] {strides = array<i32>} : memref<1x216x256xf32, #tpu.memory_space<vmem>>, vector<1x1x16xf32>,
          %get3A_1618 = vector.shape_cast %get3A_1617 : vector<1x1x16xf32> to vector<16xf32>
          %add3A_1619 = arith.addf %add3A_1505, %get3A_1618 : vector<16xf32>
          %get3A_1620 = arith.constant 0 : i32
          %get3A_1621 = arith.index_cast %get3A_1620 : i32 to index
          %get3A_1622 = arith.index_cast %scan3A_1528 : i32 to index
          %get3A_1623 = arith.constant 208 : index
          %get3A_1624 = tpu.vector_load %arg8[%get3A_1621, %get3A_1622, %get3A_1623] {strides = array<i32>} : memref<1x216x256xf32, #tpu.memory_space<vmem>>, vector<1x1x16xf32>,
          %get3A_1625 = vector.shape_cast %get3A_1624 : vector<1x1x16xf32> to vector<16xf32>
          %add3A_1626 = arith.addf %add3A_1512, %get3A_1625 : vector<16xf32>
          %get3A_1627 = arith.constant 0 : i32
          %get3A_1628 = arith.index_cast %get3A_1627 : i32 to index
          %get3A_1629 = arith.index_cast %scan3A_1528 : i32 to index
          %get3A_1630 = arith.constant 224 : index
          %get3A_1631 = tpu.vector_load %arg8[%get3A_1628, %get3A_1629, %get3A_1630] {strides = array<i32>} : memref<1x216x256xf32, #tpu.memory_space<vmem>>, vector<1x1x16xf32>,
          %get3A_1632 = vector.shape_cast %get3A_1631 : vector<1x1x16xf32> to vector<16xf32>
          %add3A_1633 = arith.addf %add3A_1519, %get3A_1632 : vector<16xf32>
          %get3A_1634 = arith.constant 0 : i32
          %get3A_1635 = arith.index_cast %get3A_1634 : i32 to index
          %get3A_1636 = arith.index_cast %scan3A_1528 : i32 to index
          %get3A_1637 = arith.constant 240 : index
          %get3A_1638 = tpu.vector_load %arg8[%get3A_1635, %get3A_1636, %get3A_1637] {strides = array<i32>} : memref<1x216x256xf32, #tpu.memory_space<vmem>>, vector<1x1x16xf32>,
          %get3A_1639 = vector.shape_cast %get3A_1638 : vector<1x1x16xf32> to vector<16xf32>
          %add3A_1640 = arith.addf %add3A_1526, %get3A_1639 : vector<16xf32>
          scf.yield %add3A_1535, %add3A_1542, %add3A_1549, %add3A_1556, %add3A_1563, %add3A_1570, %add3A_1577, %add3A_1584, %add3A_1591, %add3A_1598, %add3A_1605, %add3A_1612, %add3A_1619, %add3A_1626, %add3A_1633, %add3A_1640 : vector<16xf32>, vector<16xf32>, vector<16xf32>, vector<16xf32>, vector<16xf32>, vector<16xf32>, vector<16xf32>, vector<16xf32>, vector<16xf32>, vector<16xf32>, vector<16xf32>, vector<16xf32>, vector<16xf32>, vector<16xf32>, vector<16xf32>, vector<16xf32>
        }
        %scan3A_1089 = arith.constant 80 : i32
        %swap3A_1090 = arith.index_cast %squeeze3A_1070 : i32 to index
        %swap3A_1091 = arith.constant 0 : index
        %swap3A_1092 = tpu.vector_load %arg9[%swap3A_1090, %swap3A_1091] {strides = array<i32>} : memref<16x256xf32, #tpu.memory_space<vmem>>, vector<1x16xf32>,
        %swap3A_1093 = vector.shape_cast %swap3A_1092 : vector<1x16xf32> to vector<16xf32>
        %swap3A_1094 = vector.shape_cast %scan3A_1088#0 : vector<16xf32> to vector<1x16xf32>
        tpu.vector_store %arg9[%swap3A_1090, %swap3A_1091], %swap3A_1094 {add = true, strides = array<i32>} : memref<16x256xf32, #tpu.memory_space<vmem>>, vector<1x16xf32>,
        %swap3A_1095 = arith.index_cast %squeeze3A_1070 : i32 to index
        %swap3A_1096 = arith.constant 16 : index
        %swap3A_1097 = tpu.vector_load %arg9[%swap3A_1095, %swap3A_1096] {strides = array<i32>} : memref<16x256xf32, #tpu.memory_space<vmem>>, vector<1x16xf32>,
        %swap3A_1098 = vector.shape_cast %swap3A_1097 : vector<1x16xf32> to vector<16xf32>
        %swap3A_1099 = vector.shape_cast %scan3A_1088#1 : vector<16xf32> to vector<1x16xf32>
        tpu.vector_store %arg9[%swap3A_1095, %swap3A_1096], %swap3A_1099 {add = true, strides = array<i32>} : memref<16x256xf32, #tpu.memory_space<vmem>>, vector<1x16xf32>,
        %swap3A_1100 = arith.index_cast %squeeze3A_1070 : i32 to index
        %swap3A_1101 = arith.constant 32 : index
        %swap3A_1102 = tpu.vector_load %arg9[%swap3A_1100, %swap3A_1101] {strides = array<i32>} : memref<16x256xf32, #tpu.memory_space<vmem>>, vector<1x16xf32>,
        %swap3A_1103 = vector.shape_cast %swap3A_1102 : vector<1x16xf32> to vector<16xf32>
        %swap3A_1104 = vector.shape_cast %scan3A_1088#2 : vector<16xf32> to vector<1x16xf32>
        tpu.vector_store %arg9[%swap3A_1100, %swap3A_1101], %swap3A_1104 {add = true, strides = array<i32>} : memref<16x256xf32, #tpu.memory_space<vmem>>, vector<1x16xf32>,
        %swap3A_1105 = arith.index_cast %squeeze3A_1070 : i32 to index
        %swap3A_1106 = arith.constant 48 : index
        %swap3A_1107 = tpu.vector_load %arg9[%swap3A_1105, %swap3A_1106] {strides = array<i32>} : memref<16x256xf32, #tpu.memory_space<vmem>>, vector<1x16xf32>,
        %swap3A_1108 = vector.shape_cast %swap3A_1107 : vector<1x16xf32> to vector<16xf32>
        %swap3A_1109 = vector.shape_cast %scan3A_1088#3 : vector<16xf32> to vector<1x16xf32>
        tpu.vector_store %arg9[%swap3A_1105, %swap3A_1106], %swap3A_1109 {add = true, strides = array<i32>} : memref<16x256xf32, #tpu.memory_space<vmem>>, vector<1x16xf32>,
        %swap3A_1110 = arith.index_cast %squeeze3A_1070 : i32 to index
        %swap3A_1111 = arith.constant 64 : index
        %swap3A_1112 = tpu.vector_load %arg9[%swap3A_1110, %swap3A_1111] {strides = array<i32>} : memref<16x256xf32, #tpu.memory_space<vmem>>, vector<1x16xf32>,
        %swap3A_1113 = vector.shape_cast %swap3A_1112 : vector<1x16xf32> to vector<16xf32>
        %swap3A_1114 = vector.shape_cast %scan3A_1088#4 : vector<16xf32> to vector<1x16xf32>
        tpu.vector_store %arg9[%swap3A_1110, %swap3A_1111], %swap3A_1114 {add = true, strides = array<i32>} : memref<16x256xf32, #tpu.memory_space<vmem>>, vector<1x16xf32>,
        %swap3A_1115 = arith.index_cast %squeeze3A_1070 : i32 to index
        %swap3A_1116 = arith.constant 80 : index
        %swap3A_1117 = tpu.vector_load %arg9[%swap3A_1115, %swap3A_1116] {strides = array<i32>} : memref<16x256xf32, #tpu.memory_space<vmem>>, vector<1x16xf32>,
        %swap3A_1118 = vector.shape_cast %swap3A_1117 : vector<1x16xf32> to vector<16xf32>
        %swap3A_1119 = vector.shape_cast %scan3A_1088#5 : vector<16xf32> to vector<1x16xf32>
        tpu.vector_store %arg9[%swap3A_1115, %swap3A_1116], %swap3A_1119 {add = true, strides = array<i32>} : memref<16x256xf32, #tpu.memory_space<vmem>>, vector<1x16xf32>,
        %swap3A_1120 = arith.index_cast %squeeze3A_1070 : i32 to index
        %swap3A_1121 = arith.constant 96 : index
        %swap3A_1122 = tpu.vector_load %arg9[%swap3A_1120, %swap3A_1121] {strides = array<i32>} : memref<16x256xf32, #tpu.memory_space<vmem>>, vector<1x16xf32>,
        %swap3A_1123 = vector.shape_cast %swap3A_1122 : vector<1x16xf32> to vector<16xf32>
        %swap3A_1124 = vector.shape_cast %scan3A_1088#6 : vector<16xf32> to vector<1x16xf32>
        tpu.vector_store %arg9[%swap3A_1120, %swap3A_1121], %swap3A_1124 {add = true, strides = array<i32>} : memref<16x256xf32, #tpu.memory_space<vmem>>, vector<1x16xf32>,
        %swap3A_1125 = arith.index_cast %squeeze3A_1070 : i32 to index
        %swap3A_1126 = arith.constant 112 : index
        %swap3A_1127 = tpu.vector_load %arg9[%swap3A_1125, %swap3A_1126] {strides = array<i32>} : memref<16x256xf32, #tpu.memory_space<vmem>>, vector<1x16xf32>,
        %swap3A_1128 = vector.shape_cast %swap3A_1127 : vector<1x16xf32> to vector<16xf32>
        %swap3A_1129 = vector.shape_cast %scan3A_1088#7 : vector<16xf32> to vector<1x16xf32>
        tpu.vector_store %arg9[%swap3A_1125, %swap3A_1126], %swap3A_1129 {add = true, strides = array<i32>} : memref<16x256xf32, #tpu.memory_space<vmem>>, vector<1x16xf32>,
        %swap3A_1130 = arith.index_cast %squeeze3A_1070 : i32 to index
        %swap3A_1131 = arith.constant 128 : index
        %swap3A_1132 = tpu.vector_load %arg9[%swap3A_1130, %swap3A_1131] {strides = array<i32>} : memref<16x256xf32, #tpu.memory_space<vmem>>, vector<1x16xf32>,
        %swap3A_1133 = vector.shape_cast %swap3A_1132 : vector<1x16xf32> to vector<16xf32>
        %swap3A_1134 = vector.shape_cast %scan3A_1088#8 : vector<16xf32> to vector<1x16xf32>
        tpu.vector_store %arg9[%swap3A_1130, %swap3A_1131], %swap3A_1134 {add = true, strides = array<i32>} : memref<16x256xf32, #tpu.memory_space<vmem>>, vector<1x16xf32>,
        %swap3A_1135 = arith.index_cast %squeeze3A_1070 : i32 to index
        %swap3A_1136 = arith.constant 144 : index
        %swap3A_1137 = tpu.vector_load %arg9[%swap3A_1135, %swap3A_1136] {strides = array<i32>} : memref<16x256xf32, #tpu.memory_space<vmem>>, vector<1x16xf32>,
        %swap3A_1138 = vector.shape_cast %swap3A_1137 : vector<1x16xf32> to vector<16xf32>
        %swap3A_1139 = vector.shape_cast %scan3A_1088#9 : vector<16xf32> to vector<1x16xf32>
        tpu.vector_store %arg9[%swap3A_1135, %swap3A_1136], %swap3A_1139 {add = true, strides = array<i32>} : memref<16x256xf32, #tpu.memory_space<vmem>>, vector<1x16xf32>,
        %swap3A_1140 = arith.index_cast %squeeze3A_1070 : i32 to index
        %swap3A_1141 = arith.constant 160 : index
        %swap3A_1142 = tpu.vector_load %arg9[%swap3A_1140, %swap3A_1141] {strides = array<i32>} : memref<16x256xf32, #tpu.memory_space<vmem>>, vector<1x16xf32>,
        %swap3A_1143 = vector.shape_cast %swap3A_1142 : vector<1x16xf32> to vector<16xf32>
        %swap3A_1144 = vector.shape_cast %scan3A_1088#10 : vector<16xf32> to vector<1x16xf32>
        tpu.vector_store %arg9[%swap3A_1140, %swap3A_1141], %swap3A_1144 {add = true, strides = array<i32>} : memref<16x256xf32, #tpu.memory_space<vmem>>, vector<1x16xf32>,
        %swap3A_1145 = arith.index_cast %squeeze3A_1070 : i32 to index
        %swap3A_1146 = arith.constant 176 : index
        %swap3A_1147 = tpu.vector_load %arg9[%swap3A_1145, %swap3A_1146] {strides = array<i32>} : memref<16x256xf32, #tpu.memory_space<vmem>>, vector<1x16xf32>,
        %swap3A_1148 = vector.shape_cast %swap3A_1147 : vector<1x16xf32> to vector<16xf32>
        %swap3A_1149 = vector.shape_cast %scan3A_1088#11 : vector<16xf32> to vector<1x16xf32>
        tpu.vector_store %arg9[%swap3A_1145, %swap3A_1146], %swap3A_1149 {add = true, strides = array<i32>} : memref<16x256xf32, #tpu.memory_space<vmem>>, vector<1x16xf32>,
        %swap3A_1150 = arith.index_cast %squeeze3A_1070 : i32 to index
        %swap3A_1151 = arith.constant 192 : index
        %swap3A_1152 = tpu.vector_load %arg9[%swap3A_1150, %swap3A_1151] {strides = array<i32>} : memref<16x256xf32, #tpu.memory_space<vmem>>, vector<1x16xf32>,
        %swap3A_1153 = vector.shape_cast %swap3A_1152 : vector<1x16xf32> to vector<16xf32>
        %swap3A_1154 = vector.shape_cast %scan3A_1088#12 : vector<16xf32> to vector<1x16xf32>
        tpu.vector_store %arg9[%swap3A_1150, %swap3A_1151], %swap3A_1154 {add = true, strides = array<i32>} : memref<16x256xf32, #tpu.memory_space<vmem>>, vector<1x16xf32>,
        %swap3A_1155 = arith.index_cast %squeeze3A_1070 : i32 to index
        %swap3A_1156 = arith.constant 208 : index
        %swap3A_1157 = tpu.vector_load %arg9[%swap3A_1155, %swap3A_1156] {strides = array<i32>} : memref<16x256xf32, #tpu.memory_space<vmem>>, vector<1x16xf32>,
        %swap3A_1158 = vector.shape_cast %swap3A_1157 : vector<1x16xf32> to vector<16xf32>
        %swap3A_1159 = vector.shape_cast %scan3A_1088#13 : vector<16xf32> to vector<1x16xf32>
        tpu.vector_store %arg9[%swap3A_1155, %swap3A_1156], %swap3A_1159 {add = true, strides = array<i32>} : memref<16x256xf32, #tpu.memory_space<vmem>>, vector<1x16xf32>,
        %swap3A_1160 = arith.index_cast %squeeze3A_1070 : i32 to index
        %swap3A_1161 = arith.constant 224 : index
        %swap3A_1162 = tpu.vector_load %arg9[%swap3A_1160, %swap3A_1161] {strides = array<i32>} : memref<16x256xf32, #tpu.memory_space<vmem>>, vector<1x16xf32>,
        %swap3A_1163 = vector.shape_cast %swap3A_1162 : vector<1x16xf32> to vector<16xf32>
        %swap3A_1164 = vector.shape_cast %scan3A_1088#14 : vector<16xf32> to vector<1x16xf32>
        tpu.vector_store %arg9[%swap3A_1160, %swap3A_1161], %swap3A_1164 {add = true, strides = array<i32>} : memref<16x256xf32, #tpu.memory_space<vmem>>, vector<1x16xf32>,
        %swap3A_1165 = arith.index_cast %squeeze3A_1070 : i32 to index
        %swap3A_1166 = arith.constant 240 : index
        %swap3A_1167 = tpu.vector_load %arg9[%swap3A_1165, %swap3A_1166] {strides = array<i32>} : memref<16x256xf32, #tpu.memory_space<vmem>>, vector<1x16xf32>,
        %swap3A_1168 = vector.shape_cast %swap3A_1167 : vector<1x16xf32> to vector<16xf32>
        %swap3A_1169 = vector.shape_cast %scan3A_1088#15 : vector<16xf32> to vector<1x16xf32>
        tpu.vector_store %arg9[%swap3A_1165, %swap3A_1166], %swap3A_1169 {add = true, strides = array<i32>} : memref<16x256xf32, #tpu.memory_space<vmem>>, vector<1x16xf32>,
      } else {
      }
      %ne3A_1080 = arith.cmpi ne, %squeeze3A_1070, %squeeze3A_1075 : i32
      %convert_element_type3A_1081 = arith.extui %ne3A_1080 : i1 to i32
      %cond3A_1082 = arith.constant 0 : i32
      %cond3A_1083 = arith.cmpi ne, %convert_element_type3A_1081, %cond3A_1082 : i32
      scf.if %cond3A_1083 {
        %scan3A_1084 = arith.constant 0 : i32
        %scan3A_1085 = arith.constant 0 : i32
        %scan3A_1086 = arith.constant 80 : i32
        %scan3A_1087 = arith.addi %scan3A_1085, %scan3A_1086 : i32
        %scan3A_1088 = arith.constant 1 : i32
        %scan3A_1089 = scf.for %scan3A_1091 = %scan3A_1085 to %scan3A_1087 step %scan3A_1088 iter_args(%scan3A_1092 = %scan3A_1084) -> (i32)  : i32 {
          %add3A_1093 = arith.constant 0 : i32
          %add3A_1094 = arith.addi %add3A_1093, %scan3A_1091 : i32
          %get3A_1095 = arith.index_cast %add3A_1094 : i32 to index
          %get3A_1096 = tpu.vector_load %arg7[%get3A_1095] {strides = array<i32>} : memref<96xi32, #tpu.memory_space<vmem>>, vector<16xi32>,
          %get3A_1097 = vector.shape_cast %get3A_1096 : vector<16xi32> to vector<16xi32>
          %slice3A_1098 = vector.extract_strided_slice %get3A_1097 {offsets = [0], sizes = [1], strides = [1]} : vector<16xi32> to vector<1xi32>
          %squeeze3A_1099 = vector.extract %slice3A_1098[0] : i32 from vector<1xi32>
          %get3A_1100 = arith.constant 0 : i32
          %get3A_1101 = arith.index_cast %get3A_1100 : i32 to index
          %get3A_1102 = arith.index_cast %scan3A_1091 : i32 to index
          %get3A_1103 = arith.constant 0 : index
          %get3A_1104 = tpu.vector_load %arg8[%get3A_1101, %get3A_1102, %get3A_1103] {strides = array<i32>} : memref<1x216x256xf32, #tpu.memory_space<vmem>>, vector<1x1x16xf32>,
          %get3A_1105 = vector.shape_cast %get3A_1104 : vector<1x1x16xf32> to vector<16xf32>
          %swap3A_1106 = arith.index_cast %squeeze3A_1099 : i32 to index
          %swap3A_1107 = arith.constant 0 : index
          %swap3A_1108 = tpu.vector_load %arg9[%swap3A_1106, %swap3A_1107] {strides = array<i32>} : memref<16x256xf32, #tpu.memory_space<vmem>>, vector<1x16xf32>,
          %swap3A_1109 = vector.shape_cast %swap3A_1108 : vector<1x16xf32> to vector<16xf32>
          %swap3A_1110 = vector.shape_cast %get3A_1105 : vector<16xf32> to vector<1x16xf32>
          tpu.vector_store %arg9[%swap3A_1106, %swap3A_1107], %swap3A_1110 {add = true, strides = array<i32>} : memref<16x256xf32, #tpu.memory_space<vmem>>, vector<1x16xf32>,
          %get3A_1111 = arith.constant 0 : i32
          %get3A_1112 = arith.index_cast %get3A_1111 : i32 to index
          %get3A_1113 = arith.index_cast %scan3A_1091 : i32 to index
          %get3A_1114 = arith.constant 16 : index
          %get3A_1115 = tpu.vector_load %arg8[%get3A_1112, %get3A_1113, %get3A_1114] {strides = array<i32>} : memref<1x216x256xf32, #tpu.memory_space<vmem>>, vector<1x1x16xf32>,
          %get3A_1116 = vector.shape_cast %get3A_1115 : vector<1x1x16xf32> to vector<16xf32>
          %swap3A_1117 = arith.index_cast %squeeze3A_1099 : i32 to index
          %swap3A_1118 = arith.constant 16 : index
          %swap3A_1119 = tpu.vector_load %arg9[%swap3A_1117, %swap3A_1118] {strides = array<i32>} : memref<16x256xf32, #tpu.memory_space<vmem>>, vector<1x16xf32>,
          %swap3A_1120 = vector.shape_cast %swap3A_1119 : vector<1x16xf32> to vector<16xf32>
          %swap3A_1121 = vector.shape_cast %get3A_1116 : vector<16xf32> to vector<1x16xf32>
          tpu.vector_store %arg9[%swap3A_1117, %swap3A_1118], %swap3A_1121 {add = true, strides = array<i32>} : memref<16x256xf32, #tpu.memory_space<vmem>>, vector<1x16xf32>,
          %get3A_1122 = arith.constant 0 : i32
          %get3A_1123 = arith.index_cast %get3A_1122 : i32 to index
          %get3A_1124 = arith.index_cast %scan3A_1091 : i32 to index
          %get3A_1125 = arith.constant 32 : index
          %get3A_1126 = tpu.vector_load %arg8[%get3A_1123, %get3A_1124, %get3A_1125] {strides = array<i32>} : memref<1x216x256xf32, #tpu.memory_space<vmem>>, vector<1x1x16xf32>,
          %get3A_1127 = vector.shape_cast %get3A_1126 : vector<1x1x16xf32> to vector<16xf32>
          %swap3A_1128 = arith.index_cast %squeeze3A_1099 : i32 to index
          %swap3A_1129 = arith.constant 32 : index
          %swap3A_1130 = tpu.vector_load %arg9[%swap3A_1128, %swap3A_1129] {strides = array<i32>} : memref<16x256xf32, #tpu.memory_space<vmem>>, vector<1x16xf32>,
          %swap3A_1131 = vector.shape_cast %swap3A_1130 : vector<1x16xf32> to vector<16xf32>
          %swap3A_1132 = vector.shape_cast %get3A_1127 : vector<16xf32> to vector<1x16xf32>
          tpu.vector_store %arg9[%swap3A_1128, %swap3A_1129], %swap3A_1132 {add = true, strides = array<i32>} : memref<16x256xf32, #tpu.memory_space<vmem>>, vector<1x16xf32>,
          %get3A_1133 = arith.constant 0 : i32
          %get3A_1134 = arith.index_cast %get3A_1133 : i32 to index
          %get3A_1135 = arith.index_cast %scan3A_1091 : i32 to index
          %get3A_1136 = arith.constant 48 : index
          %get3A_1137 = tpu.vector_load %arg8[%get3A_1134, %get3A_1135, %get3A_1136] {strides = array<i32>} : memref<1x216x256xf32, #tpu.memory_space<vmem>>, vector<1x1x16xf32>,
          %get3A_1138 = vector.shape_cast %get3A_1137 : vector<1x1x16xf32> to vector<16xf32>
          %swap3A_1139 = arith.index_cast %squeeze3A_1099 : i32 to index
          %swap3A_1140 = arith.constant 48 : index
          %swap3A_1141 = tpu.vector_load %arg9[%swap3A_1139, %swap3A_1140] {strides = array<i32>} : memref<16x256xf32, #tpu.memory_space<vmem>>, vector<1x16xf32>,
          %swap3A_1142 = vector.shape_cast %swap3A_1141 : vector<1x16xf32> to vector<16xf32>
          %swap3A_1143 = vector.shape_cast %get3A_1138 : vector<16xf32> to vector<1x16xf32>
          tpu.vector_store %arg9[%swap3A_1139, %swap3A_1140], %swap3A_1143 {add = true, strides = array<i32>} : memref<16x256xf32, #tpu.memory_space<vmem>>, vector<1x16xf32>,
          %get3A_1144 = arith.constant 0 : i32
          %get3A_1145 = arith.index_cast %get3A_1144 : i32 to index
          %get3A_1146 = arith.index_cast %scan3A_1091 : i32 to index
          %get3A_1147 = arith.constant 64 : index
          %get3A_1148 = tpu.vector_load %arg8[%get3A_1145, %get3A_1146, %get3A_1147] {strides = array<i32>} : memref<1x216x256xf32, #tpu.memory_space<vmem>>, vector<1x1x16xf32>,
          %get3A_1149 = vector.shape_cast %get3A_1148 : vector<1x1x16xf32> to vector<16xf32>
          %swap3A_1150 = arith.index_cast %squeeze3A_1099 : i32 to index
          %swap3A_1151 = arith.constant 64 : index
          %swap3A_1152 = tpu.vector_load %arg9[%swap3A_1150, %swap3A_1151] {strides = array<i32>} : memref<16x256xf32, #tpu.memory_space<vmem>>, vector<1x16xf32>,
          %swap3A_1153 = vector.shape_cast %swap3A_1152 : vector<1x16xf32> to vector<16xf32>
          %swap3A_1154 = vector.shape_cast %get3A_1149 : vector<16xf32> to vector<1x16xf32>
          tpu.vector_store %arg9[%swap3A_1150, %swap3A_1151], %swap3A_1154 {add = true, strides = array<i32>} : memref<16x256xf32, #tpu.memory_space<vmem>>, vector<1x16xf32>,
          %get3A_1155 = arith.constant 0 : i32
          %get3A_1156 = arith.index_cast %get3A_1155 : i32 to index
          %get3A_1157 = arith.index_cast %scan3A_1091 : i32 to index
          %get3A_1158 = arith.constant 80 : index
          %get3A_1159 = tpu.vector_load %arg8[%get3A_1156, %get3A_1157, %get3A_1158] {strides = array<i32>} : memref<1x216x256xf32, #tpu.memory_space<vmem>>, vector<1x1x16xf32>,
          %get3A_1160 = vector.shape_cast %get3A_1159 : vector<1x1x16xf32> to vector<16xf32>
          %swap3A_1161 = arith.index_cast %squeeze3A_1099 : i32 to index
          %swap3A_1162 = arith.constant 80 : index
          %swap3A_1163 = tpu.vector_load %arg9[%swap3A_1161, %swap3A_1162] {strides = array<i32>} : memref<16x256xf32, #tpu.memory_space<vmem>>, vector<1x16xf32>,
          %swap3A_1164 = vector.shape_cast %swap3A_1163 : vector<1x16xf32> to vector<16xf32>
          %swap3A_1165 = vector.shape_cast %get3A_1160 : vector<16xf32> to vector<1x16xf32>
          tpu.vector_store %arg9[%swap3A_1161, %swap3A_1162], %swap3A_1165 {add = true, strides = array<i32>} : memref<16x256xf32, #tpu.memory_space<vmem>>, vector<1x16xf32>,
          %get3A_1166 = arith.constant 0 : i32
          %get3A_1167 = arith.index_cast %get3A_1166 : i32 to index
          %get3A_1168 = arith.index_cast %scan3A_1091 : i32 to index
          %get3A_1169 = arith.constant 96 : index
          %get3A_1170 = tpu.vector_load %arg8[%get3A_1167, %get3A_1168, %get3A_1169] {strides = array<i32>} : memref<1x216x256xf32, #tpu.memory_space<vmem>>, vector<1x1x16xf32>,
          %get3A_1171 = vector.shape_cast %get3A_1170 : vector<1x1x16xf32> to vector<16xf32>
          %swap3A_1172 = arith.index_cast %squeeze3A_1099 : i32 to index
          %swap3A_1173 = arith.constant 96 : index
          %swap3A_1174 = tpu.vector_load %arg9[%swap3A_1172, %swap3A_1173] {strides = array<i32>} : memref<16x256xf32, #tpu.memory_space<vmem>>, vector<1x16xf32>,
          %swap3A_1175 = vector.shape_cast %swap3A_1174 : vector<1x16xf32> to vector<16xf32>
          %swap3A_1176 = vector.shape_cast %get3A_1171 : vector<16xf32> to vector<1x16xf32>
          tpu.vector_store %arg9[%swap3A_1172, %swap3A_1173], %swap3A_1176 {add = true, strides = array<i32>} : memref<16x256xf32, #tpu.memory_space<vmem>>, vector<1x16xf32>,
          %get3A_1177 = arith.constant 0 : i32
          %get3A_1178 = arith.index_cast %get3A_1177 : i32 to index
          %get3A_1179 = arith.index_cast %scan3A_1091 : i32 to index
          %get3A_1180 = arith.constant 112 : index
          %get3A_1181 = tpu.vector_load %arg8[%get3A_1178, %get3A_1179, %get3A_1180] {strides = array<i32>} : memref<1x216x256xf32, #tpu.memory_space<vmem>>, vector<1x1x16xf32>,
          %get3A_1182 = vector.shape_cast %get3A_1181 : vector<1x1x16xf32> to vector<16xf32>
          %swap3A_1183 = arith.index_cast %squeeze3A_1099 : i32 to index
          %swap3A_1184 = arith.constant 112 : index
          %swap3A_1185 = tpu.vector_load %arg9[%swap3A_1183, %swap3A_1184] {strides = array<i32>} : memref<16x256xf32, #tpu.memory_space<vmem>>, vector<1x16xf32>,
          %swap3A_1186 = vector.shape_cast %swap3A_1185 : vector<1x16xf32> to vector<16xf32>
          %swap3A_1187 = vector.shape_cast %get3A_1182 : vector<16xf32> to vector<1x16xf32>
          tpu.vector_store %arg9[%swap3A_1183, %swap3A_1184], %swap3A_1187 {add = true, strides = array<i32>} : memref<16x256xf32, #tpu.memory_space<vmem>>, vector<1x16xf32>,
          %get3A_1188 = arith.constant 0 : i32
          %get3A_1189 = arith.index_cast %get3A_1188 : i32 to index
          %get3A_1190 = arith.index_cast %scan3A_1091 : i32 to index
          %get3A_1191 = arith.constant 128 : index
          %get3A_1192 = tpu.vector_load %arg8[%get3A_1189, %get3A_1190, %get3A_1191] {strides = array<i32>} : memref<1x216x256xf32, #tpu.memory_space<vmem>>, vector<1x1x16xf32>,
          %get3A_1193 = vector.shape_cast %get3A_1192 : vector<1x1x16xf32> to vector<16xf32>
          %swap3A_1194 = arith.index_cast %squeeze3A_1099 : i32 to index
          %swap3A_1195 = arith.constant 128 : index
          %swap3A_1196 = tpu.vector_load %arg9[%swap3A_1194, %swap3A_1195] {strides = array<i32>} : memref<16x256xf32, #tpu.memory_space<vmem>>, vector<1x16xf32>,
          %swap3A_1197 = vector.shape_cast %swap3A_1196 : vector<1x16xf32> to vector<16xf32>
          %swap3A_1198 = vector.shape_cast %get3A_1193 : vector<16xf32> to vector<1x16xf32>
          tpu.vector_store %arg9[%swap3A_1194, %swap3A_1195], %swap3A_1198 {add = true, strides = array<i32>} : memref<16x256xf32, #tpu.memory_space<vmem>>, vector<1x16xf32>,
          %get3A_1199 = arith.constant 0 : i32
          %get3A_1200 = arith.index_cast %get3A_1199 : i32 to index
          %get3A_1201 = arith.index_cast %scan3A_1091 : i32 to index
          %get3A_1202 = arith.constant 144 : index
          %get3A_1203 = tpu.vector_load %arg8[%get3A_1200, %get3A_1201, %get3A_1202] {strides = array<i32>} : memref<1x216x256xf32, #tpu.memory_space<vmem>>, vector<1x1x16xf32>,
          %get3A_1204 = vector.shape_cast %get3A_1203 : vector<1x1x16xf32> to vector<16xf32>
          %swap3A_1205 = arith.index_cast %squeeze3A_1099 : i32 to index
          %swap3A_1206 = arith.constant 144 : index
          %swap3A_1207 = tpu.vector_load %arg9[%swap3A_1205, %swap3A_1206] {strides = array<i32>} : memref<16x256xf32, #tpu.memory_space<vmem>>, vector<1x16xf32>,
          %swap3A_1208 = vector.shape_cast %swap3A_1207 : vector<1x16xf32> to vector<16xf32>
          %swap3A_1209 = vector.shape_cast %get3A_1204 : vector<16xf32> to vector<1x16xf32>
          tpu.vector_store %arg9[%swap3A_1205, %swap3A_1206], %swap3A_1209 {add = true, strides = array<i32>} : memref<16x256xf32, #tpu.memory_space<vmem>>, vector<1x16xf32>,
          %get3A_1210 = arith.constant 0 : i32
          %get3A_1211 = arith.index_cast %get3A_1210 : i32 to index
          %get3A_1212 = arith.index_cast %scan3A_1091 : i32 to index
          %get3A_1213 = arith.constant 160 : index
          %get3A_1214 = tpu.vector_load %arg8[%get3A_1211, %get3A_1212, %get3A_1213] {strides = array<i32>} : memref<1x216x256xf32, #tpu.memory_space<vmem>>, vector<1x1x16xf32>,
          %get3A_1215 = vector.shape_cast %get3A_1214 : vector<1x1x16xf32> to vector<16xf32>
          %swap3A_1216 = arith.index_cast %squeeze3A_1099 : i32 to index
          %swap3A_1217 = arith.constant 160 : index
          %swap3A_1218 = tpu.vector_load %arg9[%swap3A_1216, %swap3A_1217] {strides = array<i32>} : memref<16x256xf32, #tpu.memory_space<vmem>>, vector<1x16xf32>,
          %swap3A_1219 = vector.shape_cast %swap3A_1218 : vector<1x16xf32> to vector<16xf32>
          %swap3A_1220 = vector.shape_cast %get3A_1215 : vector<16xf32> to vector<1x16xf32>
          tpu.vector_store %arg9[%swap3A_1216, %swap3A_1217], %swap3A_1220 {add = true, strides = array<i32>} : memref<16x256xf32, #tpu.memory_space<vmem>>, vector<1x16xf32>,
          %get3A_1221 = arith.constant 0 : i32
          %get3A_1222 = arith.index_cast %get3A_1221 : i32 to index
          %get3A_1223 = arith.index_cast %scan3A_1091 : i32 to index
          %get3A_1224 = arith.constant 176 : index
          %get3A_1225 = tpu.vector_load %arg8[%get3A_1222, %get3A_1223, %get3A_1224] {strides = array<i32>} : memref<1x216x256xf32, #tpu.memory_space<vmem>>, vector<1x1x16xf32>,
          %get3A_1226 = vector.shape_cast %get3A_1225 : vector<1x1x16xf32> to vector<16xf32>
          %swap3A_1227 = arith.index_cast %squeeze3A_1099 : i32 to index
          %swap3A_1228 = arith.constant 176 : index
          %swap3A_1229 = tpu.vector_load %arg9[%swap3A_1227, %swap3A_1228] {strides = array<i32>} : memref<16x256xf32, #tpu.memory_space<vmem>>, vector<1x16xf32>,
          %swap3A_1230 = vector.shape_cast %swap3A_1229 : vector<1x16xf32> to vector<16xf32>
          %swap3A_1231 = vector.shape_cast %get3A_1226 : vector<16xf32> to vector<1x16xf32>
          tpu.vector_store %arg9[%swap3A_1227, %swap3A_1228], %swap3A_1231 {add = true, strides = array<i32>} : memref<16x256xf32, #tpu.memory_space<vmem>>, vector<1x16xf32>,
          %get3A_1232 = arith.constant 0 : i32
          %get3A_1233 = arith.index_cast %get3A_1232 : i32 to index
          %get3A_1234 = arith.index_cast %scan3A_1091 : i32 to index
          %get3A_1235 = arith.constant 192 : index
          %get3A_1236 = tpu.vector_load %arg8[%get3A_1233, %get3A_1234, %get3A_1235] {strides = array<i32>} : memref<1x216x256xf32, #tpu.memory_space<vmem>>, vector<1x1x16xf32>,
          %get3A_1237 = vector.shape_cast %get3A_1236 : vector<1x1x16xf32> to vector<16xf32>
          %swap3A_1238 = arith.index_cast %squeeze3A_1099 : i32 to index
          %swap3A_1239 = arith.constant 192 : index
          %swap3A_1240 = tpu.vector_load %arg9[%swap3A_1238, %swap3A_1239] {strides = array<i32>} : memref<16x256xf32, #tpu.memory_space<vmem>>, vector<1x16xf32>,
          %swap3A_1241 = vector.shape_cast %swap3A_1240 : vector<1x16xf32> to vector<16xf32>
          %swap3A_1242 = vector.shape_cast %get3A_1237 : vector<16xf32> to vector<1x16xf32>
          tpu.vector_store %arg9[%swap3A_1238, %swap3A_1239], %swap3A_1242 {add = true, strides = array<i32>} : memref<16x256xf32, #tpu.memory_space<vmem>>, vector<1x16xf32>,
          %get3A_1243 = arith.constant 0 : i32
          %get3A_1244 = arith.index_cast %get3A_1243 : i32 to index
          %get3A_1245 = arith.index_cast %scan3A_1091 : i32 to index
          %get3A_1246 = arith.constant 208 : index
          %get3A_1247 = tpu.vector_load %arg8[%get3A_1244, %get3A_1245, %get3A_1246] {strides = array<i32>} : memref<1x216x256xf32, #tpu.memory_space<vmem>>, vector<1x1x16xf32>,
          %get3A_1248 = vector.shape_cast %get3A_1247 : vector<1x1x16xf32> to vector<16xf32>
          %swap3A_1249 = arith.index_cast %squeeze3A_1099 : i32 to index
          %swap3A_1250 = arith.constant 208 : index
          %swap3A_1251 = tpu.vector_load %arg9[%swap3A_1249, %swap3A_1250] {strides = array<i32>} : memref<16x256xf32, #tpu.memory_space<vmem>>, vector<1x16xf32>,
          %swap3A_1252 = vector.shape_cast %swap3A_1251 : vector<1x16xf32> to vector<16xf32>
          %swap3A_1253 = vector.shape_cast %get3A_1248 : vector<16xf32> to vector<1x16xf32>
          tpu.vector_store %arg9[%swap3A_1249, %swap3A_1250], %swap3A_1253 {add = true, strides = array<i32>} : memref<16x256xf32, #tpu.memory_space<vmem>>, vector<1x16xf32>,
          %get3A_1254 = arith.constant 0 : i32
          %get3A_1255 = arith.index_cast %get3A_1254 : i32 to index
          %get3A_1256 = arith.index_cast %scan3A_1091 : i32 to index
          %get3A_1257 = arith.constant 224 : index
          %get3A_1258 = tpu.vector_load %arg8[%get3A_1255, %get3A_1256, %get3A_1257] {strides = array<i32>} : memref<1x216x256xf32, #tpu.memory_space<vmem>>, vector<1x1x16xf32>,
          %get3A_1259 = vector.shape_cast %get3A_1258 : vector<1x1x16xf32> to vector<16xf32>
          %swap3A_1260 = arith.index_cast %squeeze3A_1099 : i32 to index
          %swap3A_1261 = arith.constant 224 : index
          %swap3A_1262 = tpu.vector_load %arg9[%swap3A_1260, %swap3A_1261] {strides = array<i32>} : memref<16x256xf32, #tpu.memory_space<vmem>>, vector<1x16xf32>,
          %swap3A_1263 = vector.shape_cast %swap3A_1262 : vector<1x16xf32> to vector<16xf32>
          %swap3A_1264 = vector.shape_cast %get3A_1259 : vector<16xf32> to vector<1x16xf32>
          tpu.vector_store %arg9[%swap3A_1260, %swap3A_1261], %swap3A_1264 {add = true, strides = array<i32>} : memref<16x256xf32, #tpu.memory_space<vmem>>, vector<1x16xf32>,
          %get3A_1265 = arith.constant 0 : i32
          %get3A_1266 = arith.index_cast %get3A_1265 : i32 to index
          %get3A_1267 = arith.index_cast %scan3A_1091 : i32 to index
          %get3A_1268 = arith.constant 240 : index
          %get3A_1269 = tpu.vector_load %arg8[%get3A_1266, %get3A_1267, %get3A_1268] {strides = array<i32>} : memref<1x216x256xf32, #tpu.memory_space<vmem>>, vector<1x1x16xf32>,
          %get3A_1270 = vector.shape_cast %get3A_1269 : vector<1x1x16xf32> to vector<16xf32>
          %swap3A_1271 = arith.index_cast %squeeze3A_1099 : i32 to index
          %swap3A_1272 = arith.constant 240 : index
          %swap3A_1273 = tpu.vector_load %arg9[%swap3A_1271, %swap3A_1272] {strides = array<i32>} : memref<16x256xf32, #tpu.memory_space<vmem>>, vector<1x16xf32>,
          %swap3A_1274 = vector.shape_cast %swap3A_1273 : vector<1x16xf32> to vector<16xf32>
          %swap3A_1275 = vector.shape_cast %get3A_1270 : vector<16xf32> to vector<1x16xf32>
          tpu.vector_store %arg9[%swap3A_1271, %swap3A_1272], %swap3A_1275 {add = true, strides = array<i32>} : memref<16x256xf32, #tpu.memory_space<vmem>>, vector<1x16xf32>,
          %scan3A_1276 = arith.constant 0 : i32
          scf.yield %scan3A_1276 : i32
        }
        %scan3A_1090 = arith.constant 80 : i32
      } else {
      }
    } else {
    }
    %iota3A = tpu.iota {dimensions = array<i32: 0>} : vector<16xi32>
    %broadcast_in_dim3A_88 = arith.constant 0.000000e+00 : f32
    %broadcast_in_dim3A_89 = vector.broadcast %broadcast_in_dim3A_88 : f32 to vector<16xf32>
    %scan3A_90 = arith.constant 0 : i32
    %scan3A_91 = arith.constant 16 : i32
    %scan3A_92 = arith.addi %scan3A_90, %scan3A_91 : i32
    %scan3A_93 = arith.constant 1 : i32
    %scan3A_94 = scf.for %scan3A_1066 = %scan3A_90 to %scan3A_92 step %scan3A_93 iter_args(%scan3A_1067 = %broadcast_in_dim3A_89) -> (vector<16xf32>)  : i32 {
      %mul3A_1068 = arith.constant 16 : i32
      %mul3A_1069 = arith.muli %scan3A_1066, %mul3A_1068 : i32
      %get3A_1070 = arith.constant 0 : i32
      %get3A_1071 = arith.index_cast %get3A_1070 : i32 to index
      %get3A_1072 = arith.index_cast %mul3A_1069 : i32 to index
      %get3A_1073 = tpu.vector_load %arg9[%get3A_1071, %get3A_1072] {strides = array<i32>} : memref<16x256xf32, #tpu.memory_space<vmem>>, vector<1x16xf32>,
      %get3A_1074 = vector.shape_cast %get3A_1073 : vector<1x16xf32> to vector<16xf32>
      %mul3A_1075 = arith.constant 16 : i32
      %mul3A_1076 = arith.muli %scan3A_1066, %mul3A_1075 : i32
      %get3A_1077 = arith.index_cast %mul3A_1076 : i32 to index
      %get3A_1078 = tpu.vector_load %arg10[%get3A_1077] {strides = array<i32>} : memref<256xf32, #tpu.memory_space<vmem>>, vector<16xf32>,
      %get3A_1079 = vector.shape_cast %get3A_1078 : vector<16xf32> to vector<16xf32>
      %mul3A_1080 = arith.mulf %get3A_1074, %get3A_1079 : vector<16xf32>
      %add3A_1081 = arith.addf %scan3A_1067, %mul3A_1080 : vector<16xf32>
      scf.yield %add3A_1081 : vector<16xf32>
    }
    %scan3A_95 = arith.constant 16 : i32
    %slice3A_96 = vector.extract_strided_slice %scan3A_94 {offsets = [0], sizes = [1], strides = [1]} : vector<16xf32> to vector<1xf32>
    %squeeze3A_97 = vector.extract %slice3A_96[0] : f32 from vector<1xf32>
    %slice3A_98 = vector.extract_strided_slice %scan3A_94 {offsets = [1], sizes = [1], strides = [1]} : vector<16xf32> to vector<1xf32>
    %squeeze3A_99 = vector.extract %slice3A_98[0] : f32 from vector<1xf32>
    %add3A_100 = arith.addf %squeeze3A_97, %squeeze3A_99 : f32
    %slice3A_101 = vector.extract_strided_slice %scan3A_94 {offsets = [2], sizes = [1], strides = [1]} : vector<16xf32> to vector<1xf32>
    %squeeze3A_102 = vector.extract %slice3A_101[0] : f32 from vector<1xf32>
    %add3A_103 = arith.addf %add3A_100, %squeeze3A_102 : f32
    %slice3A_104 = vector.extract_strided_slice %scan3A_94 {offsets = [3], sizes = [1], strides = [1]} : vector<16xf32> to vector<1xf32>
    %squeeze3A_105 = vector.extract %slice3A_104[0] : f32 from vector<1xf32>
    %add3A_106 = arith.addf %add3A_103, %squeeze3A_105 : f32
    %slice3A_107 = vector.extract_strided_slice %scan3A_94 {offsets = [4], sizes = [1], strides = [1]} : vector<16xf32> to vector<1xf32>
    %squeeze3A_108 = vector.extract %slice3A_107[0] : f32 from vector<1xf32>
    %add3A_109 = arith.addf %add3A_106, %squeeze3A_108 : f32
    %slice3A_110 = vector.extract_strided_slice %scan3A_94 {offsets = [5], sizes = [1], strides = [1]} : vector<16xf32> to vector<1xf32>
    %squeeze3A_111 = vector.extract %slice3A_110[0] : f32 from vector<1xf32>
    %add3A_112 = arith.addf %add3A_109, %squeeze3A_111 : f32
    %slice3A_113 = vector.extract_strided_slice %scan3A_94 {offsets = [6], sizes = [1], strides = [1]} : vector<16xf32> to vector<1xf32>
    %squeeze3A_114 = vector.extract %slice3A_113[0] : f32 from vector<1xf32>
    %add3A_115 = arith.addf %add3A_112, %squeeze3A_114 : f32
    %slice3A_116 = vector.extract_strided_slice %scan3A_94 {offsets = [7], sizes = [1], strides = [1]} : vector<16xf32> to vector<1xf32>
    %squeeze3A_117 = vector.extract %slice3A_116[0] : f32 from vector<1xf32>
    %add3A_118 = arith.addf %add3A_115, %squeeze3A_117 : f32
    %slice3A_119 = vector.extract_strided_slice %scan3A_94 {offsets = [8], sizes = [1], strides = [1]} : vector<16xf32> to vector<1xf32>
    %squeeze3A_120 = vector.extract %slice3A_119[0] : f32 from vector<1xf32>
    %add3A_121 = arith.addf %add3A_118, %squeeze3A_120 : f32
    %slice3A_122 = vector.extract_strided_slice %scan3A_94 {offsets = [9], sizes = [1], strides = [1]} : vector<16xf32> to vector<1xf32>
    %squeeze3A_123 = vector.extract %slice3A_122[0] : f32 from vector<1xf32>
    %add3A_124 = arith.addf %add3A_121, %squeeze3A_123 : f32
    %slice3A_125 = vector.extract_strided_slice %scan3A_94 {offsets = [10], sizes = [1], strides = [1]} : vector<16xf32> to vector<1xf32>
    %squeeze3A_126 = vector.extract %slice3A_125[0] : f32 from vector<1xf32>
    %add3A_127 = arith.addf %add3A_124, %squeeze3A_126 : f32
    %slice3A_128 = vector.extract_strided_slice %scan3A_94 {offsets = [11], sizes = [1], strides = [1]} : vector<16xf32> to vector<1xf32>
    %squeeze3A_129 = vector.extract %slice3A_128[0] : f32 from vector<1xf32>
    %add3A_130 = arith.addf %add3A_127, %squeeze3A_129 : f32
    %slice3A_131 = vector.extract_strided_slice %scan3A_94 {offsets = [12], sizes = [1], strides = [1]} : vector<16xf32> to vector<1xf32>
    %squeeze3A_132 = vector.extract %slice3A_131[0] : f32 from vector<1xf32>
    %add3A_133 = arith.addf %add3A_130, %squeeze3A_132 : f32
    %slice3A_134 = vector.extract_strided_slice %scan3A_94 {offsets = [13], sizes = [1], strides = [1]} : vector<16xf32> to vector<1xf32>
    %squeeze3A_135 = vector.extract %slice3A_134[0] : f32 from vector<1xf32>
    %add3A_136 = arith.addf %add3A_133, %squeeze3A_135 : f32
    %slice3A_137 = vector.extract_strided_slice %scan3A_94 {offsets = [14], sizes = [1], strides = [1]} : vector<16xf32> to vector<1xf32>
    %squeeze3A_138 = vector.extract %slice3A_137[0] : f32 from vector<1xf32>
    %add3A_139 = arith.addf %add3A_136, %squeeze3A_138 : f32
    %slice3A_140 = vector.extract_strided_slice %scan3A_94 {offsets = [15], sizes = [1], strides = [1]} : vector<16xf32> to vector<1xf32>
    %squeeze3A_141 = vector.extract %slice3A_140[0] : f32 from vector<1xf32>
    %add3A_142 = arith.addf %add3A_139, %squeeze3A_141 : f32
    %eq3A_143 = arith.constant 0 : i32
    %eq3A_144 = vector.broadcast %eq3A_143 : i32 to vector<16xi32>
    %eq3A_145 = arith.cmpi eq, %iota3A, %eq3A_144 : vector<16xi32>
    %add3A_146 = vector.broadcast %add3A_142 : f32 to vector<16xf32>
    %add3A_147 = arith.addf %broadcast_in_dim3A_19, %add3A_146 : vector<16xf32>
    %select_n3A = arith.select %eq3A_145, %add3A_147, %broadcast_in_dim3A_19 : vector<16xi1>, vector<16xf32>
    %broadcast_in_dim3A_148 = arith.constant 0.000000e+00 : f32
    %broadcast_in_dim3A_149 = vector.broadcast %broadcast_in_dim3A_148 : f32 to vector<16xf32>
    %scan3A_150 = arith.constant 0 : i32
    %scan3A_151 = arith.constant 16 : i32
    %scan3A_152 = arith.addi %scan3A_150, %scan3A_151 : i32
    %scan3A_153 = arith.constant 1 : i32
    %scan3A_154 = scf.for %scan3A_1066 = %scan3A_150 to %scan3A_152 step %scan3A_153 iter_args(%scan3A_1067 = %broadcast_in_dim3A_149) -> (vector<16xf32>)  : i32 {
      %mul3A_1068 = arith.constant 16 : i32
      %mul3A_1069 = arith.muli %scan3A_1066, %mul3A_1068 : i32
      %get3A_1070 = arith.constant 1 : i32
      %get3A_1071 = arith.index_cast %get3A_1070 : i32 to index
      %get3A_1072 = arith.index_cast %mul3A_1069 : i32 to index
      %get3A_1073 = tpu.vector_load %arg9[%get3A_1071, %get3A_1072] {strides = array<i32>} : memref<16x256xf32, #tpu.memory_space<vmem>>, vector<1x16xf32>,
      %get3A_1074 = vector.shape_cast %get3A_1073 : vector<1x16xf32> to vector<16xf32>
      %mul3A_1075 = arith.constant 16 : i32
      %mul3A_1076 = arith.muli %scan3A_1066, %mul3A_1075 : i32
      %get3A_1077 = arith.index_cast %mul3A_1076 : i32 to index
      %get3A_1078 = tpu.vector_load %arg10[%get3A_1077] {strides = array<i32>} : memref<256xf32, #tpu.memory_space<vmem>>, vector<16xf32>,
      %get3A_1079 = vector.shape_cast %get3A_1078 : vector<16xf32> to vector<16xf32>
      %mul3A_1080 = arith.mulf %get3A_1074, %get3A_1079 : vector<16xf32>
      %add3A_1081 = arith.addf %scan3A_1067, %mul3A_1080 : vector<16xf32>
      scf.yield %add3A_1081 : vector<16xf32>
    }
    %scan3A_155 = arith.constant 16 : i32
    %slice3A_156 = vector.extract_strided_slice %scan3A_154 {offsets = [0], sizes = [1], strides = [1]} : vector<16xf32> to vector<1xf32>
    %squeeze3A_157 = vector.extract %slice3A_156[0] : f32 from vector<1xf32>
    %slice3A_158 = vector.extract_strided_slice %scan3A_154 {offsets = [1], sizes = [1], strides = [1]} : vector<16xf32> to vector<1xf32>
    %squeeze3A_159 = vector.extract %slice3A_158[0] : f32 from vector<1xf32>
    %add3A_160 = arith.addf %squeeze3A_157, %squeeze3A_159 : f32
    %slice3A_161 = vector.extract_strided_slice %scan3A_154 {offsets = [2], sizes = [1], strides = [1]} : vector<16xf32> to vector<1xf32>
    %squeeze3A_162 = vector.extract %slice3A_161[0] : f32 from vector<1xf32>
    %add3A_163 = arith.addf %add3A_160, %squeeze3A_162 : f32
    %slice3A_164 = vector.extract_strided_slice %scan3A_154 {offsets = [3], sizes = [1], strides = [1]} : vector<16xf32> to vector<1xf32>
    %squeeze3A_165 = vector.extract %slice3A_164[0] : f32 from vector<1xf32>
    %add3A_166 = arith.addf %add3A_163, %squeeze3A_165 : f32
    %slice3A_167 = vector.extract_strided_slice %scan3A_154 {offsets = [4], sizes = [1], strides = [1]} : vector<16xf32> to vector<1xf32>
    %squeeze3A_168 = vector.extract %slice3A_167[0] : f32 from vector<1xf32>
    %add3A_169 = arith.addf %add3A_166, %squeeze3A_168 : f32
    %slice3A_170 = vector.extract_strided_slice %scan3A_154 {offsets = [5], sizes = [1], strides = [1]} : vector<16xf32> to vector<1xf32>
    %squeeze3A_171 = vector.extract %slice3A_170[0] : f32 from vector<1xf32>
    %add3A_172 = arith.addf %add3A_169, %squeeze3A_171 : f32
    %slice3A_173 = vector.extract_strided_slice %scan3A_154 {offsets = [6], sizes = [1], strides = [1]} : vector<16xf32> to vector<1xf32>
    %squeeze3A_174 = vector.extract %slice3A_173[0] : f32 from vector<1xf32>
    %add3A_175 = arith.addf %add3A_172, %squeeze3A_174 : f32
    %slice3A_176 = vector.extract_strided_slice %scan3A_154 {offsets = [7], sizes = [1], strides = [1]} : vector<16xf32> to vector<1xf32>
    %squeeze3A_177 = vector.extract %slice3A_176[0] : f32 from vector<1xf32>
    %add3A_178 = arith.addf %add3A_175, %squeeze3A_177 : f32
    %slice3A_179 = vector.extract_strided_slice %scan3A_154 {offsets = [8], sizes = [1], strides = [1]} : vector<16xf32> to vector<1xf32>
    %squeeze3A_180 = vector.extract %slice3A_179[0] : f32 from vector<1xf32>
    %add3A_181 = arith.addf %add3A_178, %squeeze3A_180 : f32
    %slice3A_182 = vector.extract_strided_slice %scan3A_154 {offsets = [9], sizes = [1], strides = [1]} : vector<16xf32> to vector<1xf32>
    %squeeze3A_183 = vector.extract %slice3A_182[0] : f32 from vector<1xf32>
    %add3A_184 = arith.addf %add3A_181, %squeeze3A_183 : f32
    %slice3A_185 = vector.extract_strided_slice %scan3A_154 {offsets = [10], sizes = [1], strides = [1]} : vector<16xf32> to vector<1xf32>
    %squeeze3A_186 = vector.extract %slice3A_185[0] : f32 from vector<1xf32>
    %add3A_187 = arith.addf %add3A_184, %squeeze3A_186 : f32
    %slice3A_188 = vector.extract_strided_slice %scan3A_154 {offsets = [11], sizes = [1], strides = [1]} : vector<16xf32> to vector<1xf32>
    %squeeze3A_189 = vector.extract %slice3A_188[0] : f32 from vector<1xf32>
    %add3A_190 = arith.addf %add3A_187, %squeeze3A_189 : f32
    %slice3A_191 = vector.extract_strided_slice %scan3A_154 {offsets = [12], sizes = [1], strides = [1]} : vector<16xf32> to vector<1xf32>
    %squeeze3A_192 = vector.extract %slice3A_191[0] : f32 from vector<1xf32>
    %add3A_193 = arith.addf %add3A_190, %squeeze3A_192 : f32
    %slice3A_194 = vector.extract_strided_slice %scan3A_154 {offsets = [13], sizes = [1], strides = [1]} : vector<16xf32> to vector<1xf32>
    %squeeze3A_195 = vector.extract %slice3A_194[0] : f32 from vector<1xf32>
    %add3A_196 = arith.addf %add3A_193, %squeeze3A_195 : f32
    %slice3A_197 = vector.extract_strided_slice %scan3A_154 {offsets = [14], sizes = [1], strides = [1]} : vector<16xf32> to vector<1xf32>
    %squeeze3A_198 = vector.extract %slice3A_197[0] : f32 from vector<1xf32>
    %add3A_199 = arith.addf %add3A_196, %squeeze3A_198 : f32
    %slice3A_200 = vector.extract_strided_slice %scan3A_154 {offsets = [15], sizes = [1], strides = [1]} : vector<16xf32> to vector<1xf32>
    %squeeze3A_201 = vector.extract %slice3A_200[0] : f32 from vector<1xf32>
    %add3A_202 = arith.addf %add3A_199, %squeeze3A_201 : f32
    %eq3A_203 = arith.constant 1 : i32
    %eq3A_204 = vector.broadcast %eq3A_203 : i32 to vector<16xi32>
    %eq3A_205 = arith.cmpi eq, %iota3A, %eq3A_204 : vector<16xi32>
    %add3A_206 = vector.broadcast %add3A_202 : f32 to vector<16xf32>
    %add3A_207 = arith.addf %select_n3A, %add3A_206 : vector<16xf32>
    %select_n3A_208 = arith.select %eq3A_205, %add3A_207, %select_n3A : vector<16xi1>, vector<16xf32>
    %broadcast_in_dim3A_209 = arith.constant 0.000000e+00 : f32
    %broadcast_in_dim3A_210 = vector.broadcast %broadcast_in_dim3A_209 : f32 to vector<16xf32>
    %scan3A_211 = arith.constant 0 : i32
    %scan3A_212 = arith.constant 16 : i32
    %scan3A_213 = arith.addi %scan3A_211, %scan3A_212 : i32
    %scan3A_214 = arith.constant 1 : i32
    %scan3A_215 = scf.for %scan3A_1066 = %scan3A_211 to %scan3A_213 step %scan3A_214 iter_args(%scan3A_1067 = %broadcast_in_dim3A_210) -> (vector<16xf32>)  : i32 {
      %mul3A_1068 = arith.constant 16 : i32
      %mul3A_1069 = arith.muli %scan3A_1066, %mul3A_1068 : i32
      %get3A_1070 = arith.constant 2 : i32
      %get3A_1071 = arith.index_cast %get3A_1070 : i32 to index
      %get3A_1072 = arith.index_cast %mul3A_1069 : i32 to index
      %get3A_1073 = tpu.vector_load %arg9[%get3A_1071, %get3A_1072] {strides = array<i32>} : memref<16x256xf32, #tpu.memory_space<vmem>>, vector<1x16xf32>,
      %get3A_1074 = vector.shape_cast %get3A_1073 : vector<1x16xf32> to vector<16xf32>
      %mul3A_1075 = arith.constant 16 : i32
      %mul3A_1076 = arith.muli %scan3A_1066, %mul3A_1075 : i32
      %get3A_1077 = arith.index_cast %mul3A_1076 : i32 to index
      %get3A_1078 = tpu.vector_load %arg10[%get3A_1077] {strides = array<i32>} : memref<256xf32, #tpu.memory_space<vmem>>, vector<16xf32>,
      %get3A_1079 = vector.shape_cast %get3A_1078 : vector<16xf32> to vector<16xf32>
      %mul3A_1080 = arith.mulf %get3A_1074, %get3A_1079 : vector<16xf32>
      %add3A_1081 = arith.addf %scan3A_1067, %mul3A_1080 : vector<16xf32>
      scf.yield %add3A_1081 : vector<16xf32>
    }
    %scan3A_216 = arith.constant 16 : i32
    %slice3A_217 = vector.extract_strided_slice %scan3A_215 {offsets = [0], sizes = [1], strides = [1]} : vector<16xf32> to vector<1xf32>
    %squeeze3A_218 = vector.extract %slice3A_217[0] : f32 from vector<1xf32>
    %slice3A_219 = vector.extract_strided_slice %scan3A_215 {offsets = [1], sizes = [1], strides = [1]} : vector<16xf32> to vector<1xf32>
    %squeeze3A_220 = vector.extract %slice3A_219[0] : f32 from vector<1xf32>
    %add3A_221 = arith.addf %squeeze3A_218, %squeeze3A_220 : f32
    %slice3A_222 = vector.extract_strided_slice %scan3A_215 {offsets = [2], sizes = [1], strides = [1]} : vector<16xf32> to vector<1xf32>
    %squeeze3A_223 = vector.extract %slice3A_222[0] : f32 from vector<1xf32>
    %add3A_224 = arith.addf %add3A_221, %squeeze3A_223 : f32
    %slice3A_225 = vector.extract_strided_slice %scan3A_215 {offsets = [3], sizes = [1], strides = [1]} : vector<16xf32> to vector<1xf32>
    %squeeze3A_226 = vector.extract %slice3A_225[0] : f32 from vector<1xf32>
    %add3A_227 = arith.addf %add3A_224, %squeeze3A_226 : f32
    %slice3A_228 = vector.extract_strided_slice %scan3A_215 {offsets = [4], sizes = [1], strides = [1]} : vector<16xf32> to vector<1xf32>
    %squeeze3A_229 = vector.extract %slice3A_228[0] : f32 from vector<1xf32>
    %add3A_230 = arith.addf %add3A_227, %squeeze3A_229 : f32
    %slice3A_231 = vector.extract_strided_slice %scan3A_215 {offsets = [5], sizes = [1], strides = [1]} : vector<16xf32> to vector<1xf32>
    %squeeze3A_232 = vector.extract %slice3A_231[0] : f32 from vector<1xf32>
    %add3A_233 = arith.addf %add3A_230, %squeeze3A_232 : f32
    %slice3A_234 = vector.extract_strided_slice %scan3A_215 {offsets = [6], sizes = [1], strides = [1]} : vector<16xf32> to vector<1xf32>
    %squeeze3A_235 = vector.extract %slice3A_234[0] : f32 from vector<1xf32>
    %add3A_236 = arith.addf %add3A_233, %squeeze3A_235 : f32
    %slice3A_237 = vector.extract_strided_slice %scan3A_215 {offsets = [7], sizes = [1], strides = [1]} : vector<16xf32> to vector<1xf32>
    %squeeze3A_238 = vector.extract %slice3A_237[0] : f32 from vector<1xf32>
    %add3A_239 = arith.addf %add3A_236, %squeeze3A_238 : f32
    %slice3A_240 = vector.extract_strided_slice %scan3A_215 {offsets = [8], sizes = [1], strides = [1]} : vector<16xf32> to vector<1xf32>
    %squeeze3A_241 = vector.extract %slice3A_240[0] : f32 from vector<1xf32>
    %add3A_242 = arith.addf %add3A_239, %squeeze3A_241 : f32
    %slice3A_243 = vector.extract_strided_slice %scan3A_215 {offsets = [9], sizes = [1], strides = [1]} : vector<16xf32> to vector<1xf32>
    %squeeze3A_244 = vector.extract %slice3A_243[0] : f32 from vector<1xf32>
    %add3A_245 = arith.addf %add3A_242, %squeeze3A_244 : f32
    %slice3A_246 = vector.extract_strided_slice %scan3A_215 {offsets = [10], sizes = [1], strides = [1]} : vector<16xf32> to vector<1xf32>
    %squeeze3A_247 = vector.extract %slice3A_246[0] : f32 from vector<1xf32>
    %add3A_248 = arith.addf %add3A_245, %squeeze3A_247 : f32
    %slice3A_249 = vector.extract_strided_slice %scan3A_215 {offsets = [11], sizes = [1], strides = [1]} : vector<16xf32> to vector<1xf32>
    %squeeze3A_250 = vector.extract %slice3A_249[0] : f32 from vector<1xf32>
    %add3A_251 = arith.addf %add3A_248, %squeeze3A_250 : f32
    %slice3A_252 = vector.extract_strided_slice %scan3A_215 {offsets = [12], sizes = [1], strides = [1]} : vector<16xf32> to vector<1xf32>
    %squeeze3A_253 = vector.extract %slice3A_252[0] : f32 from vector<1xf32>
    %add3A_254 = arith.addf %add3A_251, %squeeze3A_253 : f32
    %slice3A_255 = vector.extract_strided_slice %scan3A_215 {offsets = [13], sizes = [1], strides = [1]} : vector<16xf32> to vector<1xf32>
    %squeeze3A_256 = vector.extract %slice3A_255[0] : f32 from vector<1xf32>
    %add3A_257 = arith.addf %add3A_254, %squeeze3A_256 : f32
    %slice3A_258 = vector.extract_strided_slice %scan3A_215 {offsets = [14], sizes = [1], strides = [1]} : vector<16xf32> to vector<1xf32>
    %squeeze3A_259 = vector.extract %slice3A_258[0] : f32 from vector<1xf32>
    %add3A_260 = arith.addf %add3A_257, %squeeze3A_259 : f32
    %slice3A_261 = vector.extract_strided_slice %scan3A_215 {offsets = [15], sizes = [1], strides = [1]} : vector<16xf32> to vector<1xf32>
    %squeeze3A_262 = vector.extract %slice3A_261[0] : f32 from vector<1xf32>
    %add3A_263 = arith.addf %add3A_260, %squeeze3A_262 : f32
    %eq3A_264 = arith.constant 2 : i32
    %eq3A_265 = vector.broadcast %eq3A_264 : i32 to vector<16xi32>
    %eq3A_266 = arith.cmpi eq, %iota3A, %eq3A_265 : vector<16xi32>
    %add3A_267 = vector.broadcast %add3A_263 : f32 to vector<16xf32>
    %add3A_268 = arith.addf %select_n3A_208, %add3A_267 : vector<16xf32>
    %select_n3A_269 = arith.select %eq3A_266, %add3A_268, %select_n3A_208 : vector<16xi1>, vector<16xf32>
    %broadcast_in_dim3A_270 = arith.constant 0.000000e+00 : f32
    %broadcast_in_dim3A_271 = vector.broadcast %broadcast_in_dim3A_270 : f32 to vector<16xf32>
    %scan3A_272 = arith.constant 0 : i32
    %scan3A_273 = arith.constant 16 : i32
    %scan3A_274 = arith.addi %scan3A_272, %scan3A_273 : i32
    %scan3A_275 = arith.constant 1 : i32
    %scan3A_276 = scf.for %scan3A_1066 = %scan3A_272 to %scan3A_274 step %scan3A_275 iter_args(%scan3A_1067 = %broadcast_in_dim3A_271) -> (vector<16xf32>)  : i32 {
      %mul3A_1068 = arith.constant 16 : i32
      %mul3A_1069 = arith.muli %scan3A_1066, %mul3A_1068 : i32
      %get3A_1070 = arith.constant 3 : i32
      %get3A_1071 = arith.index_cast %get3A_1070 : i32 to index
      %get3A_1072 = arith.index_cast %mul3A_1069 : i32 to index
      %get3A_1073 = tpu.vector_load %arg9[%get3A_1071, %get3A_1072] {strides = array<i32>} : memref<16x256xf32, #tpu.memory_space<vmem>>, vector<1x16xf32>,
      %get3A_1074 = vector.shape_cast %get3A_1073 : vector<1x16xf32> to vector<16xf32>
      %mul3A_1075 = arith.constant 16 : i32
      %mul3A_1076 = arith.muli %scan3A_1066, %mul3A_1075 : i32
      %get3A_1077 = arith.index_cast %mul3A_1076 : i32 to index
      %get3A_1078 = tpu.vector_load %arg10[%get3A_1077] {strides = array<i32>} : memref<256xf32, #tpu.memory_space<vmem>>, vector<16xf32>,
      %get3A_1079 = vector.shape_cast %get3A_1078 : vector<16xf32> to vector<16xf32>
      %mul3A_1080 = arith.mulf %get3A_1074, %get3A_1079 : vector<16xf32>
      %add3A_1081 = arith.addf %scan3A_1067, %mul3A_1080 : vector<16xf32>
      scf.yield %add3A_1081 : vector<16xf32>
    }
    %scan3A_277 = arith.constant 16 : i32
    %slice3A_278 = vector.extract_strided_slice %scan3A_276 {offsets = [0], sizes = [1], strides = [1]} : vector<16xf32> to vector<1xf32>
    %squeeze3A_279 = vector.extract %slice3A_278[0] : f32 from vector<1xf32>
    %slice3A_280 = vector.extract_strided_slice %scan3A_276 {offsets = [1], sizes = [1], strides = [1]} : vector<16xf32> to vector<1xf32>
    %squeeze3A_281 = vector.extract %slice3A_280[0] : f32 from vector<1xf32>
    %add3A_282 = arith.addf %squeeze3A_279, %squeeze3A_281 : f32
    %slice3A_283 = vector.extract_strided_slice %scan3A_276 {offsets = [2], sizes = [1], strides = [1]} : vector<16xf32> to vector<1xf32>
    %squeeze3A_284 = vector.extract %slice3A_283[0] : f32 from vector<1xf32>
    %add3A_285 = arith.addf %add3A_282, %squeeze3A_284 : f32
    %slice3A_286 = vector.extract_strided_slice %scan3A_276 {offsets = [3], sizes = [1], strides = [1]} : vector<16xf32> to vector<1xf32>
    %squeeze3A_287 = vector.extract %slice3A_286[0] : f32 from vector<1xf32>
    %add3A_288 = arith.addf %add3A_285, %squeeze3A_287 : f32
    %slice3A_289 = vector.extract_strided_slice %scan3A_276 {offsets = [4], sizes = [1], strides = [1]} : vector<16xf32> to vector<1xf32>
    %squeeze3A_290 = vector.extract %slice3A_289[0] : f32 from vector<1xf32>
    %add3A_291 = arith.addf %add3A_288, %squeeze3A_290 : f32
    %slice3A_292 = vector.extract_strided_slice %scan3A_276 {offsets = [5], sizes = [1], strides = [1]} : vector<16xf32> to vector<1xf32>
    %squeeze3A_293 = vector.extract %slice3A_292[0] : f32 from vector<1xf32>
    %add3A_294 = arith.addf %add3A_291, %squeeze3A_293 : f32
    %slice3A_295 = vector.extract_strided_slice %scan3A_276 {offsets = [6], sizes = [1], strides = [1]} : vector<16xf32> to vector<1xf32>
    %squeeze3A_296 = vector.extract %slice3A_295[0] : f32 from vector<1xf32>
    %add3A_297 = arith.addf %add3A_294, %squeeze3A_296 : f32
    %slice3A_298 = vector.extract_strided_slice %scan3A_276 {offsets = [7], sizes = [1], strides = [1]} : vector<16xf32> to vector<1xf32>
    %squeeze3A_299 = vector.extract %slice3A_298[0] : f32 from vector<1xf32>
    %add3A_300 = arith.addf %add3A_297, %squeeze3A_299 : f32
    %slice3A_301 = vector.extract_strided_slice %scan3A_276 {offsets = [8], sizes = [1], strides = [1]} : vector<16xf32> to vector<1xf32>
    %squeeze3A_302 = vector.extract %slice3A_301[0] : f32 from vector<1xf32>
    %add3A_303 = arith.addf %add3A_300, %squeeze3A_302 : f32
    %slice3A_304 = vector.extract_strided_slice %scan3A_276 {offsets = [9], sizes = [1], strides = [1]} : vector<16xf32> to vector<1xf32>
    %squeeze3A_305 = vector.extract %slice3A_304[0] : f32 from vector<1xf32>
    %add3A_306 = arith.addf %add3A_303, %squeeze3A_305 : f32
    %slice3A_307 = vector.extract_strided_slice %scan3A_276 {offsets = [10], sizes = [1], strides = [1]} : vector<16xf32> to vector<1xf32>
    %squeeze3A_308 = vector.extract %slice3A_307[0] : f32 from vector<1xf32>
    %add3A_309 = arith.addf %add3A_306, %squeeze3A_308 : f32
    %slice3A_310 = vector.extract_strided_slice %scan3A_276 {offsets = [11], sizes = [1], strides = [1]} : vector<16xf32> to vector<1xf32>
    %squeeze3A_311 = vector.extract %slice3A_310[0] : f32 from vector<1xf32>
    %add3A_312 = arith.addf %add3A_309, %squeeze3A_311 : f32
    %slice3A_313 = vector.extract_strided_slice %scan3A_276 {offsets = [12], sizes = [1], strides = [1]} : vector<16xf32> to vector<1xf32>
    %squeeze3A_314 = vector.extract %slice3A_313[0] : f32 from vector<1xf32>
    %add3A_315 = arith.addf %add3A_312, %squeeze3A_314 : f32
    %slice3A_316 = vector.extract_strided_slice %scan3A_276 {offsets = [13], sizes = [1], strides = [1]} : vector<16xf32> to vector<1xf32>
    %squeeze3A_317 = vector.extract %slice3A_316[0] : f32 from vector<1xf32>
    %add3A_318 = arith.addf %add3A_315, %squeeze3A_317 : f32
    %slice3A_319 = vector.extract_strided_slice %scan3A_276 {offsets = [14], sizes = [1], strides = [1]} : vector<16xf32> to vector<1xf32>
    %squeeze3A_320 = vector.extract %slice3A_319[0] : f32 from vector<1xf32>
    %add3A_321 = arith.addf %add3A_318, %squeeze3A_320 : f32
    %slice3A_322 = vector.extract_strided_slice %scan3A_276 {offsets = [15], sizes = [1], strides = [1]} : vector<16xf32> to vector<1xf32>
    %squeeze3A_323 = vector.extract %slice3A_322[0] : f32 from vector<1xf32>
    %add3A_324 = arith.addf %add3A_321, %squeeze3A_323 : f32
    %eq3A_325 = arith.constant 3 : i32
    %eq3A_326 = vector.broadcast %eq3A_325 : i32 to vector<16xi32>
    %eq3A_327 = arith.cmpi eq, %iota3A, %eq3A_326 : vector<16xi32>
    %add3A_328 = vector.broadcast %add3A_324 : f32 to vector<16xf32>
    %add3A_329 = arith.addf %select_n3A_269, %add3A_328 : vector<16xf32>
    %select_n3A_330 = arith.select %eq3A_327, %add3A_329, %select_n3A_269 : vector<16xi1>, vector<16xf32>
    %broadcast_in_dim3A_331 = arith.constant 0.000000e+00 : f32
    %broadcast_in_dim3A_332 = vector.broadcast %broadcast_in_dim3A_331 : f32 to vector<16xf32>
    %scan3A_333 = arith.constant 0 : i32
    %scan3A_334 = arith.constant 16 : i32
    %scan3A_335 = arith.addi %scan3A_333, %scan3A_334 : i32
    %scan3A_336 = arith.constant 1 : i32
    %scan3A_337 = scf.for %scan3A_1066 = %scan3A_333 to %scan3A_335 step %scan3A_336 iter_args(%scan3A_1067 = %broadcast_in_dim3A_332) -> (vector<16xf32>)  : i32 {
      %mul3A_1068 = arith.constant 16 : i32
      %mul3A_1069 = arith.muli %scan3A_1066, %mul3A_1068 : i32
      %get3A_1070 = arith.constant 4 : i32
      %get3A_1071 = arith.index_cast %get3A_1070 : i32 to index
      %get3A_1072 = arith.index_cast %mul3A_1069 : i32 to index
      %get3A_1073 = tpu.vector_load %arg9[%get3A_1071, %get3A_1072] {strides = array<i32>} : memref<16x256xf32, #tpu.memory_space<vmem>>, vector<1x16xf32>,
      %get3A_1074 = vector.shape_cast %get3A_1073 : vector<1x16xf32> to vector<16xf32>
      %mul3A_1075 = arith.constant 16 : i32
      %mul3A_1076 = arith.muli %scan3A_1066, %mul3A_1075 : i32
      %get3A_1077 = arith.index_cast %mul3A_1076 : i32 to index
      %get3A_1078 = tpu.vector_load %arg10[%get3A_1077] {strides = array<i32>} : memref<256xf32, #tpu.memory_space<vmem>>, vector<16xf32>,
      %get3A_1079 = vector.shape_cast %get3A_1078 : vector<16xf32> to vector<16xf32>
      %mul3A_1080 = arith.mulf %get3A_1074, %get3A_1079 : vector<16xf32>
      %add3A_1081 = arith.addf %scan3A_1067, %mul3A_1080 : vector<16xf32>
      scf.yield %add3A_1081 : vector<16xf32>
    }
    %scan3A_338 = arith.constant 16 : i32
    %slice3A_339 = vector.extract_strided_slice %scan3A_337 {offsets = [0], sizes = [1], strides = [1]} : vector<16xf32> to vector<1xf32>
    %squeeze3A_340 = vector.extract %slice3A_339[0] : f32 from vector<1xf32>
    %slice3A_341 = vector.extract_strided_slice %scan3A_337 {offsets = [1], sizes = [1], strides = [1]} : vector<16xf32> to vector<1xf32>
    %squeeze3A_342 = vector.extract %slice3A_341[0] : f32 from vector<1xf32>
    %add3A_343 = arith.addf %squeeze3A_340, %squeeze3A_342 : f32
    %slice3A_344 = vector.extract_strided_slice %scan3A_337 {offsets = [2], sizes = [1], strides = [1]} : vector<16xf32> to vector<1xf32>
    %squeeze3A_345 = vector.extract %slice3A_344[0] : f32 from vector<1xf32>
    %add3A_346 = arith.addf %add3A_343, %squeeze3A_345 : f32
    %slice3A_347 = vector.extract_strided_slice %scan3A_337 {offsets = [3], sizes = [1], strides = [1]} : vector<16xf32> to vector<1xf32>
    %squeeze3A_348 = vector.extract %slice3A_347[0] : f32 from vector<1xf32>
    %add3A_349 = arith.addf %add3A_346, %squeeze3A_348 : f32
    %slice3A_350 = vector.extract_strided_slice %scan3A_337 {offsets = [4], sizes = [1], strides = [1]} : vector<16xf32> to vector<1xf32>
    %squeeze3A_351 = vector.extract %slice3A_350[0] : f32 from vector<1xf32>
    %add3A_352 = arith.addf %add3A_349, %squeeze3A_351 : f32
    %slice3A_353 = vector.extract_strided_slice %scan3A_337 {offsets = [5], sizes = [1], strides = [1]} : vector<16xf32> to vector<1xf32>
    %squeeze3A_354 = vector.extract %slice3A_353[0] : f32 from vector<1xf32>
    %add3A_355 = arith.addf %add3A_352, %squeeze3A_354 : f32
    %slice3A_356 = vector.extract_strided_slice %scan3A_337 {offsets = [6], sizes = [1], strides = [1]} : vector<16xf32> to vector<1xf32>
    %squeeze3A_357 = vector.extract %slice3A_356[0] : f32 from vector<1xf32>
    %add3A_358 = arith.addf %add3A_355, %squeeze3A_357 : f32
    %slice3A_359 = vector.extract_strided_slice %scan3A_337 {offsets = [7], sizes = [1], strides = [1]} : vector<16xf32> to vector<1xf32>
    %squeeze3A_360 = vector.extract %slice3A_359[0] : f32 from vector<1xf32>
    %add3A_361 = arith.addf %add3A_358, %squeeze3A_360 : f32
    %slice3A_362 = vector.extract_strided_slice %scan3A_337 {offsets = [8], sizes = [1], strides = [1]} : vector<16xf32> to vector<1xf32>
    %squeeze3A_363 = vector.extract %slice3A_362[0] : f32 from vector<1xf32>
    %add3A_364 = arith.addf %add3A_361, %squeeze3A_363 : f32
    %slice3A_365 = vector.extract_strided_slice %scan3A_337 {offsets = [9], sizes = [1], strides = [1]} : vector<16xf32> to vector<1xf32>
    %squeeze3A_366 = vector.extract %slice3A_365[0] : f32 from vector<1xf32>
    %add3A_367 = arith.addf %add3A_364, %squeeze3A_366 : f32
    %slice3A_368 = vector.extract_strided_slice %scan3A_337 {offsets = [10], sizes = [1], strides = [1]} : vector<16xf32> to vector<1xf32>
    %squeeze3A_369 = vector.extract %slice3A_368[0] : f32 from vector<1xf32>
    %add3A_370 = arith.addf %add3A_367, %squeeze3A_369 : f32
    %slice3A_371 = vector.extract_strided_slice %scan3A_337 {offsets = [11], sizes = [1], strides = [1]} : vector<16xf32> to vector<1xf32>
    %squeeze3A_372 = vector.extract %slice3A_371[0] : f32 from vector<1xf32>
    %add3A_373 = arith.addf %add3A_370, %squeeze3A_372 : f32
    %slice3A_374 = vector.extract_strided_slice %scan3A_337 {offsets = [12], sizes = [1], strides = [1]} : vector<16xf32> to vector<1xf32>
    %squeeze3A_375 = vector.extract %slice3A_374[0] : f32 from vector<1xf32>
    %add3A_376 = arith.addf %add3A_373, %squeeze3A_375 : f32
    %slice3A_377 = vector.extract_strided_slice %scan3A_337 {offsets = [13], sizes = [1], strides = [1]} : vector<16xf32> to vector<1xf32>
    %squeeze3A_378 = vector.extract %slice3A_377[0] : f32 from vector<1xf32>
    %add3A_379 = arith.addf %add3A_376, %squeeze3A_378 : f32
    %slice3A_380 = vector.extract_strided_slice %scan3A_337 {offsets = [14], sizes = [1], strides = [1]} : vector<16xf32> to vector<1xf32>
    %squeeze3A_381 = vector.extract %slice3A_380[0] : f32 from vector<1xf32>
    %add3A_382 = arith.addf %add3A_379, %squeeze3A_381 : f32
    %slice3A_383 = vector.extract_strided_slice %scan3A_337 {offsets = [15], sizes = [1], strides = [1]} : vector<16xf32> to vector<1xf32>
    %squeeze3A_384 = vector.extract %slice3A_383[0] : f32 from vector<1xf32>
    %add3A_385 = arith.addf %add3A_382, %squeeze3A_384 : f32
    %eq3A_386 = arith.constant 4 : i32
    %eq3A_387 = vector.broadcast %eq3A_386 : i32 to vector<16xi32>
    %eq3A_388 = arith.cmpi eq, %iota3A, %eq3A_387 : vector<16xi32>
    %add3A_389 = vector.broadcast %add3A_385 : f32 to vector<16xf32>
    %add3A_390 = arith.addf %select_n3A_330, %add3A_389 : vector<16xf32>
    %select_n3A_391 = arith.select %eq3A_388, %add3A_390, %select_n3A_330 : vector<16xi1>, vector<16xf32>
    %broadcast_in_dim3A_392 = arith.constant 0.000000e+00 : f32
    %broadcast_in_dim3A_393 = vector.broadcast %broadcast_in_dim3A_392 : f32 to vector<16xf32>
    %scan3A_394 = arith.constant 0 : i32
    %scan3A_395 = arith.constant 16 : i32
    %scan3A_396 = arith.addi %scan3A_394, %scan3A_395 : i32
    %scan3A_397 = arith.constant 1 : i32
    %scan3A_398 = scf.for %scan3A_1066 = %scan3A_394 to %scan3A_396 step %scan3A_397 iter_args(%scan3A_1067 = %broadcast_in_dim3A_393) -> (vector<16xf32>)  : i32 {
      %mul3A_1068 = arith.constant 16 : i32
      %mul3A_1069 = arith.muli %scan3A_1066, %mul3A_1068 : i32
      %get3A_1070 = arith.constant 5 : i32
      %get3A_1071 = arith.index_cast %get3A_1070 : i32 to index
      %get3A_1072 = arith.index_cast %mul3A_1069 : i32 to index
      %get3A_1073 = tpu.vector_load %arg9[%get3A_1071, %get3A_1072] {strides = array<i32>} : memref<16x256xf32, #tpu.memory_space<vmem>>, vector<1x16xf32>,
      %get3A_1074 = vector.shape_cast %get3A_1073 : vector<1x16xf32> to vector<16xf32>
      %mul3A_1075 = arith.constant 16 : i32
      %mul3A_1076 = arith.muli %scan3A_1066, %mul3A_1075 : i32
      %get3A_1077 = arith.index_cast %mul3A_1076 : i32 to index
      %get3A_1078 = tpu.vector_load %arg10[%get3A_1077] {strides = array<i32>} : memref<256xf32, #tpu.memory_space<vmem>>, vector<16xf32>,
      %get3A_1079 = vector.shape_cast %get3A_1078 : vector<16xf32> to vector<16xf32>
      %mul3A_1080 = arith.mulf %get3A_1074, %get3A_1079 : vector<16xf32>
      %add3A_1081 = arith.addf %scan3A_1067, %mul3A_1080 : vector<16xf32>
      scf.yield %add3A_1081 : vector<16xf32>
    }
    %scan3A_399 = arith.constant 16 : i32
    %slice3A_400 = vector.extract_strided_slice %scan3A_398 {offsets = [0], sizes = [1], strides = [1]} : vector<16xf32> to vector<1xf32>
    %squeeze3A_401 = vector.extract %slice3A_400[0] : f32 from vector<1xf32>
    %slice3A_402 = vector.extract_strided_slice %scan3A_398 {offsets = [1], sizes = [1], strides = [1]} : vector<16xf32> to vector<1xf32>
    %squeeze3A_403 = vector.extract %slice3A_402[0] : f32 from vector<1xf32>
    %add3A_404 = arith.addf %squeeze3A_401, %squeeze3A_403 : f32
    %slice3A_405 = vector.extract_strided_slice %scan3A_398 {offsets = [2], sizes = [1], strides = [1]} : vector<16xf32> to vector<1xf32>
    %squeeze3A_406 = vector.extract %slice3A_405[0] : f32 from vector<1xf32>
    %add3A_407 = arith.addf %add3A_404, %squeeze3A_406 : f32
    %slice3A_408 = vector.extract_strided_slice %scan3A_398 {offsets = [3], sizes = [1], strides = [1]} : vector<16xf32> to vector<1xf32>
    %squeeze3A_409 = vector.extract %slice3A_408[0] : f32 from vector<1xf32>
    %add3A_410 = arith.addf %add3A_407, %squeeze3A_409 : f32
    %slice3A_411 = vector.extract_strided_slice %scan3A_398 {offsets = [4], sizes = [1], strides = [1]} : vector<16xf32> to vector<1xf32>
    %squeeze3A_412 = vector.extract %slice3A_411[0] : f32 from vector<1xf32>
    %add3A_413 = arith.addf %add3A_410, %squeeze3A_412 : f32
    %slice3A_414 = vector.extract_strided_slice %scan3A_398 {offsets = [5], sizes = [1], strides = [1]} : vector<16xf32> to vector<1xf32>
    %squeeze3A_415 = vector.extract %slice3A_414[0] : f32 from vector<1xf32>
    %add3A_416 = arith.addf %add3A_413, %squeeze3A_415 : f32
    %slice3A_417 = vector.extract_strided_slice %scan3A_398 {offsets = [6], sizes = [1], strides = [1]} : vector<16xf32> to vector<1xf32>
    %squeeze3A_418 = vector.extract %slice3A_417[0] : f32 from vector<1xf32>
    %add3A_419 = arith.addf %add3A_416, %squeeze3A_418 : f32
    %slice3A_420 = vector.extract_strided_slice %scan3A_398 {offsets = [7], sizes = [1], strides = [1]} : vector<16xf32> to vector<1xf32>
    %squeeze3A_421 = vector.extract %slice3A_420[0] : f32 from vector<1xf32>
    %add3A_422 = arith.addf %add3A_419, %squeeze3A_421 : f32
    %slice3A_423 = vector.extract_strided_slice %scan3A_398 {offsets = [8], sizes = [1], strides = [1]} : vector<16xf32> to vector<1xf32>
    %squeeze3A_424 = vector.extract %slice3A_423[0] : f32 from vector<1xf32>
    %add3A_425 = arith.addf %add3A_422, %squeeze3A_424 : f32
    %slice3A_426 = vector.extract_strided_slice %scan3A_398 {offsets = [9], sizes = [1], strides = [1]} : vector<16xf32> to vector<1xf32>
    %squeeze3A_427 = vector.extract %slice3A_426[0] : f32 from vector<1xf32>
    %add3A_428 = arith.addf %add3A_425, %squeeze3A_427 : f32
    %slice3A_429 = vector.extract_strided_slice %scan3A_398 {offsets = [10], sizes = [1], strides = [1]} : vector<16xf32> to vector<1xf32>
    %squeeze3A_430 = vector.extract %slice3A_429[0] : f32 from vector<1xf32>
    %add3A_431 = arith.addf %add3A_428, %squeeze3A_430 : f32
    %slice3A_432 = vector.extract_strided_slice %scan3A_398 {offsets = [11], sizes = [1], strides = [1]} : vector<16xf32> to vector<1xf32>
    %squeeze3A_433 = vector.extract %slice3A_432[0] : f32 from vector<1xf32>
    %add3A_434 = arith.addf %add3A_431, %squeeze3A_433 : f32
    %slice3A_435 = vector.extract_strided_slice %scan3A_398 {offsets = [12], sizes = [1], strides = [1]} : vector<16xf32> to vector<1xf32>
    %squeeze3A_436 = vector.extract %slice3A_435[0] : f32 from vector<1xf32>
    %add3A_437 = arith.addf %add3A_434, %squeeze3A_436 : f32
    %slice3A_438 = vector.extract_strided_slice %scan3A_398 {offsets = [13], sizes = [1], strides = [1]} : vector<16xf32> to vector<1xf32>
    %squeeze3A_439 = vector.extract %slice3A_438[0] : f32 from vector<1xf32>
    %add3A_440 = arith.addf %add3A_437, %squeeze3A_439 : f32
    %slice3A_441 = vector.extract_strided_slice %scan3A_398 {offsets = [14], sizes = [1], strides = [1]} : vector<16xf32> to vector<1xf32>
    %squeeze3A_442 = vector.extract %slice3A_441[0] : f32 from vector<1xf32>
    %add3A_443 = arith.addf %add3A_440, %squeeze3A_442 : f32
    %slice3A_444 = vector.extract_strided_slice %scan3A_398 {offsets = [15], sizes = [1], strides = [1]} : vector<16xf32> to vector<1xf32>
    %squeeze3A_445 = vector.extract %slice3A_444[0] : f32 from vector<1xf32>
    %add3A_446 = arith.addf %add3A_443, %squeeze3A_445 : f32
    %eq3A_447 = arith.constant 5 : i32
    %eq3A_448 = vector.broadcast %eq3A_447 : i32 to vector<16xi32>
    %eq3A_449 = arith.cmpi eq, %iota3A, %eq3A_448 : vector<16xi32>
    %add3A_450 = vector.broadcast %add3A_446 : f32 to vector<16xf32>
    %add3A_451 = arith.addf %select_n3A_391, %add3A_450 : vector<16xf32>
    %select_n3A_452 = arith.select %eq3A_449, %add3A_451, %select_n3A_391 : vector<16xi1>, vector<16xf32>
    %broadcast_in_dim3A_453 = arith.constant 0.000000e+00 : f32
    %broadcast_in_dim3A_454 = vector.broadcast %broadcast_in_dim3A_453 : f32 to vector<16xf32>
    %scan3A_455 = arith.constant 0 : i32
    %scan3A_456 = arith.constant 16 : i32
    %scan3A_457 = arith.addi %scan3A_455, %scan3A_456 : i32
    %scan3A_458 = arith.constant 1 : i32
    %scan3A_459 = scf.for %scan3A_1066 = %scan3A_455 to %scan3A_457 step %scan3A_458 iter_args(%scan3A_1067 = %broadcast_in_dim3A_454) -> (vector<16xf32>)  : i32 {
      %mul3A_1068 = arith.constant 16 : i32
      %mul3A_1069 = arith.muli %scan3A_1066, %mul3A_1068 : i32
      %get3A_1070 = arith.constant 6 : i32
      %get3A_1071 = arith.index_cast %get3A_1070 : i32 to index
      %get3A_1072 = arith.index_cast %mul3A_1069 : i32 to index
      %get3A_1073 = tpu.vector_load %arg9[%get3A_1071, %get3A_1072] {strides = array<i32>} : memref<16x256xf32, #tpu.memory_space<vmem>>, vector<1x16xf32>,
      %get3A_1074 = vector.shape_cast %get3A_1073 : vector<1x16xf32> to vector<16xf32>
      %mul3A_1075 = arith.constant 16 : i32
      %mul3A_1076 = arith.muli %scan3A_1066, %mul3A_1075 : i32
      %get3A_1077 = arith.index_cast %mul3A_1076 : i32 to index
      %get3A_1078 = tpu.vector_load %arg10[%get3A_1077] {strides = array<i32>} : memref<256xf32, #tpu.memory_space<vmem>>, vector<16xf32>,
      %get3A_1079 = vector.shape_cast %get3A_1078 : vector<16xf32> to vector<16xf32>
      %mul3A_1080 = arith.mulf %get3A_1074, %get3A_1079 : vector<16xf32>
      %add3A_1081 = arith.addf %scan3A_1067, %mul3A_1080 : vector<16xf32>
      scf.yield %add3A_1081 : vector<16xf32>
    }
    %scan3A_460 = arith.constant 16 : i32
    %slice3A_461 = vector.extract_strided_slice %scan3A_459 {offsets = [0], sizes = [1], strides = [1]} : vector<16xf32> to vector<1xf32>
    %squeeze3A_462 = vector.extract %slice3A_461[0] : f32 from vector<1xf32>
    %slice3A_463 = vector.extract_strided_slice %scan3A_459 {offsets = [1], sizes = [1], strides = [1]} : vector<16xf32> to vector<1xf32>
    %squeeze3A_464 = vector.extract %slice3A_463[0] : f32 from vector<1xf32>
    %add3A_465 = arith.addf %squeeze3A_462, %squeeze3A_464 : f32
    %slice3A_466 = vector.extract_strided_slice %scan3A_459 {offsets = [2], sizes = [1], strides = [1]} : vector<16xf32> to vector<1xf32>
    %squeeze3A_467 = vector.extract %slice3A_466[0] : f32 from vector<1xf32>
    %add3A_468 = arith.addf %add3A_465, %squeeze3A_467 : f32
    %slice3A_469 = vector.extract_strided_slice %scan3A_459 {offsets = [3], sizes = [1], strides = [1]} : vector<16xf32> to vector<1xf32>
    %squeeze3A_470 = vector.extract %slice3A_469[0] : f32 from vector<1xf32>
    %add3A_471 = arith.addf %add3A_468, %squeeze3A_470 : f32
    %slice3A_472 = vector.extract_strided_slice %scan3A_459 {offsets = [4], sizes = [1], strides = [1]} : vector<16xf32> to vector<1xf32>
    %squeeze3A_473 = vector.extract %slice3A_472[0] : f32 from vector<1xf32>
    %add3A_474 = arith.addf %add3A_471, %squeeze3A_473 : f32
    %slice3A_475 = vector.extract_strided_slice %scan3A_459 {offsets = [5], sizes = [1], strides = [1]} : vector<16xf32> to vector<1xf32>
    %squeeze3A_476 = vector.extract %slice3A_475[0] : f32 from vector<1xf32>
    %add3A_477 = arith.addf %add3A_474, %squeeze3A_476 : f32
    %slice3A_478 = vector.extract_strided_slice %scan3A_459 {offsets = [6], sizes = [1], strides = [1]} : vector<16xf32> to vector<1xf32>
    %squeeze3A_479 = vector.extract %slice3A_478[0] : f32 from vector<1xf32>
    %add3A_480 = arith.addf %add3A_477, %squeeze3A_479 : f32
    %slice3A_481 = vector.extract_strided_slice %scan3A_459 {offsets = [7], sizes = [1], strides = [1]} : vector<16xf32> to vector<1xf32>
    %squeeze3A_482 = vector.extract %slice3A_481[0] : f32 from vector<1xf32>
    %add3A_483 = arith.addf %add3A_480, %squeeze3A_482 : f32
    %slice3A_484 = vector.extract_strided_slice %scan3A_459 {offsets = [8], sizes = [1], strides = [1]} : vector<16xf32> to vector<1xf32>
    %squeeze3A_485 = vector.extract %slice3A_484[0] : f32 from vector<1xf32>
    %add3A_486 = arith.addf %add3A_483, %squeeze3A_485 : f32
    %slice3A_487 = vector.extract_strided_slice %scan3A_459 {offsets = [9], sizes = [1], strides = [1]} : vector<16xf32> to vector<1xf32>
    %squeeze3A_488 = vector.extract %slice3A_487[0] : f32 from vector<1xf32>
    %add3A_489 = arith.addf %add3A_486, %squeeze3A_488 : f32
    %slice3A_490 = vector.extract_strided_slice %scan3A_459 {offsets = [10], sizes = [1], strides = [1]} : vector<16xf32> to vector<1xf32>
    %squeeze3A_491 = vector.extract %slice3A_490[0] : f32 from vector<1xf32>
    %add3A_492 = arith.addf %add3A_489, %squeeze3A_491 : f32
    %slice3A_493 = vector.extract_strided_slice %scan3A_459 {offsets = [11], sizes = [1], strides = [1]} : vector<16xf32> to vector<1xf32>
    %squeeze3A_494 = vector.extract %slice3A_493[0] : f32 from vector<1xf32>
    %add3A_495 = arith.addf %add3A_492, %squeeze3A_494 : f32
    %slice3A_496 = vector.extract_strided_slice %scan3A_459 {offsets = [12], sizes = [1], strides = [1]} : vector<16xf32> to vector<1xf32>
    %squeeze3A_497 = vector.extract %slice3A_496[0] : f32 from vector<1xf32>
    %add3A_498 = arith.addf %add3A_495, %squeeze3A_497 : f32
    %slice3A_499 = vector.extract_strided_slice %scan3A_459 {offsets = [13], sizes = [1], strides = [1]} : vector<16xf32> to vector<1xf32>
    %squeeze3A_500 = vector.extract %slice3A_499[0] : f32 from vector<1xf32>
    %add3A_501 = arith.addf %add3A_498, %squeeze3A_500 : f32
    %slice3A_502 = vector.extract_strided_slice %scan3A_459 {offsets = [14], sizes = [1], strides = [1]} : vector<16xf32> to vector<1xf32>
    %squeeze3A_503 = vector.extract %slice3A_502[0] : f32 from vector<1xf32>
    %add3A_504 = arith.addf %add3A_501, %squeeze3A_503 : f32
    %slice3A_505 = vector.extract_strided_slice %scan3A_459 {offsets = [15], sizes = [1], strides = [1]} : vector<16xf32> to vector<1xf32>
    %squeeze3A_506 = vector.extract %slice3A_505[0] : f32 from vector<1xf32>
    %add3A_507 = arith.addf %add3A_504, %squeeze3A_506 : f32
    %eq3A_508 = arith.constant 6 : i32
    %eq3A_509 = vector.broadcast %eq3A_508 : i32 to vector<16xi32>
    %eq3A_510 = arith.cmpi eq, %iota3A, %eq3A_509 : vector<16xi32>
    %add3A_511 = vector.broadcast %add3A_507 : f32 to vector<16xf32>
    %add3A_512 = arith.addf %select_n3A_452, %add3A_511 : vector<16xf32>
    %select_n3A_513 = arith.select %eq3A_510, %add3A_512, %select_n3A_452 : vector<16xi1>, vector<16xf32>
    %broadcast_in_dim3A_514 = arith.constant 0.000000e+00 : f32
    %broadcast_in_dim3A_515 = vector.broadcast %broadcast_in_dim3A_514 : f32 to vector<16xf32>
    %scan3A_516 = arith.constant 0 : i32
    %scan3A_517 = arith.constant 16 : i32
    %scan3A_518 = arith.addi %scan3A_516, %scan3A_517 : i32
    %scan3A_519 = arith.constant 1 : i32
    %scan3A_520 = scf.for %scan3A_1066 = %scan3A_516 to %scan3A_518 step %scan3A_519 iter_args(%scan3A_1067 = %broadcast_in_dim3A_515) -> (vector<16xf32>)  : i32 {
      %mul3A_1068 = arith.constant 16 : i32
      %mul3A_1069 = arith.muli %scan3A_1066, %mul3A_1068 : i32
      %get3A_1070 = arith.constant 7 : i32
      %get3A_1071 = arith.index_cast %get3A_1070 : i32 to index
      %get3A_1072 = arith.index_cast %mul3A_1069 : i32 to index
      %get3A_1073 = tpu.vector_load %arg9[%get3A_1071, %get3A_1072] {strides = array<i32>} : memref<16x256xf32, #tpu.memory_space<vmem>>, vector<1x16xf32>,
      %get3A_1074 = vector.shape_cast %get3A_1073 : vector<1x16xf32> to vector<16xf32>
      %mul3A_1075 = arith.constant 16 : i32
      %mul3A_1076 = arith.muli %scan3A_1066, %mul3A_1075 : i32
      %get3A_1077 = arith.index_cast %mul3A_1076 : i32 to index
      %get3A_1078 = tpu.vector_load %arg10[%get3A_1077] {strides = array<i32>} : memref<256xf32, #tpu.memory_space<vmem>>, vector<16xf32>,
      %get3A_1079 = vector.shape_cast %get3A_1078 : vector<16xf32> to vector<16xf32>
      %mul3A_1080 = arith.mulf %get3A_1074, %get3A_1079 : vector<16xf32>
      %add3A_1081 = arith.addf %scan3A_1067, %mul3A_1080 : vector<16xf32>
      scf.yield %add3A_1081 : vector<16xf32>
    }
    %scan3A_521 = arith.constant 16 : i32
    %slice3A_522 = vector.extract_strided_slice %scan3A_520 {offsets = [0], sizes = [1], strides = [1]} : vector<16xf32> to vector<1xf32>
    %squeeze3A_523 = vector.extract %slice3A_522[0] : f32 from vector<1xf32>
    %slice3A_524 = vector.extract_strided_slice %scan3A_520 {offsets = [1], sizes = [1], strides = [1]} : vector<16xf32> to vector<1xf32>
    %squeeze3A_525 = vector.extract %slice3A_524[0] : f32 from vector<1xf32>
    %add3A_526 = arith.addf %squeeze3A_523, %squeeze3A_525 : f32
    %slice3A_527 = vector.extract_strided_slice %scan3A_520 {offsets = [2], sizes = [1], strides = [1]} : vector<16xf32> to vector<1xf32>
    %squeeze3A_528 = vector.extract %slice3A_527[0] : f32 from vector<1xf32>
    %add3A_529 = arith.addf %add3A_526, %squeeze3A_528 : f32
    %slice3A_530 = vector.extract_strided_slice %scan3A_520 {offsets = [3], sizes = [1], strides = [1]} : vector<16xf32> to vector<1xf32>
    %squeeze3A_531 = vector.extract %slice3A_530[0] : f32 from vector<1xf32>
    %add3A_532 = arith.addf %add3A_529, %squeeze3A_531 : f32
    %slice3A_533 = vector.extract_strided_slice %scan3A_520 {offsets = [4], sizes = [1], strides = [1]} : vector<16xf32> to vector<1xf32>
    %squeeze3A_534 = vector.extract %slice3A_533[0] : f32 from vector<1xf32>
    %add3A_535 = arith.addf %add3A_532, %squeeze3A_534 : f32
    %slice3A_536 = vector.extract_strided_slice %scan3A_520 {offsets = [5], sizes = [1], strides = [1]} : vector<16xf32> to vector<1xf32>
    %squeeze3A_537 = vector.extract %slice3A_536[0] : f32 from vector<1xf32>
    %add3A_538 = arith.addf %add3A_535, %squeeze3A_537 : f32
    %slice3A_539 = vector.extract_strided_slice %scan3A_520 {offsets = [6], sizes = [1], strides = [1]} : vector<16xf32> to vector<1xf32>
    %squeeze3A_540 = vector.extract %slice3A_539[0] : f32 from vector<1xf32>
    %add3A_541 = arith.addf %add3A_538, %squeeze3A_540 : f32
    %slice3A_542 = vector.extract_strided_slice %scan3A_520 {offsets = [7], sizes = [1], strides = [1]} : vector<16xf32> to vector<1xf32>
    %squeeze3A_543 = vector.extract %slice3A_542[0] : f32 from vector<1xf32>
    %add3A_544 = arith.addf %add3A_541, %squeeze3A_543 : f32
    %slice3A_545 = vector.extract_strided_slice %scan3A_520 {offsets = [8], sizes = [1], strides = [1]} : vector<16xf32> to vector<1xf32>
    %squeeze3A_546 = vector.extract %slice3A_545[0] : f32 from vector<1xf32>
    %add3A_547 = arith.addf %add3A_544, %squeeze3A_546 : f32
    %slice3A_548 = vector.extract_strided_slice %scan3A_520 {offsets = [9], sizes = [1], strides = [1]} : vector<16xf32> to vector<1xf32>
    %squeeze3A_549 = vector.extract %slice3A_548[0] : f32 from vector<1xf32>
    %add3A_550 = arith.addf %add3A_547, %squeeze3A_549 : f32
    %slice3A_551 = vector.extract_strided_slice %scan3A_520 {offsets = [10], sizes = [1], strides = [1]} : vector<16xf32> to vector<1xf32>
    %squeeze3A_552 = vector.extract %slice3A_551[0] : f32 from vector<1xf32>
    %add3A_553 = arith.addf %add3A_550, %squeeze3A_552 : f32
    %slice3A_554 = vector.extract_strided_slice %scan3A_520 {offsets = [11], sizes = [1], strides = [1]} : vector<16xf32> to vector<1xf32>
    %squeeze3A_555 = vector.extract %slice3A_554[0] : f32 from vector<1xf32>
    %add3A_556 = arith.addf %add3A_553, %squeeze3A_555 : f32
    %slice3A_557 = vector.extract_strided_slice %scan3A_520 {offsets = [12], sizes = [1], strides = [1]} : vector<16xf32> to vector<1xf32>
    %squeeze3A_558 = vector.extract %slice3A_557[0] : f32 from vector<1xf32>
    %add3A_559 = arith.addf %add3A_556, %squeeze3A_558 : f32
    %slice3A_560 = vector.extract_strided_slice %scan3A_520 {offsets = [13], sizes = [1], strides = [1]} : vector<16xf32> to vector<1xf32>
    %squeeze3A_561 = vector.extract %slice3A_560[0] : f32 from vector<1xf32>
    %add3A_562 = arith.addf %add3A_559, %squeeze3A_561 : f32
    %slice3A_563 = vector.extract_strided_slice %scan3A_520 {offsets = [14], sizes = [1], strides = [1]} : vector<16xf32> to vector<1xf32>
    %squeeze3A_564 = vector.extract %slice3A_563[0] : f32 from vector<1xf32>
    %add3A_565 = arith.addf %add3A_562, %squeeze3A_564 : f32
    %slice3A_566 = vector.extract_strided_slice %scan3A_520 {offsets = [15], sizes = [1], strides = [1]} : vector<16xf32> to vector<1xf32>
    %squeeze3A_567 = vector.extract %slice3A_566[0] : f32 from vector<1xf32>
    %add3A_568 = arith.addf %add3A_565, %squeeze3A_567 : f32
    %eq3A_569 = arith.constant 7 : i32
    %eq3A_570 = vector.broadcast %eq3A_569 : i32 to vector<16xi32>
    %eq3A_571 = arith.cmpi eq, %iota3A, %eq3A_570 : vector<16xi32>
    %add3A_572 = vector.broadcast %add3A_568 : f32 to vector<16xf32>
    %add3A_573 = arith.addf %select_n3A_513, %add3A_572 : vector<16xf32>
    %select_n3A_574 = arith.select %eq3A_571, %add3A_573, %select_n3A_513 : vector<16xi1>, vector<16xf32>
    %broadcast_in_dim3A_575 = arith.constant 0.000000e+00 : f32
    %broadcast_in_dim3A_576 = vector.broadcast %broadcast_in_dim3A_575 : f32 to vector<16xf32>
    %scan3A_577 = arith.constant 0 : i32
    %scan3A_578 = arith.constant 16 : i32
    %scan3A_579 = arith.addi %scan3A_577, %scan3A_578 : i32
    %scan3A_580 = arith.constant 1 : i32
    %scan3A_581 = scf.for %scan3A_1066 = %scan3A_577 to %scan3A_579 step %scan3A_580 iter_args(%scan3A_1067 = %broadcast_in_dim3A_576) -> (vector<16xf32>)  : i32 {
      %mul3A_1068 = arith.constant 16 : i32
      %mul3A_1069 = arith.muli %scan3A_1066, %mul3A_1068 : i32
      %get3A_1070 = arith.constant 8 : i32
      %get3A_1071 = arith.index_cast %get3A_1070 : i32 to index
      %get3A_1072 = arith.index_cast %mul3A_1069 : i32 to index
      %get3A_1073 = tpu.vector_load %arg9[%get3A_1071, %get3A_1072] {strides = array<i32>} : memref<16x256xf32, #tpu.memory_space<vmem>>, vector<1x16xf32>,
      %get3A_1074 = vector.shape_cast %get3A_1073 : vector<1x16xf32> to vector<16xf32>
      %mul3A_1075 = arith.constant 16 : i32
      %mul3A_1076 = arith.muli %scan3A_1066, %mul3A_1075 : i32
      %get3A_1077 = arith.index_cast %mul3A_1076 : i32 to index
      %get3A_1078 = tpu.vector_load %arg10[%get3A_1077] {strides = array<i32>} : memref<256xf32, #tpu.memory_space<vmem>>, vector<16xf32>,
      %get3A_1079 = vector.shape_cast %get3A_1078 : vector<16xf32> to vector<16xf32>
      %mul3A_1080 = arith.mulf %get3A_1074, %get3A_1079 : vector<16xf32>
      %add3A_1081 = arith.addf %scan3A_1067, %mul3A_1080 : vector<16xf32>
      scf.yield %add3A_1081 : vector<16xf32>
    }
    %scan3A_582 = arith.constant 16 : i32
    %slice3A_583 = vector.extract_strided_slice %scan3A_581 {offsets = [0], sizes = [1], strides = [1]} : vector<16xf32> to vector<1xf32>
    %squeeze3A_584 = vector.extract %slice3A_583[0] : f32 from vector<1xf32>
    %slice3A_585 = vector.extract_strided_slice %scan3A_581 {offsets = [1], sizes = [1], strides = [1]} : vector<16xf32> to vector<1xf32>
    %squeeze3A_586 = vector.extract %slice3A_585[0] : f32 from vector<1xf32>
    %add3A_587 = arith.addf %squeeze3A_584, %squeeze3A_586 : f32
    %slice3A_588 = vector.extract_strided_slice %scan3A_581 {offsets = [2], sizes = [1], strides = [1]} : vector<16xf32> to vector<1xf32>
    %squeeze3A_589 = vector.extract %slice3A_588[0] : f32 from vector<1xf32>
    %add3A_590 = arith.addf %add3A_587, %squeeze3A_589 : f32
    %slice3A_591 = vector.extract_strided_slice %scan3A_581 {offsets = [3], sizes = [1], strides = [1]} : vector<16xf32> to vector<1xf32>
    %squeeze3A_592 = vector.extract %slice3A_591[0] : f32 from vector<1xf32>
    %add3A_593 = arith.addf %add3A_590, %squeeze3A_592 : f32
    %slice3A_594 = vector.extract_strided_slice %scan3A_581 {offsets = [4], sizes = [1], strides = [1]} : vector<16xf32> to vector<1xf32>
    %squeeze3A_595 = vector.extract %slice3A_594[0] : f32 from vector<1xf32>
    %add3A_596 = arith.addf %add3A_593, %squeeze3A_595 : f32
    %slice3A_597 = vector.extract_strided_slice %scan3A_581 {offsets = [5], sizes = [1], strides = [1]} : vector<16xf32> to vector<1xf32>
    %squeeze3A_598 = vector.extract %slice3A_597[0] : f32 from vector<1xf32>
    %add3A_599 = arith.addf %add3A_596, %squeeze3A_598 : f32
    %slice3A_600 = vector.extract_strided_slice %scan3A_581 {offsets = [6], sizes = [1], strides = [1]} : vector<16xf32> to vector<1xf32>
    %squeeze3A_601 = vector.extract %slice3A_600[0] : f32 from vector<1xf32>
    %add3A_602 = arith.addf %add3A_599, %squeeze3A_601 : f32
    %slice3A_603 = vector.extract_strided_slice %scan3A_581 {offsets = [7], sizes = [1], strides = [1]} : vector<16xf32> to vector<1xf32>
    %squeeze3A_604 = vector.extract %slice3A_603[0] : f32 from vector<1xf32>
    %add3A_605 = arith.addf %add3A_602, %squeeze3A_604 : f32
    %slice3A_606 = vector.extract_strided_slice %scan3A_581 {offsets = [8], sizes = [1], strides = [1]} : vector<16xf32> to vector<1xf32>
    %squeeze3A_607 = vector.extract %slice3A_606[0] : f32 from vector<1xf32>
    %add3A_608 = arith.addf %add3A_605, %squeeze3A_607 : f32
    %slice3A_609 = vector.extract_strided_slice %scan3A_581 {offsets = [9], sizes = [1], strides = [1]} : vector<16xf32> to vector<1xf32>
    %squeeze3A_610 = vector.extract %slice3A_609[0] : f32 from vector<1xf32>
    %add3A_611 = arith.addf %add3A_608, %squeeze3A_610 : f32
    %slice3A_612 = vector.extract_strided_slice %scan3A_581 {offsets = [10], sizes = [1], strides = [1]} : vector<16xf32> to vector<1xf32>
    %squeeze3A_613 = vector.extract %slice3A_612[0] : f32 from vector<1xf32>
    %add3A_614 = arith.addf %add3A_611, %squeeze3A_613 : f32
    %slice3A_615 = vector.extract_strided_slice %scan3A_581 {offsets = [11], sizes = [1], strides = [1]} : vector<16xf32> to vector<1xf32>
    %squeeze3A_616 = vector.extract %slice3A_615[0] : f32 from vector<1xf32>
    %add3A_617 = arith.addf %add3A_614, %squeeze3A_616 : f32
    %slice3A_618 = vector.extract_strided_slice %scan3A_581 {offsets = [12], sizes = [1], strides = [1]} : vector<16xf32> to vector<1xf32>
    %squeeze3A_619 = vector.extract %slice3A_618[0] : f32 from vector<1xf32>
    %add3A_620 = arith.addf %add3A_617, %squeeze3A_619 : f32
    %slice3A_621 = vector.extract_strided_slice %scan3A_581 {offsets = [13], sizes = [1], strides = [1]} : vector<16xf32> to vector<1xf32>
    %squeeze3A_622 = vector.extract %slice3A_621[0] : f32 from vector<1xf32>
    %add3A_623 = arith.addf %add3A_620, %squeeze3A_622 : f32
    %slice3A_624 = vector.extract_strided_slice %scan3A_581 {offsets = [14], sizes = [1], strides = [1]} : vector<16xf32> to vector<1xf32>
    %squeeze3A_625 = vector.extract %slice3A_624[0] : f32 from vector<1xf32>
    %add3A_626 = arith.addf %add3A_623, %squeeze3A_625 : f32
    %slice3A_627 = vector.extract_strided_slice %scan3A_581 {offsets = [15], sizes = [1], strides = [1]} : vector<16xf32> to vector<1xf32>
    %squeeze3A_628 = vector.extract %slice3A_627[0] : f32 from vector<1xf32>
    %add3A_629 = arith.addf %add3A_626, %squeeze3A_628 : f32
    %eq3A_630 = arith.constant 8 : i32
    %eq3A_631 = vector.broadcast %eq3A_630 : i32 to vector<16xi32>
    %eq3A_632 = arith.cmpi eq, %iota3A, %eq3A_631 : vector<16xi32>
    %add3A_633 = vector.broadcast %add3A_629 : f32 to vector<16xf32>
    %add3A_634 = arith.addf %select_n3A_574, %add3A_633 : vector<16xf32>
    %select_n3A_635 = arith.select %eq3A_632, %add3A_634, %select_n3A_574 : vector<16xi1>, vector<16xf32>
    %broadcast_in_dim3A_636 = arith.constant 0.000000e+00 : f32
    %broadcast_in_dim3A_637 = vector.broadcast %broadcast_in_dim3A_636 : f32 to vector<16xf32>
    %scan3A_638 = arith.constant 0 : i32
    %scan3A_639 = arith.constant 16 : i32
    %scan3A_640 = arith.addi %scan3A_638, %scan3A_639 : i32
    %scan3A_641 = arith.constant 1 : i32
    %scan3A_642 = scf.for %scan3A_1066 = %scan3A_638 to %scan3A_640 step %scan3A_641 iter_args(%scan3A_1067 = %broadcast_in_dim3A_637) -> (vector<16xf32>)  : i32 {
      %mul3A_1068 = arith.constant 16 : i32
      %mul3A_1069 = arith.muli %scan3A_1066, %mul3A_1068 : i32
      %get3A_1070 = arith.constant 9 : i32
      %get3A_1071 = arith.index_cast %get3A_1070 : i32 to index
      %get3A_1072 = arith.index_cast %mul3A_1069 : i32 to index
      %get3A_1073 = tpu.vector_load %arg9[%get3A_1071, %get3A_1072] {strides = array<i32>} : memref<16x256xf32, #tpu.memory_space<vmem>>, vector<1x16xf32>,
      %get3A_1074 = vector.shape_cast %get3A_1073 : vector<1x16xf32> to vector<16xf32>
      %mul3A_1075 = arith.constant 16 : i32
      %mul3A_1076 = arith.muli %scan3A_1066, %mul3A_1075 : i32
      %get3A_1077 = arith.index_cast %mul3A_1076 : i32 to index
      %get3A_1078 = tpu.vector_load %arg10[%get3A_1077] {strides = array<i32>} : memref<256xf32, #tpu.memory_space<vmem>>, vector<16xf32>,
      %get3A_1079 = vector.shape_cast %get3A_1078 : vector<16xf32> to vector<16xf32>
      %mul3A_1080 = arith.mulf %get3A_1074, %get3A_1079 : vector<16xf32>
      %add3A_1081 = arith.addf %scan3A_1067, %mul3A_1080 : vector<16xf32>
      scf.yield %add3A_1081 : vector<16xf32>
    }
    %scan3A_643 = arith.constant 16 : i32
    %slice3A_644 = vector.extract_strided_slice %scan3A_642 {offsets = [0], sizes = [1], strides = [1]} : vector<16xf32> to vector<1xf32>
    %squeeze3A_645 = vector.extract %slice3A_644[0] : f32 from vector<1xf32>
    %slice3A_646 = vector.extract_strided_slice %scan3A_642 {offsets = [1], sizes = [1], strides = [1]} : vector<16xf32> to vector<1xf32>
    %squeeze3A_647 = vector.extract %slice3A_646[0] : f32 from vector<1xf32>
    %add3A_648 = arith.addf %squeeze3A_645, %squeeze3A_647 : f32
    %slice3A_649 = vector.extract_strided_slice %scan3A_642 {offsets = [2], sizes = [1], strides = [1]} : vector<16xf32> to vector<1xf32>
    %squeeze3A_650 = vector.extract %slice3A_649[0] : f32 from vector<1xf32>
    %add3A_651 = arith.addf %add3A_648, %squeeze3A_650 : f32
    %slice3A_652 = vector.extract_strided_slice %scan3A_642 {offsets = [3], sizes = [1], strides = [1]} : vector<16xf32> to vector<1xf32>
    %squeeze3A_653 = vector.extract %slice3A_652[0] : f32 from vector<1xf32>
    %add3A_654 = arith.addf %add3A_651, %squeeze3A_653 : f32
    %slice3A_655 = vector.extract_strided_slice %scan3A_642 {offsets = [4], sizes = [1], strides = [1]} : vector<16xf32> to vector<1xf32>
    %squeeze3A_656 = vector.extract %slice3A_655[0] : f32 from vector<1xf32>
    %add3A_657 = arith.addf %add3A_654, %squeeze3A_656 : f32
    %slice3A_658 = vector.extract_strided_slice %scan3A_642 {offsets = [5], sizes = [1], strides = [1]} : vector<16xf32> to vector<1xf32>
    %squeeze3A_659 = vector.extract %slice3A_658[0] : f32 from vector<1xf32>
    %add3A_660 = arith.addf %add3A_657, %squeeze3A_659 : f32
    %slice3A_661 = vector.extract_strided_slice %scan3A_642 {offsets = [6], sizes = [1], strides = [1]} : vector<16xf32> to vector<1xf32>
    %squeeze3A_662 = vector.extract %slice3A_661[0] : f32 from vector<1xf32>
    %add3A_663 = arith.addf %add3A_660, %squeeze3A_662 : f32
    %slice3A_664 = vector.extract_strided_slice %scan3A_642 {offsets = [7], sizes = [1], strides = [1]} : vector<16xf32> to vector<1xf32>
    %squeeze3A_665 = vector.extract %slice3A_664[0] : f32 from vector<1xf32>
    %add3A_666 = arith.addf %add3A_663, %squeeze3A_665 : f32
    %slice3A_667 = vector.extract_strided_slice %scan3A_642 {offsets = [8], sizes = [1], strides = [1]} : vector<16xf32> to vector<1xf32>
    %squeeze3A_668 = vector.extract %slice3A_667[0] : f32 from vector<1xf32>
    %add3A_669 = arith.addf %add3A_666, %squeeze3A_668 : f32
    %slice3A_670 = vector.extract_strided_slice %scan3A_642 {offsets = [9], sizes = [1], strides = [1]} : vector<16xf32> to vector<1xf32>
    %squeeze3A_671 = vector.extract %slice3A_670[0] : f32 from vector<1xf32>
    %add3A_672 = arith.addf %add3A_669, %squeeze3A_671 : f32
    %slice3A_673 = vector.extract_strided_slice %scan3A_642 {offsets = [10], sizes = [1], strides = [1]} : vector<16xf32> to vector<1xf32>
    %squeeze3A_674 = vector.extract %slice3A_673[0] : f32 from vector<1xf32>
    %add3A_675 = arith.addf %add3A_672, %squeeze3A_674 : f32
    %slice3A_676 = vector.extract_strided_slice %scan3A_642 {offsets = [11], sizes = [1], strides = [1]} : vector<16xf32> to vector<1xf32>
    %squeeze3A_677 = vector.extract %slice3A_676[0] : f32 from vector<1xf32>
    %add3A_678 = arith.addf %add3A_675, %squeeze3A_677 : f32
    %slice3A_679 = vector.extract_strided_slice %scan3A_642 {offsets = [12], sizes = [1], strides = [1]} : vector<16xf32> to vector<1xf32>
    %squeeze3A_680 = vector.extract %slice3A_679[0] : f32 from vector<1xf32>
    %add3A_681 = arith.addf %add3A_678, %squeeze3A_680 : f32
    %slice3A_682 = vector.extract_strided_slice %scan3A_642 {offsets = [13], sizes = [1], strides = [1]} : vector<16xf32> to vector<1xf32>
    %squeeze3A_683 = vector.extract %slice3A_682[0] : f32 from vector<1xf32>
    %add3A_684 = arith.addf %add3A_681, %squeeze3A_683 : f32
    %slice3A_685 = vector.extract_strided_slice %scan3A_642 {offsets = [14], sizes = [1], strides = [1]} : vector<16xf32> to vector<1xf32>
    %squeeze3A_686 = vector.extract %slice3A_685[0] : f32 from vector<1xf32>
    %add3A_687 = arith.addf %add3A_684, %squeeze3A_686 : f32
    %slice3A_688 = vector.extract_strided_slice %scan3A_642 {offsets = [15], sizes = [1], strides = [1]} : vector<16xf32> to vector<1xf32>
    %squeeze3A_689 = vector.extract %slice3A_688[0] : f32 from vector<1xf32>
    %add3A_690 = arith.addf %add3A_687, %squeeze3A_689 : f32
    %eq3A_691 = arith.constant 9 : i32
    %eq3A_692 = vector.broadcast %eq3A_691 : i32 to vector<16xi32>
    %eq3A_693 = arith.cmpi eq, %iota3A, %eq3A_692 : vector<16xi32>
    %add3A_694 = vector.broadcast %add3A_690 : f32 to vector<16xf32>
    %add3A_695 = arith.addf %select_n3A_635, %add3A_694 : vector<16xf32>
    %select_n3A_696 = arith.select %eq3A_693, %add3A_695, %select_n3A_635 : vector<16xi1>, vector<16xf32>
    %broadcast_in_dim3A_697 = arith.constant 0.000000e+00 : f32
    %broadcast_in_dim3A_698 = vector.broadcast %broadcast_in_dim3A_697 : f32 to vector<16xf32>
    %scan3A_699 = arith.constant 0 : i32
    %scan3A_700 = arith.constant 16 : i32
    %scan3A_701 = arith.addi %scan3A_699, %scan3A_700 : i32
    %scan3A_702 = arith.constant 1 : i32
    %scan3A_703 = scf.for %scan3A_1066 = %scan3A_699 to %scan3A_701 step %scan3A_702 iter_args(%scan3A_1067 = %broadcast_in_dim3A_698) -> (vector<16xf32>)  : i32 {
      %mul3A_1068 = arith.constant 16 : i32
      %mul3A_1069 = arith.muli %scan3A_1066, %mul3A_1068 : i32
      %get3A_1070 = arith.constant 10 : i32
      %get3A_1071 = arith.index_cast %get3A_1070 : i32 to index
      %get3A_1072 = arith.index_cast %mul3A_1069 : i32 to index
      %get3A_1073 = tpu.vector_load %arg9[%get3A_1071, %get3A_1072] {strides = array<i32>} : memref<16x256xf32, #tpu.memory_space<vmem>>, vector<1x16xf32>,
      %get3A_1074 = vector.shape_cast %get3A_1073 : vector<1x16xf32> to vector<16xf32>
      %mul3A_1075 = arith.constant 16 : i32
      %mul3A_1076 = arith.muli %scan3A_1066, %mul3A_1075 : i32
      %get3A_1077 = arith.index_cast %mul3A_1076 : i32 to index
      %get3A_1078 = tpu.vector_load %arg10[%get3A_1077] {strides = array<i32>} : memref<256xf32, #tpu.memory_space<vmem>>, vector<16xf32>,
      %get3A_1079 = vector.shape_cast %get3A_1078 : vector<16xf32> to vector<16xf32>
      %mul3A_1080 = arith.mulf %get3A_1074, %get3A_1079 : vector<16xf32>
      %add3A_1081 = arith.addf %scan3A_1067, %mul3A_1080 : vector<16xf32>
      scf.yield %add3A_1081 : vector<16xf32>
    }
    %scan3A_704 = arith.constant 16 : i32
    %slice3A_705 = vector.extract_strided_slice %scan3A_703 {offsets = [0], sizes = [1], strides = [1]} : vector<16xf32> to vector<1xf32>
    %squeeze3A_706 = vector.extract %slice3A_705[0] : f32 from vector<1xf32>
    %slice3A_707 = vector.extract_strided_slice %scan3A_703 {offsets = [1], sizes = [1], strides = [1]} : vector<16xf32> to vector<1xf32>
    %squeeze3A_708 = vector.extract %slice3A_707[0] : f32 from vector<1xf32>
    %add3A_709 = arith.addf %squeeze3A_706, %squeeze3A_708 : f32
    %slice3A_710 = vector.extract_strided_slice %scan3A_703 {offsets = [2], sizes = [1], strides = [1]} : vector<16xf32> to vector<1xf32>
    %squeeze3A_711 = vector.extract %slice3A_710[0] : f32 from vector<1xf32>
    %add3A_712 = arith.addf %add3A_709, %squeeze3A_711 : f32
    %slice3A_713 = vector.extract_strided_slice %scan3A_703 {offsets = [3], sizes = [1], strides = [1]} : vector<16xf32> to vector<1xf32>
    %squeeze3A_714 = vector.extract %slice3A_713[0] : f32 from vector<1xf32>
    %add3A_715 = arith.addf %add3A_712, %squeeze3A_714 : f32
    %slice3A_716 = vector.extract_strided_slice %scan3A_703 {offsets = [4], sizes = [1], strides = [1]} : vector<16xf32> to vector<1xf32>
    %squeeze3A_717 = vector.extract %slice3A_716[0] : f32 from vector<1xf32>
    %add3A_718 = arith.addf %add3A_715, %squeeze3A_717 : f32
    %slice3A_719 = vector.extract_strided_slice %scan3A_703 {offsets = [5], sizes = [1], strides = [1]} : vector<16xf32> to vector<1xf32>
    %squeeze3A_720 = vector.extract %slice3A_719[0] : f32 from vector<1xf32>
    %add3A_721 = arith.addf %add3A_718, %squeeze3A_720 : f32
    %slice3A_722 = vector.extract_strided_slice %scan3A_703 {offsets = [6], sizes = [1], strides = [1]} : vector<16xf32> to vector<1xf32>
    %squeeze3A_723 = vector.extract %slice3A_722[0] : f32 from vector<1xf32>
    %add3A_724 = arith.addf %add3A_721, %squeeze3A_723 : f32
    %slice3A_725 = vector.extract_strided_slice %scan3A_703 {offsets = [7], sizes = [1], strides = [1]} : vector<16xf32> to vector<1xf32>
    %squeeze3A_726 = vector.extract %slice3A_725[0] : f32 from vector<1xf32>
    %add3A_727 = arith.addf %add3A_724, %squeeze3A_726 : f32
    %slice3A_728 = vector.extract_strided_slice %scan3A_703 {offsets = [8], sizes = [1], strides = [1]} : vector<16xf32> to vector<1xf32>
    %squeeze3A_729 = vector.extract %slice3A_728[0] : f32 from vector<1xf32>
    %add3A_730 = arith.addf %add3A_727, %squeeze3A_729 : f32
    %slice3A_731 = vector.extract_strided_slice %scan3A_703 {offsets = [9], sizes = [1], strides = [1]} : vector<16xf32> to vector<1xf32>
    %squeeze3A_732 = vector.extract %slice3A_731[0] : f32 from vector<1xf32>
    %add3A_733 = arith.addf %add3A_730, %squeeze3A_732 : f32
    %slice3A_734 = vector.extract_strided_slice %scan3A_703 {offsets = [10], sizes = [1], strides = [1]} : vector<16xf32> to vector<1xf32>
    %squeeze3A_735 = vector.extract %slice3A_734[0] : f32 from vector<1xf32>
    %add3A_736 = arith.addf %add3A_733, %squeeze3A_735 : f32
    %slice3A_737 = vector.extract_strided_slice %scan3A_703 {offsets = [11], sizes = [1], strides = [1]} : vector<16xf32> to vector<1xf32>
    %squeeze3A_738 = vector.extract %slice3A_737[0] : f32 from vector<1xf32>
    %add3A_739 = arith.addf %add3A_736, %squeeze3A_738 : f32
    %slice3A_740 = vector.extract_strided_slice %scan3A_703 {offsets = [12], sizes = [1], strides = [1]} : vector<16xf32> to vector<1xf32>
    %squeeze3A_741 = vector.extract %slice3A_740[0] : f32 from vector<1xf32>
    %add3A_742 = arith.addf %add3A_739, %squeeze3A_741 : f32
    %slice3A_743 = vector.extract_strided_slice %scan3A_703 {offsets = [13], sizes = [1], strides = [1]} : vector<16xf32> to vector<1xf32>
    %squeeze3A_744 = vector.extract %slice3A_743[0] : f32 from vector<1xf32>
    %add3A_745 = arith.addf %add3A_742, %squeeze3A_744 : f32
    %slice3A_746 = vector.extract_strided_slice %scan3A_703 {offsets = [14], sizes = [1], strides = [1]} : vector<16xf32> to vector<1xf32>
    %squeeze3A_747 = vector.extract %slice3A_746[0] : f32 from vector<1xf32>
    %add3A_748 = arith.addf %add3A_745, %squeeze3A_747 : f32
    %slice3A_749 = vector.extract_strided_slice %scan3A_703 {offsets = [15], sizes = [1], strides = [1]} : vector<16xf32> to vector<1xf32>
    %squeeze3A_750 = vector.extract %slice3A_749[0] : f32 from vector<1xf32>
    %add3A_751 = arith.addf %add3A_748, %squeeze3A_750 : f32
    %eq3A_752 = arith.constant 10 : i32
    %eq3A_753 = vector.broadcast %eq3A_752 : i32 to vector<16xi32>
    %eq3A_754 = arith.cmpi eq, %iota3A, %eq3A_753 : vector<16xi32>
    %add3A_755 = vector.broadcast %add3A_751 : f32 to vector<16xf32>
    %add3A_756 = arith.addf %select_n3A_696, %add3A_755 : vector<16xf32>
    %select_n3A_757 = arith.select %eq3A_754, %add3A_756, %select_n3A_696 : vector<16xi1>, vector<16xf32>
    %broadcast_in_dim3A_758 = arith.constant 0.000000e+00 : f32
    %broadcast_in_dim3A_759 = vector.broadcast %broadcast_in_dim3A_758 : f32 to vector<16xf32>
    %scan3A_760 = arith.constant 0 : i32
    %scan3A_761 = arith.constant 16 : i32
    %scan3A_762 = arith.addi %scan3A_760, %scan3A_761 : i32
    %scan3A_763 = arith.constant 1 : i32
    %scan3A_764 = scf.for %scan3A_1066 = %scan3A_760 to %scan3A_762 step %scan3A_763 iter_args(%scan3A_1067 = %broadcast_in_dim3A_759) -> (vector<16xf32>)  : i32 {
      %mul3A_1068 = arith.constant 16 : i32
      %mul3A_1069 = arith.muli %scan3A_1066, %mul3A_1068 : i32
      %get3A_1070 = arith.constant 11 : i32
      %get3A_1071 = arith.index_cast %get3A_1070 : i32 to index
      %get3A_1072 = arith.index_cast %mul3A_1069 : i32 to index
      %get3A_1073 = tpu.vector_load %arg9[%get3A_1071, %get3A_1072] {strides = array<i32>} : memref<16x256xf32, #tpu.memory_space<vmem>>, vector<1x16xf32>,
      %get3A_1074 = vector.shape_cast %get3A_1073 : vector<1x16xf32> to vector<16xf32>
      %mul3A_1075 = arith.constant 16 : i32
      %mul3A_1076 = arith.muli %scan3A_1066, %mul3A_1075 : i32
      %get3A_1077 = arith.index_cast %mul3A_1076 : i32 to index
      %get3A_1078 = tpu.vector_load %arg10[%get3A_1077] {strides = array<i32>} : memref<256xf32, #tpu.memory_space<vmem>>, vector<16xf32>,
      %get3A_1079 = vector.shape_cast %get3A_1078 : vector<16xf32> to vector<16xf32>
      %mul3A_1080 = arith.mulf %get3A_1074, %get3A_1079 : vector<16xf32>
      %add3A_1081 = arith.addf %scan3A_1067, %mul3A_1080 : vector<16xf32>
      scf.yield %add3A_1081 : vector<16xf32>
    }
    %scan3A_765 = arith.constant 16 : i32
    %slice3A_766 = vector.extract_strided_slice %scan3A_764 {offsets = [0], sizes = [1], strides = [1]} : vector<16xf32> to vector<1xf32>
    %squeeze3A_767 = vector.extract %slice3A_766[0] : f32 from vector<1xf32>
    %slice3A_768 = vector.extract_strided_slice %scan3A_764 {offsets = [1], sizes = [1], strides = [1]} : vector<16xf32> to vector<1xf32>
    %squeeze3A_769 = vector.extract %slice3A_768[0] : f32 from vector<1xf32>
    %add3A_770 = arith.addf %squeeze3A_767, %squeeze3A_769 : f32
    %slice3A_771 = vector.extract_strided_slice %scan3A_764 {offsets = [2], sizes = [1], strides = [1]} : vector<16xf32> to vector<1xf32>
    %squeeze3A_772 = vector.extract %slice3A_771[0] : f32 from vector<1xf32>
    %add3A_773 = arith.addf %add3A_770, %squeeze3A_772 : f32
    %slice3A_774 = vector.extract_strided_slice %scan3A_764 {offsets = [3], sizes = [1], strides = [1]} : vector<16xf32> to vector<1xf32>
    %squeeze3A_775 = vector.extract %slice3A_774[0] : f32 from vector<1xf32>
    %add3A_776 = arith.addf %add3A_773, %squeeze3A_775 : f32
    %slice3A_777 = vector.extract_strided_slice %scan3A_764 {offsets = [4], sizes = [1], strides = [1]} : vector<16xf32> to vector<1xf32>
    %squeeze3A_778 = vector.extract %slice3A_777[0] : f32 from vector<1xf32>
    %add3A_779 = arith.addf %add3A_776, %squeeze3A_778 : f32
    %slice3A_780 = vector.extract_strided_slice %scan3A_764 {offsets = [5], sizes = [1], strides = [1]} : vector<16xf32> to vector<1xf32>
    %squeeze3A_781 = vector.extract %slice3A_780[0] : f32 from vector<1xf32>
    %add3A_782 = arith.addf %add3A_779, %squeeze3A_781 : f32
    %slice3A_783 = vector.extract_strided_slice %scan3A_764 {offsets = [6], sizes = [1], strides = [1]} : vector<16xf32> to vector<1xf32>
    %squeeze3A_784 = vector.extract %slice3A_783[0] : f32 from vector<1xf32>
    %add3A_785 = arith.addf %add3A_782, %squeeze3A_784 : f32
    %slice3A_786 = vector.extract_strided_slice %scan3A_764 {offsets = [7], sizes = [1], strides = [1]} : vector<16xf32> to vector<1xf32>
    %squeeze3A_787 = vector.extract %slice3A_786[0] : f32 from vector<1xf32>
    %add3A_788 = arith.addf %add3A_785, %squeeze3A_787 : f32
    %slice3A_789 = vector.extract_strided_slice %scan3A_764 {offsets = [8], sizes = [1], strides = [1]} : vector<16xf32> to vector<1xf32>
    %squeeze3A_790 = vector.extract %slice3A_789[0] : f32 from vector<1xf32>
    %add3A_791 = arith.addf %add3A_788, %squeeze3A_790 : f32
    %slice3A_792 = vector.extract_strided_slice %scan3A_764 {offsets = [9], sizes = [1], strides = [1]} : vector<16xf32> to vector<1xf32>
    %squeeze3A_793 = vector.extract %slice3A_792[0] : f32 from vector<1xf32>
    %add3A_794 = arith.addf %add3A_791, %squeeze3A_793 : f32
    %slice3A_795 = vector.extract_strided_slice %scan3A_764 {offsets = [10], sizes = [1], strides = [1]} : vector<16xf32> to vector<1xf32>
    %squeeze3A_796 = vector.extract %slice3A_795[0] : f32 from vector<1xf32>
    %add3A_797 = arith.addf %add3A_794, %squeeze3A_796 : f32
    %slice3A_798 = vector.extract_strided_slice %scan3A_764 {offsets = [11], sizes = [1], strides = [1]} : vector<16xf32> to vector<1xf32>
    %squeeze3A_799 = vector.extract %slice3A_798[0] : f32 from vector<1xf32>
    %add3A_800 = arith.addf %add3A_797, %squeeze3A_799 : f32
    %slice3A_801 = vector.extract_strided_slice %scan3A_764 {offsets = [12], sizes = [1], strides = [1]} : vector<16xf32> to vector<1xf32>
    %squeeze3A_802 = vector.extract %slice3A_801[0] : f32 from vector<1xf32>
    %add3A_803 = arith.addf %add3A_800, %squeeze3A_802 : f32
    %slice3A_804 = vector.extract_strided_slice %scan3A_764 {offsets = [13], sizes = [1], strides = [1]} : vector<16xf32> to vector<1xf32>
    %squeeze3A_805 = vector.extract %slice3A_804[0] : f32 from vector<1xf32>
    %add3A_806 = arith.addf %add3A_803, %squeeze3A_805 : f32
    %slice3A_807 = vector.extract_strided_slice %scan3A_764 {offsets = [14], sizes = [1], strides = [1]} : vector<16xf32> to vector<1xf32>
    %squeeze3A_808 = vector.extract %slice3A_807[0] : f32 from vector<1xf32>
    %add3A_809 = arith.addf %add3A_806, %squeeze3A_808 : f32
    %slice3A_810 = vector.extract_strided_slice %scan3A_764 {offsets = [15], sizes = [1], strides = [1]} : vector<16xf32> to vector<1xf32>
    %squeeze3A_811 = vector.extract %slice3A_810[0] : f32 from vector<1xf32>
    %add3A_812 = arith.addf %add3A_809, %squeeze3A_811 : f32
    %eq3A_813 = arith.constant 11 : i32
    %eq3A_814 = vector.broadcast %eq3A_813 : i32 to vector<16xi32>
    %eq3A_815 = arith.cmpi eq, %iota3A, %eq3A_814 : vector<16xi32>
    %add3A_816 = vector.broadcast %add3A_812 : f32 to vector<16xf32>
    %add3A_817 = arith.addf %select_n3A_757, %add3A_816 : vector<16xf32>
    %select_n3A_818 = arith.select %eq3A_815, %add3A_817, %select_n3A_757 : vector<16xi1>, vector<16xf32>
    %broadcast_in_dim3A_819 = arith.constant 0.000000e+00 : f32
    %broadcast_in_dim3A_820 = vector.broadcast %broadcast_in_dim3A_819 : f32 to vector<16xf32>
    %scan3A_821 = arith.constant 0 : i32
    %scan3A_822 = arith.constant 16 : i32
    %scan3A_823 = arith.addi %scan3A_821, %scan3A_822 : i32
    %scan3A_824 = arith.constant 1 : i32
    %scan3A_825 = scf.for %scan3A_1066 = %scan3A_821 to %scan3A_823 step %scan3A_824 iter_args(%scan3A_1067 = %broadcast_in_dim3A_820) -> (vector<16xf32>)  : i32 {
      %mul3A_1068 = arith.constant 16 : i32
      %mul3A_1069 = arith.muli %scan3A_1066, %mul3A_1068 : i32
      %get3A_1070 = arith.constant 12 : i32
      %get3A_1071 = arith.index_cast %get3A_1070 : i32 to index
      %get3A_1072 = arith.index_cast %mul3A_1069 : i32 to index
      %get3A_1073 = tpu.vector_load %arg9[%get3A_1071, %get3A_1072] {strides = array<i32>} : memref<16x256xf32, #tpu.memory_space<vmem>>, vector<1x16xf32>,
      %get3A_1074 = vector.shape_cast %get3A_1073 : vector<1x16xf32> to vector<16xf32>
      %mul3A_1075 = arith.constant 16 : i32
      %mul3A_1076 = arith.muli %scan3A_1066, %mul3A_1075 : i32
      %get3A_1077 = arith.index_cast %mul3A_1076 : i32 to index
      %get3A_1078 = tpu.vector_load %arg10[%get3A_1077] {strides = array<i32>} : memref<256xf32, #tpu.memory_space<vmem>>, vector<16xf32>,
      %get3A_1079 = vector.shape_cast %get3A_1078 : vector<16xf32> to vector<16xf32>
      %mul3A_1080 = arith.mulf %get3A_1074, %get3A_1079 : vector<16xf32>
      %add3A_1081 = arith.addf %scan3A_1067, %mul3A_1080 : vector<16xf32>
      scf.yield %add3A_1081 : vector<16xf32>
    }
    %scan3A_826 = arith.constant 16 : i32
    %slice3A_827 = vector.extract_strided_slice %scan3A_825 {offsets = [0], sizes = [1], strides = [1]} : vector<16xf32> to vector<1xf32>
    %squeeze3A_828 = vector.extract %slice3A_827[0] : f32 from vector<1xf32>
    %slice3A_829 = vector.extract_strided_slice %scan3A_825 {offsets = [1], sizes = [1], strides = [1]} : vector<16xf32> to vector<1xf32>
    %squeeze3A_830 = vector.extract %slice3A_829[0] : f32 from vector<1xf32>
    %add3A_831 = arith.addf %squeeze3A_828, %squeeze3A_830 : f32
    %slice3A_832 = vector.extract_strided_slice %scan3A_825 {offsets = [2], sizes = [1], strides = [1]} : vector<16xf32> to vector<1xf32>
    %squeeze3A_833 = vector.extract %slice3A_832[0] : f32 from vector<1xf32>
    %add3A_834 = arith.addf %add3A_831, %squeeze3A_833 : f32
    %slice3A_835 = vector.extract_strided_slice %scan3A_825 {offsets = [3], sizes = [1], strides = [1]} : vector<16xf32> to vector<1xf32>
    %squeeze3A_836 = vector.extract %slice3A_835[0] : f32 from vector<1xf32>
    %add3A_837 = arith.addf %add3A_834, %squeeze3A_836 : f32
    %slice3A_838 = vector.extract_strided_slice %scan3A_825 {offsets = [4], sizes = [1], strides = [1]} : vector<16xf32> to vector<1xf32>
    %squeeze3A_839 = vector.extract %slice3A_838[0] : f32 from vector<1xf32>
    %add3A_840 = arith.addf %add3A_837, %squeeze3A_839 : f32
    %slice3A_841 = vector.extract_strided_slice %scan3A_825 {offsets = [5], sizes = [1], strides = [1]} : vector<16xf32> to vector<1xf32>
    %squeeze3A_842 = vector.extract %slice3A_841[0] : f32 from vector<1xf32>
    %add3A_843 = arith.addf %add3A_840, %squeeze3A_842 : f32
    %slice3A_844 = vector.extract_strided_slice %scan3A_825 {offsets = [6], sizes = [1], strides = [1]} : vector<16xf32> to vector<1xf32>
    %squeeze3A_845 = vector.extract %slice3A_844[0] : f32 from vector<1xf32>
    %add3A_846 = arith.addf %add3A_843, %squeeze3A_845 : f32
    %slice3A_847 = vector.extract_strided_slice %scan3A_825 {offsets = [7], sizes = [1], strides = [1]} : vector<16xf32> to vector<1xf32>
    %squeeze3A_848 = vector.extract %slice3A_847[0] : f32 from vector<1xf32>
    %add3A_849 = arith.addf %add3A_846, %squeeze3A_848 : f32
    %slice3A_850 = vector.extract_strided_slice %scan3A_825 {offsets = [8], sizes = [1], strides = [1]} : vector<16xf32> to vector<1xf32>
    %squeeze3A_851 = vector.extract %slice3A_850[0] : f32 from vector<1xf32>
    %add3A_852 = arith.addf %add3A_849, %squeeze3A_851 : f32
    %slice3A_853 = vector.extract_strided_slice %scan3A_825 {offsets = [9], sizes = [1], strides = [1]} : vector<16xf32> to vector<1xf32>
    %squeeze3A_854 = vector.extract %slice3A_853[0] : f32 from vector<1xf32>
    %add3A_855 = arith.addf %add3A_852, %squeeze3A_854 : f32
    %slice3A_856 = vector.extract_strided_slice %scan3A_825 {offsets = [10], sizes = [1], strides = [1]} : vector<16xf32> to vector<1xf32>
    %squeeze3A_857 = vector.extract %slice3A_856[0] : f32 from vector<1xf32>
    %add3A_858 = arith.addf %add3A_855, %squeeze3A_857 : f32
    %slice3A_859 = vector.extract_strided_slice %scan3A_825 {offsets = [11], sizes = [1], strides = [1]} : vector<16xf32> to vector<1xf32>
    %squeeze3A_860 = vector.extract %slice3A_859[0] : f32 from vector<1xf32>
    %add3A_861 = arith.addf %add3A_858, %squeeze3A_860 : f32
    %slice3A_862 = vector.extract_strided_slice %scan3A_825 {offsets = [12], sizes = [1], strides = [1]} : vector<16xf32> to vector<1xf32>
    %squeeze3A_863 = vector.extract %slice3A_862[0] : f32 from vector<1xf32>
    %add3A_864 = arith.addf %add3A_861, %squeeze3A_863 : f32
    %slice3A_865 = vector.extract_strided_slice %scan3A_825 {offsets = [13], sizes = [1], strides = [1]} : vector<16xf32> to vector<1xf32>
    %squeeze3A_866 = vector.extract %slice3A_865[0] : f32 from vector<1xf32>
    %add3A_867 = arith.addf %add3A_864, %squeeze3A_866 : f32
    %slice3A_868 = vector.extract_strided_slice %scan3A_825 {offsets = [14], sizes = [1], strides = [1]} : vector<16xf32> to vector<1xf32>
    %squeeze3A_869 = vector.extract %slice3A_868[0] : f32 from vector<1xf32>
    %add3A_870 = arith.addf %add3A_867, %squeeze3A_869 : f32
    %slice3A_871 = vector.extract_strided_slice %scan3A_825 {offsets = [15], sizes = [1], strides = [1]} : vector<16xf32> to vector<1xf32>
    %squeeze3A_872 = vector.extract %slice3A_871[0] : f32 from vector<1xf32>
    %add3A_873 = arith.addf %add3A_870, %squeeze3A_872 : f32
    %eq3A_874 = arith.constant 12 : i32
    %eq3A_875 = vector.broadcast %eq3A_874 : i32 to vector<16xi32>
    %eq3A_876 = arith.cmpi eq, %iota3A, %eq3A_875 : vector<16xi32>
    %add3A_877 = vector.broadcast %add3A_873 : f32 to vector<16xf32>
    %add3A_878 = arith.addf %select_n3A_818, %add3A_877 : vector<16xf32>
    %select_n3A_879 = arith.select %eq3A_876, %add3A_878, %select_n3A_818 : vector<16xi1>, vector<16xf32>
    %broadcast_in_dim3A_880 = arith.constant 0.000000e+00 : f32
    %broadcast_in_dim3A_881 = vector.broadcast %broadcast_in_dim3A_880 : f32 to vector<16xf32>
    %scan3A_882 = arith.constant 0 : i32
    %scan3A_883 = arith.constant 16 : i32
    %scan3A_884 = arith.addi %scan3A_882, %scan3A_883 : i32
    %scan3A_885 = arith.constant 1 : i32
    %scan3A_886 = scf.for %scan3A_1066 = %scan3A_882 to %scan3A_884 step %scan3A_885 iter_args(%scan3A_1067 = %broadcast_in_dim3A_881) -> (vector<16xf32>)  : i32 {
      %mul3A_1068 = arith.constant 16 : i32
      %mul3A_1069 = arith.muli %scan3A_1066, %mul3A_1068 : i32
      %get3A_1070 = arith.constant 13 : i32
      %get3A_1071 = arith.index_cast %get3A_1070 : i32 to index
      %get3A_1072 = arith.index_cast %mul3A_1069 : i32 to index
      %get3A_1073 = tpu.vector_load %arg9[%get3A_1071, %get3A_1072] {strides = array<i32>} : memref<16x256xf32, #tpu.memory_space<vmem>>, vector<1x16xf32>,
      %get3A_1074 = vector.shape_cast %get3A_1073 : vector<1x16xf32> to vector<16xf32>
      %mul3A_1075 = arith.constant 16 : i32
      %mul3A_1076 = arith.muli %scan3A_1066, %mul3A_1075 : i32
      %get3A_1077 = arith.index_cast %mul3A_1076 : i32 to index
      %get3A_1078 = tpu.vector_load %arg10[%get3A_1077] {strides = array<i32>} : memref<256xf32, #tpu.memory_space<vmem>>, vector<16xf32>,
      %get3A_1079 = vector.shape_cast %get3A_1078 : vector<16xf32> to vector<16xf32>
      %mul3A_1080 = arith.mulf %get3A_1074, %get3A_1079 : vector<16xf32>
      %add3A_1081 = arith.addf %scan3A_1067, %mul3A_1080 : vector<16xf32>
      scf.yield %add3A_1081 : vector<16xf32>
    }
    %scan3A_887 = arith.constant 16 : i32
    %slice3A_888 = vector.extract_strided_slice %scan3A_886 {offsets = [0], sizes = [1], strides = [1]} : vector<16xf32> to vector<1xf32>
    %squeeze3A_889 = vector.extract %slice3A_888[0] : f32 from vector<1xf32>
    %slice3A_890 = vector.extract_strided_slice %scan3A_886 {offsets = [1], sizes = [1], strides = [1]} : vector<16xf32> to vector<1xf32>
    %squeeze3A_891 = vector.extract %slice3A_890[0] : f32 from vector<1xf32>
    %add3A_892 = arith.addf %squeeze3A_889, %squeeze3A_891 : f32
    %slice3A_893 = vector.extract_strided_slice %scan3A_886 {offsets = [2], sizes = [1], strides = [1]} : vector<16xf32> to vector<1xf32>
    %squeeze3A_894 = vector.extract %slice3A_893[0] : f32 from vector<1xf32>
    %add3A_895 = arith.addf %add3A_892, %squeeze3A_894 : f32
    %slice3A_896 = vector.extract_strided_slice %scan3A_886 {offsets = [3], sizes = [1], strides = [1]} : vector<16xf32> to vector<1xf32>
    %squeeze3A_897 = vector.extract %slice3A_896[0] : f32 from vector<1xf32>
    %add3A_898 = arith.addf %add3A_895, %squeeze3A_897 : f32
    %slice3A_899 = vector.extract_strided_slice %scan3A_886 {offsets = [4], sizes = [1], strides = [1]} : vector<16xf32> to vector<1xf32>
    %squeeze3A_900 = vector.extract %slice3A_899[0] : f32 from vector<1xf32>
    %add3A_901 = arith.addf %add3A_898, %squeeze3A_900 : f32
    %slice3A_902 = vector.extract_strided_slice %scan3A_886 {offsets = [5], sizes = [1], strides = [1]} : vector<16xf32> to vector<1xf32>
    %squeeze3A_903 = vector.extract %slice3A_902[0] : f32 from vector<1xf32>
    %add3A_904 = arith.addf %add3A_901, %squeeze3A_903 : f32
    %slice3A_905 = vector.extract_strided_slice %scan3A_886 {offsets = [6], sizes = [1], strides = [1]} : vector<16xf32> to vector<1xf32>
    %squeeze3A_906 = vector.extract %slice3A_905[0] : f32 from vector<1xf32>
    %add3A_907 = arith.addf %add3A_904, %squeeze3A_906 : f32
    %slice3A_908 = vector.extract_strided_slice %scan3A_886 {offsets = [7], sizes = [1], strides = [1]} : vector<16xf32> to vector<1xf32>
    %squeeze3A_909 = vector.extract %slice3A_908[0] : f32 from vector<1xf32>
    %add3A_910 = arith.addf %add3A_907, %squeeze3A_909 : f32
    %slice3A_911 = vector.extract_strided_slice %scan3A_886 {offsets = [8], sizes = [1], strides = [1]} : vector<16xf32> to vector<1xf32>
    %squeeze3A_912 = vector.extract %slice3A_911[0] : f32 from vector<1xf32>
    %add3A_913 = arith.addf %add3A_910, %squeeze3A_912 : f32
    %slice3A_914 = vector.extract_strided_slice %scan3A_886 {offsets = [9], sizes = [1], strides = [1]} : vector<16xf32> to vector<1xf32>
    %squeeze3A_915 = vector.extract %slice3A_914[0] : f32 from vector<1xf32>
    %add3A_916 = arith.addf %add3A_913, %squeeze3A_915 : f32
    %slice3A_917 = vector.extract_strided_slice %scan3A_886 {offsets = [10], sizes = [1], strides = [1]} : vector<16xf32> to vector<1xf32>
    %squeeze3A_918 = vector.extract %slice3A_917[0] : f32 from vector<1xf32>
    %add3A_919 = arith.addf %add3A_916, %squeeze3A_918 : f32
    %slice3A_920 = vector.extract_strided_slice %scan3A_886 {offsets = [11], sizes = [1], strides = [1]} : vector<16xf32> to vector<1xf32>
    %squeeze3A_921 = vector.extract %slice3A_920[0] : f32 from vector<1xf32>
    %add3A_922 = arith.addf %add3A_919, %squeeze3A_921 : f32
    %slice3A_923 = vector.extract_strided_slice %scan3A_886 {offsets = [12], sizes = [1], strides = [1]} : vector<16xf32> to vector<1xf32>
    %squeeze3A_924 = vector.extract %slice3A_923[0] : f32 from vector<1xf32>
    %add3A_925 = arith.addf %add3A_922, %squeeze3A_924 : f32
    %slice3A_926 = vector.extract_strided_slice %scan3A_886 {offsets = [13], sizes = [1], strides = [1]} : vector<16xf32> to vector<1xf32>
    %squeeze3A_927 = vector.extract %slice3A_926[0] : f32 from vector<1xf32>
    %add3A_928 = arith.addf %add3A_925, %squeeze3A_927 : f32
    %slice3A_929 = vector.extract_strided_slice %scan3A_886 {offsets = [14], sizes = [1], strides = [1]} : vector<16xf32> to vector<1xf32>
    %squeeze3A_930 = vector.extract %slice3A_929[0] : f32 from vector<1xf32>
    %add3A_931 = arith.addf %add3A_928, %squeeze3A_930 : f32
    %slice3A_932 = vector.extract_strided_slice %scan3A_886 {offsets = [15], sizes = [1], strides = [1]} : vector<16xf32> to vector<1xf32>
    %squeeze3A_933 = vector.extract %slice3A_932[0] : f32 from vector<1xf32>
    %add3A_934 = arith.addf %add3A_931, %squeeze3A_933 : f32
    %eq3A_935 = arith.constant 13 : i32
    %eq3A_936 = vector.broadcast %eq3A_935 : i32 to vector<16xi32>
    %eq3A_937 = arith.cmpi eq, %iota3A, %eq3A_936 : vector<16xi32>
    %add3A_938 = vector.broadcast %add3A_934 : f32 to vector<16xf32>
    %add3A_939 = arith.addf %select_n3A_879, %add3A_938 : vector<16xf32>
    %select_n3A_940 = arith.select %eq3A_937, %add3A_939, %select_n3A_879 : vector<16xi1>, vector<16xf32>
    %broadcast_in_dim3A_941 = arith.constant 0.000000e+00 : f32
    %broadcast_in_dim3A_942 = vector.broadcast %broadcast_in_dim3A_941 : f32 to vector<16xf32>
    %scan3A_943 = arith.constant 0 : i32
    %scan3A_944 = arith.constant 16 : i32
    %scan3A_945 = arith.addi %scan3A_943, %scan3A_944 : i32
    %scan3A_946 = arith.constant 1 : i32
    %scan3A_947 = scf.for %scan3A_1066 = %scan3A_943 to %scan3A_945 step %scan3A_946 iter_args(%scan3A_1067 = %broadcast_in_dim3A_942) -> (vector<16xf32>)  : i32 {
      %mul3A_1068 = arith.constant 16 : i32
      %mul3A_1069 = arith.muli %scan3A_1066, %mul3A_1068 : i32
      %get3A_1070 = arith.constant 14 : i32
      %get3A_1071 = arith.index_cast %get3A_1070 : i32 to index
      %get3A_1072 = arith.index_cast %mul3A_1069 : i32 to index
      %get3A_1073 = tpu.vector_load %arg9[%get3A_1071, %get3A_1072] {strides = array<i32>} : memref<16x256xf32, #tpu.memory_space<vmem>>, vector<1x16xf32>,
      %get3A_1074 = vector.shape_cast %get3A_1073 : vector<1x16xf32> to vector<16xf32>
      %mul3A_1075 = arith.constant 16 : i32
      %mul3A_1076 = arith.muli %scan3A_1066, %mul3A_1075 : i32
      %get3A_1077 = arith.index_cast %mul3A_1076 : i32 to index
      %get3A_1078 = tpu.vector_load %arg10[%get3A_1077] {strides = array<i32>} : memref<256xf32, #tpu.memory_space<vmem>>, vector<16xf32>,
      %get3A_1079 = vector.shape_cast %get3A_1078 : vector<16xf32> to vector<16xf32>
      %mul3A_1080 = arith.mulf %get3A_1074, %get3A_1079 : vector<16xf32>
      %add3A_1081 = arith.addf %scan3A_1067, %mul3A_1080 : vector<16xf32>
      scf.yield %add3A_1081 : vector<16xf32>
    }
    %scan3A_948 = arith.constant 16 : i32
    %slice3A_949 = vector.extract_strided_slice %scan3A_947 {offsets = [0], sizes = [1], strides = [1]} : vector<16xf32> to vector<1xf32>
    %squeeze3A_950 = vector.extract %slice3A_949[0] : f32 from vector<1xf32>
    %slice3A_951 = vector.extract_strided_slice %scan3A_947 {offsets = [1], sizes = [1], strides = [1]} : vector<16xf32> to vector<1xf32>
    %squeeze3A_952 = vector.extract %slice3A_951[0] : f32 from vector<1xf32>
    %add3A_953 = arith.addf %squeeze3A_950, %squeeze3A_952 : f32
    %slice3A_954 = vector.extract_strided_slice %scan3A_947 {offsets = [2], sizes = [1], strides = [1]} : vector<16xf32> to vector<1xf32>
    %squeeze3A_955 = vector.extract %slice3A_954[0] : f32 from vector<1xf32>
    %add3A_956 = arith.addf %add3A_953, %squeeze3A_955 : f32
    %slice3A_957 = vector.extract_strided_slice %scan3A_947 {offsets = [3], sizes = [1], strides = [1]} : vector<16xf32> to vector<1xf32>
    %squeeze3A_958 = vector.extract %slice3A_957[0] : f32 from vector<1xf32>
    %add3A_959 = arith.addf %add3A_956, %squeeze3A_958 : f32
    %slice3A_960 = vector.extract_strided_slice %scan3A_947 {offsets = [4], sizes = [1], strides = [1]} : vector<16xf32> to vector<1xf32>
    %squeeze3A_961 = vector.extract %slice3A_960[0] : f32 from vector<1xf32>
    %add3A_962 = arith.addf %add3A_959, %squeeze3A_961 : f32
    %slice3A_963 = vector.extract_strided_slice %scan3A_947 {offsets = [5], sizes = [1], strides = [1]} : vector<16xf32> to vector<1xf32>
    %squeeze3A_964 = vector.extract %slice3A_963[0] : f32 from vector<1xf32>
    %add3A_965 = arith.addf %add3A_962, %squeeze3A_964 : f32
    %slice3A_966 = vector.extract_strided_slice %scan3A_947 {offsets = [6], sizes = [1], strides = [1]} : vector<16xf32> to vector<1xf32>
    %squeeze3A_967 = vector.extract %slice3A_966[0] : f32 from vector<1xf32>
    %add3A_968 = arith.addf %add3A_965, %squeeze3A_967 : f32
    %slice3A_969 = vector.extract_strided_slice %scan3A_947 {offsets = [7], sizes = [1], strides = [1]} : vector<16xf32> to vector<1xf32>
    %squeeze3A_970 = vector.extract %slice3A_969[0] : f32 from vector<1xf32>
    %add3A_971 = arith.addf %add3A_968, %squeeze3A_970 : f32
    %slice3A_972 = vector.extract_strided_slice %scan3A_947 {offsets = [8], sizes = [1], strides = [1]} : vector<16xf32> to vector<1xf32>
    %squeeze3A_973 = vector.extract %slice3A_972[0] : f32 from vector<1xf32>
    %add3A_974 = arith.addf %add3A_971, %squeeze3A_973 : f32
    %slice3A_975 = vector.extract_strided_slice %scan3A_947 {offsets = [9], sizes = [1], strides = [1]} : vector<16xf32> to vector<1xf32>
    %squeeze3A_976 = vector.extract %slice3A_975[0] : f32 from vector<1xf32>
    %add3A_977 = arith.addf %add3A_974, %squeeze3A_976 : f32
    %slice3A_978 = vector.extract_strided_slice %scan3A_947 {offsets = [10], sizes = [1], strides = [1]} : vector<16xf32> to vector<1xf32>
    %squeeze3A_979 = vector.extract %slice3A_978[0] : f32 from vector<1xf32>
    %add3A_980 = arith.addf %add3A_977, %squeeze3A_979 : f32
    %slice3A_981 = vector.extract_strided_slice %scan3A_947 {offsets = [11], sizes = [1], strides = [1]} : vector<16xf32> to vector<1xf32>
    %squeeze3A_982 = vector.extract %slice3A_981[0] : f32 from vector<1xf32>
    %add3A_983 = arith.addf %add3A_980, %squeeze3A_982 : f32
    %slice3A_984 = vector.extract_strided_slice %scan3A_947 {offsets = [12], sizes = [1], strides = [1]} : vector<16xf32> to vector<1xf32>
    %squeeze3A_985 = vector.extract %slice3A_984[0] : f32 from vector<1xf32>
    %add3A_986 = arith.addf %add3A_983, %squeeze3A_985 : f32
    %slice3A_987 = vector.extract_strided_slice %scan3A_947 {offsets = [13], sizes = [1], strides = [1]} : vector<16xf32> to vector<1xf32>
    %squeeze3A_988 = vector.extract %slice3A_987[0] : f32 from vector<1xf32>
    %add3A_989 = arith.addf %add3A_986, %squeeze3A_988 : f32
    %slice3A_990 = vector.extract_strided_slice %scan3A_947 {offsets = [14], sizes = [1], strides = [1]} : vector<16xf32> to vector<1xf32>
    %squeeze3A_991 = vector.extract %slice3A_990[0] : f32 from vector<1xf32>
    %add3A_992 = arith.addf %add3A_989, %squeeze3A_991 : f32
    %slice3A_993 = vector.extract_strided_slice %scan3A_947 {offsets = [15], sizes = [1], strides = [1]} : vector<16xf32> to vector<1xf32>
    %squeeze3A_994 = vector.extract %slice3A_993[0] : f32 from vector<1xf32>
    %add3A_995 = arith.addf %add3A_992, %squeeze3A_994 : f32
    %eq3A_996 = arith.constant 14 : i32
    %eq3A_997 = vector.broadcast %eq3A_996 : i32 to vector<16xi32>
    %eq3A_998 = arith.cmpi eq, %iota3A, %eq3A_997 : vector<16xi32>
    %add3A_999 = vector.broadcast %add3A_995 : f32 to vector<16xf32>
    %add3A_1000 = arith.addf %select_n3A_940, %add3A_999 : vector<16xf32>
    %select_n3A_1001 = arith.select %eq3A_998, %add3A_1000, %select_n3A_940 : vector<16xi1>, vector<16xf32>
    %broadcast_in_dim3A_1002 = arith.constant 0.000000e+00 : f32
    %broadcast_in_dim3A_1003 = vector.broadcast %broadcast_in_dim3A_1002 : f32 to vector<16xf32>
    %scan3A_1004 = arith.constant 0 : i32
    %scan3A_1005 = arith.constant 16 : i32
    %scan3A_1006 = arith.addi %scan3A_1004, %scan3A_1005 : i32
    %scan3A_1007 = arith.constant 1 : i32
    %scan3A_1008 = scf.for %scan3A_1066 = %scan3A_1004 to %scan3A_1006 step %scan3A_1007 iter_args(%scan3A_1067 = %broadcast_in_dim3A_1003) -> (vector<16xf32>)  : i32 {
      %mul3A_1068 = arith.constant 16 : i32
      %mul3A_1069 = arith.muli %scan3A_1066, %mul3A_1068 : i32
      %get3A_1070 = arith.constant 15 : i32
      %get3A_1071 = arith.index_cast %get3A_1070 : i32 to index
      %get3A_1072 = arith.index_cast %mul3A_1069 : i32 to index
      %get3A_1073 = tpu.vector_load %arg9[%get3A_1071, %get3A_1072] {strides = array<i32>} : memref<16x256xf32, #tpu.memory_space<vmem>>, vector<1x16xf32>,
      %get3A_1074 = vector.shape_cast %get3A_1073 : vector<1x16xf32> to vector<16xf32>
      %mul3A_1075 = arith.constant 16 : i32
      %mul3A_1076 = arith.muli %scan3A_1066, %mul3A_1075 : i32
      %get3A_1077 = arith.index_cast %mul3A_1076 : i32 to index
      %get3A_1078 = tpu.vector_load %arg10[%get3A_1077] {strides = array<i32>} : memref<256xf32, #tpu.memory_space<vmem>>, vector<16xf32>,
      %get3A_1079 = vector.shape_cast %get3A_1078 : vector<16xf32> to vector<16xf32>
      %mul3A_1080 = arith.mulf %get3A_1074, %get3A_1079 : vector<16xf32>
      %add3A_1081 = arith.addf %scan3A_1067, %mul3A_1080 : vector<16xf32>
      scf.yield %add3A_1081 : vector<16xf32>
    }
    %scan3A_1009 = arith.constant 16 : i32
    %slice3A_1010 = vector.extract_strided_slice %scan3A_1008 {offsets = [0], sizes = [1], strides = [1]} : vector<16xf32> to vector<1xf32>
    %squeeze3A_1011 = vector.extract %slice3A_1010[0] : f32 from vector<1xf32>
    %slice3A_1012 = vector.extract_strided_slice %scan3A_1008 {offsets = [1], sizes = [1], strides = [1]} : vector<16xf32> to vector<1xf32>
    %squeeze3A_1013 = vector.extract %slice3A_1012[0] : f32 from vector<1xf32>
    %add3A_1014 = arith.addf %squeeze3A_1011, %squeeze3A_1013 : f32
    %slice3A_1015 = vector.extract_strided_slice %scan3A_1008 {offsets = [2], sizes = [1], strides = [1]} : vector<16xf32> to vector<1xf32>
    %squeeze3A_1016 = vector.extract %slice3A_1015[0] : f32 from vector<1xf32>
    %add3A_1017 = arith.addf %add3A_1014, %squeeze3A_1016 : f32
    %slice3A_1018 = vector.extract_strided_slice %scan3A_1008 {offsets = [3], sizes = [1], strides = [1]} : vector<16xf32> to vector<1xf32>
    %squeeze3A_1019 = vector.extract %slice3A_1018[0] : f32 from vector<1xf32>
    %add3A_1020 = arith.addf %add3A_1017, %squeeze3A_1019 : f32
    %slice3A_1021 = vector.extract_strided_slice %scan3A_1008 {offsets = [4], sizes = [1], strides = [1]} : vector<16xf32> to vector<1xf32>
    %squeeze3A_1022 = vector.extract %slice3A_1021[0] : f32 from vector<1xf32>
    %add3A_1023 = arith.addf %add3A_1020, %squeeze3A_1022 : f32
    %slice3A_1024 = vector.extract_strided_slice %scan3A_1008 {offsets = [5], sizes = [1], strides = [1]} : vector<16xf32> to vector<1xf32>
    %squeeze3A_1025 = vector.extract %slice3A_1024[0] : f32 from vector<1xf32>
    %add3A_1026 = arith.addf %add3A_1023, %squeeze3A_1025 : f32
    %slice3A_1027 = vector.extract_strided_slice %scan3A_1008 {offsets = [6], sizes = [1], strides = [1]} : vector<16xf32> to vector<1xf32>
    %squeeze3A_1028 = vector.extract %slice3A_1027[0] : f32 from vector<1xf32>
    %add3A_1029 = arith.addf %add3A_1026, %squeeze3A_1028 : f32
    %slice3A_1030 = vector.extract_strided_slice %scan3A_1008 {offsets = [7], sizes = [1], strides = [1]} : vector<16xf32> to vector<1xf32>
    %squeeze3A_1031 = vector.extract %slice3A_1030[0] : f32 from vector<1xf32>
    %add3A_1032 = arith.addf %add3A_1029, %squeeze3A_1031 : f32
    %slice3A_1033 = vector.extract_strided_slice %scan3A_1008 {offsets = [8], sizes = [1], strides = [1]} : vector<16xf32> to vector<1xf32>
    %squeeze3A_1034 = vector.extract %slice3A_1033[0] : f32 from vector<1xf32>
    %add3A_1035 = arith.addf %add3A_1032, %squeeze3A_1034 : f32
    %slice3A_1036 = vector.extract_strided_slice %scan3A_1008 {offsets = [9], sizes = [1], strides = [1]} : vector<16xf32> to vector<1xf32>
    %squeeze3A_1037 = vector.extract %slice3A_1036[0] : f32 from vector<1xf32>
    %add3A_1038 = arith.addf %add3A_1035, %squeeze3A_1037 : f32
    %slice3A_1039 = vector.extract_strided_slice %scan3A_1008 {offsets = [10], sizes = [1], strides = [1]} : vector<16xf32> to vector<1xf32>
    %squeeze3A_1040 = vector.extract %slice3A_1039[0] : f32 from vector<1xf32>
    %add3A_1041 = arith.addf %add3A_1038, %squeeze3A_1040 : f32
    %slice3A_1042 = vector.extract_strided_slice %scan3A_1008 {offsets = [11], sizes = [1], strides = [1]} : vector<16xf32> to vector<1xf32>
    %squeeze3A_1043 = vector.extract %slice3A_1042[0] : f32 from vector<1xf32>
    %add3A_1044 = arith.addf %add3A_1041, %squeeze3A_1043 : f32
    %slice3A_1045 = vector.extract_strided_slice %scan3A_1008 {offsets = [12], sizes = [1], strides = [1]} : vector<16xf32> to vector<1xf32>
    %squeeze3A_1046 = vector.extract %slice3A_1045[0] : f32 from vector<1xf32>
    %add3A_1047 = arith.addf %add3A_1044, %squeeze3A_1046 : f32
    %slice3A_1048 = vector.extract_strided_slice %scan3A_1008 {offsets = [13], sizes = [1], strides = [1]} : vector<16xf32> to vector<1xf32>
    %squeeze3A_1049 = vector.extract %slice3A_1048[0] : f32 from vector<1xf32>
    %add3A_1050 = arith.addf %add3A_1047, %squeeze3A_1049 : f32
    %slice3A_1051 = vector.extract_strided_slice %scan3A_1008 {offsets = [14], sizes = [1], strides = [1]} : vector<16xf32> to vector<1xf32>
    %squeeze3A_1052 = vector.extract %slice3A_1051[0] : f32 from vector<1xf32>
    %add3A_1053 = arith.addf %add3A_1050, %squeeze3A_1052 : f32
    %slice3A_1054 = vector.extract_strided_slice %scan3A_1008 {offsets = [15], sizes = [1], strides = [1]} : vector<16xf32> to vector<1xf32>
    %squeeze3A_1055 = vector.extract %slice3A_1054[0] : f32 from vector<1xf32>
    %add3A_1056 = arith.addf %add3A_1053, %squeeze3A_1055 : f32
    %eq3A_1057 = arith.constant 15 : i32
    %eq3A_1058 = vector.broadcast %eq3A_1057 : i32 to vector<16xi32>
    %eq3A_1059 = arith.cmpi eq, %iota3A, %eq3A_1058 : vector<16xi32>
    %add3A_1060 = vector.broadcast %add3A_1056 : f32 to vector<16xf32>
    %add3A_1061 = arith.addf %select_n3A_1001, %add3A_1060 : vector<16xf32>
    %select_n3A_1062 = arith.select %eq3A_1059, %add3A_1061, %select_n3A_1001 : vector<16xi1>, vector<16xf32>
    %swap3A = arith.constant 0 : index
    %swap3A_1063 = tpu.vector_load %arg11[%swap3A] {strides = array<i32>} : memref<16xf32, #tpu.memory_space<vmem>>, vector<16xf32>,
    %swap3A_1064 = vector.shape_cast %swap3A_1063 : vector<16xf32> to vector<16xf32>
    %swap3A_1065 = vector.shape_cast %select_n3A_1062 : vector<16xf32> to vector<16xf32>
    tpu.vector_store %arg11[%swap3A], %swap3A_1065 {strides = array<i32>} : memref<16xf32, #tpu.memory_space<vmem>>, vector<16xf32>,
    "tpu.region"() ({
      %run_scoped3A = tpu.sem_alloc : memref<!tpu.dma_semaphore, #tpu.memory_space<semaphore_mem>>
      %dma_start3A_1066 = arith.constant 0 : i32
      %dma_start3A_1067 = tpu.memref_slice %arg5[%add3A, %dma_start3A_1066] : memref<32x16xf32, #tpu.memory_space<hbm>> -> memref<1x16xf32, #tpu.memory_space<hbm>>
      %dma_start3A_1068 = tpu.memref_squeeze %dma_start3A_1067 : memref<1x16xf32, #tpu.memory_space<hbm>> -> memref<16xf32, #tpu.memory_space<hbm>>
      %dma_start3A_1069 = arith.constant 0 : i32
      %dma_start3A_1070 = tpu.memref_slice %arg5[%add3A, %dma_start3A_1069] : memref<32x16xf32, #tpu.memory_space<hbm>> -> memref<1x16xf32, #tpu.memory_space<hbm>>
      %dma_start3A_1071 = tpu.memref_squeeze %dma_start3A_1070 : memref<1x16xf32, #tpu.memory_space<hbm>> -> memref<16xf32, #tpu.memory_space<hbm>>
      tpu.enqueue_dma source(%arg11 : memref<16xf32, #tpu.memory_space<vmem>>) target(%dma_start3A_1071 : memref<16xf32, #tpu.memory_space<hbm>>) target_semaphore(%run_scoped3A : memref<!tpu.dma_semaphore, #tpu.memory_space<semaphore_mem>>)
      %dma_wait3A_1072 = arith.constant 0 : i32
      %dma_wait3A_1073 = tpu.memref_slice %arg5[%add3A, %dma_wait3A_1072] : memref<32x16xf32, #tpu.memory_space<hbm>> -> memref<1x16xf32, #tpu.memory_space<hbm>>
      %dma_wait3A_1074 = tpu.memref_squeeze %dma_wait3A_1073 : memref<1x16xf32, #tpu.memory_space<hbm>> -> memref<16xf32, #tpu.memory_space<hbm>>
      %dma_wait3A_1075 = arith.constant 0 : i32
      %dma_wait3A_1076 = tpu.memref_slice %arg5[%add3A, %dma_wait3A_1075] : memref<32x16xf32, #tpu.memory_space<hbm>> -> memref<1x16xf32, #tpu.memory_space<hbm>>
      %dma_wait3A_1077 = tpu.memref_squeeze %dma_wait3A_1076 : memref<1x16xf32, #tpu.memory_space<hbm>> -> memref<16xf32, #tpu.memory_space<hbm>>
      tpu.wait_dma2 semaphore(%run_scoped3A : memref<!tpu.dma_semaphore, #tpu.memory_space<semaphore_mem>>) src(%arg11 : memref<16xf32, #tpu.memory_space<vmem>>) dst(%dma_wait3A_1077 : memref<16xf32, #tpu.memory_space<hbm>>)
      tpu.yield
    }) : () -> ()
    return
  }
}

module attributes {stable_mosaic.version = 14 : i64} {
  func.func @_tc_body(%arg0: i32, %arg1: memref<1x1x2048xi32, #tpu.memory_space<vmem>>, %arg2: memref<2048x256xf32, #tpu.memory_space<vmem>>, %arg3: memref<16x256xf32, #tpu.memory_space<vmem>>, %arg4: memref<512x1xf32, #tpu.memory_space<vmem>>, %arg5: memref<1x1xf32, #tpu.memory_space<vmem>>, %arg6: memref<16x1xf32, #tpu.memory_space<vmem>>) attributes {dimension_semantics = [#tpu.dimension_semantics<arbitrary>], iteration_bounds = array<i64: 21>, scalar_prefetch = 0 : i64, scratch_operands = 0 : i64, tpu.core_type = #tpu.core_type<tc>, window_params = [{transform_indices = @transform_0, window_bounds = array<i64: 1, 1, 2048>}, {transform_indices = @transform_1, window_bounds = array<i64: 2048, 256>}, {pipeline_mode = #tpu.pipeline_mode<synchronous>, transform_indices = @transform_2, window_bounds = array<i64: 16, 256>}, {pipeline_mode = #tpu.pipeline_mode<synchronous>, transform_indices = @transform_3, window_bounds = array<i64: 512, 1>}, {pipeline_mode = #tpu.pipeline_mode<synchronous>, transform_indices = @transform_4, window_bounds = array<i64: 1, 1>}, {pipeline_mode = #tpu.pipeline_mode<synchronous>, transform_indices = @transform_5, window_bounds = array<i64: 16, 1>}]} {
    %get3A = arith.constant 0 : index
    %get3A_0 = arith.constant 0 : index
    %get3A_1 = vector.load %arg4[%get3A, %get3A_0] : memref<512x1xf32, #tpu.memory_space<vmem>>, vector<256x1xf32>
    %get3A_2 = arith.constant 0 : index
    %get3A_3 = arith.constant 0 : index
    %get3A_4 = arith.constant 0 : index
    %get3A_5 = vector.load %arg1[%get3A_2, %get3A_3, %get3A_4] : memref<1x1x2048xi32, #tpu.memory_space<vmem>>, vector<1x1x2048xi32>
    %reshape3A = vector.shape_cast %get3A_5 : vector<1x1x2048xi32> to vector<1x2048xi32>
    %iota3A = tpu.iota {dimensions = array<i32: 0>} : vector<16x2048xi32>
    %eq3A = vector.broadcast %reshape3A : vector<1x2048xi32> to vector<16x2048xi32>
    %eq3A_6 = arith.cmpi eq, %eq3A, %iota3A : vector<16x2048xi32>
    %convert_element_type3A = arith.extui %eq3A_6 : vector<16x2048xi1> to vector<16x2048xi32>
    %convert_element_type3A_7 = arith.sitofp %convert_element_type3A : vector<16x2048xi32> to vector<16x2048xf32>
    %get3A_8 = arith.constant 0 : index
    %get3A_9 = arith.constant 0 : index
    %get3A_10 = vector.load %arg2[%get3A_8, %get3A_9] : memref<2048x256xf32, #tpu.memory_space<vmem>>, vector<2048x256xf32>
    %dot_general3A = arith.constant dense<0.000000e+00> : vector<16x256xf32>
    %dot_general3A_11 = tpu.matmul %convert_element_type3A_7, %get3A_10, %dot_general3A {dimension_numbers = #tpu.dot_dimension_numbers<[1], [0], [0], [1], [0, 0, 1, 1], [], []>, transpose_lhs_hint = false} : vector<16x2048xf32>, vector<2048x256xf32>, vector<16x256xf32> -> vector<16x256xf32>
    %eq3A_12 = arith.constant 0 : i32
    %eq3A_13 = arith.cmpi eq, %arg0, %eq3A_12 : i32
    %convert_element_type3A_14 = arith.extui %eq3A_13 : i1 to i32
    %cond3A = arith.constant 0 : i32
    %cond3A_15 = arith.cmpi ne, %convert_element_type3A_14, %cond3A : i32
    scf.if %cond3A_15 {
      %get3A_23 = arith.constant 256 : index
      %get3A_24 = arith.constant 0 : index
      %get3A_25 = vector.load %arg4[%get3A_23, %get3A_24] : memref<512x1xf32, #tpu.memory_space<vmem>>, vector<256x1xf32>
      %get3A_26 = arith.constant 0 : index
      %get3A_27 = arith.constant 0 : index
      %get3A_28 = vector.load %arg3[%get3A_26, %get3A_27] : memref<16x256xf32, #tpu.memory_space<vmem>>, vector<16x256xf32>
      %dot_general3A_29 = arith.constant dense<0.000000e+00> : vector<16x1xf32>
      %dot_general3A_30 = tpu.matmul %get3A_28, %get3A_25, %dot_general3A_29 {dimension_numbers = #tpu.dot_dimension_numbers<[1], [0], [0], [1], [0, 0, 1, 1], [], []>, transpose_lhs_hint = false} : vector<16x256xf32>, vector<256x1xf32>, vector<16x1xf32> -> vector<16x1xf32>
      %get3A_31 = arith.constant 0 : index
      %get3A_32 = arith.constant 0 : index
      %get3A_33 = vector.load %arg5[%get3A_31, %get3A_32] : memref<1x1xf32, #tpu.memory_space<vmem>>, vector<1x1xf32>
      %get3A_34 = vector.extract %get3A_33[0, 0] : f32 from vector<1x1xf32>
      %add3A_35 = vector.broadcast %get3A_34 : f32 to vector<16x1xf32>
      %add3A_36 = arith.addf %dot_general3A_30, %add3A_35 : vector<16x1xf32>
      %swap3A_37 = arith.constant 0 : index
      %swap3A_38 = arith.constant 0 : index
      %swap3A_39 = vector.load %arg6[%swap3A_37, %swap3A_38] : memref<16x1xf32, #tpu.memory_space<vmem>>, vector<16x1xf32>
      tpu.vector_store %arg6[%swap3A_37, %swap3A_38], %add3A_36 {strides = array<i32>} : memref<16x1xf32, #tpu.memory_space<vmem>>, vector<16x1xf32>,
    } else {
    }
    %get3A_16 = arith.constant 0 : index
    %get3A_17 = arith.constant 0 : index
    %get3A_18 = vector.load %arg6[%get3A_16, %get3A_17] : memref<16x1xf32, #tpu.memory_space<vmem>>, vector<16x1xf32>
    %dot_general3A_19 = arith.constant dense<0.000000e+00> : vector<16x1xf32>
    %dot_general3A_20 = tpu.matmul %dot_general3A_11, %get3A_1, %dot_general3A_19 {dimension_numbers = #tpu.dot_dimension_numbers<[1], [0], [0], [1], [0, 0, 1, 1], [], []>, transpose_lhs_hint = false} : vector<16x256xf32>, vector<256x1xf32>, vector<16x1xf32> -> vector<16x1xf32>
    %add3A = arith.addf %get3A_18, %dot_general3A_20 : vector<16x1xf32>
    %swap3A = arith.constant 0 : index
    %swap3A_21 = arith.constant 0 : index
    %swap3A_22 = vector.load %arg6[%swap3A, %swap3A_21] : memref<16x1xf32, #tpu.memory_space<vmem>>, vector<16x1xf32>
    tpu.vector_store %arg6[%swap3A, %swap3A_21], %add3A {strides = array<i32>} : memref<16x1xf32, #tpu.memory_space<vmem>>, vector<16x1xf32>,
    return
  }
  func.func @transform_0(%arg0: i32) -> (i32, i32, i32) {
    %c0_i32 = arith.constant 0 : i32
    %c0_i32_0 = arith.constant 0 : i32
    %c0_i32_1 = arith.constant 0 : i32
    return %arg0, %c0_i32, %c0_i32_0 : i32, i32, i32
  }
  func.func @transform_1(%arg0: i32) -> (i32, i32) {
    %c0_i32 = arith.constant 0 : i32
    %c0_i32_0 = arith.constant 0 : i32
    return %arg0, %c0_i32 : i32, i32
  }
  func.func @transform_2(%arg0: i32) -> (i32, i32) {
    %c0_i32 = arith.constant 0 : i32
    %c0_i32_0 = arith.constant 0 : i32
    %c0_i32_1 = arith.constant 0 : i32
    return %c0_i32, %c0_i32_0 : i32, i32
  }
  func.func @transform_3(%arg0: i32) -> (i32, i32) {
    %c0_i32 = arith.constant 0 : i32
    %c0_i32_0 = arith.constant 0 : i32
    %c0_i32_1 = arith.constant 0 : i32
    return %c0_i32, %c0_i32_0 : i32, i32
  }
  func.func @transform_4(%arg0: i32) -> (i32, i32) {
    %c0_i32 = arith.constant 0 : i32
    %c0_i32_0 = arith.constant 0 : i32
    %c0_i32_1 = arith.constant 0 : i32
    return %c0_i32, %c0_i32_0 : i32, i32
  }
  func.func @transform_5(%arg0: i32) -> (i32, i32) {
    %c0_i32 = arith.constant 0 : i32
    %c0_i32_0 = arith.constant 0 : i32
    %c0_i32_1 = arith.constant 0 : i32
    return %c0_i32, %c0_i32_0 : i32, i32
  }
}

</mosaic_0001>

<sc_bundles>
// kernel: kernel.4.cloned.1.call-start
scs
__scs_entry_jumppad:
0x0: {  	(pc) =	sbr.rel $0x88, $3  }
0x1: {  	(tag) =	ssettag $0x0;
	lr =	simm.s32 $0x1  }
0x2: {  	[smem:$0x3F9C] =	sst lr;
	_ =	strace $0xD0000000  }
0x3: {  	_ = 	snop  }
0x4: {  	_ = 	snop  }
0x5: {  	_ = 	snop  }
0x6: {  	_ = 	snop  }
0x7: {  	_ = 	snop  }
__scs_overlays_trampoline_lowered:
0x8: {  	[smem:$0x3FAB] =	sst s0  }
0x9: {  	[smem:$0x3FAC] =	sst s1  }
0xa: {  	[smem:$0x3FAD] =	sst s2  }
0xb: {  	[smem:$0x3FAE] =	sst s3  }
0xc: {  	[smem:$0x3FAF] =	sst s4  }
0xd: {  	[smem:$0x3FB0] =	sst s5  }
0xe: {  	[smem:$0x3FB1] =	sst s6  }
0xf: {  	[smem:$0x3FB2] =	sst s7  }
0x10: {  	[smem:$0x3FB3] =	sst s8  }
0x11: {  	[smem:$0x3FB4] =	sst s9;
	s0 =	simm.s32 @!p0 $0x0  }
0x12: {  	s1 =	sld [smem:$0x3F9A];
	s0 =	simm.s32 @p0 $0x1  }
0x13: {  	[smem:$0x3FB5] =	sst s0;
	s0 =	simm.s32 @!p1 $0x0  }
0x14: {  	s2 =	sld [smem:$0x3F99];
	s0 =	simm.s32 @p1 $0x1  }
0x15: {  	[smem:$0x3FB6] =	sst s0;
	s0 =	simm.s32 @!p2 $0x0  }
0x16: {  	s3 =	sld [smem:$0x3FDB];
	s0 =	simm.s32 @p2 $0x1  }
0x17: {  	s4 =	simm.s32 $0x1BF5;
	[smem:$0x3FB8] =	sst s0  }
0x18: {  	s0 =	sld [smem:$0x3F9B];
	_ =	swait.ge [sflag:s4], $0x0  }
0x19: {  	s7 =	sld [smem:$0x3F9C]  }
0x1a: {  	s8 =	sadd.s32 $0xFFFFE003, lr  }
0x1b: {  	s9 =	sadd.s32 $0xFFFFFEF7, lr;
	s5 =	simm.s32 $0xFFFFFFFF;
	p2 =	slt.u32 s8, $0xFFFFF086  }
0x1c: {  	p1 =	slt.u32 s9, $0xF7A;
	s5 =	simm.s32 @!p2 $0x0  }
0x1d: {  	s5 =	simm.s32 @p1 $0x1;
	p0 =	seq.s32 s7, s2  }
0x1e: {  	s7 =	smul.u32 @!p0 $0xF7A, s2;
	p2 =	seq.s32 @!p0 s5, $0x0  }
0x1f: {  	s9 =	smul.u32 $0xF7A, s1;
	s8 =	simm.s32 @!p0 $0x1BF5;
	p2 =	por !p2, p0  }
0x20: {  	[sflag:s8] =	ssyncset.s32 @!p0 $0xFFFFF086;
	s6 =	sadd.s32 @!p0 s3, s7;
	s7 =	simm.s32 @!p0 $0x108  }
0x21: {  	s3 =	sadd.s32 s3, s9;
	s6 =	sadd.s32 @!p0 $0x88, s6;
	s7 =	simm.s32 @p2 $0x1082  }
0x22: {  	[simem:s7], [sflag:s8] =	dma.local @!p0 [hbm:s6], $0xF7A  }
0x23: {  	s9 =	sor.u32 $0xD0000000, s2;
	s6 =	simm.s32 $0x108;
	_ =	swait.ge @!p0 [sflag:s8], $0x0  }
0x24: {  	s3 =	sadd.s32 $0x88, s3;
	s6 =	simm.s32 @!p1 $0x1082;
	[sflag:s4] =	ssyncset.s32 $0xFFFFF086  }
0x25: {  	[simem:s6], [sflag:s4] =	dma.local [hbm:s3], $0xF7A  }
0x26: {  	[smem:$0x3F9C] =	sst s1;
	(tag) =	ssettag s2;
	_ =	strace s9  }
0x27: {  	s1 =	sld [smem:$0x3FAC]  }
0x28: {  	s2 =	sld [smem:$0x3FAD]  }
0x29: {  	s4 =	sld [smem:$0x3FAF]  }
0x2a: {  	p0 =	seq.s32 s5, $0x0;
	s5 =	sld [smem:$0x3FB0]  }
0x2b: {  	s6 =	sld [smem:$0x3FB1]  }
0x2c: {  	s7 =	sld [smem:$0x3FB2]  }
0x2d: {  	s3 =	simm.s32 $0x108;
	s8 =	sld [smem:$0x3FB3]  }
0x2e: {  	s3 =	simm.s32 @!p0 $0x1082;
	s9 =	sld [smem:$0x3FB4]  }
0x2f: {  	lr =	sadd.s32 s0, s3;
	s0 =	sld [smem:$0x3FAB]  }
0x30: {  	s3 =	sld [smem:$0x3FAE]  }
0x31: {  	[smem:$0x3FB7] =	sst s10  }
0x32: {  	s10 =	sld [smem:$0x3FB5];
	_ =	sdelay $0x3  }
0x33: {  	p0 =	seq.s32 s10, $0x1;
	s10 =	sld [smem:$0x3FB7];
	_ =	sdelay $0x3  }
0x34: {  	[smem:$0x3FB7] =	sst s10  }
0x35: {  	s10 =	sld [smem:$0x3FB6];
	_ =	sdelay $0x3  }
0x36: {  	p1 =	seq.s32 s10, $0x1;
	s10 =	sld [smem:$0x3FB7];
	_ =	sdelay $0x3  }
0x37: {  	[smem:$0x3FB7] =	sst s10  }
0x38: {  	s10 =	sld [smem:$0x3FB8]  }
0x39: {  	_ = 	snop;
	(pc) =	sbr.ind lr, $3  }
0x3a: {  	_ = 	snop  }
0x3b: {  	_ = 	snop  }
0x3c: {  	p2 =	seq.s32 s10, $0x1;
	s10 =	sld [smem:$0x3FB7]  }
0x3d: {  	_ =	shalt  }
0x3e: {  	_ =	shalt  }
0x3f: {  	_ =	shalt  }
0x40: {  	_ =	shalt  }
0x41: {  	_ =	shalt  }
0x42: {  	_ =	shalt  }
0x43: {  	_ =	shalt  }
0x44: {  	_ =	shalt  }
0x45: {  	_ =	shalt  }
0x46: {  	_ =	shalt  }
0x47: {  	_ =	shalt  }
0x48: {  	_ =	shalt  }
0x49: {  	_ =	shalt  }
0x4a: {  	_ =	shalt  }
0x4b: {  	_ =	shalt  }
0x4c: {  	_ =	shalt  }
0x4d: {  	_ =	shalt  }
0x4e: {  	_ =	shalt  }
0x4f: {  	_ =	shalt  }
0x50: {  	_ =	shalt  }
0x51: {  	_ =	shalt  }
0x52: {  	_ =	shalt  }
0x53: {  	_ =	shalt  }
0x54: {  	_ =	shalt  }
0x55: {  	_ =	shalt  }
0x56: {  	_ =	shalt  }
0x57: {  	_ =	shalt  }
0x58: {  	_ =	shalt  }
0x59: {  	_ =	shalt  }
0x5a: {  	_ =	shalt  }
0x5b: {  	_ =	shalt  }
0x5c: {  	_ =	shalt  }
0x5d: {  	_ =	shalt  }
0x5e: {  	_ =	shalt  }
0x5f: {  	_ =	shalt  }
0x60: {  	_ =	shalt  }
0x61: {  	_ =	shalt  }
0x62: {  	_ =	shalt  }
0x63: {  	_ =	shalt  }
0x64: {  	_ =	shalt  }
0x65: {  	_ =	shalt  }
0x66: {  	_ =	shalt  }
0x67: {  	_ =	shalt  }
0x68: {  	_ =	shalt  }
0x69: {  	_ =	shalt  }
0x6a: {  	_ =	shalt  }
0x6b: {  	_ =	shalt  }
0x6c: {  	_ =	shalt  }
0x6d: {  	_ =	shalt  }
0x6e: {  	_ =	shalt  }
0x6f: {  	_ =	shalt  }
0x70: {  	_ =	shalt  }
0x71: {  	_ =	shalt  }
0x72: {  	_ =	shalt  }
0x73: {  	_ =	shalt  }
0x74: {  	_ =	shalt  }
0x75: {  	_ =	shalt  }
0x76: {  	_ =	shalt  }
0x77: {  	_ =	shalt  }
0x78: {  	_ =	shalt  }
0x79: {  	_ =	shalt  }
0x7a: {  	_ =	shalt  }
0x7b: {  	_ =	shalt  }
0x7c: {  	_ =	shalt  }
0x7d: {  	_ =	shalt  }
0x7e: {  	_ =	shalt  }
0x7f: {  	_ =	shalt  }
0x80: {  	_ =	shalt  }
0x81: {  	_ =	shalt  }
0x82: {  	_ =	shalt  }
0x83: {  	_ =	shalt  }
0x84: {  	_ =	shalt  }
0x85: {  	_ =	shalt  }
0x86: {  	_ =	shalt  }
0x87: {  	_ =	shalt  }
.Lfunc_end0:
.L_simem_size_0:
called_computation_lowered:
.L_overlay_start_0:
0x88: {  	s2 =	sld [smem:$0x3FD9]  }
0x89: {  	s3 =	sld [smem:$0x3FFE];
	_ =	sdelay $0x1  }
0x8a: {  	s1 =	srdreg.scid  }
0x8b: {  	s0 =	sand.u32 $0x1, s1  }
0x8c: {  	s17 =	sshll.u32 s0, $0xA;
	s2 =	sadd.s32 s3, s2  }
0x8d: {  	s2 =	sadd.s32 s2, s17  }
0x8e: {  	[smem:$0x3FC3] =	sst s2  }
0x8f: {  	_ = 	snop  }
0x90: {  	s2 =	sld [smem:$0x3FC9]  }
0x91: {  	s18 =	sld [smem:$0x3FC7];
	(tm) =	ssettm $0x1  }
0x92: {  	s4 =	sld [smem:$0x3FFB];
	_ =	sdelay $0x3  }
0x93: {  	_ =	strace s4  }
0x94: {  	s4 =	sld [smem:$0x3FFC];
	_ =	sdelay $0x3  }
0x95: {  	_ =	strace s4  }
0x96: {  	s4 =	sld [smem:$0x3FFD];
	_ =	sdelay $0x3  }
0x97: {  	_ =	strace s4  }
0x98: {  	_ =	strace $0x8FFFFFFF  }
0x99: {  	s19 =	sld [smem:$0x3FDB];
	_ =	sdelay $0x1  }
0x9a: {  	s5 =	simm.s32 $_scs_section_size  }
0x9b: {  	s6 =	simm.s32 $_size__tile_overlayer_lowered;
	s7 =	simm.s32 $_tile_overlayer_lowered  }
0x9c: {  	s22 =	simm.s32 $0x1BFF;
	s21 =	sshll.u32 s7, $0x1;
	s4 =	sadd.s32 s5, s19  }
0x9d: {  	s8 =	simm.s32 $0x0;
	s20 =	sshll.u32 s6, $0x1;
	s6 =	sadd.s32 s21, s4  }
0x9e: {  	[timem:s8], [sflag:s22] =	dma.local [hbm:s6], s20  }
0x9f: {  	_ =	swait.ge [sflag:s22], s20  }
0xa0: {  	s5 =	ssub.s32 $0x0, s20;
	[sflag:s22] =	ssyncset.done $0x0  }
0xa1: {  	[sflag:s22] =	ssyncadd.s32 s5;
	_ =	sdelay $0x1  }
0xa2: {  	s23 =	simm.s32 $0x1B8B  }
0xa3: {  	_ =	swait.ge [sflag:s23], $0x1  }
0xa4: {  	[sflag:s23] =	ssyncset.done $0x0  }
0xa5: {  	s25 =	simm.s32 $0x1B8E;
	s24 =	sld [smem:$0x3FFE];
	[sflag:s23] =	ssyncadd.s32 $0xFFFFFFFF  }
0xa6: {  	s26 =	simm.s32 $execute0_lowered;
	[smem:$0x3FD2] =	sst s25  }
0xa7: {  	s6 =	sshll.u32 s26, $0x1;
	_ =	strace $0x80000046;
	[dreg:$0x1] =	wrdreg $0xFFFFFFFF  }
0xa8: {  	s28 =	simm.s32 $_size_execute0_lowered;
	s4 =	sadd.s32 s4, s6;
	[dreg:$0x0] =	wrdreg $0x0  }
0xa9: {  	s6 =	sshll.u32 s28, $0x1;
	[dreg:$0x2] =	wrdreg s4  }
0xaa: {  	[dreg:$0x3] =	wrdreg s6  }
0xab: {  	[dreg:$0x4] =	wrdreg $0xC0  }
0xac: {  	_ =	task [dreg:s8], $0x5FFFF  }
0xad: {  	[dreg:$0x1] =	wrdreg $0xFFFFFFFF  }
0xae: {  	[dreg:$0x0] =	wrdreg $0x60  }
0xaf: {  	[dreg:$0x2] =	wrdreg s2  }
0xb0: {  	[dreg:$0x3] =	wrdreg s18  }
0xb1: {  	[dreg:$0x4] =	wrdreg s24  }
0xb2: {  	[dreg:$0x5] =	wrdreg $0x9  }
0xb3: {  	_ =	task.clear_ibuf [dreg:s8], $0x6FFFF;
	_ =	strace $0x90000046  }
0xb4: {  	s29 =	simm.s32 $0x9;
	_ =	strace $0x80000048  }
0xb5: {  	_ =	swait.ge [sflag:s29], $0x1  }
0xb6: {  	[sflag:s29] =	ssyncadd.s32 $0xFFFFFFFF  }
0xb7: {  	_ =	strace $0x90000048  }
0xb8: {  	_ =	sfence  }
0xb9: {  	s30 =	sld [smem:$0x0];
	_ =	sdelay $0x2  }
0xba: {  	s31 =	sshll.u32 s1, $0xD;
	s1 =	sshrl.u32 s1, $0x2  }
0xbb: {  	s3 =	sand.u32 $0x4000, s31;
	s1 =	sadd.s32 s1, s30  }
0xbc: {  	s0 =	sor.u32 s3, s0;
	s1 =	sshll.u32 s1, $0x11  }
0xbd: {  	s0 =	sor.u32 s1, s0  }
0xbe: {  	s0 =	sadd.s32 $0x8F2B, s0  }
0xbf: {  	[sflag:s0] =	ssyncadd.remote.s32 $0x1  }
0xc0: {  	_ =	sfence.sel $0xFFFF  }
0xc1: {  	[dreg:$0x0] =	wrdreg $0xFFFFFFFF;
	(pc) =	sbr.abs _section_cstart, $3  }
0xc2: {  	[dreg:$0x1] =	wrdreg $0xFFFFFFFF  }
0xc3: {  	_ =	task.clear_ibuf [dreg:s8], $0x2FFFF;
	_ =	strace $0x9FFFFFFF  }
0xc4: {  	(tm) =	ssettm $0x7FFFFFFF  }
0xc5: {  	_ =	shalt  }
tec
execute0_lowered:
.L_overlay_start_1:
0x0: {  	(tag) =	ssettag $0x1  }
0x1: {  	s0 =	rddreg [dreg:$0x0]  }
0x2: {  	s1 =	rddreg [dreg:$0x1];
	s3 =	srdreg.scid  }
0x3: {  	s2 =	rddreg [dreg:$0x2];
	s3 =	sand.u32 $0x1, s3  }
0x4: {  	s8 =	simm.s32 $0x0;
	s5 =	stileid.u32;
	s4 =	sshll.u32 s3, $0x4  }
0x5: {  	[smem:$0x7FF] =	sst s8;
	s7 =	sadd.s32 $0x600, s2;
	s4 =	sor.u32 s5, s4  }
0x6: {  	_ =	strace $0x80000047;
	s3 =	ssub.s32 $0x2, s3;
	s6 =	smul.u32 $0xD8, s4  }
0x7: {  	[dreg:$0x4] =	wrdreg s7;
	s5 =	sshll.u32 s5, $0x4;
	s25 =	sshrl.u32 s3, $0x1  }
0x8: {  	v0 =	vimm.f32 $0.0e+00;
	vm0 =	vmmov $0x1;
	s5 =	sand.u32 $0x70, s5;
	s3 =	ssub.s32 s3, s25;
	s26 =	sadd.s32 $0xA800, s6  }
0x9: {  	vm1 =	vcmask $0x30C;
	vm2 =	vcmask $0xF0C;
	vm3 =	vcmask $0x714;
	s2 =	sadd.s32 s5, s2;
	s31 =	smax.u32 s3, $0x1;
	s6 =	sshll.u32 s26, $0x5  }
0xa: {  	vm4 =	vcmask $0xF18;
	vm5 =	vcmask $0x131C;
	vm6 =	vcmask $0x1F1C;
	[dreg:$0xa] =	wrdreg s31;
	s5 =	sshrl.u32 s26, $0x3;
	s6 =	sadd.s32 s0, s6  }
0xb: {  	vm7 =	vcmask $0x1724;
	vm8 =	vcmask $0x1F28;
	vm9 =	vcmask $0x232C;
	s28 =	sshll.u32 s4, $0x4;
	s5 =	sadd.s32 s1, s5;
	[dreg:$0x5] =	wrdreg s6  }
0xc: {  	vm10 =	vcmask $0x2F2C;
	vm11 =	vcmask $0x2734;
	vm12 =	vcmask $0x2F38;
	s29 =	sand.u32 $0x180, s28;
	s1 =	sadd.s32 $0x1860, s1;
	[dreg:$0x6] =	wrdreg s5  }
0xd: {  	vm13 =	vcmask $0x333C;
	vm14 =	vmmov $0x3fff;
	vm15 =	vmmov $0x7fff;
	s30 =	sadd.s32 s29, s2;
	s0 =	sadd.s32 $0x186000, s0;
	[dreg:$0x7] =	wrdreg s1  }
0xe: {  	vm2 =	vmor vm3, vm2;
	vm3 =	vcmask $0xB14;
	vm6 =	vmor vm7, vm6;
	p0 =	sne.s32 s4, $0x1F;
	[dreg:$0x8] =	wrdreg s0;
	s0 =	sadd.s32 $0x800, s30  }
0xf: {  	vm7 =	vcmask $0x1B24;
	vm10 =	vmor vm11, vm10;
	vm11 =	vcmask $0x2B34;
	s5 =	simm.s32 $0x2;
	s1 =	simm.s32 $0x0;
	[dreg:$0x9] =	wrdreg s0  }
.LBB2_1:
0x10: {  	[dreg:$0xb] =	wrdreg s1  }
0x11: {  	s0 =	rddreg [dreg:$0x5];
	s25 =	simm.s32 $0x180  }
0x12: {  	[tilespmem:s25], [sflag:$0x1] =	stream.linear.gather [hbm4b:s0+s8], $0xD800, $0x38;
	[tilespmem:$0xEB00] =	vst v63  }
0x13: {  	s26 =	rddreg [dreg:$0x6]  }
0x14: {  	[tilespmem:s8], [sflag:$0x2] =	stream.linear.gather [hbm4b:s26+s8], $0xD8, $0x38;
	[tilespmem:$0xEB00] =	vst v63  }
0x15: {  	_ =	swait.ge [sflag:s5], $0xD8  }
0x16: {  	[sflag:s5] =	ssyncset.done $0x0  }
0x17: {  	s29 =	simm.s32 $0xE980;
	s28 =	rddreg [dreg:$0x4];
	[sflag:s5] =	ssyncadd.s32 $0xFFFFFF28  }
0x18: {  	[tilespmem:s29], [sflag:$0x2] =	stream.linear.gather [hbm4b:s28+s8], $0x100, $0x38;
	[tilespmem:$0xEB00] =	vst v63  }
0x19: {  	_ =	swait.ge [sflag:s5], $0x100  }
0x1a: {  	s30 =	sand.u32 $0x800, s8;
	s31 =	sand.u32 $0x380, s8;
	[sflag:s5] =	ssyncset.done $0x0  }
0x1b: {  	s0 =	sor.u32 s31, s30;
	[sflag:s5] =	ssyncadd.s32 $0xFFFFFF00  }
0x1c: {  	[tilespmem:s0+$0xDDF0] =	vst v0  }
0x1d: {  	[tilespmem:s0+$0xD980] =	vst v0  }
0x1e: {  	[tilespmem:s0+$0xD990] =	vst v0  }
0x1f: {  	[tilespmem:s0+$0xD9A0] =	vst v0  }
0x20: {  	[tilespmem:s0+$0xD9B0] =	vst v0  }
0x21: {  	[tilespmem:s0+$0xD9C0] =	vst v0  }
0x22: {  	[tilespmem:s0+$0xD9D0] =	vst v0  }
0x23: {  	[tilespmem:s0+$0xD9E0] =	vst v0  }
0x24: {  	[tilespmem:s0+$0xD9F0] =	vst v0  }
0x25: {  	[tilespmem:s0+$0xDD80] =	vst v0  }
0x26: {  	[tilespmem:s0+$0xDD90] =	vst v0  }
0x27: {  	[tilespmem:s0+$0xDDA0] =	vst v0  }
0x28: {  	[tilespmem:s0+$0xDDB0] =	vst v0  }
0x29: {  	s2 =	simm.s32 $0x100;
	s1 =	simm.s32 $0x80;
	[tilespmem:s0+$0xDDC0] =	vst v0  }
0x2a: {  	s3 =	sand.u32 $0x800, s2;
	s4 =	sand.u32 $0x380, s1;
	s2 =	simm.s32 $0x200;
	[tilespmem:s0+$0xDDD0] =	vst v0  }
.LBB2_2:
0x2b: {  	p1 =	sne.s32 s2, $0xF00;
	[tilespmem:s0+$0xDDE0] =	vst v0;
	s0 =	sor.u32 s4, s3  }
0x2c: {  	[tilespmem:s0+$0xDDF0] =	vst v0  }
0x2d: {  	[tilespmem:s0+$0xD980] =	vst v0  }
0x2e: {  	[tilespmem:s0+$0xD990] =	vst v0  }
0x2f: {  	[tilespmem:s0+$0xD9A0] =	vst v0  }
0x30: {  	[tilespmem:s0+$0xD9B0] =	vst v0  }
0x31: {  	[tilespmem:s0+$0xD9C0] =	vst v0  }
0x32: {  	[tilespmem:s0+$0xD9D0] =	vst v0  }
0x33: {  	[tilespmem:s0+$0xD9E0] =	vst v0  }
0x34: {  	[tilespmem:s0+$0xD9F0] =	vst v0  }
0x35: {  	[tilespmem:s0+$0xDD80] =	vst v0  }
.Ltmp0:
0x36: {  	[tilespmem:s0+$0xDD90] =	vst v0;
	(pc) =	sbr.rel @p1 .LBB2_2-.Ltmp0, $4  }
0x37: {  	[tilespmem:s0+$0xDDA0] =	vst v0  }
0x38: {  	[tilespmem:s0+$0xDDB0] =	vst v0  }
0x39: {  	s1 =	sadd.s32 $0x80, s1;
	[tilespmem:s0+$0xDDC0] =	vst v0  }
0x3a: {  	s3 =	sand.u32 $0x800, s2;
	s2 =	sadd.s32 $0x100, s2;
	s4 =	sand.u32 $0x380, s1;
	[tilespmem:s0+$0xDDD0] =	vst v0  }
0x3b: {  	s1 =	sor.u32 s4, s3;
	[tilespmem:s0+$0xDDE0] =	vst v0  }
0x3c: {  	[tilespmem:s1+$0xDDF0] =	vst v0  }
0x3d: {  	[tilespmem:s1+$0xD980] =	vst v0  }
0x3e: {  	[tilespmem:s1+$0xD990] =	vst v0  }
0x3f: {  	[tilespmem:s1+$0xD9A0] =	vst v0  }
0x40: {  	[tilespmem:s1+$0xD9B0] =	vst v0  }
0x41: {  	[tilespmem:s1+$0xD9C0] =	vst v0  }
0x42: {  	[tilespmem:s1+$0xD9D0] =	vst v0  }
0x43: {  	[tilespmem:s1+$0xD9E0] =	vst v0  }
0x44: {  	[tilespmem:s1+$0xD9F0] =	vst v0  }
0x45: {  	[tilespmem:s1+$0xDD80] =	vst v0  }
0x46: {  	[tilespmem:s1+$0xDD90] =	vst v0  }
0x47: {  	[tilespmem:s1+$0xDDA0] =	vst v0  }
0x48: {  	[tilespmem:s1+$0xDDB0] =	vst v0  }
0x49: {  	[tilespmem:s1+$0xDDC0] =	vst v0  }
0x4a: {  	[tilespmem:s1+$0xDDD0] =	vst v0  }
0x4b: {  	s30 =	simm.s32 $0x1;
	[tilespmem:s1+$0xDDE0] =	vst v0  }
0x4c: {  	_ =	swait.ge [sflag:s30], $0xD800  }
0x4d: {  	[sflag:s30] =	ssyncset.done $0x0  }
0x4e: {  	[sflag:s30] =	ssyncadd.s32 $0xFFFF2800  }
0x4f: {  	v1 =	vld [tilespmem:$0x0]  }
0x50: {  	v2 =	vld [tilespmem:$0xD7];
	_ =	sdelay $0x3  }
0x51: {  	(v2sf) =	vpush v1, $0x0  }
0x52: {  	(v2sf) =	vpush v2, $0x0;
	_ =	sdelay $0xd  }
0x53: {  	s16 =	spop (v2sf)  }
0x54: {  	s31 =	spop (v2sf)  }
0x55: {  	p1 =	sne.s32 s16, s31  }
.Ltmp1:
0x56: {  	_ = 	snop;
	(pc) =	sbr.rel @p1 .LBB2_7-.Ltmp1, $2  }
0x57: {  	_ =	sdelay $0x2  }
0x58: {  	s17 =	simm.s32 $0x0  }
0x59: {  	s0 =	sand.u32 $0xF800, s17;
	s1 =	sand.u32 $0x200, s17  }
0x5a: {  	s0 =	sor.u32 s1, s0  }
0x5b: {  	v2 =	vld [tilespmem:s0+$0x300]  }
0x5c: {  	v3 =	vld [tilespmem:s0+$0x310]  }
0x5d: {  	v4 =	vld [tilespmem:s0+$0x320]  }
0x5e: {  	v5 =	vld [tilespmem:s0+$0x330]  }
0x5f: {  	v6 =	vld [tilespmem:s0+$0x340]  }
0x60: {  	v8 =	vld [tilespmem:s0+$0x350]  }
0x61: {  	v9 =	vld [tilespmem:s0+$0x360]  }
0x62: {  	v10 =	vld [tilespmem:s0+$0x370]  }
0x63: {  	v7 =	vld [tilespmem:s0+$0x280]  }
0x64: {  	v11 =	vld [tilespmem:s0+$0x290]  }
0x65: {  	v12 =	vld [tilespmem:s0+$0x2A0]  }
0x66: {  	v14 =	vld [tilespmem:s0+$0x2B0]  }
0x67: {  	v16 =	vld [tilespmem:s0+$0x2C0]  }
0x68: {  	v19 =	vld [tilespmem:s0+$0x2D0]  }
0x69: {  	v20 =	vld [tilespmem:s0+$0x2E0]  }
0x6a: {  	v21 =	vld [tilespmem:s0+$0x2F0]  }
0x6b: {  	v17 =	vld [tilespmem:s0+$0x200]  }
0x6c: {  	v18 =	vld [tilespmem:s0+$0x210]  }
0x6d: {  	v22 =	vld [tilespmem:s0+$0x220]  }
0x6e: {  	v23 =	vld [tilespmem:s0+$0x230]  }
0x6f: {  	v24 =	vld [tilespmem:s0+$0x240]  }
0x70: {  	v25 =	vld [tilespmem:s0+$0x250]  }
0x71: {  	v26 =	vld [tilespmem:s0+$0x260]  }
0x72: {  	v27 =	vld [tilespmem:s0+$0x270]  }
0x73: {  	v13 =	vld [tilespmem:s0+$0x180]  }
0x74: {  	v15 =	vld [tilespmem:s0+$0x190]  }
0x75: {  	v28 =	vld [tilespmem:s0+$0x1A0]  }
0x76: {  	p1 =	por $0x0, $0x0;
	s1 =	simm.s32 $0x1;
	v29 =	vld [tilespmem:s0+$0x1B0]  }
0x77: {  	s1 =	simm.s32 @!p1 $0x0;
	v30 =	vld [tilespmem:s0+$0x1C0]  }
0x78: {  	v31 =	vld [tilespmem:s0+$0x1D0];
	s1 =	sshll.u32 s1, $0x9  }
0x79: {  	v32 =	vld [tilespmem:s0+$0x1E0];
	s1 =	sadd.s32 $0x0, s1  }
0x7a: {  	v33 =	vld [tilespmem:s0+$0x1F0];
	s31 =	sor.u32 $0x400, s1  }
0x7b: {  	s2 =	sor.u32 $0x410, s1;
	v34 =	vld [tilespmem:s31+$0x180]  }
0x7c: {  	s3 =	sor.u32 $0x420, s1;
	v35 =	vld [tilespmem:s2+$0x180]  }
0x7d: {  	s4 =	sor.u32 $0x430, s1;
	v36 =	vld [tilespmem:s3+$0x180]  }
0x7e: {  	s6 =	sor.u32 $0x440, s1;
	v37 =	vld [tilespmem:s4+$0x180]  }
0x7f: {  	v1 =	vimm.f32 $0.0e+00;
	s7 =	sor.u32 $0x450, s1;
	v38 =	vld [tilespmem:s6+$0x180]  }
0x80: {  	s8 =	sor.u32 $0x460, s1;
	v41 =	vld [tilespmem:s7+$0x180];
	v39 =	vadd.f32 v13, v1;
	v40 =	vadd.f32 v15, v1  }
0x81: {  	s9 =	sor.u32 $0x470, s1;
	s20 =	sadd.s32 $0x180, s1;
	v28 =	vadd.f32 v28, v1;
	v29 =	vadd.f32 v29, v1;
	v13 =	vld [tilespmem:s8+$0x180]  }
0x82: {  	s12 =	sor.u32 $0x420, s20;
	v15 =	vld [tilespmem:s9+$0x180];
	v17 =	vadd.f32 v17, v39;
	v18 =	vadd.f32 v18, v40  }
0x83: {  	s13 =	sor.u32 $0x430, s20;
	v62 =	vld [tilespmem:s12+$0x180];
	v22 =	vadd.f32 v22, v28;
	v23 =	vadd.f32 v23, v29  }
0x84: {  	s10 =	sor.u32 $0x400, s20;
	v63 =	vld [tilespmem:s13+$0x180];
	v7 =	vadd.f32 v7, v17;
	v11 =	vadd.f32 v11, v18  }
0x85: {  	s11 =	sor.u32 $0x410, s20;
	v28 =	vld [tilespmem:s10+$0x180];
	v12 =	vadd.f32 v12, v22;
	v14 =	vadd.f32 v14, v23  }
0x86: {  	s2 =	sor.u32 $0x440, s20;
	v29 =	vld [tilespmem:s11+$0x180];
	v2 =	vadd.f32 v2, v7;
	v3 =	vadd.f32 v3, v11  }
0x87: {  	s14 =	sadd.s32 $0x100, s1;
	s1 =	sadd.s32 $0x80, s1;
	s15 =	sor.u32 $0x450, s20;
	v17 =	vld [tilespmem:s2+$0x180];
	v4 =	vadd.f32 v4, v12;
	v5 =	vadd.f32 v5, v14  }
0x88: {  	s18 =	sor.u32 $0x400, s1;
	v18 =	vld [tilespmem:s15+$0x180];
	v7 =	vadd.f32 v30, v1;
	v11 =	vadd.f32 v31, v1  }
0x89: {  	s19 =	sor.u32 $0x410, s1;
	v22 =	vld [tilespmem:s18+$0x180];
	v12 =	vadd.f32 v32, v1;
	v14 =	vadd.f32 v33, v1  }
0x8a: {  	s3 =	sor.u32 $0x400, s14;
	v23 =	vld [tilespmem:s19+$0x180];
	v7 =	vadd.f32 v24, v7;
	v11 =	vadd.f32 v25, v11  }
0x8b: {  	s17 =	sor.u32 $0x410, s14;
	v30 =	vld [tilespmem:s3+$0x180];
	v12 =	vadd.f32 v26, v12;
	v14 =	vadd.f32 v27, v14  }
0x8c: {  	s21 =	sor.u32 $0x420, s1;
	v25 =	vld [tilespmem:s17+$0x180];
	v7 =	vadd.f32 v16, v7;
	v11 =	vadd.f32 v19, v11  }
0x8d: {  	s22 =	sor.u32 $0x430, s1;
	s28 =	sor.u32 $0x440, s1;
	v16 =	vld [tilespmem:s21+$0x180];
	v12 =	vadd.f32 v20, v12;
	v14 =	vadd.f32 v21, v14  }
0x8e: {  	s29 =	sor.u32 $0x450, s1;
	s30 =	sor.u32 $0x460, s1;
	s1 =	sor.u32 $0x470, s1;
	v19 =	vld [tilespmem:s22+$0x180];
	v7 =	vadd.f32 v6, v7;
	v8 =	vadd.f32 v8, v11  }
0x8f: {  	s23 =	sor.u32 $0x420, s14;
	v26 =	vld [tilespmem:s1+$0x180];
	v9 =	vadd.f32 v9, v12;
	v6 =	vadd.f32 v10, v14  }
0x90: {  	s24 =	sor.u32 $0x430, s14;
	v11 =	vld [tilespmem:s23+$0x180];
	v10 =	vadd.f32 v34, v1;
	v12 =	vadd.f32 v35, v1  }
0x91: {  	s31 =	sor.u32 $0x460, s14;
	v24 =	vadd.f32 v37, v1;
	v20 =	vadd.f32 v36, v1;
	v14 =	vld [tilespmem:s24+$0x180]  }
0x92: {  	s25 =	sor.u32 $0x440, s14;
	v27 =	vld [tilespmem:s31+$0x180];
	v10 =	vadd.f32 v22, v10;
	v12 =	vadd.f32 v23, v12  }
0x93: {  	v21 =	vld [tilespmem:s25+$0x180];
	v16 =	vadd.f32 v16, v20;
	v19 =	vadd.f32 v19, v24  }
0x94: {  	v23 =	vld [tilespmem:s28+$0x180];
	v20 =	vadd.f32 v41, v1;
	v10 =	vadd.f32 v30, v10  }
0x95: {  	v24 =	vld [tilespmem:s29+$0x180];
	v12 =	vadd.f32 v25, v12;
	v16 =	vadd.f32 v11, v16  }
0x96: {  	s26 =	sor.u32 $0x450, s14;
	v25 =	vld [tilespmem:s30+$0x180];
	v19 =	vadd.f32 v14, v19;
	v14 =	vadd.f32 v28, v10  }
0x97: {  	s0 =	sor.u32 $0x470, s14;
	s18 =	simm.s32 $0x200;
	v22 =	vld [tilespmem:s26+$0x180];
	v11 =	vadd.f32 v29, v12;
	v28 =	vadd.f32 v38, v1  }
0x98: {  	s19 =	simm.s32 $0x400;
	s17 =	simm.s32 $0x0;
	v12 =	vadd.f32 v62, v16;
	v10 =	vadd.f32 v63, v19;
	v19 =	vld [tilespmem:s0+$0x180];
	s0 =	sor.u32 $0x460, s20;
	v16 =	vimm.f32 $0.0e+00  }
.LBB2_5:
0x99: {  	s1 =	sand.u32 $0xF800, s19;
	s2 =	sand.u32 $0x200, s18;
	v1 =	vadd.f32 v13, v1;
	v13 =	vadd.f32 v15, v16;
	v15 =	vld [tilespmem:s0+$0x180];
	s3 =	sor.u32 $0x470, s20  }
0x9a: {  	s0 =	sor.u32 s2, s1;
	v16 =	vadd.f32 v23, v28;
	v20 =	vadd.f32 v24, v20;
	v23 =	vld [tilespmem:s3+$0x180]  }
0x9b: {  	v28 =	vld [tilespmem:s0+$0x300];
	v1 =	vadd.f32 v25, v1;
	v13 =	vadd.f32 v26, v13  }
0x9c: {  	v25 =	vld [tilespmem:s0+$0x310];
	v16 =	vadd.f32 v21, v16;
	v20 =	vadd.f32 v22, v20  }
0x9d: {  	v26 =	vld [tilespmem:s0+$0x320];
	v1 =	vadd.f32 v27, v1;
	v13 =	vadd.f32 v19, v13  }
0x9e: {  	v27 =	vld [tilespmem:s0+$0x330];
	v19 =	vadd.f32 v17, v16;
	v20 =	vadd.f32 v18, v20  }
0x9f: {  	v21 =	vld [tilespmem:s0+$0x340];
	v1 =	vadd.f32 v15, v1;
	v16 =	vadd.f32 v23, v13  }
0xa0: {  	v24 =	vld [tilespmem:s0+$0x350]  }
0xa1: {  	v22 =	vld [tilespmem:s0+$0x360]  }
0xa2: {  	v23 =	vld [tilespmem:s0+$0x370]  }
0xa3: {  	v17 =	vld [tilespmem:s0+$0x280]  }
0xa4: {  	v18 =	vld [tilespmem:s0+$0x290]  }
0xa5: {  	v29 =	vld [tilespmem:s0+$0x2A0]  }
0xa6: {  	v30 =	vld [tilespmem:s0+$0x2B0]  }
0xa7: {  	v31 =	vld [tilespmem:s0+$0x2C0]  }
0xa8: {  	v32 =	vld [tilespmem:s0+$0x2D0]  }
0xa9: {  	v33 =	vld [tilespmem:s0+$0x2E0]  }
0xaa: {  	v34 =	vld [tilespmem:s0+$0x2F0]  }
0xab: {  	v35 =	vld [tilespmem:s0+$0x200]  }
0xac: {  	v36 =	vld [tilespmem:s0+$0x210]  }
0xad: {  	v37 =	vld [tilespmem:s0+$0x220]  }
0xae: {  	v38 =	vld [tilespmem:s0+$0x230]  }
0xaf: {  	v39 =	vld [tilespmem:s0+$0x240]  }
0xb0: {  	v40 =	vld [tilespmem:s0+$0x250]  }
0xb1: {  	v41 =	vld [tilespmem:s0+$0x260]  }
0xb2: {  	v42 =	vld [tilespmem:s0+$0x270]  }
0xb3: {  	v13 =	vld [tilespmem:s0+$0x180]  }
0xb4: {  	v15 =	vld [tilespmem:s0+$0x190]  }
0xb5: {  	v43 =	vld [tilespmem:s0+$0x1A0]  }
0xb6: {  	p1 =	por !p1, !p1;
	s1 =	simm.s32 $0x1;
	v44 =	vld [tilespmem:s0+$0x1B0]  }
0xb7: {  	s1 =	simm.s32 @!p1 $0x0;
	v45 =	vld [tilespmem:s0+$0x1C0]  }
0xb8: {  	s1 =	sshll.u32 s1, $0x9;
	v46 =	vld [tilespmem:s0+$0x1D0]  }
0xb9: {  	s1 =	sadd.s32 s1, s19;
	v47 =	vld [tilespmem:s0+$0x1E0]  }
0xba: {  	v48 =	vld [tilespmem:s0+$0x1F0];
	s0 =	sor.u32 $0x400, s1  }
0xbb: {  	v49 =	vld [tilespmem:s0+$0x180];
	s0 =	sor.u32 $0x410, s1  }
0xbc: {  	v50 =	vld [tilespmem:s0+$0x180];
	s0 =	sor.u32 $0x420, s1  }
0xbd: {  	v51 =	vld [tilespmem:s0+$0x180];
	s0 =	sor.u32 $0x430, s1  }
0xbe: {  	v52 =	vld [tilespmem:s0+$0x180];
	s0 =	sor.u32 $0x440, s1  }
0xbf: {  	v53 =	vld [tilespmem:s0+$0x180];
	s0 =	sor.u32 $0x450, s1  }
0xc0: {  	v2 =	vadd.f32 v13, v2;
	v3 =	vadd.f32 v15, v3;
	v54 =	vld [tilespmem:s0+$0x180];
	s0 =	sor.u32 $0x460, s1  }
0xc1: {  	s20 =	sadd.s32 $0x180, s1;
	v4 =	vadd.f32 v43, v4;
	v5 =	vadd.f32 v44, v5;
	v13 =	vld [tilespmem:s0+$0x180];
	s0 =	sor.u32 $0x470, s1  }
0xc2: {  	v2 =	vadd.f32 v35, v2;
	v3 =	vadd.f32 v36, v3;
	v15 =	vld [tilespmem:s0+$0x180];
	s0 =	sor.u32 $0x400, s20  }
0xc3: {  	v4 =	vadd.f32 v37, v4;
	v5 =	vadd.f32 v38, v5;
	v35 =	vld [tilespmem:s0+$0x180];
	s0 =	sor.u32 $0x410, s20  }
0xc4: {  	v2 =	vadd.f32 v17, v2;
	v3 =	vadd.f32 v18, v3;
	v36 =	vld [tilespmem:s0+$0x180];
	s0 =	sor.u32 $0x420, s20  }
0xc5: {  	v4 =	vadd.f32 v29, v4;
	v5 =	vadd.f32 v30, v5;
	v29 =	vld [tilespmem:s0+$0x180];
	s0 =	sor.u32 $0x430, s20  }
0xc6: {  	s2 =	sor.u32 $0x440, s20;
	v2 =	vadd.f32 v28, v2;
	v3 =	vadd.f32 v25, v3;
	v28 =	vld [tilespmem:s0+$0x180]  }
0xc7: {  	v4 =	vadd.f32 v26, v4;
	v5 =	vadd.f32 v27, v5;
	s0 =	sadd.s32 $0x100, s1;
	v17 =	vld [tilespmem:s2+$0x180];
	s2 =	sor.u32 $0x450, s20  }
0xc8: {  	v7 =	vadd.f32 v45, v7;
	v8 =	vadd.f32 v46, v8;
	s3 =	sor.u32 $0x400, s0;
	v18 =	vld [tilespmem:s2+$0x180]  }
0xc9: {  	v9 =	vadd.f32 v47, v9;
	v6 =	vadd.f32 v48, v6;
	s1 =	sadd.s32 $0x80, s1;
	s2 =	sor.u32 $0x410, s0;
	v25 =	vld [tilespmem:s3+$0x180]  }
0xca: {  	v7 =	vadd.f32 v39, v7;
	v8 =	vadd.f32 v40, v8;
	s3 =	sor.u32 $0x400, s1;
	v26 =	vld [tilespmem:s2+$0x180]  }
0xcb: {  	v9 =	vadd.f32 v41, v9;
	v6 =	vadd.f32 v42, v6;
	s2 =	sor.u32 $0x410, s1;
	v27 =	vld [tilespmem:s3+$0x180]  }
0xcc: {  	v7 =	vadd.f32 v31, v7;
	v8 =	vadd.f32 v32, v8;
	v30 =	vld [tilespmem:s2+$0x180];
	s2 =	sor.u32 $0x420, s1  }
0xcd: {  	v9 =	vadd.f32 v33, v9;
	v6 =	vadd.f32 v34, v6;
	v31 =	vld [tilespmem:s2+$0x180];
	s2 =	sor.u32 $0x430, s1  }
0xce: {  	v7 =	vadd.f32 v21, v7;
	v8 =	vadd.f32 v24, v8;
	v32 =	vld [tilespmem:s2+$0x180];
	s2 =	sor.u32 $0x420, s0  }
0xcf: {  	v9 =	vadd.f32 v22, v9;
	v6 =	vadd.f32 v23, v6;
	v33 =	vld [tilespmem:s2+$0x180];
	s2 =	sor.u32 $0x430, s0  }
0xd0: {  	s17 =	sadd.s32 $0x4, s17;
	v14 =	vadd.f32 v49, v14;
	v11 =	vadd.f32 v50, v11;
	v34 =	vld [tilespmem:s2+$0x180];
	s2 =	sor.u32 $0x440, s0  }
0xd1: {  	p2 =	slt.u32 s17, $0xD4;
	v12 =	vadd.f32 v51, v12;
	v10 =	vadd.f32 v52, v10;
	v21 =	vld [tilespmem:s2+$0x180];
	s2 =	sor.u32 $0x450, s0  }
0xd2: {  	s3 =	sor.u32 $0x440, s1;
	v14 =	vadd.f32 v27, v14;
	v11 =	vadd.f32 v30, v11;
	v22 =	vld [tilespmem:s2+$0x180]  }
0xd3: {  	v12 =	vadd.f32 v31, v12;
	s2 =	sor.u32 $0x450, s1;
	v10 =	vadd.f32 v32, v10;
	v23 =	vld [tilespmem:s3+$0x180]  }
.Ltmp2:
0xd4: {  	v14 =	vadd.f32 v25, v14;
	v11 =	vadd.f32 v26, v11;
	v24 =	vld [tilespmem:s2+$0x180];
	s2 =	sor.u32 $0x460, s1;
	(pc) =	sbr.rel @p2 .LBB2_5-.Ltmp2, $4  }
0xd5: {  	s1 =	sor.u32 $0x470, s1;
	v12 =	vadd.f32 v33, v12;
	v25 =	vld [tilespmem:s2+$0x180];
	v10 =	vadd.f32 v34, v10  }
0xd6: {  	v14 =	vadd.f32 v35, v14;
	v11 =	vadd.f32 v36, v11;
	v26 =	vld [tilespmem:s1+$0x180];
	s1 =	sor.u32 $0x460, s0  }
0xd7: {  	s0 =	sor.u32 $0x470, s0;
	v12 =	vadd.f32 v29, v12;
	v27 =	vld [tilespmem:s1+$0x180];
	v10 =	vadd.f32 v28, v10  }
0xd8: {  	s18 =	sadd.s32 $0x200, s18;
	s19 =	sadd.s32 $0x400, s19;
	v20 =	vadd.f32 v54, v20;
	v28 =	vadd.f32 v53, v19;
	v19 =	vld [tilespmem:s0+$0x180];
	s0 =	sor.u32 $0x460, s20  }
0xd9: {  	s1 =	sshll.u32 s16, $0x8;
	s2 =	sshll.u32 s16, $0x7  }
0xda: {  	v29 =	vld [tilespmem:s0+$0x180];
	s30 =	sor.u32 $0x470, s20;
	s1 =	sand.u32 $0xFFFFF800, s1;
	s2 =	sand.u32 $0x380, s2  }
0xdb: {  	v30 =	vld [tilespmem:s30+$0x180];
	s31 =	sor.u32 s2, s1  }
0xdc: {  	[tilespmem:s31+$0xD980] =	vst.add.f32.msk $0xffff, v2  }
0xdd: {  	[tilespmem:s31+$0xD990] =	vst.add.f32.msk $0xffff, v3  }
0xde: {  	[tilespmem:s31+$0xD9A0] =	vst.add.f32.msk $0xffff, v4  }
0xdf: {  	[tilespmem:s31+$0xD9B0] =	vst.add.f32.msk $0xffff, v5  }
0xe0: {  	[tilespmem:s31+$0xD9C0] =	vst.add.f32.msk $0xffff, v7  }
0xe1: {  	[tilespmem:s31+$0xD9D0] =	vst.add.f32.msk $0xffff, v8  }
0xe2: {  	v1 =	vadd.f32 v13, v1;
	v63 =	vadd.f32 v24, v20;
	[tilespmem:s31+$0xD9E0] =	vst.add.f32.msk $0xffff, v9  }
0xe3: {  	v2 =	vadd.f32 v23, v28;
	v3 =	vadd.f32 v15, v16;
	[tilespmem:s31+$0xD9F0] =	vst.add.f32.msk $0xffff, v6  }
0xe4: {  	v1 =	vadd.f32 v25, v1;
	[tilespmem:s31+$0xDD80] =	vst.add.f32.msk $0xffff, v14;
	v4 =	vadd.f32 v22, v63  }
0xe5: {  	[tilespmem:s31+$0xDD90] =	vst.add.f32.msk $0xffff, v11;
	v2 =	vadd.f32 v21, v2;
	v3 =	vadd.f32 v26, v3  }
0xe6: {  	[tilespmem:s31+$0xDDA0] =	vst.add.f32.msk $0xffff, v12;
	v1 =	vadd.f32 v27, v1;
	v4 =	vadd.f32 v18, v4  }
.Ltmp3:
0xe7: {  	[tilespmem:s31+$0xDDB0] =	vst.add.f32.msk $0xffff, v10;
	v2 =	vadd.f32 v17, v2;
	v3 =	vadd.f32 v19, v3;
	(pc) =	sbr.rel .LBB2_10-.Ltmp3, $4  }
0xe8: {  	v1 =	vadd.f32 v29, v1;
	[tilespmem:s31+$0xDDD0] =	vst.add.f32.msk $0xffff, v4  }
0xe9: {  	[tilespmem:s31+$0xDDC0] =	vst.add.f32.msk $0xffff, v2;
	v2 =	vadd.f32 v30, v3  }
0xea: {  	[tilespmem:s31+$0xDDE0] =	vst.add.f32.msk $0xffff, v1  }
0xeb: {  	[tilespmem:s31+$0xDDF0] =	vst.add.f32.msk $0xffff, v2  }
.LBB2_7:
0xec: {  	v1 =	vld [tilespmem:s17+$0x0];
	_ =	sdelay $0x4  }
0xed: {  	(v2sf) =	vpush v1, $0x0;
	_ =	sdelay $0xb  }
0xee: {  	s0 =	sand.u32 $0xF800, s17;
	s1 =	sand.u32 $0x380, s17  }
0xef: {  	s0 =	sor.u32 s1, s0  }
0xf0: {  	v1 =	vld [tilespmem:s0+$0x180]  }
0xf1: {  	s31 =	spop (v2sf)  }
0xf2: {  	s2 =	sshll.u32 s31, $0x8;
	s1 =	sshll.u32 s31, $0x7  }
0xf3: {  	s2 =	sand.u32 $0xFFFFF800, s2;
	s1 =	sand.u32 $0x380, s1  }
0xf4: {  	s1 =	sor.u32 s1, s2  }
0xf5: {  	[tilespmem:s1+$0xD980] =	vst.add.f32.msk $0xffff, v1  }
0xf6: {  	v1 =	vld [tilespmem:s0+$0x190];
	_ =	sdelay $0x4  }
0xf7: {  	[tilespmem:s1+$0xD990] =	vst.add.f32.msk $0xffff, v1  }
0xf8: {  	v1 =	vld [tilespmem:s0+$0x1A0];
	_ =	sdelay $0x4  }
0xf9: {  	[tilespmem:s1+$0xD9A0] =	vst.add.f32.msk $0xffff, v1  }
0xfa: {  	v1 =	vld [tilespmem:s0+$0x1B0];
	_ =	sdelay $0x4  }
0xfb: {  	[tilespmem:s1+$0xD9B0] =	vst.add.f32.msk $0xffff, v1  }
0xfc: {  	v1 =	vld [tilespmem:s0+$0x1C0];
	_ =	sdelay $0x4  }
0xfd: {  	[tilespmem:s1+$0xD9C0] =	vst.add.f32.msk $0xffff, v1  }
0xfe: {  	v1 =	vld [tilespmem:s0+$0x1D0];
	_ =	sdelay $0x4  }
0xff: {  	[tilespmem:s1+$0xD9D0] =	vst.add.f32.msk $0xffff, v1  }
0x100: {  	v1 =	vld [tilespmem:s0+$0x1E0];
	_ =	sdelay $0x4  }
0x101: {  	[tilespmem:s1+$0xD9E0] =	vst.add.f32.msk $0xffff, v1  }
0x102: {  	v1 =	vld [tilespmem:s0+$0x1F0];
	_ =	sdelay $0x4  }
0x103: {  	[tilespmem:s1+$0xD9F0] =	vst.add.f32.msk $0xffff, v1  }
0x104: {  	v1 =	vld [tilespmem:s0+$0x580];
	_ =	sdelay $0x4  }
0x105: {  	[tilespmem:s1+$0xDD80] =	vst.add.f32.msk $0xffff, v1  }
0x106: {  	v1 =	vld [tilespmem:s0+$0x590];
	_ =	sdelay $0x4  }
0x107: {  	[tilespmem:s1+$0xDD90] =	vst.add.f32.msk $0xffff, v1  }
0x108: {  	v1 =	vld [tilespmem:s0+$0x5A0];
	_ =	sdelay $0x4  }
0x109: {  	[tilespmem:s1+$0xDDA0] =	vst.add.f32.msk $0xffff, v1  }
0x10a: {  	v1 =	vld [tilespmem:s0+$0x5B0];
	_ =	sdelay $0x4  }
0x10b: {  	[tilespmem:s1+$0xDDB0] =	vst.add.f32.msk $0xffff, v1  }
0x10c: {  	v1 =	vld [tilespmem:s0+$0x5C0];
	_ =	sdelay $0x4  }
0x10d: {  	[tilespmem:s1+$0xDDC0] =	vst.add.f32.msk $0xffff, v1  }
0x10e: {  	v1 =	vld [tilespmem:s0+$0x5D0];
	_ =	sdelay $0x4  }
0x10f: {  	[tilespmem:s1+$0xDDD0] =	vst.add.f32.msk $0xffff, v1  }
0x110: {  	v1 =	vld [tilespmem:s0+$0x5E0];
	_ =	sdelay $0x4  }
0x111: {  	[tilespmem:s1+$0xDDE0] =	vst.add.f32.msk $0xffff, v1  }
0x112: {  	v1 =	vld [tilespmem:s0+$0x5F0];
	_ =	sdelay $0x4  }
0x113: {  	s18 =	simm.s32 $0x1;
	[tilespmem:s1+$0xDDF0] =	vst.add.f32.msk $0xffff, v1  }
0x114: {  	s16 =	simm.s32 $0x100;
	s19 =	simm.s32 $0x200;
	v1 =	vld [tilespmem:s18+$0x0]  }
.LBB2_8:
0x115: {  	p1 =	sne.s32 s19, $0xD700;
	_ =	sdelay $0x3  }
0x116: {  	(v2sf) =	vpush v1, $0x0;
	_ =	sdelay $0xa  }
0x117: {  	s17 =	sadd.s32 $0x80, s17  }
0x118: {  	s0 =	sand.u32 $0xF800, s16;
	s16 =	smov.u32 s19;
	s1 =	sand.u32 $0x380, s17  }
0x119: {  	s20 =	sor.u32 s1, s0  }
0x11a: {  	v1 =	vld [tilespmem:s20+$0x180]  }
0x11b: {  	s0 =	spop (v2sf)  }
0x11c: {  	s1 =	sshll.u32 s0, $0x8;
	s0 =	sshll.u32 s0, $0x7  }
0x11d: {  	s1 =	sand.u32 $0xFFFFF800, s1;
	s0 =	sand.u32 $0x380, s0  }
0x11e: {  	s21 =	sor.u32 s0, s1  }
0x11f: {  	[tilespmem:s21+$0xD980] =	vst.add.f32.msk $0xffff, v1  }
0x120: {  	v1 =	vld [tilespmem:s20+$0x190];
	_ =	sdelay $0x4  }
0x121: {  	[tilespmem:s21+$0xD990] =	vst.add.f32.msk $0xffff, v1  }
0x122: {  	v1 =	vld [tilespmem:s20+$0x1A0];
	_ =	sdelay $0x4  }
0x123: {  	[tilespmem:s21+$0xD9A0] =	vst.add.f32.msk $0xffff, v1  }
0x124: {  	v1 =	vld [tilespmem:s20+$0x1B0];
	_ =	sdelay $0x4  }
0x125: {  	[tilespmem:s21+$0xD9B0] =	vst.add.f32.msk $0xffff, v1  }
0x126: {  	v1 =	vld [tilespmem:s20+$0x1C0];
	_ =	sdelay $0x4  }
0x127: {  	[tilespmem:s21+$0xD9C0] =	vst.add.f32.msk $0xffff, v1  }
0x128: {  	v1 =	vld [tilespmem:s20+$0x1D0];
	_ =	sdelay $0x4  }
0x129: {  	[tilespmem:s21+$0xD9D0] =	vst.add.f32.msk $0xffff, v1  }
0x12a: {  	v1 =	vld [tilespmem:s20+$0x1E0];
	_ =	sdelay $0x4  }
0x12b: {  	[tilespmem:s21+$0xD9E0] =	vst.add.f32.msk $0xffff, v1  }
0x12c: {  	v1 =	vld [tilespmem:s20+$0x1F0];
	_ =	sdelay $0x4  }
0x12d: {  	[tilespmem:s21+$0xD9F0] =	vst.add.f32.msk $0xffff, v1  }
0x12e: {  	v1 =	vld [tilespmem:s20+$0x580];
	_ =	sdelay $0x4  }
0x12f: {  	[tilespmem:s21+$0xDD80] =	vst.add.f32.msk $0xffff, v1  }
0x130: {  	v1 =	vld [tilespmem:s20+$0x590];
	_ =	sdelay $0x4  }
0x131: {  	[tilespmem:s21+$0xDD90] =	vst.add.f32.msk $0xffff, v1  }
0x132: {  	v1 =	vld [tilespmem:s20+$0x5A0];
	_ =	sdelay $0x4  }
0x133: {  	[tilespmem:s21+$0xDDA0] =	vst.add.f32.msk $0xffff, v1  }
0x134: {  	v1 =	vld [tilespmem:s20+$0x5B0];
	_ =	sdelay $0x4  }
0x135: {  	[tilespmem:s21+$0xDDB0] =	vst.add.f32.msk $0xffff, v1  }
0x136: {  	v1 =	vld [tilespmem:s20+$0x5C0];
	_ =	sdelay $0x4  }
0x137: {  	[tilespmem:s21+$0xDDC0] =	vst.add.f32.msk $0xffff, v1  }
0x138: {  	v1 =	vld [tilespmem:s20+$0x5D0];
	_ =	sdelay $0x4  }
0x139: {  	[tilespmem:s21+$0xDDD0] =	vst.add.f32.msk $0xffff, v1  }
0x13a: {  	v1 =	vld [tilespmem:s20+$0x5E0];
	_ =	sdelay $0x4  }
0x13b: {  	[tilespmem:s21+$0xDDE0] =	vst.add.f32.msk $0xffff, v1  }
0x13c: {  	v1 =	vld [tilespmem:s20+$0x5F0];
	_ =	sdelay $0x1  }
.Ltmp4:
0x13d: {  	(pc) =	sbr.rel @p1 .LBB2_8-.Ltmp4, $3  }
0x13e: {  	_ =	sdelay $0x1  }
0x13f: {  	s18 =	sadd.s32 $0x1, s18;
	[tilespmem:s21+$0xDDF0] =	vst.add.f32.msk $0xffff, v1  }
0x140: {  	s19 =	sadd.s32 $0x100, s19;
	v1 =	vld [tilespmem:s18+$0x0]  }
0x141: {  	_ =	sdelay $0x3  }
0x142: {  	(v2sf) =	vpush v1, $0x0;
	_ =	sdelay $0xa  }
0x143: {  	s0 =	sadd.s32 $0x80, s17  }
0x144: {  	s1 =	sand.u32 $0xF800, s16;
	s0 =	sand.u32 $0x380, s0  }
0x145: {  	s0 =	sor.u32 s0, s1  }
0x146: {  	v1 =	vld [tilespmem:s0+$0x180]  }
0x147: {  	s31 =	spop (v2sf)  }
0x148: {  	s2 =	sshll.u32 s31, $0x8;
	s1 =	sshll.u32 s31, $0x7  }
0x149: {  	s2 =	sand.u32 $0xFFFFF800, s2;
	s1 =	sand.u32 $0x380, s1  }
0x14a: {  	s1 =	sor.u32 s1, s2  }
0x14b: {  	[tilespmem:s1+$0xD980] =	vst.add.f32.msk $0xffff, v1  }
0x14c: {  	v1 =	vld [tilespmem:s0+$0x190];
	_ =	sdelay $0x4  }
0x14d: {  	[tilespmem:s1+$0xD990] =	vst.add.f32.msk $0xffff, v1  }
0x14e: {  	v1 =	vld [tilespmem:s0+$0x1A0];
	_ =	sdelay $0x4  }
0x14f: {  	[tilespmem:s1+$0xD9A0] =	vst.add.f32.msk $0xffff, v1  }
0x150: {  	v1 =	vld [tilespmem:s0+$0x1B0];
	_ =	sdelay $0x4  }
0x151: {  	[tilespmem:s1+$0xD9B0] =	vst.add.f32.msk $0xffff, v1  }
0x152: {  	v1 =	vld [tilespmem:s0+$0x1C0];
	_ =	sdelay $0x4  }
0x153: {  	[tilespmem:s1+$0xD9C0] =	vst.add.f32.msk $0xffff, v1  }
0x154: {  	v1 =	vld [tilespmem:s0+$0x1D0];
	_ =	sdelay $0x4  }
0x155: {  	[tilespmem:s1+$0xD9D0] =	vst.add.f32.msk $0xffff, v1  }
0x156: {  	v1 =	vld [tilespmem:s0+$0x1E0];
	_ =	sdelay $0x4  }
0x157: {  	[tilespmem:s1+$0xD9E0] =	vst.add.f32.msk $0xffff, v1  }
0x158: {  	v1 =	vld [tilespmem:s0+$0x1F0];
	_ =	sdelay $0x4  }
0x159: {  	[tilespmem:s1+$0xD9F0] =	vst.add.f32.msk $0xffff, v1  }
0x15a: {  	v1 =	vld [tilespmem:s0+$0x580];
	_ =	sdelay $0x4  }
0x15b: {  	[tilespmem:s1+$0xDD80] =	vst.add.f32.msk $0xffff, v1  }
0x15c: {  	v1 =	vld [tilespmem:s0+$0x590];
	_ =	sdelay $0x4  }
0x15d: {  	[tilespmem:s1+$0xDD90] =	vst.add.f32.msk $0xffff, v1  }
0x15e: {  	v1 =	vld [tilespmem:s0+$0x5A0];
	_ =	sdelay $0x4  }
0x15f: {  	[tilespmem:s1+$0xDDA0] =	vst.add.f32.msk $0xffff, v1  }
0x160: {  	v1 =	vld [tilespmem:s0+$0x5B0];
	_ =	sdelay $0x4  }
0x161: {  	[tilespmem:s1+$0xDDB0] =	vst.add.f32.msk $0xffff, v1  }
0x162: {  	v1 =	vld [tilespmem:s0+$0x5C0];
	_ =	sdelay $0x4  }
0x163: {  	[tilespmem:s1+$0xDDC0] =	vst.add.f32.msk $0xffff, v1  }
0x164: {  	v1 =	vld [tilespmem:s0+$0x5D0];
	_ =	sdelay $0x4  }
0x165: {  	[tilespmem:s1+$0xDDD0] =	vst.add.f32.msk $0xffff, v1  }
0x166: {  	v1 =	vld [tilespmem:s0+$0x5E0];
	_ =	sdelay $0x4  }
0x167: {  	[tilespmem:s1+$0xDDE0] =	vst.add.f32.msk $0xffff, v1  }
0x168: {  	v1 =	vld [tilespmem:s0+$0x5F0];
	_ =	sdelay $0x4  }
0x169: {  	[tilespmem:s1+$0xDDF0] =	vst.add.f32.msk $0xffff, v1  }
.LBB2_10:
.Ltmp5:
0x16a: {  	(pc) =	sbr.rel @p0 .LBB2_18-.Ltmp5, $1  }
0x16b: {  	_ =	sdelay $0x3  }
0x16c: {  	s17 =	simm.s32 $0x0;
	s0 =	simm.s32 $0x100;
	s1 =	rddreg [dreg:$0x7]  }
0x16d: {  	[tilespmem:s0], [sflag:$0x2] =	stream.linear.gather [hbm4b:s1+s17], $0x50, $0x38;
	[tilespmem:$0xEB00] =	vst v63  }
0x16e: {  	_ =	swait.ge [sflag:s5], $0x50  }
0x16f: {  	[sflag:s5] =	ssyncset.done $0x0  }
0x170: {  	s2 =	simm.s32 $0x180;
	s30 =	rddreg [dreg:$0x8];
	[sflag:s5] =	ssyncadd.s32 $0xFFFFFFB0  }
0x171: {  	[tilespmem:s2], [sflag:$0x2] =	stream.linear.gather [hbm4b:s30+s17], $0x5000, $0x38;
	[tilespmem:$0xEB00] =	vst v63  }
0x172: {  	_ =	swait.ge [sflag:s5], $0x5000  }
0x173: {  	[sflag:s5] =	ssyncset.done $0x0  }
0x174: {  	[sflag:s5] =	ssyncadd.s32 $0xFFFFB000  }
0x175: {  	v1 =	vld [tilespmem:$0x100]  }
0x176: {  	v2 =	vld [tilespmem:$0x14F];
	_ =	sdelay $0x3  }
0x177: {  	(v2sf) =	vpush v1, $0x0  }
0x178: {  	(v2sf) =	vpush v2, $0x0;
	_ =	sdelay $0xd  }
0x179: {  	s16 =	spop (v2sf)  }
0x17a: {  	s31 =	spop (v2sf)  }
0x17b: {  	p1 =	sne.s32 s16, s31  }
.Ltmp6:
0x17c: {  	_ = 	snop;
	(pc) =	sbr.rel @p1 .LBB2_15-.Ltmp6, $1  }
0x17d: {  	_ =	sdelay $0x3  }
0x17e: {  	s0 =	sand.u32 $0x7800, s17;
	s1 =	sand.u32 $0x200, s17  }
0x17f: {  	s0 =	sor.u32 s1, s0  }
0x180: {  	v2 =	vld [tilespmem:s0+$0x300]  }
0x181: {  	v3 =	vld [tilespmem:s0+$0x310]  }
0x182: {  	v4 =	vld [tilespmem:s0+$0x320]  }
0x183: {  	v5 =	vld [tilespmem:s0+$0x330]  }
0x184: {  	v6 =	vld [tilespmem:s0+$0x340]  }
0x185: {  	v8 =	vld [tilespmem:s0+$0x350]  }
0x186: {  	v9 =	vld [tilespmem:s0+$0x360]  }
0x187: {  	v10 =	vld [tilespmem:s0+$0x370]  }
0x188: {  	v7 =	vld [tilespmem:s0+$0x280]  }
0x189: {  	v11 =	vld [tilespmem:s0+$0x290]  }
0x18a: {  	v12 =	vld [tilespmem:s0+$0x2A0]  }
0x18b: {  	v14 =	vld [tilespmem:s0+$0x2B0]  }
0x18c: {  	v16 =	vld [tilespmem:s0+$0x2C0]  }
0x18d: {  	v19 =	vld [tilespmem:s0+$0x2D0]  }
0x18e: {  	v20 =	vld [tilespmem:s0+$0x2E0]  }
0x18f: {  	v21 =	vld [tilespmem:s0+$0x2F0]  }
0x190: {  	v17 =	vld [tilespmem:s0+$0x200]  }
0x191: {  	v18 =	vld [tilespmem:s0+$0x210]  }
0x192: {  	v22 =	vld [tilespmem:s0+$0x220]  }
0x193: {  	v23 =	vld [tilespmem:s0+$0x230]  }
0x194: {  	v24 =	vld [tilespmem:s0+$0x240]  }
0x195: {  	v25 =	vld [tilespmem:s0+$0x250]  }
0x196: {  	v26 =	vld [tilespmem:s0+$0x260]  }
0x197: {  	v27 =	vld [tilespmem:s0+$0x270]  }
0x198: {  	v13 =	vld [tilespmem:s0+$0x180]  }
0x199: {  	v15 =	vld [tilespmem:s0+$0x190]  }
0x19a: {  	v28 =	vld [tilespmem:s0+$0x1A0]  }
0x19b: {  	p1 =	por $0x0, $0x0;
	s1 =	simm.s32 $0x1;
	v29 =	vld [tilespmem:s0+$0x1B0]  }
0x19c: {  	s1 =	simm.s32 @!p1 $0x0;
	v30 =	vld [tilespmem:s0+$0x1C0]  }
0x19d: {  	v31 =	vld [tilespmem:s0+$0x1D0];
	s1 =	sshll.u32 s1, $0x9  }
0x19e: {  	v32 =	vld [tilespmem:s0+$0x1E0];
	s1 =	sadd.s32 $0x0, s1  }
0x19f: {  	v33 =	vld [tilespmem:s0+$0x1F0];
	s2 =	sor.u32 $0x400, s1  }
0x1a0: {  	s3 =	sor.u32 $0x410, s1;
	v34 =	vld [tilespmem:s2+$0x180]  }
0x1a1: {  	s4 =	sor.u32 $0x420, s1;
	v35 =	vld [tilespmem:s3+$0x180]  }
0x1a2: {  	s5 =	sor.u32 $0x430, s1;
	v36 =	vld [tilespmem:s4+$0x180]  }
0x1a3: {  	s6 =	sor.u32 $0x440, s1;
	v37 =	vld [tilespmem:s5+$0x180]  }
0x1a4: {  	v1 =	vimm.f32 $0.0e+00;
	s7 =	sor.u32 $0x450, s1;
	v38 =	vld [tilespmem:s6+$0x180]  }
0x1a5: {  	s8 =	sor.u32 $0x460, s1;
	v41 =	vld [tilespmem:s7+$0x180];
	v39 =	vadd.f32 v13, v1;
	v40 =	vadd.f32 v15, v1  }
0x1a6: {  	s9 =	sor.u32 $0x470, s1;
	s20 =	sadd.s32 $0x180, s1;
	v28 =	vadd.f32 v28, v1;
	v29 =	vadd.f32 v29, v1;
	v13 =	vld [tilespmem:s8+$0x180]  }
0x1a7: {  	s12 =	sor.u32 $0x420, s20;
	v15 =	vld [tilespmem:s9+$0x180];
	v17 =	vadd.f32 v17, v39;
	v18 =	vadd.f32 v18, v40  }
0x1a8: {  	s13 =	sor.u32 $0x430, s20;
	v62 =	vld [tilespmem:s12+$0x180];
	v22 =	vadd.f32 v22, v28;
	v23 =	vadd.f32 v23, v29  }
0x1a9: {  	s10 =	sor.u32 $0x400, s20;
	v63 =	vld [tilespmem:s13+$0x180];
	v7 =	vadd.f32 v7, v17;
	v11 =	vadd.f32 v11, v18  }
0x1aa: {  	s11 =	sor.u32 $0x410, s20;
	v28 =	vld [tilespmem:s10+$0x180];
	v12 =	vadd.f32 v12, v22;
	v14 =	vadd.f32 v14, v23  }
0x1ab: {  	s2 =	sor.u32 $0x440, s20;
	v29 =	vld [tilespmem:s11+$0x180];
	v2 =	vadd.f32 v2, v7;
	v3 =	vadd.f32 v3, v11  }
0x1ac: {  	s14 =	sadd.s32 $0x100, s1;
	s1 =	sadd.s32 $0x80, s1;
	s15 =	sor.u32 $0x450, s20;
	v17 =	vld [tilespmem:s2+$0x180];
	v4 =	vadd.f32 v4, v12;
	v5 =	vadd.f32 v5, v14  }
0x1ad: {  	s18 =	sor.u32 $0x400, s1;
	v18 =	vld [tilespmem:s15+$0x180];
	v7 =	vadd.f32 v30, v1;
	v11 =	vadd.f32 v31, v1  }
0x1ae: {  	s19 =	sor.u32 $0x410, s1;
	v22 =	vld [tilespmem:s18+$0x180];
	v12 =	vadd.f32 v32, v1;
	v14 =	vadd.f32 v33, v1  }
0x1af: {  	s3 =	sor.u32 $0x400, s14;
	v23 =	vld [tilespmem:s19+$0x180];
	v7 =	vadd.f32 v24, v7;
	v11 =	vadd.f32 v25, v11  }
0x1b0: {  	s17 =	sor.u32 $0x410, s14;
	v30 =	vld [tilespmem:s3+$0x180];
	v12 =	vadd.f32 v26, v12;
	v14 =	vadd.f32 v27, v14  }
0x1b1: {  	s21 =	sor.u32 $0x420, s1;
	v25 =	vld [tilespmem:s17+$0x180];
	v7 =	vadd.f32 v16, v7;
	v11 =	vadd.f32 v19, v11  }
0x1b2: {  	s22 =	sor.u32 $0x430, s1;
	s28 =	sor.u32 $0x440, s1;
	v16 =	vld [tilespmem:s21+$0x180];
	v12 =	vadd.f32 v20, v12;
	v14 =	vadd.f32 v21, v14  }
0x1b3: {  	s29 =	sor.u32 $0x450, s1;
	s30 =	sor.u32 $0x460, s1;
	s1 =	sor.u32 $0x470, s1;
	v19 =	vld [tilespmem:s22+$0x180];
	v7 =	vadd.f32 v6, v7;
	v8 =	vadd.f32 v8, v11  }
0x1b4: {  	s23 =	sor.u32 $0x420, s14;
	v26 =	vld [tilespmem:s1+$0x180];
	v9 =	vadd.f32 v9, v12;
	v6 =	vadd.f32 v10, v14  }
0x1b5: {  	s24 =	sor.u32 $0x430, s14;
	v11 =	vld [tilespmem:s23+$0x180];
	v10 =	vadd.f32 v34, v1;
	v12 =	vadd.f32 v35, v1  }
0x1b6: {  	s31 =	sor.u32 $0x460, s14;
	v24 =	vadd.f32 v37, v1;
	v20 =	vadd.f32 v36, v1;
	v14 =	vld [tilespmem:s24+$0x180]  }
0x1b7: {  	s25 =	sor.u32 $0x440, s14;
	v27 =	vld [tilespmem:s31+$0x180];
	v10 =	vadd.f32 v22, v10;
	v12 =	vadd.f32 v23, v12  }
0x1b8: {  	v21 =	vld [tilespmem:s25+$0x180];
	v16 =	vadd.f32 v16, v20;
	v19 =	vadd.f32 v19, v24  }
0x1b9: {  	v23 =	vld [tilespmem:s28+$0x180];
	v20 =	vadd.f32 v41, v1;
	v10 =	vadd.f32 v30, v10  }
0x1ba: {  	v24 =	vld [tilespmem:s29+$0x180];
	v12 =	vadd.f32 v25, v12;
	v16 =	vadd.f32 v11, v16  }
0x1bb: {  	s26 =	sor.u32 $0x450, s14;
	v25 =	vld [tilespmem:s30+$0x180];
	v19 =	vadd.f32 v14, v19;
	v14 =	vadd.f32 v28, v10  }
0x1bc: {  	s0 =	sor.u32 $0x470, s14;
	s18 =	simm.s32 $0x200;
	v22 =	vld [tilespmem:s26+$0x180];
	v11 =	vadd.f32 v29, v12;
	v28 =	vadd.f32 v38, v1  }
0x1bd: {  	s19 =	simm.s32 $0x400;
	s17 =	simm.s32 $0x0;
	v12 =	vadd.f32 v62, v16;
	v10 =	vadd.f32 v63, v19;
	v19 =	vld [tilespmem:s0+$0x180];
	s0 =	sor.u32 $0x460, s20;
	v16 =	vimm.f32 $0.0e+00  }
.LBB2_13:
0x1be: {  	s1 =	sand.u32 $0x7800, s19;
	s2 =	sand.u32 $0x200, s18;
	v1 =	vadd.f32 v13, v1;
	v13 =	vadd.f32 v15, v16;
	v15 =	vld [tilespmem:s0+$0x180];
	s3 =	sor.u32 $0x470, s20  }
0x1bf: {  	s0 =	sor.u32 s2, s1;
	v16 =	vadd.f32 v23, v28;
	v20 =	vadd.f32 v24, v20;
	v23 =	vld [tilespmem:s3+$0x180]  }
0x1c0: {  	v28 =	vld [tilespmem:s0+$0x300];
	v1 =	vadd.f32 v25, v1;
	v13 =	vadd.f32 v26, v13  }
0x1c1: {  	v25 =	vld [tilespmem:s0+$0x310];
	v16 =	vadd.f32 v21, v16;
	v20 =	vadd.f32 v22, v20  }
0x1c2: {  	v26 =	vld [tilespmem:s0+$0x320];
	v1 =	vadd.f32 v27, v1;
	v13 =	vadd.f32 v19, v13  }
0x1c3: {  	v27 =	vld [tilespmem:s0+$0x330];
	v19 =	vadd.f32 v17, v16;
	v20 =	vadd.f32 v18, v20  }
0x1c4: {  	v21 =	vld [tilespmem:s0+$0x340];
	v1 =	vadd.f32 v15, v1;
	v16 =	vadd.f32 v23, v13  }
0x1c5: {  	v24 =	vld [tilespmem:s0+$0x350]  }
0x1c6: {  	v22 =	vld [tilespmem:s0+$0x360]  }
0x1c7: {  	v23 =	vld [tilespmem:s0+$0x370]  }
0x1c8: {  	v17 =	vld [tilespmem:s0+$0x280]  }
0x1c9: {  	v18 =	vld [tilespmem:s0+$0x290]  }
0x1ca: {  	v29 =	vld [tilespmem:s0+$0x2A0]  }
0x1cb: {  	v30 =	vld [tilespmem:s0+$0x2B0]  }
0x1cc: {  	v31 =	vld [tilespmem:s0+$0x2C0]  }
0x1cd: {  	v32 =	vld [tilespmem:s0+$0x2D0]  }
0x1ce: {  	v33 =	vld [tilespmem:s0+$0x2E0]  }
0x1cf: {  	v34 =	vld [tilespmem:s0+$0x2F0]  }
0x1d0: {  	v35 =	vld [tilespmem:s0+$0x200]  }
0x1d1: {  	v36 =	vld [tilespmem:s0+$0x210]  }
0x1d2: {  	v37 =	vld [tilespmem:s0+$0x220]  }
0x1d3: {  	v38 =	vld [tilespmem:s0+$0x230]  }
0x1d4: {  	v39 =	vld [tilespmem:s0+$0x240]  }
0x1d5: {  	v40 =	vld [tilespmem:s0+$0x250]  }
0x1d6: {  	v41 =	vld [tilespmem:s0+$0x260]  }
0x1d7: {  	v42 =	vld [tilespmem:s0+$0x270]  }
0x1d8: {  	v13 =	vld [tilespmem:s0+$0x180]  }
0x1d9: {  	v15 =	vld [tilespmem:s0+$0x190]  }
0x1da: {  	v43 =	vld [tilespmem:s0+$0x1A0]  }
0x1db: {  	p1 =	por !p1, !p1;
	s1 =	simm.s32 $0x1;
	v44 =	vld [tilespmem:s0+$0x1B0]  }
0x1dc: {  	s1 =	simm.s32 @!p1 $0x0;
	v45 =	vld [tilespmem:s0+$0x1C0]  }
0x1dd: {  	s1 =	sshll.u32 s1, $0x9;
	v46 =	vld [tilespmem:s0+$0x1D0]  }
0x1de: {  	s1 =	sadd.s32 s1, s19;
	v47 =	vld [tilespmem:s0+$0x1E0]  }
0x1df: {  	v48 =	vld [tilespmem:s0+$0x1F0];
	s0 =	sor.u32 $0x400, s1  }
0x1e0: {  	v49 =	vld [tilespmem:s0+$0x180];
	s0 =	sor.u32 $0x410, s1  }
0x1e1: {  	v50 =	vld [tilespmem:s0+$0x180];
	s0 =	sor.u32 $0x420, s1  }
0x1e2: {  	v51 =	vld [tilespmem:s0+$0x180];
	s0 =	sor.u32 $0x430, s1  }
0x1e3: {  	v52 =	vld [tilespmem:s0+$0x180];
	s0 =	sor.u32 $0x440, s1  }
0x1e4: {  	v53 =	vld [tilespmem:s0+$0x180];
	s0 =	sor.u32 $0x450, s1  }
0x1e5: {  	v2 =	vadd.f32 v13, v2;
	v3 =	vadd.f32 v15, v3;
	v54 =	vld [tilespmem:s0+$0x180];
	s0 =	sor.u32 $0x460, s1  }
0x1e6: {  	s20 =	sadd.s32 $0x180, s1;
	v4 =	vadd.f32 v43, v4;
	v5 =	vadd.f32 v44, v5;
	v13 =	vld [tilespmem:s0+$0x180];
	s0 =	sor.u32 $0x470, s1  }
0x1e7: {  	v2 =	vadd.f32 v35, v2;
	v3 =	vadd.f32 v36, v3;
	v15 =	vld [tilespmem:s0+$0x180];
	s0 =	sor.u32 $0x400, s20  }
0x1e8: {  	v4 =	vadd.f32 v37, v4;
	v5 =	vadd.f32 v38, v5;
	v35 =	vld [tilespmem:s0+$0x180];
	s0 =	sor.u32 $0x410, s20  }
0x1e9: {  	v2 =	vadd.f32 v17, v2;
	v3 =	vadd.f32 v18, v3;
	v36 =	vld [tilespmem:s0+$0x180];
	s0 =	sor.u32 $0x420, s20  }
0x1ea: {  	v4 =	vadd.f32 v29, v4;
	v5 =	vadd.f32 v30, v5;
	v29 =	vld [tilespmem:s0+$0x180];
	s0 =	sor.u32 $0x430, s20  }
0x1eb: {  	s2 =	sor.u32 $0x440, s20;
	v2 =	vadd.f32 v28, v2;
	v3 =	vadd.f32 v25, v3;
	v28 =	vld [tilespmem:s0+$0x180]  }
0x1ec: {  	v4 =	vadd.f32 v26, v4;
	v5 =	vadd.f32 v27, v5;
	s0 =	sadd.s32 $0x100, s1;
	v17 =	vld [tilespmem:s2+$0x180];
	s2 =	sor.u32 $0x450, s20  }
0x1ed: {  	v7 =	vadd.f32 v45, v7;
	v8 =	vadd.f32 v46, v8;
	s3 =	sor.u32 $0x400, s0;
	v18 =	vld [tilespmem:s2+$0x180]  }
0x1ee: {  	v9 =	vadd.f32 v47, v9;
	v6 =	vadd.f32 v48, v6;
	s1 =	sadd.s32 $0x80, s1;
	s2 =	sor.u32 $0x410, s0;
	v25 =	vld [tilespmem:s3+$0x180]  }
0x1ef: {  	v7 =	vadd.f32 v39, v7;
	v8 =	vadd.f32 v40, v8;
	s3 =	sor.u32 $0x400, s1;
	v26 =	vld [tilespmem:s2+$0x180]  }
0x1f0: {  	v9 =	vadd.f32 v41, v9;
	v6 =	vadd.f32 v42, v6;
	s2 =	sor.u32 $0x410, s1;
	v27 =	vld [tilespmem:s3+$0x180]  }
0x1f1: {  	v7 =	vadd.f32 v31, v7;
	v8 =	vadd.f32 v32, v8;
	v30 =	vld [tilespmem:s2+$0x180];
	s2 =	sor.u32 $0x420, s1  }
0x1f2: {  	v9 =	vadd.f32 v33, v9;
	v6 =	vadd.f32 v34, v6;
	v31 =	vld [tilespmem:s2+$0x180];
	s2 =	sor.u32 $0x430, s1  }
0x1f3: {  	v7 =	vadd.f32 v21, v7;
	v8 =	vadd.f32 v24, v8;
	v32 =	vld [tilespmem:s2+$0x180];
	s2 =	sor.u32 $0x420, s0  }
0x1f4: {  	v9 =	vadd.f32 v22, v9;
	v6 =	vadd.f32 v23, v6;
	v33 =	vld [tilespmem:s2+$0x180];
	s2 =	sor.u32 $0x430, s0  }
0x1f5: {  	s17 =	sadd.s32 $0x4, s17;
	v14 =	vadd.f32 v49, v14;
	v11 =	vadd.f32 v50, v11;
	v34 =	vld [tilespmem:s2+$0x180];
	s2 =	sor.u32 $0x440, s0  }
0x1f6: {  	p2 =	slt.u32 s17, $0x4C;
	v12 =	vadd.f32 v51, v12;
	v10 =	vadd.f32 v52, v10;
	v21 =	vld [tilespmem:s2+$0x180];
	s2 =	sor.u32 $0x450, s0  }
0x1f7: {  	s3 =	sor.u32 $0x440, s1;
	v14 =	vadd.f32 v27, v14;
	v11 =	vadd.f32 v30, v11;
	v22 =	vld [tilespmem:s2+$0x180]  }
0x1f8: {  	v12 =	vadd.f32 v31, v12;
	s2 =	sor.u32 $0x450, s1;
	v10 =	vadd.f32 v32, v10;
	v23 =	vld [tilespmem:s3+$0x180]  }
.Ltmp7:
0x1f9: {  	v14 =	vadd.f32 v25, v14;
	v11 =	vadd.f32 v26, v11;
	v24 =	vld [tilespmem:s2+$0x180];
	s2 =	sor.u32 $0x460, s1;
	(pc) =	sbr.rel @p2 .LBB2_13-.Ltmp7, $4  }
0x1fa: {  	s1 =	sor.u32 $0x470, s1;
	v12 =	vadd.f32 v33, v12;
	v25 =	vld [tilespmem:s2+$0x180];
	v10 =	vadd.f32 v34, v10  }
0x1fb: {  	v14 =	vadd.f32 v35, v14;
	v11 =	vadd.f32 v36, v11;
	v26 =	vld [tilespmem:s1+$0x180];
	s1 =	sor.u32 $0x460, s0  }
0x1fc: {  	s0 =	sor.u32 $0x470, s0;
	v12 =	vadd.f32 v29, v12;
	v27 =	vld [tilespmem:s1+$0x180];
	v10 =	vadd.f32 v28, v10  }
0x1fd: {  	s18 =	sadd.s32 $0x200, s18;
	s19 =	sadd.s32 $0x400, s19;
	v20 =	vadd.f32 v54, v20;
	v28 =	vadd.f32 v53, v19;
	v19 =	vld [tilespmem:s0+$0x180];
	s0 =	sor.u32 $0x460, s20  }
0x1fe: {  	s1 =	sshll.u32 s16, $0x8;
	s2 =	sshll.u32 s16, $0x7  }
0x1ff: {  	v29 =	vld [tilespmem:s0+$0x180];
	s30 =	sor.u32 $0x470, s20;
	s1 =	sand.u32 $0xFFFFF800, s1;
	s2 =	sand.u32 $0x380, s2  }
0x200: {  	v30 =	vld [tilespmem:s30+$0x180];
	s31 =	sor.u32 s2, s1  }
0x201: {  	[tilespmem:s31+$0xD980] =	vst.add.f32.msk $0xffff, v2  }
0x202: {  	[tilespmem:s31+$0xD990] =	vst.add.f32.msk $0xffff, v3  }
0x203: {  	[tilespmem:s31+$0xD9A0] =	vst.add.f32.msk $0xffff, v4  }
0x204: {  	[tilespmem:s31+$0xD9B0] =	vst.add.f32.msk $0xffff, v5  }
0x205: {  	[tilespmem:s31+$0xD9C0] =	vst.add.f32.msk $0xffff, v7  }
0x206: {  	[tilespmem:s31+$0xD9D0] =	vst.add.f32.msk $0xffff, v8  }
0x207: {  	v1 =	vadd.f32 v13, v1;
	v63 =	vadd.f32 v24, v20;
	[tilespmem:s31+$0xD9E0] =	vst.add.f32.msk $0xffff, v9  }
0x208: {  	v2 =	vadd.f32 v23, v28;
	v3 =	vadd.f32 v15, v16;
	[tilespmem:s31+$0xD9F0] =	vst.add.f32.msk $0xffff, v6  }
0x209: {  	v1 =	vadd.f32 v25, v1;
	[tilespmem:s31+$0xDD80] =	vst.add.f32.msk $0xffff, v14;
	v4 =	vadd.f32 v22, v63  }
0x20a: {  	[tilespmem:s31+$0xDD90] =	vst.add.f32.msk $0xffff, v11;
	v2 =	vadd.f32 v21, v2;
	v3 =	vadd.f32 v26, v3  }
0x20b: {  	[tilespmem:s31+$0xDDA0] =	vst.add.f32.msk $0xffff, v12;
	v1 =	vadd.f32 v27, v1;
	v4 =	vadd.f32 v18, v4  }
.Ltmp8:
0x20c: {  	[tilespmem:s31+$0xDDB0] =	vst.add.f32.msk $0xffff, v10;
	v2 =	vadd.f32 v17, v2;
	v3 =	vadd.f32 v19, v3;
	(pc) =	sbr.rel .LBB2_18-.Ltmp8, $4  }
0x20d: {  	v1 =	vadd.f32 v29, v1;
	[tilespmem:s31+$0xDDD0] =	vst.add.f32.msk $0xffff, v4  }
0x20e: {  	[tilespmem:s31+$0xDDC0] =	vst.add.f32.msk $0xffff, v2;
	v2 =	vadd.f32 v30, v3  }
0x20f: {  	[tilespmem:s31+$0xDDE0] =	vst.add.f32.msk $0xffff, v1  }
0x210: {  	[tilespmem:s31+$0xDDF0] =	vst.add.f32.msk $0xffff, v2  }
.LBB2_15:
0x211: {  	v1 =	vld [tilespmem:s0+$0x0];
	_ =	sdelay $0x4  }
0x212: {  	(v2sf) =	vpush v1, $0x0;
	_ =	sdelay $0xb  }
0x213: {  	s30 =	sand.u32 $0x7800, s17;
	s1 =	sand.u32 $0x380, s17  }
0x214: {  	s0 =	sor.u32 s1, s30  }
0x215: {  	v1 =	vld [tilespmem:s0+$0x180]  }
0x216: {  	s31 =	spop (v2sf)  }
0x217: {  	s2 =	sshll.u32 s31, $0x8;
	s1 =	sshll.u32 s31, $0x7  }
0x218: {  	s2 =	sand.u32 $0xFFFFF800, s2;
	s1 =	sand.u32 $0x380, s1  }
0x219: {  	s1 =	sor.u32 s1, s2  }
0x21a: {  	[tilespmem:s1+$0xD980] =	vst.add.f32.msk $0xffff, v1  }
0x21b: {  	v1 =	vld [tilespmem:s0+$0x190];
	_ =	sdelay $0x4  }
0x21c: {  	[tilespmem:s1+$0xD990] =	vst.add.f32.msk $0xffff, v1  }
0x21d: {  	v1 =	vld [tilespmem:s0+$0x1A0];
	_ =	sdelay $0x4  }
0x21e: {  	[tilespmem:s1+$0xD9A0] =	vst.add.f32.msk $0xffff, v1  }
0x21f: {  	v1 =	vld [tilespmem:s0+$0x1B0];
	_ =	sdelay $0x4  }
0x220: {  	[tilespmem:s1+$0xD9B0] =	vst.add.f32.msk $0xffff, v1  }
0x221: {  	v1 =	vld [tilespmem:s0+$0x1C0];
	_ =	sdelay $0x4  }
0x222: {  	[tilespmem:s1+$0xD9C0] =	vst.add.f32.msk $0xffff, v1  }
0x223: {  	v1 =	vld [tilespmem:s0+$0x1D0];
	_ =	sdelay $0x4  }
0x224: {  	[tilespmem:s1+$0xD9D0] =	vst.add.f32.msk $0xffff, v1  }
0x225: {  	v1 =	vld [tilespmem:s0+$0x1E0];
	_ =	sdelay $0x4  }
0x226: {  	[tilespmem:s1+$0xD9E0] =	vst.add.f32.msk $0xffff, v1  }
0x227: {  	v1 =	vld [tilespmem:s0+$0x1F0];
	_ =	sdelay $0x4  }
0x228: {  	[tilespmem:s1+$0xD9F0] =	vst.add.f32.msk $0xffff, v1  }
0x229: {  	v1 =	vld [tilespmem:s0+$0x580];
	_ =	sdelay $0x4  }
0x22a: {  	[tilespmem:s1+$0xDD80] =	vst.add.f32.msk $0xffff, v1  }
0x22b: {  	v1 =	vld [tilespmem:s0+$0x590];
	_ =	sdelay $0x4  }
0x22c: {  	[tilespmem:s1+$0xDD90] =	vst.add.f32.msk $0xffff, v1  }
0x22d: {  	v1 =	vld [tilespmem:s0+$0x5A0];
	_ =	sdelay $0x4  }
0x22e: {  	[tilespmem:s1+$0xDDA0] =	vst.add.f32.msk $0xffff, v1  }
0x22f: {  	v1 =	vld [tilespmem:s0+$0x5B0];
	_ =	sdelay $0x4  }
0x230: {  	[tilespmem:s1+$0xDDB0] =	vst.add.f32.msk $0xffff, v1  }
0x231: {  	v1 =	vld [tilespmem:s0+$0x5C0];
	_ =	sdelay $0x4  }
0x232: {  	[tilespmem:s1+$0xDDC0] =	vst.add.f32.msk $0xffff, v1  }
0x233: {  	v1 =	vld [tilespmem:s0+$0x5D0];
	_ =	sdelay $0x4  }
0x234: {  	[tilespmem:s1+$0xDDD0] =	vst.add.f32.msk $0xffff, v1  }
0x235: {  	v1 =	vld [tilespmem:s0+$0x5E0];
	_ =	sdelay $0x4  }
0x236: {  	[tilespmem:s1+$0xDDE0] =	vst.add.f32.msk $0xffff, v1  }
0x237: {  	v1 =	vld [tilespmem:s0+$0x5F0];
	_ =	sdelay $0x4  }
0x238: {  	s18 =	simm.s32 $0x101;
	[tilespmem:s1+$0xDDF0] =	vst.add.f32.msk $0xffff, v1  }
0x239: {  	s16 =	simm.s32 $0x100;
	s19 =	simm.s32 $0x200;
	v1 =	vld [tilespmem:s18+$0x0]  }
.LBB2_16:
0x23a: {  	p1 =	sne.s32 s19, $0x4F00;
	_ =	sdelay $0x3  }
0x23b: {  	(v2sf) =	vpush v1, $0x0;
	_ =	sdelay $0xa  }
0x23c: {  	s17 =	sadd.s32 $0x80, s17  }
0x23d: {  	s0 =	sand.u32 $0x7800, s16;
	s16 =	smov.u32 s19;
	s1 =	sand.u32 $0x380, s17  }
0x23e: {  	s20 =	sor.u32 s1, s0  }
0x23f: {  	v1 =	vld [tilespmem:s20+$0x180]  }
0x240: {  	s0 =	spop (v2sf)  }
0x241: {  	s1 =	sshll.u32 s0, $0x8;
	s0 =	sshll.u32 s0, $0x7  }
0x242: {  	s1 =	sand.u32 $0xFFFFF800, s1;
	s0 =	sand.u32 $0x380, s0  }
0x243: {  	s21 =	sor.u32 s0, s1  }
0x244: {  	[tilespmem:s21+$0xD980] =	vst.add.f32.msk $0xffff, v1  }
0x245: {  	v1 =	vld [tilespmem:s20+$0x190];
	_ =	sdelay $0x4  }
0x246: {  	[tilespmem:s21+$0xD990] =	vst.add.f32.msk $0xffff, v1  }
0x247: {  	v1 =	vld [tilespmem:s20+$0x1A0];
	_ =	sdelay $0x4  }
0x248: {  	[tilespmem:s21+$0xD9A0] =	vst.add.f32.msk $0xffff, v1  }
0x249: {  	v1 =	vld [tilespmem:s20+$0x1B0];
	_ =	sdelay $0x4  }
0x24a: {  	[tilespmem:s21+$0xD9B0] =	vst.add.f32.msk $0xffff, v1  }
0x24b: {  	v1 =	vld [tilespmem:s20+$0x1C0];
	_ =	sdelay $0x4  }
0x24c: {  	[tilespmem:s21+$0xD9C0] =	vst.add.f32.msk $0xffff, v1  }
0x24d: {  	v1 =	vld [tilespmem:s20+$0x1D0];
	_ =	sdelay $0x4  }
0x24e: {  	[tilespmem:s21+$0xD9D0] =	vst.add.f32.msk $0xffff, v1  }
0x24f: {  	v1 =	vld [tilespmem:s20+$0x1E0];
	_ =	sdelay $0x4  }
0x250: {  	[tilespmem:s21+$0xD9E0] =	vst.add.f32.msk $0xffff, v1  }
0x251: {  	v1 =	vld [tilespmem:s20+$0x1F0];
	_ =	sdelay $0x4  }
0x252: {  	[tilespmem:s21+$0xD9F0] =	vst.add.f32.msk $0xffff, v1  }
0x253: {  	v1 =	vld [tilespmem:s20+$0x580];
	_ =	sdelay $0x4  }
0x254: {  	[tilespmem:s21+$0xDD80] =	vst.add.f32.msk $0xffff, v1  }
0x255: {  	v1 =	vld [tilespmem:s20+$0x590];
	_ =	sdelay $0x4  }
0x256: {  	[tilespmem:s21+$0xDD90] =	vst.add.f32.msk $0xffff, v1  }
0x257: {  	v1 =	vld [tilespmem:s20+$0x5A0];
	_ =	sdelay $0x4  }
0x258: {  	[tilespmem:s21+$0xDDA0] =	vst.add.f32.msk $0xffff, v1  }
0x259: {  	v1 =	vld [tilespmem:s20+$0x5B0];
	_ =	sdelay $0x4  }
0x25a: {  	[tilespmem:s21+$0xDDB0] =	vst.add.f32.msk $0xffff, v1  }
0x25b: {  	v1 =	vld [tilespmem:s20+$0x5C0];
	_ =	sdelay $0x4  }
0x25c: {  	[tilespmem:s21+$0xDDC0] =	vst.add.f32.msk $0xffff, v1  }
0x25d: {  	v1 =	vld [tilespmem:s20+$0x5D0];
	_ =	sdelay $0x4  }
0x25e: {  	[tilespmem:s21+$0xDDD0] =	vst.add.f32.msk $0xffff, v1  }
0x25f: {  	v1 =	vld [tilespmem:s20+$0x5E0];
	_ =	sdelay $0x4  }
0x260: {  	[tilespmem:s21+$0xDDE0] =	vst.add.f32.msk $0xffff, v1  }
0x261: {  	v1 =	vld [tilespmem:s20+$0x5F0];
	_ =	sdelay $0x1  }
.Ltmp9:
0x262: {  	(pc) =	sbr.rel @p1 .LBB2_16-.Ltmp9, $3  }
0x263: {  	_ =	sdelay $0x1  }
0x264: {  	s18 =	sadd.s32 $0x1, s18;
	[tilespmem:s21+$0xDDF0] =	vst.add.f32.msk $0xffff, v1  }
0x265: {  	s19 =	sadd.s32 $0x100, s19;
	v1 =	vld [tilespmem:s18+$0x0]  }
0x266: {  	_ =	sdelay $0x3  }
0x267: {  	(v2sf) =	vpush v1, $0x0;
	_ =	sdelay $0xa  }
0x268: {  	s0 =	sadd.s32 $0x80, s17  }
0x269: {  	s1 =	sand.u32 $0x7800, s16;
	s0 =	sand.u32 $0x380, s0  }
0x26a: {  	s0 =	sor.u32 s0, s1  }
0x26b: {  	v1 =	vld [tilespmem:s0+$0x180]  }
0x26c: {  	s31 =	spop (v2sf)  }
0x26d: {  	s2 =	sshll.u32 s31, $0x8;
	s1 =	sshll.u32 s31, $0x7  }
0x26e: {  	s2 =	sand.u32 $0xFFFFF800, s2;
	s1 =	sand.u32 $0x380, s1  }
0x26f: {  	s1 =	sor.u32 s1, s2  }
0x270: {  	[tilespmem:s1+$0xD980] =	vst.add.f32.msk $0xffff, v1  }
0x271: {  	v1 =	vld [tilespmem:s0+$0x190];
	_ =	sdelay $0x4  }
0x272: {  	[tilespmem:s1+$0xD990] =	vst.add.f32.msk $0xffff, v1  }
0x273: {  	v1 =	vld [tilespmem:s0+$0x1A0];
	_ =	sdelay $0x4  }
0x274: {  	[tilespmem:s1+$0xD9A0] =	vst.add.f32.msk $0xffff, v1  }
0x275: {  	v1 =	vld [tilespmem:s0+$0x1B0];
	_ =	sdelay $0x4  }
0x276: {  	[tilespmem:s1+$0xD9B0] =	vst.add.f32.msk $0xffff, v1  }
0x277: {  	v1 =	vld [tilespmem:s0+$0x1C0];
	_ =	sdelay $0x4  }
0x278: {  	[tilespmem:s1+$0xD9C0] =	vst.add.f32.msk $0xffff, v1  }
0x279: {  	v1 =	vld [tilespmem:s0+$0x1D0];
	_ =	sdelay $0x4  }
0x27a: {  	[tilespmem:s1+$0xD9D0] =	vst.add.f32.msk $0xffff, v1  }
0x27b: {  	v1 =	vld [tilespmem:s0+$0x1E0];
	_ =	sdelay $0x4  }
0x27c: {  	[tilespmem:s1+$0xD9E0] =	vst.add.f32.msk $0xffff, v1  }
0x27d: {  	v1 =	vld [tilespmem:s0+$0x1F0];
	_ =	sdelay $0x4  }
0x27e: {  	[tilespmem:s1+$0xD9F0] =	vst.add.f32.msk $0xffff, v1  }
0x27f: {  	v1 =	vld [tilespmem:s0+$0x580];
	_ =	sdelay $0x4  }
0x280: {  	[tilespmem:s1+$0xDD80] =	vst.add.f32.msk $0xffff, v1  }
0x281: {  	v1 =	vld [tilespmem:s0+$0x590];
	_ =	sdelay $0x4  }
0x282: {  	[tilespmem:s1+$0xDD90] =	vst.add.f32.msk $0xffff, v1  }
0x283: {  	v1 =	vld [tilespmem:s0+$0x5A0];
	_ =	sdelay $0x4  }
0x284: {  	[tilespmem:s1+$0xDDA0] =	vst.add.f32.msk $0xffff, v1  }
0x285: {  	v1 =	vld [tilespmem:s0+$0x5B0];
	_ =	sdelay $0x4  }
0x286: {  	[tilespmem:s1+$0xDDB0] =	vst.add.f32.msk $0xffff, v1  }
0x287: {  	v1 =	vld [tilespmem:s0+$0x5C0];
	_ =	sdelay $0x4  }
0x288: {  	[tilespmem:s1+$0xDDC0] =	vst.add.f32.msk $0xffff, v1  }
0x289: {  	v1 =	vld [tilespmem:s0+$0x5D0];
	_ =	sdelay $0x4  }
0x28a: {  	[tilespmem:s1+$0xDDD0] =	vst.add.f32.msk $0xffff, v1  }
0x28b: {  	v1 =	vld [tilespmem:s0+$0x5E0];
	_ =	sdelay $0x4  }
0x28c: {  	[tilespmem:s1+$0xDDE0] =	vst.add.f32.msk $0xffff, v1  }
0x28d: {  	v1 =	vld [tilespmem:s0+$0x5F0];
	_ =	sdelay $0x4  }
0x28e: {  	[tilespmem:s1+$0xDDF0] =	vst.add.f32.msk $0xffff, v1  }
.LBB2_18:
0x28f: {  	s1 =	simm.s32 $0x0  }
0x290: {  	s2 =	sand.u32 $0x1000, s1  }
0x291: {  	s0 =	simm.s32 $0xE980;
	s1 =	sand.u32 $0x70, s1;
	s2 =	sshrl.u32 s2, $0x2  }
0x292: {  	v2 =	vld [tilespmem:s0+$0x0];
	s1 =	sor.u32 s1, s2  }
0x293: {  	v4 =	vld [tilespmem:s1+$0xD980]  }
0x294: {  	v1 =	vimm.f32 $0.0e+00;
	s3 =	simm.s32 $0x200;
	s4 =	simm.s32 $0xE980;
	v3 =	vimm.f32 $0.0e+00;
	s2 =	simm.s32 $0x10  }
.LBB2_19:
0x295: {  	s5 =	sand.u32 $0x1000, s3;
	p1 =	sne.s32 s2, $0xF0  }
0x296: {  	s6 =	smov.u32 s2;
	s2 =	sadd.s32 $0x10, s2;
	s4 =	sadd.s32 $0x10, s4  }
.Ltmp10:
0x297: {  	s6 =	sand.u32 $0x70, s6;
	s5 =	sshrl.u32 s5, $0x2;
	(pc) =	sbr.rel @p1 .LBB2_19-.Ltmp10, $4  }
0x298: {  	s5 =	sor.u32 s6, s5;
	v5 =	vmul.f32 v2, v4;
	v2 =	vld [tilespmem:s4+$0x0]  }
0x299: {  	v4 =	vld [tilespmem:s5+$0xD980]  }
0x29a: {  	v3 =	vadd.f32 v5, v3  }
0x29b: {  	s3 =	sadd.s32 $0x200, s3  }
0x29c: {  	_ =	sdelay $0x1  }
0x29d: {  	v4 =	vmul.f32 v2, v4  }
0x29e: {  	v2 =	vld [tilespmem:s0+$0x0]  }
0x29f: {  	v16 =	vadd.f32 v4, v3;
	v3 =	vld [tilespmem:s1+$0xDA00]  }
0x2a0: {  	s2 =	simm.s32 $0x10;
	s1 =	simm.s32 $0x200  }
.LBB2_21:
0x2a1: {  	s3 =	sand.u32 $0x1000, s1;
	p1 =	sne.s32 s2, $0xF0  }
0x2a2: {  	s4 =	smov.u32 s2;
	s2 =	sadd.s32 $0x10, s2;
	s0 =	sadd.s32 $0x10, s0  }
.Ltmp11:
0x2a3: {  	s4 =	sand.u32 $0x70, s4;
	s3 =	sshrl.u32 s3, $0x2;
	(pc) =	sbr.rel @p1 .LBB2_21-.Ltmp11, $4  }
0x2a4: {  	s3 =	sor.u32 s4, s3;
	v4 =	vmul.f32 v2, v3;
	v2 =	vld [tilespmem:s0+$0x0]  }
0x2a5: {  	v3 =	vld [tilespmem:s3+$0xDA00]  }
0x2a6: {  	v1 =	vadd.f32 v4, v1  }
0x2a7: {  	s1 =	sadd.s32 $0x200, s1  }
0x2a8: {  	s1 =	simm.s32 $0x0  }
0x2a9: {  	s2 =	sand.u32 $0x1000, s1  }
0x2aa: {  	s0 =	simm.s32 $0xE980;
	s1 =	sand.u32 $0x70, s1;
	s2 =	sshrl.u32 s2, $0x2  }
0x2ab: {  	v3 =	vmul.f32 v2, v3;
	v2 =	vld [tilespmem:s0+$0x0];
	s1 =	sor.u32 s1, s2  }
0x2ac: {  	v4 =	vld [tilespmem:s1+$0xDA80]  }
0x2ad: {  	s3 =	simm.s32 $0x200;
	s4 =	simm.s32 $0xE980;
	s2 =	simm.s32 $0x10;
	v18 =	vadd.f32 v3, v1;
	v1 =	vimm.f32 $0.0e+00;
	v3 =	vimm.f32 $0.0e+00  }
.LBB2_23:
0x2ae: {  	s5 =	sand.u32 $0x1000, s3;
	p1 =	sne.s32 s2, $0xF0  }
0x2af: {  	s6 =	smov.u32 s2;
	s2 =	sadd.s32 $0x10, s2;
	s4 =	sadd.s32 $0x10, s4  }
.Ltmp12:
0x2b0: {  	s6 =	sand.u32 $0x70, s6;
	s5 =	sshrl.u32 s5, $0x2;
	(pc) =	sbr.rel @p1 .LBB2_23-.Ltmp12, $4  }
0x2b1: {  	s5 =	sor.u32 s6, s5;
	v5 =	vmul.f32 v2, v4;
	v2 =	vld [tilespmem:s4+$0x0]  }
0x2b2: {  	v4 =	vld [tilespmem:s5+$0xDA80]  }
0x2b3: {  	v3 =	vadd.f32 v5, v3  }
0x2b4: {  	s3 =	sadd.s32 $0x200, s3  }
0x2b5: {  	_ =	sdelay $0x1  }
0x2b6: {  	v4 =	vmul.f32 v2, v4  }
0x2b7: {  	v2 =	vld [tilespmem:s0+$0x0]  }
0x2b8: {  	v17 =	vadd.f32 v4, v3;
	v3 =	vld [tilespmem:s1+$0xDB00]  }
0x2b9: {  	s2 =	simm.s32 $0x10;
	s1 =	simm.s32 $0x200  }
.LBB2_25:
0x2ba: {  	s3 =	sand.u32 $0x1000, s1;
	p1 =	sne.s32 s2, $0xF0  }
0x2bb: {  	s4 =	smov.u32 s2;
	s2 =	sadd.s32 $0x10, s2;
	s0 =	sadd.s32 $0x10, s0  }
.Ltmp13:
0x2bc: {  	s4 =	sand.u32 $0x70, s4;
	s3 =	sshrl.u32 s3, $0x2;
	(pc) =	sbr.rel @p1 .LBB2_25-.Ltmp13, $4  }
0x2bd: {  	s3 =	sor.u32 s4, s3;
	v4 =	vmul.f32 v2, v3;
	v2 =	vld [tilespmem:s0+$0x0]  }
0x2be: {  	v3 =	vld [tilespmem:s3+$0xDB00]  }
0x2bf: {  	v1 =	vadd.f32 v4, v1  }
0x2c0: {  	s1 =	sadd.s32 $0x200, s1  }
0x2c1: {  	s1 =	simm.s32 $0x0  }
0x2c2: {  	s2 =	sand.u32 $0x1000, s1  }
0x2c3: {  	s0 =	simm.s32 $0xE980;
	s1 =	sand.u32 $0x70, s1;
	s2 =	sshrl.u32 s2, $0x2  }
0x2c4: {  	v3 =	vmul.f32 v2, v3;
	v2 =	vld [tilespmem:s0+$0x0];
	s1 =	sor.u32 s1, s2  }
0x2c5: {  	v4 =	vld [tilespmem:s1+$0xDB80]  }
0x2c6: {  	s3 =	simm.s32 $0x200;
	s4 =	simm.s32 $0xE980;
	s2 =	simm.s32 $0x10;
	v15 =	vadd.f32 v3, v1;
	v1 =	vimm.f32 $0.0e+00;
	v3 =	vimm.f32 $0.0e+00  }
.LBB2_27:
0x2c7: {  	s5 =	sand.u32 $0x1000, s3;
	p1 =	sne.s32 s2, $0xF0  }
0x2c8: {  	s6 =	smov.u32 s2;
	s2 =	sadd.s32 $0x10, s2;
	s4 =	sadd.s32 $0x10, s4  }
.Ltmp14:
0x2c9: {  	s6 =	sand.u32 $0x70, s6;
	s5 =	sshrl.u32 s5, $0x2;
	(pc) =	sbr.rel @p1 .LBB2_27-.Ltmp14, $4  }
0x2ca: {  	s5 =	sor.u32 s6, s5;
	v5 =	vmul.f32 v2, v4;
	v2 =	vld [tilespmem:s4+$0x0]  }
0x2cb: {  	v4 =	vld [tilespmem:s5+$0xDB80]  }
0x2cc: {  	v3 =	vadd.f32 v5, v3  }
0x2cd: {  	s3 =	sadd.s32 $0x200, s3  }
0x2ce: {  	_ =	sdelay $0x1  }
0x2cf: {  	v4 =	vmul.f32 v2, v4  }
0x2d0: {  	v2 =	vld [tilespmem:s0+$0x0]  }
0x2d1: {  	v14 =	vadd.f32 v4, v3;
	v3 =	vld [tilespmem:s1+$0xDC00]  }
0x2d2: {  	s2 =	simm.s32 $0x10;
	s1 =	simm.s32 $0x200  }
.LBB2_29:
0x2d3: {  	s3 =	sand.u32 $0x1000, s1;
	p1 =	sne.s32 s2, $0xF0  }
0x2d4: {  	s4 =	smov.u32 s2;
	s2 =	sadd.s32 $0x10, s2;
	s0 =	sadd.s32 $0x10, s0  }
.Ltmp15:
0x2d5: {  	s4 =	sand.u32 $0x70, s4;
	s3 =	sshrl.u32 s3, $0x2;
	(pc) =	sbr.rel @p1 .LBB2_29-.Ltmp15, $4  }
0x2d6: {  	s3 =	sor.u32 s4, s3;
	v4 =	vmul.f32 v2, v3;
	v2 =	vld [tilespmem:s0+$0x0]  }
0x2d7: {  	v3 =	vld [tilespmem:s3+$0xDC00]  }
0x2d8: {  	v1 =	vadd.f32 v4, v1  }
0x2d9: {  	s1 =	sadd.s32 $0x200, s1  }
0x2da: {  	s1 =	simm.s32 $0x0  }
0x2db: {  	s2 =	sand.u32 $0x1000, s1  }
0x2dc: {  	s0 =	simm.s32 $0xE980;
	s1 =	sand.u32 $0x70, s1;
	s2 =	sshrl.u32 s2, $0x2  }
0x2dd: {  	v3 =	vmul.f32 v2, v3;
	v2 =	vld [tilespmem:s0+$0x0];
	s1 =	sor.u32 s1, s2  }
0x2de: {  	v4 =	vld [tilespmem:s1+$0xDC80]  }
0x2df: {  	s3 =	simm.s32 $0x200;
	s4 =	simm.s32 $0xE980;
	s2 =	simm.s32 $0x10;
	v13 =	vadd.f32 v3, v1;
	v1 =	vimm.f32 $0.0e+00;
	v3 =	vimm.f32 $0.0e+00  }
.LBB2_31:
0x2e0: {  	s5 =	sand.u32 $0x1000, s3;
	p1 =	sne.s32 s2, $0xF0  }
0x2e1: {  	s6 =	smov.u32 s2;
	s2 =	sadd.s32 $0x10, s2;
	s4 =	sadd.s32 $0x10, s4  }
.Ltmp16:
0x2e2: {  	s6 =	sand.u32 $0x70, s6;
	s5 =	sshrl.u32 s5, $0x2;
	(pc) =	sbr.rel @p1 .LBB2_31-.Ltmp16, $4  }
0x2e3: {  	s5 =	sor.u32 s6, s5;
	v5 =	vmul.f32 v2, v4;
	v2 =	vld [tilespmem:s4+$0x0]  }
0x2e4: {  	v4 =	vld [tilespmem:s5+$0xDC80]  }
0x2e5: {  	v3 =	vadd.f32 v5, v3  }
0x2e6: {  	s3 =	sadd.s32 $0x200, s3  }
0x2e7: {  	_ =	sdelay $0x1  }
0x2e8: {  	v4 =	vmul.f32 v2, v4  }
0x2e9: {  	v2 =	vld [tilespmem:s0+$0x0]  }
0x2ea: {  	v12 =	vadd.f32 v4, v3;
	v3 =	vld [tilespmem:s1+$0xDD00]  }
0x2eb: {  	s2 =	simm.s32 $0x10;
	s1 =	simm.s32 $0x200  }
.LBB2_33:
0x2ec: {  	s3 =	sand.u32 $0x1000, s1;
	p1 =	sne.s32 s2, $0xF0  }
0x2ed: {  	s4 =	smov.u32 s2;
	s2 =	sadd.s32 $0x10, s2;
	s0 =	sadd.s32 $0x10, s0  }
.Ltmp17:
0x2ee: {  	s4 =	sand.u32 $0x70, s4;
	s3 =	sshrl.u32 s3, $0x2;
	(pc) =	sbr.rel @p1 .LBB2_33-.Ltmp17, $4  }
0x2ef: {  	s3 =	sor.u32 s4, s3;
	v4 =	vmul.f32 v2, v3;
	v2 =	vld [tilespmem:s0+$0x0]  }
0x2f0: {  	v3 =	vld [tilespmem:s3+$0xDD00]  }
0x2f1: {  	v1 =	vadd.f32 v4, v1  }
0x2f2: {  	s1 =	sadd.s32 $0x200, s1  }
0x2f3: {  	s1 =	simm.s32 $0x0  }
0x2f4: {  	s2 =	sand.u32 $0x1000, s1  }
0x2f5: {  	s0 =	simm.s32 $0xE980;
	s1 =	sand.u32 $0x70, s1;
	s2 =	sshrl.u32 s2, $0x2  }
0x2f6: {  	v3 =	vmul.f32 v2, v3;
	v2 =	vld [tilespmem:s0+$0x0];
	s1 =	sor.u32 s1, s2  }
0x2f7: {  	v4 =	vld [tilespmem:s1+$0xE180]  }
0x2f8: {  	s3 =	simm.s32 $0x200;
	s4 =	simm.s32 $0xE980;
	s2 =	simm.s32 $0x10;
	v11 =	vadd.f32 v3, v1;
	v1 =	vimm.f32 $0.0e+00;
	v3 =	vimm.f32 $0.0e+00  }
.LBB2_35:
0x2f9: {  	s5 =	sand.u32 $0x1000, s3;
	p1 =	sne.s32 s2, $0xF0  }
0x2fa: {  	s6 =	smov.u32 s2;
	s2 =	sadd.s32 $0x10, s2;
	s4 =	sadd.s32 $0x10, s4  }
.Ltmp18:
0x2fb: {  	s6 =	sand.u32 $0x70, s6;
	s5 =	sshrl.u32 s5, $0x2;
	(pc) =	sbr.rel @p1 .LBB2_35-.Ltmp18, $4  }
0x2fc: {  	s5 =	sor.u32 s6, s5;
	v5 =	vmul.f32 v2, v4;
	v2 =	vld [tilespmem:s4+$0x0]  }
0x2fd: {  	v4 =	vld [tilespmem:s5+$0xE180]  }
0x2fe: {  	v3 =	vadd.f32 v5, v3  }
0x2ff: {  	s3 =	sadd.s32 $0x200, s3  }
0x300: {  	_ =	sdelay $0x1  }
0x301: {  	v4 =	vmul.f32 v2, v4  }
0x302: {  	v2 =	vld [tilespmem:s0+$0x0]  }
0x303: {  	v10 =	vadd.f32 v4, v3;
	v3 =	vld [tilespmem:s1+$0xE200]  }
0x304: {  	s2 =	simm.s32 $0x10;
	s1 =	simm.s32 $0x200  }
.LBB2_37:
0x305: {  	s3 =	sand.u32 $0x1000, s1;
	p1 =	sne.s32 s2, $0xF0  }
0x306: {  	s4 =	smov.u32 s2;
	s2 =	sadd.s32 $0x10, s2;
	s0 =	sadd.s32 $0x10, s0  }
.Ltmp19:
0x307: {  	s4 =	sand.u32 $0x70, s4;
	s3 =	sshrl.u32 s3, $0x2;
	(pc) =	sbr.rel @p1 .LBB2_37-.Ltmp19, $4  }
0x308: {  	s3 =	sor.u32 s4, s3;
	v4 =	vmul.f32 v2, v3;
	v2 =	vld [tilespmem:s0+$0x0]  }
0x309: {  	v3 =	vld [tilespmem:s3+$0xE200]  }
0x30a: {  	v1 =	vadd.f32 v4, v1  }
0x30b: {  	s1 =	sadd.s32 $0x200, s1  }
0x30c: {  	s1 =	simm.s32 $0x0  }
0x30d: {  	s2 =	sand.u32 $0x1000, s1  }
0x30e: {  	s0 =	simm.s32 $0xE980;
	s1 =	sand.u32 $0x70, s1;
	s2 =	sshrl.u32 s2, $0x2  }
0x30f: {  	v3 =	vmul.f32 v2, v3;
	v2 =	vld [tilespmem:s0+$0x0];
	s1 =	sor.u32 s1, s2  }
0x310: {  	v4 =	vld [tilespmem:s1+$0xE280]  }
0x311: {  	s3 =	simm.s32 $0x200;
	s4 =	simm.s32 $0xE980;
	s2 =	simm.s32 $0x10;
	v9 =	vadd.f32 v3, v1;
	v1 =	vimm.f32 $0.0e+00;
	v3 =	vimm.f32 $0.0e+00  }
.LBB2_39:
0x312: {  	s5 =	sand.u32 $0x1000, s3;
	p1 =	sne.s32 s2, $0xF0  }
0x313: {  	s6 =	smov.u32 s2;
	s2 =	sadd.s32 $0x10, s2;
	s4 =	sadd.s32 $0x10, s4  }
.Ltmp20:
0x314: {  	s6 =	sand.u32 $0x70, s6;
	s5 =	sshrl.u32 s5, $0x2;
	(pc) =	sbr.rel @p1 .LBB2_39-.Ltmp20, $4  }
0x315: {  	s5 =	sor.u32 s6, s5;
	v5 =	vmul.f32 v2, v4;
	v2 =	vld [tilespmem:s4+$0x0]  }
0x316: {  	v4 =	vld [tilespmem:s5+$0xE280]  }
0x317: {  	v3 =	vadd.f32 v5, v3  }
0x318: {  	s3 =	sadd.s32 $0x200, s3  }
0x319: {  	_ =	sdelay $0x1  }
0x31a: {  	v4 =	vmul.f32 v2, v4  }
0x31b: {  	v2 =	vld [tilespmem:s0+$0x0]  }
0x31c: {  	v8 =	vadd.f32 v4, v3;
	v3 =	vld [tilespmem:s1+$0xE300]  }
0x31d: {  	s2 =	simm.s32 $0x10;
	s1 =	simm.s32 $0x200  }
.LBB2_41:
0x31e: {  	s3 =	sand.u32 $0x1000, s1;
	p1 =	sne.s32 s2, $0xF0  }
0x31f: {  	s4 =	smov.u32 s2;
	s2 =	sadd.s32 $0x10, s2;
	s0 =	sadd.s32 $0x10, s0  }
.Ltmp21:
0x320: {  	s4 =	sand.u32 $0x70, s4;
	s3 =	sshrl.u32 s3, $0x2;
	(pc) =	sbr.rel @p1 .LBB2_41-.Ltmp21, $4  }
0x321: {  	s3 =	sor.u32 s4, s3;
	v4 =	vmul.f32 v2, v3;
	v2 =	vld [tilespmem:s0+$0x0]  }
0x322: {  	v3 =	vld [tilespmem:s3+$0xE300]  }
0x323: {  	v1 =	vadd.f32 v4, v1  }
0x324: {  	s1 =	sadd.s32 $0x200, s1  }
0x325: {  	s1 =	simm.s32 $0x0  }
0x326: {  	s2 =	sand.u32 $0x1000, s1  }
0x327: {  	s0 =	simm.s32 $0xE980;
	s1 =	sand.u32 $0x70, s1;
	s2 =	sshrl.u32 s2, $0x2  }
0x328: {  	v3 =	vmul.f32 v2, v3;
	v2 =	vld [tilespmem:s0+$0x0];
	s1 =	sor.u32 s1, s2  }
0x329: {  	v4 =	vld [tilespmem:s1+$0xE380]  }
0x32a: {  	s3 =	simm.s32 $0x200;
	s4 =	simm.s32 $0xE980;
	s2 =	simm.s32 $0x10;
	v7 =	vadd.f32 v3, v1;
	v1 =	vimm.f32 $0.0e+00;
	v3 =	vimm.f32 $0.0e+00  }
.LBB2_43:
0x32b: {  	s5 =	sand.u32 $0x1000, s3;
	p1 =	sne.s32 s2, $0xF0  }
0x32c: {  	s6 =	smov.u32 s2;
	s2 =	sadd.s32 $0x10, s2;
	s4 =	sadd.s32 $0x10, s4  }
.Ltmp22:
0x32d: {  	s6 =	sand.u32 $0x70, s6;
	s5 =	sshrl.u32 s5, $0x2;
	(pc) =	sbr.rel @p1 .LBB2_43-.Ltmp22, $4  }
0x32e: {  	s5 =	sor.u32 s6, s5;
	v5 =	vmul.f32 v2, v4;
	v2 =	vld [tilespmem:s4+$0x0]  }
0x32f: {  	v4 =	vld [tilespmem:s5+$0xE380]  }
0x330: {  	v3 =	vadd.f32 v5, v3  }
0x331: {  	s3 =	sadd.s32 $0x200, s3  }
0x332: {  	_ =	sdelay $0x1  }
0x333: {  	v4 =	vmul.f32 v2, v4  }
0x334: {  	v2 =	vld [tilespmem:s0+$0x0]  }
0x335: {  	v6 =	vadd.f32 v4, v3;
	v3 =	vld [tilespmem:s1+$0xE400]  }
0x336: {  	s2 =	simm.s32 $0x10;
	s1 =	simm.s32 $0x200  }
.LBB2_45:
0x337: {  	s3 =	sand.u32 $0x1000, s1;
	p1 =	sne.s32 s2, $0xF0  }
0x338: {  	s4 =	smov.u32 s2;
	s2 =	sadd.s32 $0x10, s2;
	s0 =	sadd.s32 $0x10, s0  }
.Ltmp23:
0x339: {  	s4 =	sand.u32 $0x70, s4;
	s3 =	sshrl.u32 s3, $0x2;
	(pc) =	sbr.rel @p1 .LBB2_45-.Ltmp23, $4  }
0x33a: {  	s3 =	sor.u32 s4, s3;
	v4 =	vmul.f32 v2, v3;
	v2 =	vld [tilespmem:s0+$0x0]  }
0x33b: {  	v3 =	vld [tilespmem:s3+$0xE400]  }
0x33c: {  	v1 =	vadd.f32 v4, v1  }
0x33d: {  	s1 =	sadd.s32 $0x200, s1  }
0x33e: {  	s1 =	simm.s32 $0x0  }
0x33f: {  	s2 =	sand.u32 $0x1000, s1  }
0x340: {  	s0 =	simm.s32 $0xE980;
	s1 =	sand.u32 $0x70, s1;
	v3 =	vmul.f32 v2, v3;
	s2 =	sshrl.u32 s2, $0x2  }
0x341: {  	v2 =	vld [tilespmem:s0+$0x0];
	s1 =	sor.u32 s1, s2  }
0x342: {  	v5 =	vadd.f32 v3, v1;
	v3 =	vld [tilespmem:s1+$0xE480]  }
0x343: {  	s3 =	simm.s32 $0x200;
	s4 =	simm.s32 $0xE980;
	v4 =	vimm.f32 $0.0e+00;
	s2 =	simm.s32 $0x10;
	v1 =	vimm.f32 $0.0e+00  }
.LBB2_47:
0x344: {  	s5 =	sand.u32 $0x1000, s3;
	p1 =	sne.s32 s2, $0xF0  }
0x345: {  	s6 =	smov.u32 s2;
	s2 =	sadd.s32 $0x10, s2;
	s4 =	sadd.s32 $0x10, s4  }
.Ltmp24:
0x346: {  	s6 =	sand.u32 $0x70, s6;
	s5 =	sshrl.u32 s5, $0x2;
	(pc) =	sbr.rel @p1 .LBB2_47-.Ltmp24, $4  }
0x347: {  	s5 =	sor.u32 s6, s5;
	v19 =	vmul.f32 v2, v3;
	v2 =	vld [tilespmem:s4+$0x0]  }
0x348: {  	v3 =	vld [tilespmem:s5+$0xE480]  }
0x349: {  	v4 =	vadd.f32 v19, v4  }
0x34a: {  	s3 =	sadd.s32 $0x200, s3  }
0x34b: {  	_ =	sdelay $0x1  }
0x34c: {  	v2 =	vmul.f32 v2, v3  }
0x34d: {  	v3 =	vld [tilespmem:s0+$0x0]  }
0x34e: {  	v2 =	vadd.f32 v2, v4;
	v4 =	vld [tilespmem:s1+$0xE500]  }
0x34f: {  	s2 =	simm.s32 $0x10;
	s1 =	simm.s32 $0x200  }
.LBB2_49:
0x350: {  	s3 =	sand.u32 $0x1000, s1;
	p1 =	sne.s32 s2, $0xF0  }
0x351: {  	s4 =	smov.u32 s2;
	s2 =	sadd.s32 $0x10, s2;
	s0 =	sadd.s32 $0x10, s0  }
.Ltmp25:
0x352: {  	s4 =	sand.u32 $0x70, s4;
	s3 =	sshrl.u32 s3, $0x2;
	(pc) =	sbr.rel @p1 .LBB2_49-.Ltmp25, $4  }
0x353: {  	s3 =	sor.u32 s4, s3;
	v19 =	vmul.f32 v3, v4;
	v3 =	vld [tilespmem:s0+$0x0]  }
0x354: {  	v4 =	vld [tilespmem:s3+$0xE500]  }
0x355: {  	v1 =	vadd.f32 v19, v1  }
0x356: {  	s1 =	sadd.s32 $0x200, s1  }
0x357: {  	(v2sf) =	vpush v16, $0x0  }
0x358: {  	(v2sf) =	vpush v16, $0x1  }
0x359: {  	(v2sf) =	vpush v16, $0x2;
	_ =	sdelay $0x1  }
0x35a: {  	(v2sf) =	vpush v16, $0x3  }
0x35b: {  	(v2sf) =	vpush v16, $0x4  }
0x35c: {  	(v2sf) =	vpush v16, $0x5  }
0x35d: {  	(v2sf) =	vpush v16, $0x6  }
0x35e: {  	(v2sf) =	vpush v16, $0x7;
	_ =	sdelay $0x6  }
0x35f: {  	s3 =	spop (v2sf)  }
0x360: {  	s8 =	spop (v2sf);
	(v2sf) =	vpush v16, $0x8  }
0x361: {  	s4 =	spop (v2sf);
	(v2sf) =	vpush v16, $0x9  }
0x362: {  	(v2sf) =	vpush v16, $0xA  }
0x363: {  	s7 =	spop (v2sf);
	(v2sf) =	vpush v16, $0xB  }
0x364: {  	s16 =	spop (v2sf);
	(v2sf) =	vpush v16, $0xC  }
0x365: {  	s2 =	spop (v2sf);
	(v2sf) =	vpush v16, $0xD  }
0x366: {  	s19 =	spop (v2sf);
	(v2sf) =	vpush v16, $0xE  }
0x367: {  	s18 =	spop (v2sf);
	(v2sf) =	vpush v16, $0xF  }
0x368: {  	(v2sf) =	vpush v18, $0x0  }
0x369: {  	(v2sf) =	vpush v18, $0x1;
	_ =	sdelay $0x1  }
0x36a: {  	(v2sf) =	vpush v18, $0x2  }
0x36b: {  	(v2sf) =	vpush v18, $0x3  }
0x36c: {  	(v2sf) =	vpush v18, $0x4  }
0x36d: {  	(v2sf) =	vpush v18, $0x5  }
0x36e: {  	(v2sf) =	vpush v18, $0x6;
	s6 =	spop (v2sf)  }
0x36f: {  	(v2sf) =	vpush v18, $0x7;
	s5 =	spop (v2sf)  }
0x370: {  	s8 =	sadd.f32 s8, s3;
	(v2sf) =	vpush v18, $0x8;
	s29 =	spop (v2sf)  }
0x371: {  	(v2sf) =	vpush v18, $0x9;
	s0 =	spop (v2sf)  }
0x372: {  	s3 =	sadd.f32 s8, s4;
	(v2sf) =	vpush v18, $0xA;
	s28 =	spop (v2sf)  }
0x373: {  	[dreg:$0x1c] =	wrdreg s0;
	(v2sf) =	vpush v18, $0xB;
	s30 =	spop (v2sf)  }
0x374: {  	[dreg:$0x1b] =	wrdreg s28;
	(v2sf) =	vpush v18, $0xC;
	s31 =	spop (v2sf)  }
0x375: {  	[dreg:$0x19] =	wrdreg s30;
	(v2sf) =	vpush v18, $0xD;
	s1 =	spop (v2sf)  }
0x376: {  	[dreg:$0x17] =	wrdreg s31;
	(v2sf) =	vpush v18, $0xE;
	s14 =	spop (v2sf)  }
0x377: {  	[dreg:$0x15] =	wrdreg s1;
	(v2sf) =	vpush v18, $0xF;
	s21 =	spop (v2sf)  }
0x378: {  	(v2sf) =	vpush v17, $0x0;
	s14 =	sadd.f32 s21, s14  }
0x379: {  	s21 =	sadd.f32 s3, s7;
	s22 =	spop (v2sf);
	(v2sf) =	vpush v17, $0x1  }
0x37a: {  	s24 =	spop (v2sf);
	(v2sf) =	vpush v17, $0x2;
	s14 =	sadd.f32 s14, s22  }
0x37b: {  	s21 =	sadd.f32 s21, s16;
	s25 =	spop (v2sf);
	(v2sf) =	vpush v17, $0x3  }
0x37c: {  	s28 =	spop (v2sf);
	(v2sf) =	vpush v17, $0x4;
	s22 =	sadd.f32 s14, s24  }
0x37d: {  	s21 =	sadd.f32 s21, s2;
	s0 =	spop (v2sf);
	(v2sf) =	vpush v17, $0x5  }
0x37e: {  	s20 =	spop (v2sf);
	(v2sf) =	vpush v17, $0x6;
	s22 =	sadd.f32 s22, s25  }
0x37f: {  	s19 =	sadd.f32 s21, s19;
	s1 =	spop (v2sf);
	(v2sf) =	vpush v17, $0x7  }
0x380: {  	s15 =	spop (v2sf);
	(v2sf) =	vpush v17, $0x8;
	s22 =	sadd.f32 s22, s28  }
0x381: {  	s18 =	sadd.f32 s19, s18;
	(v2sf) =	vpush v17, $0x9;
	s11 =	spop (v2sf)  }
0x382: {  	(v2sf) =	vpush v17, $0xA;
	s17 =	spop (v2sf);
	s0 =	sadd.f32 s22, s0  }
0x383: {  	s6 =	sadd.f32 s18, s6;
	(v2sf) =	vpush v17, $0xB;
	s13 =	spop (v2sf)  }
0x384: {  	s9 =	spop (v2sf);
	s0 =	sadd.f32 s0, s20  }
0x385: {  	(v2sf) =	vpush v17, $0xC;
	s21 =	sadd.f32 s6, s5;
	s23 =	spop (v2sf)  }
0x386: {  	(v2sf) =	vpush v17, $0xD;
	s30 =	spop (v2sf);
	s0 =	sadd.f32 s0, s1  }
0x387: {  	s1 =	sadd.f32 s21, s29;
	s12 =	spop (v2sf)  }
0x388: {  	(v2sf) =	vpush v17, $0xE;
	s10 =	spop (v2sf);
	s0 =	sadd.f32 s0, s15  }
0x389: {  	s29 =	rddreg [dreg:$0x1c];
	s26 =	spop (v2sf)  }
0x38a: {  	s31 =	spop (v2sf);
	s0 =	sadd.f32 s0, s11  }
0x38b: {  	s21 =	rddreg [dreg:$0x17];
	s14 =	spop (v2sf)  }
0x38c: {  	s16 =	spop (v2sf);
	s0 =	sadd.f32 s0, s17  }
0x38d: {  	(v2sf) =	vpush v17, $0xF;
	s1 =	sadd.f32 s1, s29;
	s25 =	spop (v2sf)  }
0x38e: {  	s4 =	spop (v2sf);
	s0 =	sadd.f32 s0, s13  }
0x38f: {  	[dreg:$0x1d] =	wrdreg s4;
	s28 =	spop (v2sf)  }
0x390: {  	(v2sf) =	vpush v15, $0x0;
	s7 =	spop (v2sf);
	s0 =	sadd.f32 s0, s9  }
0x391: {  	(v2sf) =	vpush v15, $0x1;
	[dreg:$0x1a] =	wrdreg s7;
	s22 =	spop (v2sf)  }
0x392: {  	s8 =	spop (v2sf);
	s0 =	sadd.f32 s0, s23  }
0x393: {  	(v2sf) =	vpush v15, $0x2;
	[dreg:$0x18] =	wrdreg s8  }
0x394: {  	s20 =	spop (v2sf);
	s0 =	sadd.f32 s0, s30  }
0x395: {  	(v2sf) =	vpush v15, $0x3;
	s18 =	spop (v2sf);
	s30 =	rddreg [dreg:$0x1d]  }
0x396: {  	[dreg:$0x13] =	wrdreg s18  }
0x397: {  	s19 =	spop (v2sf);
	s18 =	rddreg [dreg:$0x1b]  }
0x398: {  	(v2sf) =	vpush v15, $0x4;
	[dreg:$0x12] =	wrdreg s19  }
0x399: {  	(v2sf) =	vpush v15, $0x5;
	s1 =	sadd.f32 s1, s18  }
0x39a: {  	(v2sf) =	vpush v15, $0x6;
	s19 =	rddreg [dreg:$0x19]  }
0x39b: {  	(v2sf) =	vpush v15, $0x7;
	[dreg:$0xd] =	wrdreg s0  }
0x39c: {  	(v2sf) =	vpush v15, $0x8;
	s24 =	spop (v2sf);
	s0 =	sadd.f32 s10, s12  }
0x39d: {  	(v2sf) =	vpush v15, $0x9;
	[dreg:$0x11] =	wrdreg s24  }
0x39e: {  	(v2sf) =	vpush v15, $0xA;
	s24 =	rddreg [dreg:$0x15]  }
0x39f: {  	(v2sf) =	vpush v15, $0xB;
	s6 =	spop (v2sf);
	s1 =	sadd.f32 s1, s19  }
0x3a0: {  	(v2sf) =	vpush v15, $0xC;
	s2 =	spop (v2sf);
	s10 =	sadd.f32 s0, s26  }
0x3a1: {  	(v2sf) =	vpush v15, $0xD;
	s6 =	sadd.f32 s2, s6  }
0x3a2: {  	(v2sf) =	vpush v15, $0xE;
	s3 =	spop (v2sf);
	s1 =	sadd.f32 s1, s21  }
0x3a3: {  	(v2sf) =	vpush v15, $0xF;
	s3 =	sadd.f32 s6, s3  }
0x3a4: {  	(v2sf) =	vpush v14, $0x0;
	s4 =	spop (v2sf);
	s1 =	sadd.f32 s1, s24  }
0x3a5: {  	(v2sf) =	vpush v14, $0x1;
	s3 =	sadd.f32 s3, s4  }
0x3a6: {  	(v2sf) =	vpush v14, $0x2;
	[dreg:$0xc] =	wrdreg s1  }
0x3a7: {  	(v2sf) =	vpush v14, $0x3;
	s17 =	spop (v2sf);
	s1 =	sadd.f32 s10, s31  }
0x3a8: {  	(v2sf) =	vpush v14, $0x4;
	s15 =	spop (v2sf);
	s17 =	sadd.f32 s3, s17  }
0x3a9: {  	(v2sf) =	vpush v14, $0x5;
	s5 =	spop (v2sf);
	s3 =	rddreg [dreg:$0x1a]  }
0x3aa: {  	(v2sf) =	vpush v14, $0x6;
	s7 =	spop (v2sf);
	s6 =	sadd.f32 s1, s14  }
0x3ab: {  	(v2sf) =	vpush v14, $0x7;
	s8 =	spop (v2sf);
	s14 =	sadd.f32 s17, s15  }
0x3ac: {  	(v2sf) =	vpush v14, $0x8;
	s9 =	spop (v2sf);
	s16 =	sadd.f32 s6, s16  }
0x3ad: {  	(v2sf) =	vpush v14, $0x9;
	s11 =	spop (v2sf);
	s5 =	sadd.f32 s14, s5  }
0x3ae: {  	(v2sf) =	vpush v14, $0xA;
	s13 =	spop (v2sf);
	s26 =	sadd.f32 s16, s25  }
0x3af: {  	(v2sf) =	vpush v14, $0xB;
	s23 =	spop (v2sf);
	s5 =	sadd.f32 s5, s7  }
0x3b0: {  	(v2sf) =	vpush v14, $0xC;
	s12 =	spop (v2sf);
	s0 =	sadd.f32 s26, s30  }
0x3b1: {  	(v2sf) =	vpush v14, $0xD;
	s2 =	spop (v2sf);
	s5 =	sadd.f32 s5, s8  }
0x3b2: {  	(v2sf) =	vpush v14, $0xE;
	s18 =	spop (v2sf);
	s1 =	sadd.f32 s0, s28  }
0x3b3: {  	s19 =	spop (v2sf);
	s5 =	sadd.f32 s5, s9  }
0x3b4: {  	(v2sf) =	vpush v14, $0xF;
	s10 =	spop (v2sf);
	s7 =	sadd.f32 s1, s3  }
0x3b5: {  	(v2sf) =	vpush v13, $0x0;
	s29 =	spop (v2sf);
	s3 =	rddreg [dreg:$0x13]  }
0x3b6: {  	(v2sf) =	vpush v13, $0x1;
	s21 =	spop (v2sf);
	s5 =	sadd.f32 s5, s11  }
0x3b7: {  	(v2sf) =	vpush v13, $0x2;
	s24 =	spop (v2sf);
	s11 =	rddreg [dreg:$0x18]  }
0x3b8: {  	(v2sf) =	vpush v13, $0x3;
	s6 =	spop (v2sf);
	s7 =	sadd.f32 s7, s22  }
0x3b9: {  	(v2sf) =	vpush v13, $0x4;
	s15 =	spop (v2sf);
	s5 =	sadd.f32 s5, s13  }
0x3ba: {  	(v2sf) =	vpush v13, $0x5;
	s16 =	spop (v2sf);
	s7 =	sadd.f32 s7, s11  }
0x3bb: {  	(v2sf) =	vpush v13, $0x6;
	s31 =	spop (v2sf);
	s5 =	sadd.f32 s5, s23  }
0x3bc: {  	(v2sf) =	vpush v13, $0x7;
	s30 =	spop (v2sf);
	s7 =	sadd.f32 s7, s20  }
0x3bd: {  	(v2sf) =	vpush v13, $0x8;
	s17 =	spop (v2sf);
	s5 =	sadd.f32 s5, s12  }
0x3be: {  	(v2sf) =	vpush v13, $0x9;
	s28 =	spop (v2sf);
	s7 =	sadd.f32 s7, s3  }
0x3bf: {  	(v2sf) =	vpush v13, $0xA;
	s26 =	spop (v2sf);
	s2 =	sadd.f32 s5, s2  }
0x3c0: {  	(v2sf) =	vpush v13, $0xB;
	s5 =	rddreg [dreg:$0x11];
	s25 =	spop (v2sf)  }
0x3c1: {  	(v2sf) =	vpush v13, $0xC;
	s4 =	spop (v2sf);
	s2 =	sadd.f32 s2, s18  }
0x3c2: {  	(v2sf) =	vpush v13, $0xD;
	[dreg:$0x16] =	wrdreg s4  }
0x3c3: {  	(v2sf) =	vpush v13, $0xE;
	s8 =	spop (v2sf);
	s4 =	rddreg [dreg:$0x12]  }
0x3c4: {  	[dreg:$0x14] =	wrdreg s8;
	(v2sf) =	vpush v13, $0xF;
	s9 =	spop (v2sf)  }
0x3c5: {  	s7 =	sadd.f32 s7, s4;
	(v2sf) =	vpush v12, $0x0;
	s14 =	spop (v2sf)  }
0x3c6: {  	[dreg:$0xe] =	wrdreg s2;
	(v2sf) =	vpush v12, $0x1;
	s13 =	spop (v2sf)  }
0x3c7: {  	s3 =	sadd.f32 s7, s5;
	(v2sf) =	vpush v12, $0x2;
	s20 =	spop (v2sf)  }
0x3c8: {  	s7 =	sadd.f32 s10, s19;
	(v2sf) =	vpush v12, $0x3;
	s22 =	spop (v2sf)  }
0x3c9: {  	s9 =	sadd.f32 s14, s9;
	(v2sf) =	vpush v12, $0x4;
	s23 =	spop (v2sf)  }
0x3ca: {  	[dreg:$0xf] =	wrdreg s3;
	(v2sf) =	vpush v12, $0x5;
	s12 =	spop (v2sf)  }
0x3cb: {  	s10 =	sadd.f32 s7, s29;
	(v2sf) =	vpush v12, $0x6;
	s0 =	spop (v2sf)  }
0x3cc: {  	s7 =	sadd.f32 s9, s13;
	(v2sf) =	vpush v12, $0x7;
	s1 =	spop (v2sf)  }
0x3cd: {  	s13 =	sadd.f32 s10, s21;
	(v2sf) =	vpush v12, $0x8;
	s3 =	spop (v2sf)  }
0x3ce: {  	s7 =	sadd.f32 s7, s20;
	(v2sf) =	vpush v12, $0x9;
	s5 =	spop (v2sf)  }
0x3cf: {  	s18 =	sadd.f32 s13, s24;
	(v2sf) =	vpush v12, $0xA;
	s4 =	spop (v2sf)  }
0x3d0: {  	s20 =	sadd.f32 s7, s22;
	(v2sf) =	vpush v12, $0xB;
	s11 =	spop (v2sf)  }
0x3d1: {  	s6 =	sadd.f32 s18, s6;
	(v2sf) =	vpush v12, $0xC;
	s14 =	spop (v2sf)  }
0x3d2: {  	s21 =	sadd.f32 s20, s23;
	(v2sf) =	vpush v12, $0xD;
	s2 =	spop (v2sf)  }
0x3d3: {  	s6 =	sadd.f32 s6, s15;
	(v2sf) =	vpush v12, $0xE;
	s8 =	spop (v2sf)  }
0x3d4: {  	s12 =	sadd.f32 s21, s12;
	(v2sf) =	vpush v12, $0xF;
	s9 =	spop (v2sf)  }
0x3d5: {  	s15 =	sadd.f32 s6, s16;
	(v2sf) =	vpush v11, $0x0;
	s13 =	spop (v2sf)  }
0x3d6: {  	s0 =	sadd.f32 s12, s0;
	(v2sf) =	vpush v11, $0x1;
	s10 =	spop (v2sf)  }
0x3d7: {  	s6 =	rddreg [dreg:$0x14];
	(v2sf) =	vpush v11, $0x2;
	s7 =	spop (v2sf)  }
0x3d8: {  	s16 =	sadd.f32 s15, s31;
	(v2sf) =	vpush v11, $0x3;
	s23 =	spop (v2sf)  }
0x3d9: {  	s1 =	sadd.f32 s0, s1;
	(v2sf) =	vpush v11, $0x4;
	s20 =	spop (v2sf)  }
0x3da: {  	s16 =	sadd.f32 s16, s30;
	(v2sf) =	vpush v11, $0x5;
	s19 =	spop (v2sf)  }
0x3db: {  	s1 =	sadd.f32 s1, s3;
	(v2sf) =	vpush v11, $0x6;
	s18 =	spop (v2sf)  }
0x3dc: {  	s13 =	sadd.f32 s13, s9;
	(v2sf) =	vpush v11, $0x7;
	s12 =	spop (v2sf)  }
0x3dd: {  	s22 =	sadd.f32 s16, s17;
	(v2sf) =	vpush v11, $0x8;
	s15 =	spop (v2sf)  }
0x3de: {  	s1 =	sadd.f32 s1, s5;
	(v2sf) =	vpush v11, $0x9;
	s21 =	spop (v2sf)  }
0x3df: {  	s3 =	sadd.f32 s22, s28;
	(v2sf) =	vpush v11, $0xA;
	s31 =	spop (v2sf)  }
0x3e0: {  	s1 =	sadd.f32 s1, s4;
	(v2sf) =	vpush v11, $0xB;
	s30 =	spop (v2sf)  }
0x3e1: {  	s28 =	rddreg [dreg:$0x16];
	(v2sf) =	vpush v11, $0xC;
	s29 =	spop (v2sf)  }
0x3e2: {  	s3 =	sadd.f32 s3, s26;
	(v2sf) =	vpush v11, $0xD;
	s24 =	spop (v2sf)  }
0x3e3: {  	s1 =	sadd.f32 s1, s11;
	(v2sf) =	vpush v11, $0xE;
	s22 =	spop (v2sf)  }
0x3e4: {  	s3 =	sadd.f32 s3, s25;
	(v2sf) =	vpush v11, $0xF;
	s4 =	spop (v2sf)  }
0x3e5: {  	s1 =	sadd.f32 s1, s14;
	(v2sf) =	vpush v10, $0x0;
	s5 =	spop (v2sf)  }
0x3e6: {  	s3 =	sadd.f32 s3, s28;
	(v2sf) =	vpush v10, $0x1;
	s11 =	spop (v2sf)  }
0x3e7: {  	s1 =	sadd.f32 s1, s2;
	(v2sf) =	vpush v10, $0x2;
	s17 =	spop (v2sf)  }
0x3e8: {  	s2 =	sadd.f32 s13, s10;
	(v2sf) =	vpush v10, $0x3;
	s14 =	spop (v2sf)  }
0x3e9: {  	s16 =	sadd.f32 s3, s6;
	(v2sf) =	vpush v10, $0x4;
	s25 =	spop (v2sf)  }
0x3ea: {  	s8 =	sadd.f32 s1, s8;
	(v2sf) =	vpush v10, $0x5;
	s26 =	spop (v2sf)  }
0x3eb: {  	s4 =	sadd.f32 s5, s4;
	(v2sf) =	vpush v10, $0x6;
	s3 =	spop (v2sf)  }
0x3ec: {  	s2 =	sadd.f32 s2, s7;
	(v2sf) =	vpush v10, $0x7;
	s1 =	spop (v2sf)  }
0x3ed: {  	s4 =	sadd.f32 s4, s11;
	(v2sf) =	vpush v10, $0x8;
	s28 =	spop (v2sf)  }
0x3ee: {  	[dreg:$0x10] =	wrdreg s8;
	(v2sf) =	vpush v10, $0x9;
	s0 =	spop (v2sf)  }
0x3ef: {  	s4 =	sadd.f32 s4, s17;
	(v2sf) =	vpush v10, $0xA;
	s5 =	spop (v2sf)  }
0x3f0: {  	s2 =	sadd.f32 s2, s23;
	(v2sf) =	vpush v10, $0xB;
	s6 =	spop (v2sf)  }
0x3f1: {  	s4 =	sadd.f32 s4, s14;
	(v2sf) =	vpush v10, $0xC;
	s7 =	spop (v2sf)  }
0x3f2: {  	s2 =	sadd.f32 s2, s20;
	(v2sf) =	vpush v10, $0xD;
	s11 =	spop (v2sf)  }
0x3f3: {  	s4 =	sadd.f32 s4, s25;
	(v2sf) =	vpush v10, $0xE;
	s9 =	spop (v2sf)  }
0x3f4: {  	s25 =	sadd.f32 s2, s19;
	(v2sf) =	vpush v10, $0xF;
	s10 =	spop (v2sf)  }
0x3f5: {  	s4 =	sadd.f32 s4, s26;
	(v2sf) =	vpush v9, $0x0;
	s14 =	spop (v2sf)  }
0x3f6: {  	s19 =	sadd.f32 s25, s18;
	(v2sf) =	vpush v9, $0x1;
	s13 =	spop (v2sf)  }
0x3f7: {  	s3 =	sadd.f32 s4, s3;
	(v2sf) =	vpush v9, $0x2;
	s2 =	spop (v2sf)  }
0x3f8: {  	s12 =	sadd.f32 s19, s12;
	(v2sf) =	vpush v9, $0x3;
	s8 =	spop (v2sf)  }
0x3f9: {  	s1 =	sadd.f32 s3, s1;
	(v2sf) =	vpush v9, $0x4;
	s18 =	spop (v2sf)  }
0x3fa: {  	s19 =	sadd.f32 s12, s15;
	(v2sf) =	vpush v9, $0x5;
	s17 =	spop (v2sf)  }
0x3fb: {  	s28 =	sadd.f32 s1, s28;
	(v2sf) =	vpush v9, $0x6;
	s4 =	spop (v2sf)  }
0x3fc: {  	s19 =	sadd.f32 s19, s21;
	(v2sf) =	vpush v9, $0x7;
	s3 =	spop (v2sf)  }
0x3fd: {  	s20 =	sadd.f32 s28, s0;
	(v2sf) =	vpush v9, $0x8;
	s15 =	spop (v2sf)  }
0x3fe: {  	s19 =	sadd.f32 s19, s31;
	(v2sf) =	vpush v9, $0x9;
	s12 =	spop (v2sf)  }
0x3ff: {  	s31 =	sadd.f32 s14, s10;
	(v2sf) =	vpush v9, $0xA;
	s1 =	spop (v2sf)  }
0x400: {  	s5 =	sadd.f32 s20, s5;
	(v2sf) =	vpush v9, $0xB;
	s0 =	spop (v2sf)  }
0x401: {  	s19 =	sadd.f32 s19, s30;
	(v2sf) =	vpush v9, $0xC;
	s28 =	spop (v2sf)  }
0x402: {  	s5 =	sadd.f32 s5, s6;
	(v2sf) =	vpush v9, $0xD;
	s26 =	spop (v2sf)  }
0x403: {  	s19 =	sadd.f32 s19, s29;
	(v2sf) =	vpush v9, $0xE;
	s25 =	spop (v2sf)  }
0x404: {  	s5 =	sadd.f32 s5, s7;
	(v2sf) =	vpush v9, $0xF;
	s20 =	spop (v2sf)  }
0x405: {  	s19 =	sadd.f32 s19, s24;
	(v2sf) =	vpush v8, $0x0;
	s21 =	spop (v2sf)  }
0x406: {  	s5 =	sadd.f32 s5, s11;
	(v2sf) =	vpush v8, $0x1;
	s29 =	spop (v2sf)  }
0x407: {  	s23 =	sadd.f32 s19, s22;
	(v2sf) =	vpush v8, $0x2;
	s30 =	spop (v2sf)  }
0x408: {  	s22 =	sadd.f32 s5, s9;
	(v2sf) =	vpush v8, $0x3;
	s11 =	spop (v2sf)  }
0x409: {  	s9 =	sadd.f32 s31, s13;
	(v2sf) =	vpush v8, $0x4;
	s19 =	spop (v2sf)  }
0x40a: {  	(v2sf) =	vpush v8, $0x5;
	s5 =	spop (v2sf)  }
0x40b: {  	s2 =	sadd.f32 s9, s2;
	(v2sf) =	vpush v8, $0x6;
	s14 =	spop (v2sf)  }
0x40c: {  	s6 =	sadd.f32 s21, s20;
	(v2sf) =	vpush v8, $0x7;
	s20 =	spop (v2sf)  }
0x40d: {  	s2 =	sadd.f32 s2, s8;
	(v2sf) =	vpush v8, $0x8;
	s13 =	spop (v2sf)  }
0x40e: {  	s6 =	sadd.f32 s6, s29;
	(v2sf) =	vpush v8, $0x9;
	s24 =	spop (v2sf)  }
0x40f: {  	s2 =	sadd.f32 s2, s18;
	(v2sf) =	vpush v8, $0xA;
	s29 =	spop (v2sf)  }
0x410: {  	s6 =	sadd.f32 s6, s30;
	(v2sf) =	vpush v8, $0xB;
	s21 =	spop (v2sf)  }
0x411: {  	s2 =	sadd.f32 s2, s17;
	(v2sf) =	vpush v8, $0xC;
	s30 =	spop (v2sf)  }
0x412: {  	s6 =	sadd.f32 s6, s11;
	(v2sf) =	vpush v8, $0xD;
	s11 =	spop (v2sf)  }
0x413: {  	s2 =	sadd.f32 s2, s4;
	(v2sf) =	vpush v8, $0xE;
	s18 =	spop (v2sf)  }
0x414: {  	s6 =	sadd.f32 s6, s19;
	(v2sf) =	vpush v8, $0xF;
	s19 =	spop (v2sf)  }
0x415: {  	s3 =	sadd.f32 s2, s3;
	(v2sf) =	vpush v7, $0x0;
	s17 =	spop (v2sf)  }
0x416: {  	s5 =	sadd.f32 s6, s5;
	(v2sf) =	vpush v7, $0x1;
	s31 =	spop (v2sf)  }
0x417: {  	s3 =	sadd.f32 s3, s15;
	(v2sf) =	vpush v7, $0x2;
	s10 =	spop (v2sf)  }
0x418: {  	s8 =	sadd.f32 s5, s14;
	(v2sf) =	vpush v7, $0x3;
	s9 =	spop (v2sf)  }
0x419: {  	s12 =	sadd.f32 s3, s12;
	(v2sf) =	vpush v7, $0x4;
	s2 =	spop (v2sf)  }
0x41a: {  	s4 =	sadd.f32 s8, s20;
	(v2sf) =	vpush v7, $0x5;
	s8 =	spop (v2sf)  }
0x41b: {  	s1 =	sadd.f32 s12, s1;
	(v2sf) =	vpush v7, $0x6;
	s7 =	spop (v2sf)  }
0x41c: {  	s14 =	sadd.f32 s4, s13;
	(v2sf) =	vpush v7, $0x7;
	s5 =	spop (v2sf)  }
0x41d: {  	s15 =	sadd.f32 s1, s0;
	(v2sf) =	vpush v7, $0x8;
	s4 =	spop (v2sf)  }
0x41e: {  	s13 =	sadd.f32 s14, s24;
	(v2sf) =	vpush v7, $0x9;
	s3 =	spop (v2sf)  }
0x41f: {  	s17 =	sadd.f32 s17, s19;
	(v2sf) =	vpush v7, $0xA;
	s6 =	spop (v2sf)  }
0x420: {  	s13 =	sadd.f32 s13, s29;
	(v2sf) =	vpush v7, $0xB;
	s12 =	spop (v2sf)  }
0x421: {  	s14 =	sadd.f32 s15, s28;
	(v2sf) =	vpush v7, $0xC;
	s1 =	spop (v2sf)  }
0x422: {  	s13 =	sadd.f32 s13, s21;
	(v2sf) =	vpush v7, $0xD;
	s0 =	spop (v2sf)  }
0x423: {  	s17 =	sadd.f32 s17, s31;
	(v2sf) =	vpush v7, $0xE;
	s28 =	spop (v2sf)  }
0x424: {  	s13 =	sadd.f32 s13, s30;
	(v2sf) =	vpush v7, $0xF;
	s20 =	spop (v2sf)  }
0x425: {  	s14 =	sadd.f32 s14, s26;
	(v2sf) =	vpush v6, $0x0;
	s21 =	spop (v2sf)  }
0x426: {  	s11 =	sadd.f32 s13, s11;
	(v2sf) =	vpush v6, $0x1;
	s29 =	spop (v2sf)  }
0x427: {  	s24 =	sadd.f32 s14, s25;
	(v2sf) =	vpush v6, $0x2;
	s30 =	spop (v2sf)  }
0x428: {  	s25 =	sadd.f32 s11, s18;
	(v2sf) =	vpush v6, $0x3;
	s18 =	spop (v2sf)  }
0x429: {  	s15 =	sadd.f32 s21, s20;
	(v2sf) =	vpush v6, $0x4;
	s26 =	spop (v2sf)  }
0x42a: {  	s10 =	sadd.f32 s17, s10;
	(v2sf) =	vpush v6, $0x5;
	s19 =	spop (v2sf)  }
0x42b: {  	s13 =	sadd.f32 s15, s29;
	(v2sf) =	vpush v6, $0x6;
	s20 =	spop (v2sf)  }
0x42c: {  	s9 =	sadd.f32 s10, s9;
	(v2sf) =	vpush v6, $0x7;
	s15 =	spop (v2sf)  }
0x42d: {  	s13 =	sadd.f32 s13, s30;
	(v2sf) =	vpush v6, $0x8;
	s17 =	spop (v2sf)  }
0x42e: {  	s2 =	sadd.f32 s9, s2;
	(v2sf) =	vpush v6, $0x9;
	s14 =	spop (v2sf)  }
0x42f: {  	s29 =	sadd.f32 s13, s18;
	(v2sf) =	vpush v6, $0xA;
	s21 =	spop (v2sf)  }
0x430: {  	s2 =	sadd.f32 s2, s8;
	(v2sf) =	vpush v6, $0xB;
	s11 =	spop (v2sf)  }
0x431: {  	s30 =	sadd.f32 s29, s26;
	(v2sf) =	vpush v6, $0xC;
	s13 =	spop (v2sf)  }
0x432: {  	s2 =	sadd.f32 s2, s7;
	(v2sf) =	vpush v6, $0xD;
	s18 =	spop (v2sf)  }
0x433: {  	s31 =	sadd.f32 s30, s19;
	(v2sf) =	vpush v6, $0xE;
	s26 =	spop (v2sf)  }
0x434: {  	s2 =	sadd.f32 s2, s5;
	(v2sf) =	vpush v6, $0xF;
	s19 =	spop (v2sf)  }
0x435: {  	s8 =	sadd.f32 s31, s20;
	(v2sf) =	vpush v5, $0x0;
	s29 =	spop (v2sf)  }
0x436: {  	s4 =	sadd.f32 s2, s4;
	(v2sf) =	vpush v5, $0x1;
	s20 =	spop (v2sf)  }
0x437: {  	s9 =	sadd.f32 s8, s15;
	s30 =	spop (v2sf)  }
0x438: {  	s3 =	sadd.f32 s4, s3;
	(v2sf) =	vpush v5, $0x2;
	s15 =	spop (v2sf)  }
0x439: {  	s5 =	sadd.f32 s9, s17;
	s10 =	spop (v2sf)  }
0x43a: {  	s3 =	sadd.f32 s3, s6;
	(v2sf) =	vpush v5, $0x3;
	s2 =	spop (v2sf)  }
0x43b: {  	s17 =	sadd.f32 s5, s14;
	(v2sf) =	vpush v5, $0x4;
	s9 =	spop (v2sf)  }
0x43c: {  	s12 =	sadd.f32 s3, s12;
	(v2sf) =	vpush v5, $0x5;
	s8 =	spop (v2sf)  }
0x43d: {  	s21 =	sadd.f32 s17, s21;
	(v2sf) =	vpush v5, $0x6;
	s7 =	spop (v2sf)  }
0x43e: {  	s12 =	sadd.f32 s12, s1;
	(v2sf) =	vpush v5, $0x7;
	s5 =	spop (v2sf)  }
0x43f: {  	s11 =	sadd.f32 s21, s11;
	(v2sf) =	vpush v5, $0x8;
	s4 =	spop (v2sf)  }
0x440: {  	s12 =	sadd.f32 s12, s0;
	(v2sf) =	vpush v5, $0x9;
	s3 =	spop (v2sf)  }
0x441: {  	s11 =	sadd.f32 s11, s13;
	(v2sf) =	vpush v5, $0xA;
	s6 =	spop (v2sf)  }
0x442: {  	s28 =	sadd.f32 s12, s28;
	(v2sf) =	vpush v5, $0xB;
	s1 =	spop (v2sf)  }
0x443: {  	s11 =	sadd.f32 s11, s18;
	(v2sf) =	vpush v5, $0xC;
	s0 =	spop (v2sf)  }
0x444: {  	s21 =	sadd.f32 s29, s19;
	(v2sf) =	vpush v5, $0xD;
	s31 =	spop (v2sf)  }
0x445: {  	s26 =	sadd.f32 s11, s26;
	(v2sf) =	vpush v5, $0xE;
	s14 =	spop (v2sf)  }
0x446: {  	(v2sf) =	vpush v5, $0xF;
	s12 =	sadd.f32 s14, s31  }
0x447: {  	(v2sf) =	vpush v2, $0x0;
	s17 =	spop (v2sf);
	s14 =	sadd.f32 s21, s20  }
0x448: {  	(v2sf) =	vpush v2, $0x1;
	s11 =	sadd.f32 s12, s17  }
0x449: {  	s29 =	spop (v2sf);
	s14 =	sadd.f32 s14, s30  }
0x44a: {  	(v2sf) =	vpush v2, $0x2;
	s31 =	spop (v2sf);
	s11 =	sadd.f32 s11, s29  }
0x44b: {  	(v2sf) =	vpush v2, $0x3;
	s18 =	spop (v2sf);
	s14 =	sadd.f32 s14, s15  }
0x44c: {  	(v2sf) =	vpush v2, $0x4;
	s19 =	spop (v2sf);
	s11 =	sadd.f32 s11, s31  }
0x44d: {  	(v2sf) =	vpush v2, $0x5;
	s20 =	spop (v2sf);
	s10 =	sadd.f32 s14, s10  }
0x44e: {  	(v2sf) =	vpush v2, $0x6;
	s21 =	spop (v2sf);
	s11 =	sadd.f32 s11, s18  }
0x44f: {  	(v2sf) =	vpush v2, $0x7;
	s29 =	spop (v2sf);
	s2 =	sadd.f32 s10, s2  }
0x450: {  	(v2sf) =	vpush v2, $0x8;
	s30 =	spop (v2sf);
	s11 =	sadd.f32 s11, s19  }
0x451: {  	(v2sf) =	vpush v2, $0x9;
	s31 =	spop (v2sf);
	s2 =	sadd.f32 s2, s9  }
0x452: {  	(v2sf) =	vpush v2, $0xA;
	s18 =	spop (v2sf);
	s11 =	sadd.f32 s11, s20  }
0x453: {  	(v2sf) =	vpush v2, $0xB;
	s10 =	spop (v2sf);
	s2 =	sadd.f32 s2, s8  }
0x454: {  	v3 =	vmul.f32 v3, v4;
	(v2sf) =	vpush v2, $0xC;
	s12 =	spop (v2sf);
	s11 =	sadd.f32 s11, s21  }
0x455: {  	(v2sf) =	vpush v2, $0xD;
	s9 =	spop (v2sf);
	s2 =	sadd.f32 s2, s7  }
0x456: {  	v1 =	vadd.f32 v3, v1;
	(v2sf) =	vpush v2, $0xE;
	s19 =	spop (v2sf);
	s29 =	sadd.f32 s11, s29  }
0x457: {  	(v2sf) =	vpush v2, $0xF;
	s8 =	spop (v2sf);
	s2 =	sadd.f32 s2, s5  }
0x458: {  	(v2sf) =	vpush v1, $0x0;
	s8 =	sadd.f32 s8, s19  }
0x459: {  	(v2sf) =	vpush v1, $0x1;
	s17 =	spop (v2sf);
	s30 =	sadd.f32 s29, s30  }
0x45a: {  	s20 =	spop (v2sf);
	s2 =	sadd.f32 s2, s4  }
0x45b: {  	(v2sf) =	vpush v1, $0x2;
	s11 =	spop (v2sf);
	s8 =	sadd.f32 s8, s17  }
0x45c: {  	s15 =	spop (v2sf);
	s31 =	sadd.f32 s30, s31  }
0x45d: {  	(v2sf) =	vpush v1, $0x3;
	s13 =	spop (v2sf);
	s2 =	sadd.f32 s2, s3  }
0x45e: {  	s8 =	sadd.f32 s8, s20;
	s21 =	spop (v2sf)  }
0x45f: {  	(v2sf) =	vpush v1, $0x4;
	s20 =	rddreg [dreg:$0xc];
	s14 =	spop (v2sf)  }
0x460: {  	s4 =	sadd.f32 s31, s18;
	s29 =	spop (v2sf)  }
0x461: {  	(v2sf) =	vpush v1, $0x5;
	s5 =	sadd.f32 s2, s6;
	s7 =	spop (v2sf)  }
0x462: {  	s8 =	sadd.f32 s8, s11;
	s2 =	spop (v2sf)  }
0x463: {  	(v2sf) =	vpush v1, $0x6;
	s3 =	sadd.f32 s4, s10;
	s6 =	spop (v2sf)  }
0x464: {  	s1 =	sadd.f32 s5, s1;
	s5 =	spop (v2sf)  }
0x465: {  	(v2sf) =	vpush v1, $0x7;
	s10 =	sadd.f32 s3, s12;
	s4 =	spop (v2sf)  }
0x466: {  	s3 =	sadd.f32 s1, s0;
	s0 =	spop (v2sf)  }
0x467: {  	(v2sf) =	vpush v1, $0x8;
	s1 =	sadd.f32 s10, s9;
	s10 =	spop (v2sf)  }
0x468: {  	s31 =	rddreg [dreg:$0xd];
	s12 =	spop (v2sf)  }
0x469: {  	(v2sf) =	vpush v1, $0x9;
	s9 =	sadd.f32 s12, s10  }
0x46a: {  	s8 =	sadd.f32 s8, s15;
	s17 =	spop (v2sf)  }
0x46b: {  	(v2sf) =	vpush v1, $0xA;
	s9 =	sadd.f32 s9, s17  }
0x46c: {  	s15 =	rddreg [dreg:$0xe];
	s18 =	spop (v2sf)  }
0x46d: {  	(v2sf) =	vpush v1, $0xB;
	s9 =	sadd.f32 s9, s18  }
0x46e: {  	s8 =	sadd.f32 s8, s13;
	s19 =	spop (v2sf)  }
0x46f: {  	(v2sf) =	vpush v1, $0xC;
	s9 =	sadd.f32 s9, s19  }
0x470: {  	v2 =	vmov s20;
	s8 =	sadd.f32 s8, s21;
	s30 =	spop (v2sf)  }
0x471: {  	v2 =	vadd.f32 $0.0e+00, v2;
	v3 =	vmov s31;
	(v2sf) =	vpush v1, $0xD;
	s9 =	sadd.f32 s9, s30  }
0x472: {  	v3 =	vadd.f32 $0.0e+00, v3;
	s12 =	rddreg [dreg:$0xf];
	s11 =	spop (v2sf)  }
0x473: {  	v2 =	vnsel vm0, $0x0, v2;
	(v2sf) =	vpush v1, $0xE;
	s9 =	sadd.f32 s9, s11  }
0x474: {  	s8 =	sadd.f32 s8, s14;
	v63 =	vadd.f32 s12, v2;
	v2 =	vsel vm1, v2, v3;
	s13 =	spop (v2sf)  }
0x475: {  	v3 =	vadd.f32 s15, v2;
	(v2sf) =	vpush v1, $0xF;
	s9 =	sadd.f32 s9, s13  }
0x476: {  	s18 =	rddreg [dreg:$0x10];
	v1 =	vsel vm2, v2, v63;
	s17 =	spop (v2sf)  }
0x477: {  	v2 =	vadd.f32 s16, v2;
	v1 =	vsel vm3, v1, v3;
	s9 =	sadd.f32 s9, s17  }
0x478: {  	s8 =	sadd.f32 s8, s29;
	v3 =	vadd.f32 s18, v1;
	s19 =	spop (v2sf)  }
0x479: {  	v1 =	vsel vm4, v1, v2;
	s9 =	sadd.f32 s9, s19  }
0x47a: {  	s7 =	sadd.f32 s8, s7;
	v2 =	vadd.f32 s23, v1;
	s20 =	spop (v2sf);
	v1 =	vsel vm5, v1, v3  }
0x47b: {  	v3 =	vadd.f32 s22, v1;
	s8 =	sadd.f32 s9, s20  }
0x47c: {  	s2 =	sadd.f32 s7, s2;
	s21 =	spop (v2sf);
	v2 =	vsel vm6, v1, v2  }
0x47d: {  	v1 =	vadd.f32 s24, v1;
	v2 =	vsel vm7, v2, v3;
	s7 =	sadd.f32 s8, s21  }
0x47e: {  	s2 =	sadd.f32 s2, s6;
	v3 =	vadd.f32 s25, v2;
	s22 =	spop (v2sf)  }
0x47f: {  	v1 =	vsel vm8, v2, v1;
	s6 =	sadd.f32 s7, s22  }
0x480: {  	s2 =	sadd.f32 s2, s5;
	v2 =	vadd.f32 s28, v1;
	v1 =	vsel vm9, v1, v3;
	s23 =	spop (v2sf)  }
0x481: {  	v3 =	vadd.f32 s26, v1;
	s5 =	sadd.f32 s6, s23  }
0x482: {  	s2 =	sadd.f32 s2, s4;
	v2 =	vsel vm10, v1, v2;
	s24 =	spop (v2sf)  }
0x483: {  	v1 =	vadd.f32 s3, v1;
	v2 =	vsel vm11, v2, v3;
	s25 =	sadd.f32 s5, s24  }
0x484: {  	s0 =	sadd.f32 s2, s0;
	v3 =	vadd.f32 s1, v2;
	s26 =	spop (v2sf)  }
0x485: {  	v1 =	vsel vm12, v2, v1;
	s1 =	sadd.f32 s25, s26  }
0x486: {  	v2 =	vsel vm13, v1, v3;
	v1 =	vadd.f32 s0, v1  }
0x487: {  	v3 =	vadd.f32 s1, v2  }
0x488: {  	v1 =	vsel vm14, v2, v1  }
0x489: {  	s29 =	simm.s32 $0xEA80;
	v1 =	vsel vm15, v1, v3  }
0x48a: {  	s28 =	rddreg [dreg:$0x9];
	s8 =	simm.s32 $0x0;
	s5 =	simm.s32 $0x2;
	[tilespmem:$0xEA80] =	vst v1  }
0x48b: {  	[hbm4b:s28+s8] =	stream.linear.scatter [tilespmem:s29], [sflag:$0x2], $0x80, $0x38;
	[tilespmem:$0xEB00] =	vst v63  }
0x48c: {  	_ =	swait.ge [sflag:s5], $0x80  }
0x48d: {  	s30 =	rddreg [dreg:$0xb]  }
0x48e: {  	s31 =	rddreg [dreg:$0xa];
	s1 =	sadd.s32 $0x1, s30  }
0x48f: {  	p1 =	sne.s32 s1, s31  }
.Ltmp26:
0x490: {  	_ = 	snop;
	(pc) =	sbr.rel @p1 .LBB2_1-.Ltmp26, $3  }
0x491: {  	_ =	sdelay $0x1  }
0x492: {  	[sflag:s5] =	ssyncset.done $0x0  }
0x493: {  	[sflag:s5] =	ssyncadd.s32 $0xFFFFFF80  }
0x494: {  	_ =	sfence.sel $0x180000  }
0x495: {  	[bflag:$0x0] =	sbarrier.arrive $0xFFFF  }
0x496: {  	_ =	strace $0x90000047  }
0x497: {  	s0 =	stileid.u32;
	[bflag:$0x2] =	sbarrier.arrive $0xFFFF  }
0x498: {  	p0 =	sne.s32 s0, $0x0;
	s0 =	rddreg [dreg:$0x3]  }
0x499: {  	s0 =	sadd.s32 @!p0 $0x100000, s0  }
0x49a: {  	[sflag:s0] =	ssyncadd.tile.s32 @!p0 $0x1;
	_ =	shalt  }
.Lfunc_end2:
_tile_overlayer_lowered:
.L_overlay_start_2:
0x49b: {  	(tag) =	ssettag $0x2  }
0x49c: {  	s0 =	rddreg [dreg:$0x0];
	s2 =	stileid.u32  }
0x49d: {  	s1 =	rddreg [dreg:$0x1];
	p0 =	sne.s32 s2, $0x0  }
0x49e: {  	s3 =	rddreg [dreg:$0x2];
	[bflag:$0x3] =	sbarrier.arrive $0xFFFF;
	s2 =	simm.s32 @!p0 $0x1C02  }
0x49f: {  	[timem:s3], [sflag:s2] =	dma.local @!p0 [hbm:s0], s1  }
0x4a0: {  	s0 =	simm.s32 @!p0 $0x2  }
0x4a1: {  	_ =	swait.ge @!p0 [sflag:s0], s1  }
0x4a2: {  	s1 =	ssub.s32 @!p0 $0x0, s1;
	[sflag:s0] =	ssyncset.done @!p0 $0x0  }
0x4a3: {  	[sflag:s0] =	ssyncadd.s32 @!p0 s1  }
0x4a4: {  	[bflag:$0x3] =	sbarrier.arrive $0xFFFF  }
0x4a5: {  	_ =	shalt  }

</sc_bundles>
